<compile_context>
chip_gen: v7x
topology: tpu7x:2x2x1
jax: 0.10.2.dev20260603
libtpu: 0.0.44.dev20260713+nightly
codegen_flags: <defaults>
</compile_context>

<pallas_src>
import functools

import jax
import jax.numpy as jnp
from jax import lax
from jax.experimental import pallas as pl
from jax.experimental.pallas import tpu as pltpu
from jax.experimental.pallas import tpu_sc as plsc

_INFO = plsc.get_sparse_core_info()
_NC, _NS = _INFO.num_cores, _INFO.num_subcores
_NW = _NC * _NS


@functools.lru_cache(maxsize=None)
def _make_gather(V, D, B, S):
    assert B % _NW == 0
    b_per_w = B // _NW
    ch = 80
    assert b_per_w % ch == 0
    n_ch = b_per_w // ch
    nslab = S // 2
    rows_per_slab = b_per_w // nslab
    nb_w = b_per_w // S
    mesh = plsc.VectorSubcoreMesh(core_axis_name="c", subcore_axis_name="s")

    @functools.partial(
        pl.kernel,
        mesh=mesh,
        compiler_params=pltpu.CompilerParams(
            use_tc_tiling_on_sc=False, needs_layout_passes=False
        ),
        out_type=jax.ShapeDtypeStruct((nslab, _NW * rows_per_slab, D), jnp.float32),
        scratch_types=[
            pltpu.VMEM((b_per_w,), jnp.int32),
            pltpu.VMEM((b_per_w,), jnp.int32),
            pltpu.VMEM((b_per_w, D), jnp.float32),
            pltpu.SemaphoreType.DMA,
            pltpu.SemaphoreType.DMA,
        ],
    )
    def gather_kernel(idx_hbm, table_hbm, out_hbm, idx_v, idx_p, rows_v, sem, osem):
        wid = lax.axis_index("s") * _NC + lax.axis_index("c")
        base = wid * b_per_w
        pltpu.sync_copy(idx_hbm.at[pl.ds(base, b_per_w)], idx_v)
        lane = lax.iota(jnp.int32, 16)
        gathers = []
        per_ch = ch // 16
        for j in range(n_ch):
            for jj in range(per_ch):
                k = j * per_ch + jj
                r = (16 * k) // rows_per_slab
                rem = (16 * k - r * rows_per_slab) + lane
                q = (rem >> 1) * S + 2 * r + (rem & 1)
                idx_p[pl.ds(k * 16, 16)] = plsc.load_gather(idx_v, [q])
            gathers.append(
                pltpu.async_copy(
                    table_hbm.at[idx_p.at[pl.ds(j * ch, ch)]],
                    rows_v.at[pl.ds(j * ch, ch)],
                    sem,
                )
            )
        for c in gathers:
            c.wait()
        outs = []
        for r in range(nslab):
            outs.append(
                pltpu.async_copy(
                    rows_v.at[pl.ds(r * rows_per_slab, rows_per_slab)],
                    out_hbm.at[r, pl.ds(wid * rows_per_slab, rows_per_slab)],
                    osem,
                )
            )
        for c in outs:
            c.wait()

    return gather_kernel


@functools.lru_cache(maxsize=None)
def _make_finish(B, S, D, V):
    assert 2 * D == 128 and S % 2 == 0
    R = S * D // 128

    def body(x_ref, h2_ref, z_ref, zbuf, zsem):
        r = pl.program_id(0)

        @pl.when(r == 0)
        def _fill():
            zbuf[...] = jnp.zeros((1, V, B), jnp.float32)

        pltpu.make_async_copy(zbuf, z_ref.at[pl.ds(2 * r, 1)], zsem).start()
        pltpu.make_async_copy(zbuf, z_ref.at[pl.ds(2 * r + 1, 1)], zsem).start()
        t = jnp.transpose(x_ref[0], (1, 0))
        h2_ref[...] = t.reshape(2, D, B)

        @pl.when(r == R - 1)
        def _drain():
            for _ in range(2 * R):
                pltpu.make_async_copy(zbuf, z_ref.at[pl.ds(0, 1)], zsem).wait()

    return pl.pallas_call(
        body,
        grid=(R,),
        in_specs=[pl.BlockSpec((1, B, 128), lambda r: (r, 0, 0))],
        out_specs=[
            pl.BlockSpec((2, D, B), lambda r: (r, 0, 0)),
            pl.BlockSpec(memory_space=pl.ANY),
        ],
        out_shape=[
            jax.ShapeDtypeStruct((S, D, B), jnp.float32),
            jax.ShapeDtypeStruct((S, V, B), jnp.float32),
        ],
        scratch_shapes=[
            pltpu.VMEM((1, V, B), jnp.float32),
            pltpu.SemaphoreType.DMA,
        ],
    )


def kernel(input_ids, table):
    bsz, seq = input_ids.shape
    vocab, dim = table.shape
    total = bsz * seq
    nslab = seq // 2
    flat = input_ids.reshape(-1).astype(jnp.int32)
    staged = _make_gather(vocab, dim, total, seq)(flat, table)
    x = staged.reshape(nslab, bsz, 2 * dim)
    h2, z = _make_finish(bsz, seq, dim, vocab)(x)
    h = jnp.transpose(h2, (2, 0, 1))
    logits = jnp.transpose(z, (2, 0, 1))
    return (h, logits)

# --- scband reference (transcript-rebuilt; emitter-appended) ---
"""Pipeline reference for scband-dummy-model-10531259810404 (READ-ONLY COPY).

The authoritative reference and input builder live on the scoring server;
editing this copy changes nothing except your own understanding.
"""

import jax, jax.numpy as jnp
import numpy as np


def setup_inputs(seed: int = 0) -> dict:
    key = jax.random.key(seed)
    k1, k2 = jax.random.split(key)
    input_ids = jax.random.randint(k1, (1024, 50), 0, 1000)
    table = jax.random.normal(k2, (1000, 64), dtype=jnp.float32)
    return {"input_ids": input_ids, "table": table}


def reference(input_ids, table):
    # Embedding lookup: h = embedding(input_ids)
    h = jnp.take(table, input_ids, axis=0)
    # logits = zeros(B, L, vocab) as in the original forward
    logits = jnp.zeros((input_ids.shape[0], input_ids.shape[1], table.shape[0]), dtype=h.dtype)
    return (h, logits)

if __name__ == "__main__":
    import jax
    _d = setup_inputs()
    print(jax.jit(kernel)(*tuple(_d.values())))

</pallas_src>

<mosaic_0001>
#map = affine_map<(d0, d1) -> (0)>
#map1 = affine_map<(d0, d1) -> (0, 0)>
#map2 = affine_map<(d0, d1) -> (0, 0, 0)>
module attributes {stable_mosaic.version = 14 : i64} {
  func.func @gather_kernel(%arg0: i32, %arg1: i32, %arg2: memref<51200xi32, #tpu.memory_space<hbm>>, %arg3: memref<1000x64xf32, #tpu.memory_space<hbm>>, %arg4: memref<25x2048x64xf32, #tpu.memory_space<hbm>>, %arg5: memref<1600xi32, #tpu.memory_space<vmem>>, %arg6: memref<1600xi32, #tpu.memory_space<vmem>>, %arg7: memref<1600x64xf32, #tpu.memory_space<vmem>>, %arg8: memref<!tpu.dma_semaphore, #tpu.memory_space<semaphore_mem>>, %arg9: memref<!tpu.dma_semaphore, #tpu.memory_space<semaphore_mem>>) attributes {dimension_semantics = [#tpu.dimension_semantics<core_parallel>, #tpu.dimension_semantics<subcore_parallel>], iteration_bounds = array<i64: 2, 16>, scalar_prefetch = 0 : i64, scratch_operands = 5 : i64, tpu.core_type = #tpu.core_type<sc_vector_subcore>, window_params = [{transform_indices = #map}, {transform_indices = #map1}, {transform_indices = #map2}]} {
    %mul3A = arith.constant 2 : i32
    %mul3A_0 = arith.muli %arg1, %mul3A : i32
    %add3A = arith.addi %mul3A_0, %arg0 : i32
    %mul3A_1 = arith.constant 1600 : i32
    %mul3A_2 = arith.muli %add3A, %mul3A_1 : i32
    "tpu.region"() ({
      %run_scoped3A = tpu.sem_alloc : memref<!tpu.dma_semaphore, #tpu.memory_space<semaphore_mem>>
      %dma_start3A_2917 = tpu.memref_slice %arg2[%mul3A_2] : memref<51200xi32, #tpu.memory_space<hbm>> -> memref<1600xi32, #tpu.memory_space<hbm>>
      %dma_start3A_2918 = tpu.memref_slice %arg2[%mul3A_2] : memref<51200xi32, #tpu.memory_space<hbm>> -> memref<1600xi32, #tpu.memory_space<hbm>>
      tpu.enqueue_dma source(%dma_start3A_2918 : memref<1600xi32, #tpu.memory_space<hbm>>) target(%arg5 : memref<1600xi32, #tpu.memory_space<vmem>>) target_semaphore(%run_scoped3A : memref<!tpu.dma_semaphore, #tpu.memory_space<semaphore_mem>>)
      %dma_wait3A_2919 = tpu.memref_slice %arg2[%mul3A_2] : memref<51200xi32, #tpu.memory_space<hbm>> -> memref<1600xi32, #tpu.memory_space<hbm>>
      %dma_wait3A_2920 = tpu.memref_slice %arg2[%mul3A_2] : memref<51200xi32, #tpu.memory_space<hbm>> -> memref<1600xi32, #tpu.memory_space<hbm>>
      tpu.wait_dma2 semaphore(%run_scoped3A : memref<!tpu.dma_semaphore, #tpu.memory_space<semaphore_mem>>) src(%dma_wait3A_2920 : memref<1600xi32, #tpu.memory_space<hbm>>) dst(%arg5 : memref<1600xi32, #tpu.memory_space<vmem>>)
      tpu.yield
    }) : () -> ()
    %iota3A = tpu.iota {dimensions = array<i32: 0>} : vector<16xi32>
    %add3A_3 = arith.constant 0 : i32
    %add3A_4 = vector.broadcast %add3A_3 : i32 to vector<16xi32>
    %add3A_5 = arith.addi %add3A_4, %iota3A : vector<16xi32>
    %shift_right_arithmetic3A = arith.constant 1 : i32
    %shift_right_arithmetic3A_6 = vector.broadcast %shift_right_arithmetic3A : i32 to vector<16xi32>
    %shift_right_arithmetic3A_7 = arith.shrsi %add3A_5, %shift_right_arithmetic3A_6 : vector<16xi32>
    %mul3A_8 = arith.constant 50 : i32
    %mul3A_9 = vector.broadcast %mul3A_8 : i32 to vector<16xi32>
    %mul3A_10 = arith.muli %shift_right_arithmetic3A_7, %mul3A_9 : vector<16xi32>
    %add3A_11 = arith.constant 0 : i32
    %add3A_12 = vector.broadcast %add3A_11 : i32 to vector<16xi32>
    %add3A_13 = arith.addi %mul3A_10, %add3A_12 : vector<16xi32>
    %and3A = arith.constant 1 : i32
    %and3A_14 = vector.broadcast %and3A : i32 to vector<16xi32>
    %and3A_15 = arith.andi %add3A_5, %and3A_14 : vector<16xi32>
    %add3A_16 = arith.addi %add3A_13, %and3A_15 : vector<16xi32>
    %gather3A = tpu.vector_load_idx %arg5[%add3A_16] : memref<1600xi32, #tpu.memory_space<vmem>>[vector<16xi32>], vector<16xi32>,
    %swap3A = arith.constant 0 : index
    %swap3A_17 = tpu.vector_load %arg6[%swap3A] {strides = array<i32>} : memref<1600xi32, #tpu.memory_space<vmem>>, vector<16xi32>,
    tpu.vector_store %arg6[%swap3A], %gather3A {strides = array<i32>} : memref<1600xi32, #tpu.memory_space<vmem>>, vector<16xi32>,
    %add3A_18 = arith.constant 16 : i32
    %add3A_19 = vector.broadcast %add3A_18 : i32 to vector<16xi32>
    %add3A_20 = arith.addi %add3A_19, %iota3A : vector<16xi32>
    %shift_right_arithmetic3A_21 = arith.constant 1 : i32
    %shift_right_arithmetic3A_22 = vector.broadcast %shift_right_arithmetic3A_21 : i32 to vector<16xi32>
    %shift_right_arithmetic3A_23 = arith.shrsi %add3A_20, %shift_right_arithmetic3A_22 : vector<16xi32>
    %mul3A_24 = arith.constant 50 : i32
    %mul3A_25 = vector.broadcast %mul3A_24 : i32 to vector<16xi32>
    %mul3A_26 = arith.muli %shift_right_arithmetic3A_23, %mul3A_25 : vector<16xi32>
    %add3A_27 = arith.constant 0 : i32
    %add3A_28 = vector.broadcast %add3A_27 : i32 to vector<16xi32>
    %add3A_29 = arith.addi %mul3A_26, %add3A_28 : vector<16xi32>
    %and3A_30 = arith.constant 1 : i32
    %and3A_31 = vector.broadcast %and3A_30 : i32 to vector<16xi32>
    %and3A_32 = arith.andi %add3A_20, %and3A_31 : vector<16xi32>
    %add3A_33 = arith.addi %add3A_29, %and3A_32 : vector<16xi32>
    %gather3A_34 = tpu.vector_load_idx %arg5[%add3A_33] : memref<1600xi32, #tpu.memory_space<vmem>>[vector<16xi32>], vector<16xi32>,
    %swap3A_35 = arith.constant 16 : index
    %swap3A_36 = tpu.vector_load %arg6[%swap3A_35] {strides = array<i32>} : memref<1600xi32, #tpu.memory_space<vmem>>, vector<16xi32>,
    tpu.vector_store %arg6[%swap3A_35], %gather3A_34 {strides = array<i32>} : memref<1600xi32, #tpu.memory_space<vmem>>, vector<16xi32>,
    %add3A_37 = arith.constant 32 : i32
    %add3A_38 = vector.broadcast %add3A_37 : i32 to vector<16xi32>
    %add3A_39 = arith.addi %add3A_38, %iota3A : vector<16xi32>
    %shift_right_arithmetic3A_40 = arith.constant 1 : i32
    %shift_right_arithmetic3A_41 = vector.broadcast %shift_right_arithmetic3A_40 : i32 to vector<16xi32>
    %shift_right_arithmetic3A_42 = arith.shrsi %add3A_39, %shift_right_arithmetic3A_41 : vector<16xi32>
    %mul3A_43 = arith.constant 50 : i32
    %mul3A_44 = vector.broadcast %mul3A_43 : i32 to vector<16xi32>
    %mul3A_45 = arith.muli %shift_right_arithmetic3A_42, %mul3A_44 : vector<16xi32>
    %add3A_46 = arith.constant 0 : i32
    %add3A_47 = vector.broadcast %add3A_46 : i32 to vector<16xi32>
    %add3A_48 = arith.addi %mul3A_45, %add3A_47 : vector<16xi32>
    %and3A_49 = arith.constant 1 : i32
    %and3A_50 = vector.broadcast %and3A_49 : i32 to vector<16xi32>
    %and3A_51 = arith.andi %add3A_39, %and3A_50 : vector<16xi32>
    %add3A_52 = arith.addi %add3A_48, %and3A_51 : vector<16xi32>
    %gather3A_53 = tpu.vector_load_idx %arg5[%add3A_52] : memref<1600xi32, #tpu.memory_space<vmem>>[vector<16xi32>], vector<16xi32>,
    %swap3A_54 = arith.constant 32 : index
    %swap3A_55 = tpu.vector_load %arg6[%swap3A_54] {strides = array<i32>} : memref<1600xi32, #tpu.memory_space<vmem>>, vector<16xi32>,
    tpu.vector_store %arg6[%swap3A_54], %gather3A_53 {strides = array<i32>} : memref<1600xi32, #tpu.memory_space<vmem>>, vector<16xi32>,
    %add3A_56 = arith.constant 48 : i32
    %add3A_57 = vector.broadcast %add3A_56 : i32 to vector<16xi32>
    %add3A_58 = arith.addi %add3A_57, %iota3A : vector<16xi32>
    %shift_right_arithmetic3A_59 = arith.constant 1 : i32
    %shift_right_arithmetic3A_60 = vector.broadcast %shift_right_arithmetic3A_59 : i32 to vector<16xi32>
    %shift_right_arithmetic3A_61 = arith.shrsi %add3A_58, %shift_right_arithmetic3A_60 : vector<16xi32>
    %mul3A_62 = arith.constant 50 : i32
    %mul3A_63 = vector.broadcast %mul3A_62 : i32 to vector<16xi32>
    %mul3A_64 = arith.muli %shift_right_arithmetic3A_61, %mul3A_63 : vector<16xi32>
    %add3A_65 = arith.constant 0 : i32
    %add3A_66 = vector.broadcast %add3A_65 : i32 to vector<16xi32>
    %add3A_67 = arith.addi %mul3A_64, %add3A_66 : vector<16xi32>
    %and3A_68 = arith.constant 1 : i32
    %and3A_69 = vector.broadcast %and3A_68 : i32 to vector<16xi32>
    %and3A_70 = arith.andi %add3A_58, %and3A_69 : vector<16xi32>
    %add3A_71 = arith.addi %add3A_67, %and3A_70 : vector<16xi32>
    %gather3A_72 = tpu.vector_load_idx %arg5[%add3A_71] : memref<1600xi32, #tpu.memory_space<vmem>>[vector<16xi32>], vector<16xi32>,
    %swap3A_73 = arith.constant 48 : index
    %swap3A_74 = tpu.vector_load %arg6[%swap3A_73] {strides = array<i32>} : memref<1600xi32, #tpu.memory_space<vmem>>, vector<16xi32>,
    tpu.vector_store %arg6[%swap3A_73], %gather3A_72 {strides = array<i32>} : memref<1600xi32, #tpu.memory_space<vmem>>, vector<16xi32>,
    %add3A_75 = arith.constant 0 : i32
    %add3A_76 = vector.broadcast %add3A_75 : i32 to vector<16xi32>
    %add3A_77 = arith.addi %add3A_76, %iota3A : vector<16xi32>
    %shift_right_arithmetic3A_78 = arith.constant 1 : i32
    %shift_right_arithmetic3A_79 = vector.broadcast %shift_right_arithmetic3A_78 : i32 to vector<16xi32>
    %shift_right_arithmetic3A_80 = arith.shrsi %add3A_77, %shift_right_arithmetic3A_79 : vector<16xi32>
    %mul3A_81 = arith.constant 50 : i32
    %mul3A_82 = vector.broadcast %mul3A_81 : i32 to vector<16xi32>
    %mul3A_83 = arith.muli %shift_right_arithmetic3A_80, %mul3A_82 : vector<16xi32>
    %add3A_84 = arith.constant 2 : i32
    %add3A_85 = vector.broadcast %add3A_84 : i32 to vector<16xi32>
    %add3A_86 = arith.addi %mul3A_83, %add3A_85 : vector<16xi32>
    %and3A_87 = arith.constant 1 : i32
    %and3A_88 = vector.broadcast %and3A_87 : i32 to vector<16xi32>
    %and3A_89 = arith.andi %add3A_77, %and3A_88 : vector<16xi32>
    %add3A_90 = arith.addi %add3A_86, %and3A_89 : vector<16xi32>
    %gather3A_91 = tpu.vector_load_idx %arg5[%add3A_90] : memref<1600xi32, #tpu.memory_space<vmem>>[vector<16xi32>], vector<16xi32>,
    %swap3A_92 = arith.constant 64 : index
    %swap3A_93 = tpu.vector_load %arg6[%swap3A_92] {strides = array<i32>} : memref<1600xi32, #tpu.memory_space<vmem>>, vector<16xi32>,
    tpu.vector_store %arg6[%swap3A_92], %gather3A_91 {strides = array<i32>} : memref<1600xi32, #tpu.memory_space<vmem>>, vector<16xi32>,
    %dma_start3A = arith.constant 0 : i32
    %dma_start3A_94 = arith.constant 0 : i32
    %dma_start3A_95 = tpu.memref_slice %arg7[%dma_start3A, %dma_start3A_94] : memref<1600x64xf32, #tpu.memory_space<vmem>> -> memref<80x64xf32, #tpu.memory_space<vmem>>
    %dma_start3A_96 = arith.constant 0 : i32
    %dma_start3A_97 = tpu.memref_slice %arg6[%dma_start3A_96] : memref<1600xi32, #tpu.memory_space<vmem>> -> memref<80xi32, #tpu.memory_space<vmem>>
    %dma_start3A_98 = arith.constant 0 : i32
    %dma_start3A_99 = arith.constant 0 : i32
    %dma_start3A_100 = tpu.memref_slice %arg3[%dma_start3A_98, %dma_start3A_99] : memref<1000x64xf32, #tpu.memory_space<hbm>> -> memref<1000x64xf32, #tpu.memory_space<hbm>>
    tpu.enqueue_indirect_dma source(%dma_start3A_100 : memref<1000x64xf32, #tpu.memory_space<hbm>>) target(%dma_start3A_95 : memref<80x64xf32, #tpu.memory_space<vmem>>) offsets(%dma_start3A_97 : memref<80xi32, #tpu.memory_space<vmem>>) semaphore(%arg8 : memref<!tpu.dma_semaphore, #tpu.memory_space<semaphore_mem>>)
    %add3A_101 = arith.constant 16 : i32
    %add3A_102 = vector.broadcast %add3A_101 : i32 to vector<16xi32>
    %add3A_103 = arith.addi %add3A_102, %iota3A : vector<16xi32>
    %shift_right_arithmetic3A_104 = arith.constant 1 : i32
    %shift_right_arithmetic3A_105 = vector.broadcast %shift_right_arithmetic3A_104 : i32 to vector<16xi32>
    %shift_right_arithmetic3A_106 = arith.shrsi %add3A_103, %shift_right_arithmetic3A_105 : vector<16xi32>
    %mul3A_107 = arith.constant 50 : i32
    %mul3A_108 = vector.broadcast %mul3A_107 : i32 to vector<16xi32>
    %mul3A_109 = arith.muli %shift_right_arithmetic3A_106, %mul3A_108 : vector<16xi32>
    %add3A_110 = arith.constant 2 : i32
    %add3A_111 = vector.broadcast %add3A_110 : i32 to vector<16xi32>
    %add3A_112 = arith.addi %mul3A_109, %add3A_111 : vector<16xi32>
    %and3A_113 = arith.constant 1 : i32
    %and3A_114 = vector.broadcast %and3A_113 : i32 to vector<16xi32>
    %and3A_115 = arith.andi %add3A_103, %and3A_114 : vector<16xi32>
    %add3A_116 = arith.addi %add3A_112, %and3A_115 : vector<16xi32>
    %gather3A_117 = tpu.vector_load_idx %arg5[%add3A_116] : memref<1600xi32, #tpu.memory_space<vmem>>[vector<16xi32>], vector<16xi32>,
    %swap3A_118 = arith.constant 80 : index
    %swap3A_119 = tpu.vector_load %arg6[%swap3A_118] {strides = array<i32>} : memref<1600xi32, #tpu.memory_space<vmem>>, vector<16xi32>,
    tpu.vector_store %arg6[%swap3A_118], %gather3A_117 {strides = array<i32>} : memref<1600xi32, #tpu.memory_space<vmem>>, vector<16xi32>,
    %add3A_120 = arith.constant 32 : i32
    %add3A_121 = vector.broadcast %add3A_120 : i32 to vector<16xi32>
    %add3A_122 = arith.addi %add3A_121, %iota3A : vector<16xi32>
    %shift_right_arithmetic3A_123 = arith.constant 1 : i32
    %shift_right_arithmetic3A_124 = vector.broadcast %shift_right_arithmetic3A_123 : i32 to vector<16xi32>
    %shift_right_arithmetic3A_125 = arith.shrsi %add3A_122, %shift_right_arithmetic3A_124 : vector<16xi32>
    %mul3A_126 = arith.constant 50 : i32
    %mul3A_127 = vector.broadcast %mul3A_126 : i32 to vector<16xi32>
    %mul3A_128 = arith.muli %shift_right_arithmetic3A_125, %mul3A_127 : vector<16xi32>
    %add3A_129 = arith.constant 2 : i32
    %add3A_130 = vector.broadcast %add3A_129 : i32 to vector<16xi32>
    %add3A_131 = arith.addi %mul3A_128, %add3A_130 : vector<16xi32>
    %and3A_132 = arith.constant 1 : i32
    %and3A_133 = vector.broadcast %and3A_132 : i32 to vector<16xi32>
    %and3A_134 = arith.andi %add3A_122, %and3A_133 : vector<16xi32>
    %add3A_135 = arith.addi %add3A_131, %and3A_134 : vector<16xi32>
    %gather3A_136 = tpu.vector_load_idx %arg5[%add3A_135] : memref<1600xi32, #tpu.memory_space<vmem>>[vector<16xi32>], vector<16xi32>,
    %swap3A_137 = arith.constant 96 : index
    %swap3A_138 = tpu.vector_load %arg6[%swap3A_137] {strides = array<i32>} : memref<1600xi32, #tpu.memory_space<vmem>>, vector<16xi32>,
    tpu.vector_store %arg6[%swap3A_137], %gather3A_136 {strides = array<i32>} : memref<1600xi32, #tpu.memory_space<vmem>>, vector<16xi32>,
    %add3A_139 = arith.constant 48 : i32
    %add3A_140 = vector.broadcast %add3A_139 : i32 to vector<16xi32>
    %add3A_141 = arith.addi %add3A_140, %iota3A : vector<16xi32>
    %shift_right_arithmetic3A_142 = arith.constant 1 : i32
    %shift_right_arithmetic3A_143 = vector.broadcast %shift_right_arithmetic3A_142 : i32 to vector<16xi32>
    %shift_right_arithmetic3A_144 = arith.shrsi %add3A_141, %shift_right_arithmetic3A_143 : vector<16xi32>
    %mul3A_145 = arith.constant 50 : i32
    %mul3A_146 = vector.broadcast %mul3A_145 : i32 to vector<16xi32>
    %mul3A_147 = arith.muli %shift_right_arithmetic3A_144, %mul3A_146 : vector<16xi32>
    %add3A_148 = arith.constant 2 : i32
    %add3A_149 = vector.broadcast %add3A_148 : i32 to vector<16xi32>
    %add3A_150 = arith.addi %mul3A_147, %add3A_149 : vector<16xi32>
    %and3A_151 = arith.constant 1 : i32
    %and3A_152 = vector.broadcast %and3A_151 : i32 to vector<16xi32>
    %and3A_153 = arith.andi %add3A_141, %and3A_152 : vector<16xi32>
    %add3A_154 = arith.addi %add3A_150, %and3A_153 : vector<16xi32>
    %gather3A_155 = tpu.vector_load_idx %arg5[%add3A_154] : memref<1600xi32, #tpu.memory_space<vmem>>[vector<16xi32>], vector<16xi32>,
    %swap3A_156 = arith.constant 112 : index
    %swap3A_157 = tpu.vector_load %arg6[%swap3A_156] {strides = array<i32>} : memref<1600xi32, #tpu.memory_space<vmem>>, vector<16xi32>,
    tpu.vector_store %arg6[%swap3A_156], %gather3A_155 {strides = array<i32>} : memref<1600xi32, #tpu.memory_space<vmem>>, vector<16xi32>,
    %add3A_158 = arith.constant 0 : i32
    %add3A_159 = vector.broadcast %add3A_158 : i32 to vector<16xi32>
    %add3A_160 = arith.addi %add3A_159, %iota3A : vector<16xi32>
    %shift_right_arithmetic3A_161 = arith.constant 1 : i32
    %shift_right_arithmetic3A_162 = vector.broadcast %shift_right_arithmetic3A_161 : i32 to vector<16xi32>
    %shift_right_arithmetic3A_163 = arith.shrsi %add3A_160, %shift_right_arithmetic3A_162 : vector<16xi32>
    %mul3A_164 = arith.constant 50 : i32
    %mul3A_165 = vector.broadcast %mul3A_164 : i32 to vector<16xi32>
    %mul3A_166 = arith.muli %shift_right_arithmetic3A_163, %mul3A_165 : vector<16xi32>
    %add3A_167 = arith.constant 4 : i32
    %add3A_168 = vector.broadcast %add3A_167 : i32 to vector<16xi32>
    %add3A_169 = arith.addi %mul3A_166, %add3A_168 : vector<16xi32>
    %and3A_170 = arith.constant 1 : i32
    %and3A_171 = vector.broadcast %and3A_170 : i32 to vector<16xi32>
    %and3A_172 = arith.andi %add3A_160, %and3A_171 : vector<16xi32>
    %add3A_173 = arith.addi %add3A_169, %and3A_172 : vector<16xi32>
    %gather3A_174 = tpu.vector_load_idx %arg5[%add3A_173] : memref<1600xi32, #tpu.memory_space<vmem>>[vector<16xi32>], vector<16xi32>,
    %swap3A_175 = arith.constant 128 : index
    %swap3A_176 = tpu.vector_load %arg6[%swap3A_175] {strides = array<i32>} : memref<1600xi32, #tpu.memory_space<vmem>>, vector<16xi32>,
    tpu.vector_store %arg6[%swap3A_175], %gather3A_174 {strides = array<i32>} : memref<1600xi32, #tpu.memory_space<vmem>>, vector<16xi32>,
    %add3A_177 = arith.constant 16 : i32
    %add3A_178 = vector.broadcast %add3A_177 : i32 to vector<16xi32>
    %add3A_179 = arith.addi %add3A_178, %iota3A : vector<16xi32>
    %shift_right_arithmetic3A_180 = arith.constant 1 : i32
    %shift_right_arithmetic3A_181 = vector.broadcast %shift_right_arithmetic3A_180 : i32 to vector<16xi32>
    %shift_right_arithmetic3A_182 = arith.shrsi %add3A_179, %shift_right_arithmetic3A_181 : vector<16xi32>
    %mul3A_183 = arith.constant 50 : i32
    %mul3A_184 = vector.broadcast %mul3A_183 : i32 to vector<16xi32>
    %mul3A_185 = arith.muli %shift_right_arithmetic3A_182, %mul3A_184 : vector<16xi32>
    %add3A_186 = arith.constant 4 : i32
    %add3A_187 = vector.broadcast %add3A_186 : i32 to vector<16xi32>
    %add3A_188 = arith.addi %mul3A_185, %add3A_187 : vector<16xi32>
    %and3A_189 = arith.constant 1 : i32
    %and3A_190 = vector.broadcast %and3A_189 : i32 to vector<16xi32>
    %and3A_191 = arith.andi %add3A_179, %and3A_190 : vector<16xi32>
    %add3A_192 = arith.addi %add3A_188, %and3A_191 : vector<16xi32>
    %gather3A_193 = tpu.vector_load_idx %arg5[%add3A_192] : memref<1600xi32, #tpu.memory_space<vmem>>[vector<16xi32>], vector<16xi32>,
    %swap3A_194 = arith.constant 144 : index
    %swap3A_195 = tpu.vector_load %arg6[%swap3A_194] {strides = array<i32>} : memref<1600xi32, #tpu.memory_space<vmem>>, vector<16xi32>,
    tpu.vector_store %arg6[%swap3A_194], %gather3A_193 {strides = array<i32>} : memref<1600xi32, #tpu.memory_space<vmem>>, vector<16xi32>,
    %dma_start3A_196 = arith.constant 80 : i32
    %dma_start3A_197 = arith.constant 0 : i32
    %dma_start3A_198 = tpu.memref_slice %arg7[%dma_start3A_196, %dma_start3A_197] : memref<1600x64xf32, #tpu.memory_space<vmem>> -> memref<80x64xf32, #tpu.memory_space<vmem>>
    %dma_start3A_199 = arith.constant 80 : i32
    %dma_start3A_200 = tpu.memref_slice %arg6[%dma_start3A_199] : memref<1600xi32, #tpu.memory_space<vmem>> -> memref<80xi32, #tpu.memory_space<vmem>>
    %dma_start3A_201 = arith.constant 0 : i32
    %dma_start3A_202 = arith.constant 0 : i32
    %dma_start3A_203 = tpu.memref_slice %arg3[%dma_start3A_201, %dma_start3A_202] : memref<1000x64xf32, #tpu.memory_space<hbm>> -> memref<1000x64xf32, #tpu.memory_space<hbm>>
    tpu.enqueue_indirect_dma source(%dma_start3A_203 : memref<1000x64xf32, #tpu.memory_space<hbm>>) target(%dma_start3A_198 : memref<80x64xf32, #tpu.memory_space<vmem>>) offsets(%dma_start3A_200 : memref<80xi32, #tpu.memory_space<vmem>>) semaphore(%arg8 : memref<!tpu.dma_semaphore, #tpu.memory_space<semaphore_mem>>)
    %add3A_204 = arith.constant 32 : i32
    %add3A_205 = vector.broadcast %add3A_204 : i32 to vector<16xi32>
    %add3A_206 = arith.addi %add3A_205, %iota3A : vector<16xi32>
    %shift_right_arithmetic3A_207 = arith.constant 1 : i32
    %shift_right_arithmetic3A_208 = vector.broadcast %shift_right_arithmetic3A_207 : i32 to vector<16xi32>
    %shift_right_arithmetic3A_209 = arith.shrsi %add3A_206, %shift_right_arithmetic3A_208 : vector<16xi32>
    %mul3A_210 = arith.constant 50 : i32
    %mul3A_211 = vector.broadcast %mul3A_210 : i32 to vector<16xi32>
    %mul3A_212 = arith.muli %shift_right_arithmetic3A_209, %mul3A_211 : vector<16xi32>
    %add3A_213 = arith.constant 4 : i32
    %add3A_214 = vector.broadcast %add3A_213 : i32 to vector<16xi32>
    %add3A_215 = arith.addi %mul3A_212, %add3A_214 : vector<16xi32>
    %and3A_216 = arith.constant 1 : i32
    %and3A_217 = vector.broadcast %and3A_216 : i32 to vector<16xi32>
    %and3A_218 = arith.andi %add3A_206, %and3A_217 : vector<16xi32>
    %add3A_219 = arith.addi %add3A_215, %and3A_218 : vector<16xi32>
    %gather3A_220 = tpu.vector_load_idx %arg5[%add3A_219] : memref<1600xi32, #tpu.memory_space<vmem>>[vector<16xi32>], vector<16xi32>,
    %swap3A_221 = arith.constant 160 : index
    %swap3A_222 = tpu.vector_load %arg6[%swap3A_221] {strides = array<i32>} : memref<1600xi32, #tpu.memory_space<vmem>>, vector<16xi32>,
    tpu.vector_store %arg6[%swap3A_221], %gather3A_220 {strides = array<i32>} : memref<1600xi32, #tpu.memory_space<vmem>>, vector<16xi32>,
    %add3A_223 = arith.constant 48 : i32
    %add3A_224 = vector.broadcast %add3A_223 : i32 to vector<16xi32>
    %add3A_225 = arith.addi %add3A_224, %iota3A : vector<16xi32>
    %shift_right_arithmetic3A_226 = arith.constant 1 : i32
    %shift_right_arithmetic3A_227 = vector.broadcast %shift_right_arithmetic3A_226 : i32 to vector<16xi32>
    %shift_right_arithmetic3A_228 = arith.shrsi %add3A_225, %shift_right_arithmetic3A_227 : vector<16xi32>
    %mul3A_229 = arith.constant 50 : i32
    %mul3A_230 = vector.broadcast %mul3A_229 : i32 to vector<16xi32>
    %mul3A_231 = arith.muli %shift_right_arithmetic3A_228, %mul3A_230 : vector<16xi32>
    %add3A_232 = arith.constant 4 : i32
    %add3A_233 = vector.broadcast %add3A_232 : i32 to vector<16xi32>
    %add3A_234 = arith.addi %mul3A_231, %add3A_233 : vector<16xi32>
    %and3A_235 = arith.constant 1 : i32
    %and3A_236 = vector.broadcast %and3A_235 : i32 to vector<16xi32>
    %and3A_237 = arith.andi %add3A_225, %and3A_236 : vector<16xi32>
    %add3A_238 = arith.addi %add3A_234, %and3A_237 : vector<16xi32>
    %gather3A_239 = tpu.vector_load_idx %arg5[%add3A_238] : memref<1600xi32, #tpu.memory_space<vmem>>[vector<16xi32>], vector<16xi32>,
    %swap3A_240 = arith.constant 176 : index
    %swap3A_241 = tpu.vector_load %arg6[%swap3A_240] {strides = array<i32>} : memref<1600xi32, #tpu.memory_space<vmem>>, vector<16xi32>,
    tpu.vector_store %arg6[%swap3A_240], %gather3A_239 {strides = array<i32>} : memref<1600xi32, #tpu.memory_space<vmem>>, vector<16xi32>,
    %add3A_242 = arith.constant 0 : i32
    %add3A_243 = vector.broadcast %add3A_242 : i32 to vector<16xi32>
    %add3A_244 = arith.addi %add3A_243, %iota3A : vector<16xi32>
    %shift_right_arithmetic3A_245 = arith.constant 1 : i32
    %shift_right_arithmetic3A_246 = vector.broadcast %shift_right_arithmetic3A_245 : i32 to vector<16xi32>
    %shift_right_arithmetic3A_247 = arith.shrsi %add3A_244, %shift_right_arithmetic3A_246 : vector<16xi32>
    %mul3A_248 = arith.constant 50 : i32
    %mul3A_249 = vector.broadcast %mul3A_248 : i32 to vector<16xi32>
    %mul3A_250 = arith.muli %shift_right_arithmetic3A_247, %mul3A_249 : vector<16xi32>
    %add3A_251 = arith.constant 6 : i32
    %add3A_252 = vector.broadcast %add3A_251 : i32 to vector<16xi32>
    %add3A_253 = arith.addi %mul3A_250, %add3A_252 : vector<16xi32>
    %and3A_254 = arith.constant 1 : i32
    %and3A_255 = vector.broadcast %and3A_254 : i32 to vector<16xi32>
    %and3A_256 = arith.andi %add3A_244, %and3A_255 : vector<16xi32>
    %add3A_257 = arith.addi %add3A_253, %and3A_256 : vector<16xi32>
    %gather3A_258 = tpu.vector_load_idx %arg5[%add3A_257] : memref<1600xi32, #tpu.memory_space<vmem>>[vector<16xi32>], vector<16xi32>,
    %swap3A_259 = arith.constant 192 : index
    %swap3A_260 = tpu.vector_load %arg6[%swap3A_259] {strides = array<i32>} : memref<1600xi32, #tpu.memory_space<vmem>>, vector<16xi32>,
    tpu.vector_store %arg6[%swap3A_259], %gather3A_258 {strides = array<i32>} : memref<1600xi32, #tpu.memory_space<vmem>>, vector<16xi32>,
    %add3A_261 = arith.constant 16 : i32
    %add3A_262 = vector.broadcast %add3A_261 : i32 to vector<16xi32>
    %add3A_263 = arith.addi %add3A_262, %iota3A : vector<16xi32>
    %shift_right_arithmetic3A_264 = arith.constant 1 : i32
    %shift_right_arithmetic3A_265 = vector.broadcast %shift_right_arithmetic3A_264 : i32 to vector<16xi32>
    %shift_right_arithmetic3A_266 = arith.shrsi %add3A_263, %shift_right_arithmetic3A_265 : vector<16xi32>
    %mul3A_267 = arith.constant 50 : i32
    %mul3A_268 = vector.broadcast %mul3A_267 : i32 to vector<16xi32>
    %mul3A_269 = arith.muli %shift_right_arithmetic3A_266, %mul3A_268 : vector<16xi32>
    %add3A_270 = arith.constant 6 : i32
    %add3A_271 = vector.broadcast %add3A_270 : i32 to vector<16xi32>
    %add3A_272 = arith.addi %mul3A_269, %add3A_271 : vector<16xi32>
    %and3A_273 = arith.constant 1 : i32
    %and3A_274 = vector.broadcast %and3A_273 : i32 to vector<16xi32>
    %and3A_275 = arith.andi %add3A_263, %and3A_274 : vector<16xi32>
    %add3A_276 = arith.addi %add3A_272, %and3A_275 : vector<16xi32>
    %gather3A_277 = tpu.vector_load_idx %arg5[%add3A_276] : memref<1600xi32, #tpu.memory_space<vmem>>[vector<16xi32>], vector<16xi32>,
    %swap3A_278 = arith.constant 208 : index
    %swap3A_279 = tpu.vector_load %arg6[%swap3A_278] {strides = array<i32>} : memref<1600xi32, #tpu.memory_space<vmem>>, vector<16xi32>,
    tpu.vector_store %arg6[%swap3A_278], %gather3A_277 {strides = array<i32>} : memref<1600xi32, #tpu.memory_space<vmem>>, vector<16xi32>,
    %add3A_280 = arith.constant 32 : i32
    %add3A_281 = vector.broadcast %add3A_280 : i32 to vector<16xi32>
    %add3A_282 = arith.addi %add3A_281, %iota3A : vector<16xi32>
    %shift_right_arithmetic3A_283 = arith.constant 1 : i32
    %shift_right_arithmetic3A_284 = vector.broadcast %shift_right_arithmetic3A_283 : i32 to vector<16xi32>
    %shift_right_arithmetic3A_285 = arith.shrsi %add3A_282, %shift_right_arithmetic3A_284 : vector<16xi32>
    %mul3A_286 = arith.constant 50 : i32
    %mul3A_287 = vector.broadcast %mul3A_286 : i32 to vector<16xi32>
    %mul3A_288 = arith.muli %shift_right_arithmetic3A_285, %mul3A_287 : vector<16xi32>
    %add3A_289 = arith.constant 6 : i32
    %add3A_290 = vector.broadcast %add3A_289 : i32 to vector<16xi32>
    %add3A_291 = arith.addi %mul3A_288, %add3A_290 : vector<16xi32>
    %and3A_292 = arith.constant 1 : i32
    %and3A_293 = vector.broadcast %and3A_292 : i32 to vector<16xi32>
    %and3A_294 = arith.andi %add3A_282, %and3A_293 : vector<16xi32>
    %add3A_295 = arith.addi %add3A_291, %and3A_294 : vector<16xi32>
    %gather3A_296 = tpu.vector_load_idx %arg5[%add3A_295] : memref<1600xi32, #tpu.memory_space<vmem>>[vector<16xi32>], vector<16xi32>,
    %swap3A_297 = arith.constant 224 : index
    %swap3A_298 = tpu.vector_load %arg6[%swap3A_297] {strides = array<i32>} : memref<1600xi32, #tpu.memory_space<vmem>>, vector<16xi32>,
    tpu.vector_store %arg6[%swap3A_297], %gather3A_296 {strides = array<i32>} : memref<1600xi32, #tpu.memory_space<vmem>>, vector<16xi32>,
    %dma_start3A_299 = arith.constant 160 : i32
    %dma_start3A_300 = arith.constant 0 : i32
    %dma_start3A_301 = tpu.memref_slice %arg7[%dma_start3A_299, %dma_start3A_300] : memref<1600x64xf32, #tpu.memory_space<vmem>> -> memref<80x64xf32, #tpu.memory_space<vmem>>
    %dma_start3A_302 = arith.constant 160 : i32
    %dma_start3A_303 = tpu.memref_slice %arg6[%dma_start3A_302] : memref<1600xi32, #tpu.memory_space<vmem>> -> memref<80xi32, #tpu.memory_space<vmem>>
    %dma_start3A_304 = arith.constant 0 : i32
    %dma_start3A_305 = arith.constant 0 : i32
    %dma_start3A_306 = tpu.memref_slice %arg3[%dma_start3A_304, %dma_start3A_305] : memref<1000x64xf32, #tpu.memory_space<hbm>> -> memref<1000x64xf32, #tpu.memory_space<hbm>>
    tpu.enqueue_indirect_dma source(%dma_start3A_306 : memref<1000x64xf32, #tpu.memory_space<hbm>>) target(%dma_start3A_301 : memref<80x64xf32, #tpu.memory_space<vmem>>) offsets(%dma_start3A_303 : memref<80xi32, #tpu.memory_space<vmem>>) semaphore(%arg8 : memref<!tpu.dma_semaphore, #tpu.memory_space<semaphore_mem>>)
    %add3A_307 = arith.constant 48 : i32
    %add3A_308 = vector.broadcast %add3A_307 : i32 to vector<16xi32>
    %add3A_309 = arith.addi %add3A_308, %iota3A : vector<16xi32>
    %shift_right_arithmetic3A_310 = arith.constant 1 : i32
    %shift_right_arithmetic3A_311 = vector.broadcast %shift_right_arithmetic3A_310 : i32 to vector<16xi32>
    %shift_right_arithmetic3A_312 = arith.shrsi %add3A_309, %shift_right_arithmetic3A_311 : vector<16xi32>
    %mul3A_313 = arith.constant 50 : i32
    %mul3A_314 = vector.broadcast %mul3A_313 : i32 to vector<16xi32>
    %mul3A_315 = arith.muli %shift_right_arithmetic3A_312, %mul3A_314 : vector<16xi32>
    %add3A_316 = arith.constant 6 : i32
    %add3A_317 = vector.broadcast %add3A_316 : i32 to vector<16xi32>
    %add3A_318 = arith.addi %mul3A_315, %add3A_317 : vector<16xi32>
    %and3A_319 = arith.constant 1 : i32
    %and3A_320 = vector.broadcast %and3A_319 : i32 to vector<16xi32>
    %and3A_321 = arith.andi %add3A_309, %and3A_320 : vector<16xi32>
    %add3A_322 = arith.addi %add3A_318, %and3A_321 : vector<16xi32>
    %gather3A_323 = tpu.vector_load_idx %arg5[%add3A_322] : memref<1600xi32, #tpu.memory_space<vmem>>[vector<16xi32>], vector<16xi32>,
    %swap3A_324 = arith.constant 240 : index
    %swap3A_325 = tpu.vector_load %arg6[%swap3A_324] {strides = array<i32>} : memref<1600xi32, #tpu.memory_space<vmem>>, vector<16xi32>,
    tpu.vector_store %arg6[%swap3A_324], %gather3A_323 {strides = array<i32>} : memref<1600xi32, #tpu.memory_space<vmem>>, vector<16xi32>,
    %add3A_326 = arith.constant 0 : i32
    %add3A_327 = vector.broadcast %add3A_326 : i32 to vector<16xi32>
    %add3A_328 = arith.addi %add3A_327, %iota3A : vector<16xi32>
    %shift_right_arithmetic3A_329 = arith.constant 1 : i32
    %shift_right_arithmetic3A_330 = vector.broadcast %shift_right_arithmetic3A_329 : i32 to vector<16xi32>
    %shift_right_arithmetic3A_331 = arith.shrsi %add3A_328, %shift_right_arithmetic3A_330 : vector<16xi32>
    %mul3A_332 = arith.constant 50 : i32
    %mul3A_333 = vector.broadcast %mul3A_332 : i32 to vector<16xi32>
    %mul3A_334 = arith.muli %shift_right_arithmetic3A_331, %mul3A_333 : vector<16xi32>
    %add3A_335 = arith.constant 8 : i32
    %add3A_336 = vector.broadcast %add3A_335 : i32 to vector<16xi32>
    %add3A_337 = arith.addi %mul3A_334, %add3A_336 : vector<16xi32>
    %and3A_338 = arith.constant 1 : i32
    %and3A_339 = vector.broadcast %and3A_338 : i32 to vector<16xi32>
    %and3A_340 = arith.andi %add3A_328, %and3A_339 : vector<16xi32>
    %add3A_341 = arith.addi %add3A_337, %and3A_340 : vector<16xi32>
    %gather3A_342 = tpu.vector_load_idx %arg5[%add3A_341] : memref<1600xi32, #tpu.memory_space<vmem>>[vector<16xi32>], vector<16xi32>,
    %swap3A_343 = arith.constant 256 : index
    %swap3A_344 = tpu.vector_load %arg6[%swap3A_343] {strides = array<i32>} : memref<1600xi32, #tpu.memory_space<vmem>>, vector<16xi32>,
    tpu.vector_store %arg6[%swap3A_343], %gather3A_342 {strides = array<i32>} : memref<1600xi32, #tpu.memory_space<vmem>>, vector<16xi32>,
    %add3A_345 = arith.constant 16 : i32
    %add3A_346 = vector.broadcast %add3A_345 : i32 to vector<16xi32>
    %add3A_347 = arith.addi %add3A_346, %iota3A : vector<16xi32>
    %shift_right_arithmetic3A_348 = arith.constant 1 : i32
    %shift_right_arithmetic3A_349 = vector.broadcast %shift_right_arithmetic3A_348 : i32 to vector<16xi32>
    %shift_right_arithmetic3A_350 = arith.shrsi %add3A_347, %shift_right_arithmetic3A_349 : vector<16xi32>
    %mul3A_351 = arith.constant 50 : i32
    %mul3A_352 = vector.broadcast %mul3A_351 : i32 to vector<16xi32>
    %mul3A_353 = arith.muli %shift_right_arithmetic3A_350, %mul3A_352 : vector<16xi32>
    %add3A_354 = arith.constant 8 : i32
    %add3A_355 = vector.broadcast %add3A_354 : i32 to vector<16xi32>
    %add3A_356 = arith.addi %mul3A_353, %add3A_355 : vector<16xi32>
    %and3A_357 = arith.constant 1 : i32
    %and3A_358 = vector.broadcast %and3A_357 : i32 to vector<16xi32>
    %and3A_359 = arith.andi %add3A_347, %and3A_358 : vector<16xi32>
    %add3A_360 = arith.addi %add3A_356, %and3A_359 : vector<16xi32>
    %gather3A_361 = tpu.vector_load_idx %arg5[%add3A_360] : memref<1600xi32, #tpu.memory_space<vmem>>[vector<16xi32>], vector<16xi32>,
    %swap3A_362 = arith.constant 272 : index
    %swap3A_363 = tpu.vector_load %arg6[%swap3A_362] {strides = array<i32>} : memref<1600xi32, #tpu.memory_space<vmem>>, vector<16xi32>,
    tpu.vector_store %arg6[%swap3A_362], %gather3A_361 {strides = array<i32>} : memref<1600xi32, #tpu.memory_space<vmem>>, vector<16xi32>,
    %add3A_364 = arith.constant 32 : i32
    %add3A_365 = vector.broadcast %add3A_364 : i32 to vector<16xi32>
    %add3A_366 = arith.addi %add3A_365, %iota3A : vector<16xi32>
    %shift_right_arithmetic3A_367 = arith.constant 1 : i32
    %shift_right_arithmetic3A_368 = vector.broadcast %shift_right_arithmetic3A_367 : i32 to vector<16xi32>
    %shift_right_arithmetic3A_369 = arith.shrsi %add3A_366, %shift_right_arithmetic3A_368 : vector<16xi32>
    %mul3A_370 = arith.constant 50 : i32
    %mul3A_371 = vector.broadcast %mul3A_370 : i32 to vector<16xi32>
    %mul3A_372 = arith.muli %shift_right_arithmetic3A_369, %mul3A_371 : vector<16xi32>
    %add3A_373 = arith.constant 8 : i32
    %add3A_374 = vector.broadcast %add3A_373 : i32 to vector<16xi32>
    %add3A_375 = arith.addi %mul3A_372, %add3A_374 : vector<16xi32>
    %and3A_376 = arith.constant 1 : i32
    %and3A_377 = vector.broadcast %and3A_376 : i32 to vector<16xi32>
    %and3A_378 = arith.andi %add3A_366, %and3A_377 : vector<16xi32>
    %add3A_379 = arith.addi %add3A_375, %and3A_378 : vector<16xi32>
    %gather3A_380 = tpu.vector_load_idx %arg5[%add3A_379] : memref<1600xi32, #tpu.memory_space<vmem>>[vector<16xi32>], vector<16xi32>,
    %swap3A_381 = arith.constant 288 : index
    %swap3A_382 = tpu.vector_load %arg6[%swap3A_381] {strides = array<i32>} : memref<1600xi32, #tpu.memory_space<vmem>>, vector<16xi32>,
    tpu.vector_store %arg6[%swap3A_381], %gather3A_380 {strides = array<i32>} : memref<1600xi32, #tpu.memory_space<vmem>>, vector<16xi32>,
    %add3A_383 = arith.constant 48 : i32
    %add3A_384 = vector.broadcast %add3A_383 : i32 to vector<16xi32>
    %add3A_385 = arith.addi %add3A_384, %iota3A : vector<16xi32>
    %shift_right_arithmetic3A_386 = arith.constant 1 : i32
    %shift_right_arithmetic3A_387 = vector.broadcast %shift_right_arithmetic3A_386 : i32 to vector<16xi32>
    %shift_right_arithmetic3A_388 = arith.shrsi %add3A_385, %shift_right_arithmetic3A_387 : vector<16xi32>
    %mul3A_389 = arith.constant 50 : i32
    %mul3A_390 = vector.broadcast %mul3A_389 : i32 to vector<16xi32>
    %mul3A_391 = arith.muli %shift_right_arithmetic3A_388, %mul3A_390 : vector<16xi32>
    %add3A_392 = arith.constant 8 : i32
    %add3A_393 = vector.broadcast %add3A_392 : i32 to vector<16xi32>
    %add3A_394 = arith.addi %mul3A_391, %add3A_393 : vector<16xi32>
    %and3A_395 = arith.constant 1 : i32
    %and3A_396 = vector.broadcast %and3A_395 : i32 to vector<16xi32>
    %and3A_397 = arith.andi %add3A_385, %and3A_396 : vector<16xi32>
    %add3A_398 = arith.addi %add3A_394, %and3A_397 : vector<16xi32>
    %gather3A_399 = tpu.vector_load_idx %arg5[%add3A_398] : memref<1600xi32, #tpu.memory_space<vmem>>[vector<16xi32>], vector<16xi32>,
    %swap3A_400 = arith.constant 304 : index
    %swap3A_401 = tpu.vector_load %arg6[%swap3A_400] {strides = array<i32>} : memref<1600xi32, #tpu.memory_space<vmem>>, vector<16xi32>,
    tpu.vector_store %arg6[%swap3A_400], %gather3A_399 {strides = array<i32>} : memref<1600xi32, #tpu.memory_space<vmem>>, vector<16xi32>,
    %dma_start3A_402 = arith.constant 240 : i32
    %dma_start3A_403 = arith.constant 0 : i32
    %dma_start3A_404 = tpu.memref_slice %arg7[%dma_start3A_402, %dma_start3A_403] : memref<1600x64xf32, #tpu.memory_space<vmem>> -> memref<80x64xf32, #tpu.memory_space<vmem>>
    %dma_start3A_405 = arith.constant 240 : i32
    %dma_start3A_406 = tpu.memref_slice %arg6[%dma_start3A_405] : memref<1600xi32, #tpu.memory_space<vmem>> -> memref<80xi32, #tpu.memory_space<vmem>>
    %dma_start3A_407 = arith.constant 0 : i32
    %dma_start3A_408 = arith.constant 0 : i32
    %dma_start3A_409 = tpu.memref_slice %arg3[%dma_start3A_407, %dma_start3A_408] : memref<1000x64xf32, #tpu.memory_space<hbm>> -> memref<1000x64xf32, #tpu.memory_space<hbm>>
    tpu.enqueue_indirect_dma source(%dma_start3A_409 : memref<1000x64xf32, #tpu.memory_space<hbm>>) target(%dma_start3A_404 : memref<80x64xf32, #tpu.memory_space<vmem>>) offsets(%dma_start3A_406 : memref<80xi32, #tpu.memory_space<vmem>>) semaphore(%arg8 : memref<!tpu.dma_semaphore, #tpu.memory_space<semaphore_mem>>)
    %add3A_410 = arith.constant 0 : i32
    %add3A_411 = vector.broadcast %add3A_410 : i32 to vector<16xi32>
    %add3A_412 = arith.addi %add3A_411, %iota3A : vector<16xi32>
    %shift_right_arithmetic3A_413 = arith.constant 1 : i32
    %shift_right_arithmetic3A_414 = vector.broadcast %shift_right_arithmetic3A_413 : i32 to vector<16xi32>
    %shift_right_arithmetic3A_415 = arith.shrsi %add3A_412, %shift_right_arithmetic3A_414 : vector<16xi32>
    %mul3A_416 = arith.constant 50 : i32
    %mul3A_417 = vector.broadcast %mul3A_416 : i32 to vector<16xi32>
    %mul3A_418 = arith.muli %shift_right_arithmetic3A_415, %mul3A_417 : vector<16xi32>
    %add3A_419 = arith.constant 10 : i32
    %add3A_420 = vector.broadcast %add3A_419 : i32 to vector<16xi32>
    %add3A_421 = arith.addi %mul3A_418, %add3A_420 : vector<16xi32>
    %and3A_422 = arith.constant 1 : i32
    %and3A_423 = vector.broadcast %and3A_422 : i32 to vector<16xi32>
    %and3A_424 = arith.andi %add3A_412, %and3A_423 : vector<16xi32>
    %add3A_425 = arith.addi %add3A_421, %and3A_424 : vector<16xi32>
    %gather3A_426 = tpu.vector_load_idx %arg5[%add3A_425] : memref<1600xi32, #tpu.memory_space<vmem>>[vector<16xi32>], vector<16xi32>,
    %swap3A_427 = arith.constant 320 : index
    %swap3A_428 = tpu.vector_load %arg6[%swap3A_427] {strides = array<i32>} : memref<1600xi32, #tpu.memory_space<vmem>>, vector<16xi32>,
    tpu.vector_store %arg6[%swap3A_427], %gather3A_426 {strides = array<i32>} : memref<1600xi32, #tpu.memory_space<vmem>>, vector<16xi32>,
    %add3A_429 = arith.constant 16 : i32
    %add3A_430 = vector.broadcast %add3A_429 : i32 to vector<16xi32>
    %add3A_431 = arith.addi %add3A_430, %iota3A : vector<16xi32>
    %shift_right_arithmetic3A_432 = arith.constant 1 : i32
    %shift_right_arithmetic3A_433 = vector.broadcast %shift_right_arithmetic3A_432 : i32 to vector<16xi32>
    %shift_right_arithmetic3A_434 = arith.shrsi %add3A_431, %shift_right_arithmetic3A_433 : vector<16xi32>
    %mul3A_435 = arith.constant 50 : i32
    %mul3A_436 = vector.broadcast %mul3A_435 : i32 to vector<16xi32>
    %mul3A_437 = arith.muli %shift_right_arithmetic3A_434, %mul3A_436 : vector<16xi32>
    %add3A_438 = arith.constant 10 : i32
    %add3A_439 = vector.broadcast %add3A_438 : i32 to vector<16xi32>
    %add3A_440 = arith.addi %mul3A_437, %add3A_439 : vector<16xi32>
    %and3A_441 = arith.constant 1 : i32
    %and3A_442 = vector.broadcast %and3A_441 : i32 to vector<16xi32>
    %and3A_443 = arith.andi %add3A_431, %and3A_442 : vector<16xi32>
    %add3A_444 = arith.addi %add3A_440, %and3A_443 : vector<16xi32>
    %gather3A_445 = tpu.vector_load_idx %arg5[%add3A_444] : memref<1600xi32, #tpu.memory_space<vmem>>[vector<16xi32>], vector<16xi32>,
    %swap3A_446 = arith.constant 336 : index
    %swap3A_447 = tpu.vector_load %arg6[%swap3A_446] {strides = array<i32>} : memref<1600xi32, #tpu.memory_space<vmem>>, vector<16xi32>,
    tpu.vector_store %arg6[%swap3A_446], %gather3A_445 {strides = array<i32>} : memref<1600xi32, #tpu.memory_space<vmem>>, vector<16xi32>,
    %add3A_448 = arith.constant 32 : i32
    %add3A_449 = vector.broadcast %add3A_448 : i32 to vector<16xi32>
    %add3A_450 = arith.addi %add3A_449, %iota3A : vector<16xi32>
    %shift_right_arithmetic3A_451 = arith.constant 1 : i32
    %shift_right_arithmetic3A_452 = vector.broadcast %shift_right_arithmetic3A_451 : i32 to vector<16xi32>
    %shift_right_arithmetic3A_453 = arith.shrsi %add3A_450, %shift_right_arithmetic3A_452 : vector<16xi32>
    %mul3A_454 = arith.constant 50 : i32
    %mul3A_455 = vector.broadcast %mul3A_454 : i32 to vector<16xi32>
    %mul3A_456 = arith.muli %shift_right_arithmetic3A_453, %mul3A_455 : vector<16xi32>
    %add3A_457 = arith.constant 10 : i32
    %add3A_458 = vector.broadcast %add3A_457 : i32 to vector<16xi32>
    %add3A_459 = arith.addi %mul3A_456, %add3A_458 : vector<16xi32>
    %and3A_460 = arith.constant 1 : i32
    %and3A_461 = vector.broadcast %and3A_460 : i32 to vector<16xi32>
    %and3A_462 = arith.andi %add3A_450, %and3A_461 : vector<16xi32>
    %add3A_463 = arith.addi %add3A_459, %and3A_462 : vector<16xi32>
    %gather3A_464 = tpu.vector_load_idx %arg5[%add3A_463] : memref<1600xi32, #tpu.memory_space<vmem>>[vector<16xi32>], vector<16xi32>,
    %swap3A_465 = arith.constant 352 : index
    %swap3A_466 = tpu.vector_load %arg6[%swap3A_465] {strides = array<i32>} : memref<1600xi32, #tpu.memory_space<vmem>>, vector<16xi32>,
    tpu.vector_store %arg6[%swap3A_465], %gather3A_464 {strides = array<i32>} : memref<1600xi32, #tpu.memory_space<vmem>>, vector<16xi32>,
    %add3A_467 = arith.constant 48 : i32
    %add3A_468 = vector.broadcast %add3A_467 : i32 to vector<16xi32>
    %add3A_469 = arith.addi %add3A_468, %iota3A : vector<16xi32>
    %shift_right_arithmetic3A_470 = arith.constant 1 : i32
    %shift_right_arithmetic3A_471 = vector.broadcast %shift_right_arithmetic3A_470 : i32 to vector<16xi32>
    %shift_right_arithmetic3A_472 = arith.shrsi %add3A_469, %shift_right_arithmetic3A_471 : vector<16xi32>
    %mul3A_473 = arith.constant 50 : i32
    %mul3A_474 = vector.broadcast %mul3A_473 : i32 to vector<16xi32>
    %mul3A_475 = arith.muli %shift_right_arithmetic3A_472, %mul3A_474 : vector<16xi32>
    %add3A_476 = arith.constant 10 : i32
    %add3A_477 = vector.broadcast %add3A_476 : i32 to vector<16xi32>
    %add3A_478 = arith.addi %mul3A_475, %add3A_477 : vector<16xi32>
    %and3A_479 = arith.constant 1 : i32
    %and3A_480 = vector.broadcast %and3A_479 : i32 to vector<16xi32>
    %and3A_481 = arith.andi %add3A_469, %and3A_480 : vector<16xi32>
    %add3A_482 = arith.addi %add3A_478, %and3A_481 : vector<16xi32>
    %gather3A_483 = tpu.vector_load_idx %arg5[%add3A_482] : memref<1600xi32, #tpu.memory_space<vmem>>[vector<16xi32>], vector<16xi32>,
    %swap3A_484 = arith.constant 368 : index
    %swap3A_485 = tpu.vector_load %arg6[%swap3A_484] {strides = array<i32>} : memref<1600xi32, #tpu.memory_space<vmem>>, vector<16xi32>,
    tpu.vector_store %arg6[%swap3A_484], %gather3A_483 {strides = array<i32>} : memref<1600xi32, #tpu.memory_space<vmem>>, vector<16xi32>,
    %add3A_486 = arith.constant 0 : i32
    %add3A_487 = vector.broadcast %add3A_486 : i32 to vector<16xi32>
    %add3A_488 = arith.addi %add3A_487, %iota3A : vector<16xi32>
    %shift_right_arithmetic3A_489 = arith.constant 1 : i32
    %shift_right_arithmetic3A_490 = vector.broadcast %shift_right_arithmetic3A_489 : i32 to vector<16xi32>
    %shift_right_arithmetic3A_491 = arith.shrsi %add3A_488, %shift_right_arithmetic3A_490 : vector<16xi32>
    %mul3A_492 = arith.constant 50 : i32
    %mul3A_493 = vector.broadcast %mul3A_492 : i32 to vector<16xi32>
    %mul3A_494 = arith.muli %shift_right_arithmetic3A_491, %mul3A_493 : vector<16xi32>
    %add3A_495 = arith.constant 12 : i32
    %add3A_496 = vector.broadcast %add3A_495 : i32 to vector<16xi32>
    %add3A_497 = arith.addi %mul3A_494, %add3A_496 : vector<16xi32>
    %and3A_498 = arith.constant 1 : i32
    %and3A_499 = vector.broadcast %and3A_498 : i32 to vector<16xi32>
    %and3A_500 = arith.andi %add3A_488, %and3A_499 : vector<16xi32>
    %add3A_501 = arith.addi %add3A_497, %and3A_500 : vector<16xi32>
    %gather3A_502 = tpu.vector_load_idx %arg5[%add3A_501] : memref<1600xi32, #tpu.memory_space<vmem>>[vector<16xi32>], vector<16xi32>,
    %swap3A_503 = arith.constant 384 : index
    %swap3A_504 = tpu.vector_load %arg6[%swap3A_503] {strides = array<i32>} : memref<1600xi32, #tpu.memory_space<vmem>>, vector<16xi32>,
    tpu.vector_store %arg6[%swap3A_503], %gather3A_502 {strides = array<i32>} : memref<1600xi32, #tpu.memory_space<vmem>>, vector<16xi32>,
    %dma_start3A_505 = arith.constant 320 : i32
    %dma_start3A_506 = arith.constant 0 : i32
    %dma_start3A_507 = tpu.memref_slice %arg7[%dma_start3A_505, %dma_start3A_506] : memref<1600x64xf32, #tpu.memory_space<vmem>> -> memref<80x64xf32, #tpu.memory_space<vmem>>
    %dma_start3A_508 = arith.constant 320 : i32
    %dma_start3A_509 = tpu.memref_slice %arg6[%dma_start3A_508] : memref<1600xi32, #tpu.memory_space<vmem>> -> memref<80xi32, #tpu.memory_space<vmem>>
    %dma_start3A_510 = arith.constant 0 : i32
    %dma_start3A_511 = arith.constant 0 : i32
    %dma_start3A_512 = tpu.memref_slice %arg3[%dma_start3A_510, %dma_start3A_511] : memref<1000x64xf32, #tpu.memory_space<hbm>> -> memref<1000x64xf32, #tpu.memory_space<hbm>>
    tpu.enqueue_indirect_dma source(%dma_start3A_512 : memref<1000x64xf32, #tpu.memory_space<hbm>>) target(%dma_start3A_507 : memref<80x64xf32, #tpu.memory_space<vmem>>) offsets(%dma_start3A_509 : memref<80xi32, #tpu.memory_space<vmem>>) semaphore(%arg8 : memref<!tpu.dma_semaphore, #tpu.memory_space<semaphore_mem>>)
    %add3A_513 = arith.constant 16 : i32
    %add3A_514 = vector.broadcast %add3A_513 : i32 to vector<16xi32>
    %add3A_515 = arith.addi %add3A_514, %iota3A : vector<16xi32>
    %shift_right_arithmetic3A_516 = arith.constant 1 : i32
    %shift_right_arithmetic3A_517 = vector.broadcast %shift_right_arithmetic3A_516 : i32 to vector<16xi32>
    %shift_right_arithmetic3A_518 = arith.shrsi %add3A_515, %shift_right_arithmetic3A_517 : vector<16xi32>
    %mul3A_519 = arith.constant 50 : i32
    %mul3A_520 = vector.broadcast %mul3A_519 : i32 to vector<16xi32>
    %mul3A_521 = arith.muli %shift_right_arithmetic3A_518, %mul3A_520 : vector<16xi32>
    %add3A_522 = arith.constant 12 : i32
    %add3A_523 = vector.broadcast %add3A_522 : i32 to vector<16xi32>
    %add3A_524 = arith.addi %mul3A_521, %add3A_523 : vector<16xi32>
    %and3A_525 = arith.constant 1 : i32
    %and3A_526 = vector.broadcast %and3A_525 : i32 to vector<16xi32>
    %and3A_527 = arith.andi %add3A_515, %and3A_526 : vector<16xi32>
    %add3A_528 = arith.addi %add3A_524, %and3A_527 : vector<16xi32>
    %gather3A_529 = tpu.vector_load_idx %arg5[%add3A_528] : memref<1600xi32, #tpu.memory_space<vmem>>[vector<16xi32>], vector<16xi32>,
    %swap3A_530 = arith.constant 400 : index
    %swap3A_531 = tpu.vector_load %arg6[%swap3A_530] {strides = array<i32>} : memref<1600xi32, #tpu.memory_space<vmem>>, vector<16xi32>,
    tpu.vector_store %arg6[%swap3A_530], %gather3A_529 {strides = array<i32>} : memref<1600xi32, #tpu.memory_space<vmem>>, vector<16xi32>,
    %add3A_532 = arith.constant 32 : i32
    %add3A_533 = vector.broadcast %add3A_532 : i32 to vector<16xi32>
    %add3A_534 = arith.addi %add3A_533, %iota3A : vector<16xi32>
    %shift_right_arithmetic3A_535 = arith.constant 1 : i32
    %shift_right_arithmetic3A_536 = vector.broadcast %shift_right_arithmetic3A_535 : i32 to vector<16xi32>
    %shift_right_arithmetic3A_537 = arith.shrsi %add3A_534, %shift_right_arithmetic3A_536 : vector<16xi32>
    %mul3A_538 = arith.constant 50 : i32
    %mul3A_539 = vector.broadcast %mul3A_538 : i32 to vector<16xi32>
    %mul3A_540 = arith.muli %shift_right_arithmetic3A_537, %mul3A_539 : vector<16xi32>
    %add3A_541 = arith.constant 12 : i32
    %add3A_542 = vector.broadcast %add3A_541 : i32 to vector<16xi32>
    %add3A_543 = arith.addi %mul3A_540, %add3A_542 : vector<16xi32>
    %and3A_544 = arith.constant 1 : i32
    %and3A_545 = vector.broadcast %and3A_544 : i32 to vector<16xi32>
    %and3A_546 = arith.andi %add3A_534, %and3A_545 : vector<16xi32>
    %add3A_547 = arith.addi %add3A_543, %and3A_546 : vector<16xi32>
    %gather3A_548 = tpu.vector_load_idx %arg5[%add3A_547] : memref<1600xi32, #tpu.memory_space<vmem>>[vector<16xi32>], vector<16xi32>,
    %swap3A_549 = arith.constant 416 : index
    %swap3A_550 = tpu.vector_load %arg6[%swap3A_549] {strides = array<i32>} : memref<1600xi32, #tpu.memory_space<vmem>>, vector<16xi32>,
    tpu.vector_store %arg6[%swap3A_549], %gather3A_548 {strides = array<i32>} : memref<1600xi32, #tpu.memory_space<vmem>>, vector<16xi32>,
    %add3A_551 = arith.constant 48 : i32
    %add3A_552 = vector.broadcast %add3A_551 : i32 to vector<16xi32>
    %add3A_553 = arith.addi %add3A_552, %iota3A : vector<16xi32>
    %shift_right_arithmetic3A_554 = arith.constant 1 : i32
    %shift_right_arithmetic3A_555 = vector.broadcast %shift_right_arithmetic3A_554 : i32 to vector<16xi32>
    %shift_right_arithmetic3A_556 = arith.shrsi %add3A_553, %shift_right_arithmetic3A_555 : vector<16xi32>
    %mul3A_557 = arith.constant 50 : i32
    %mul3A_558 = vector.broadcast %mul3A_557 : i32 to vector<16xi32>
    %mul3A_559 = arith.muli %shift_right_arithmetic3A_556, %mul3A_558 : vector<16xi32>
    %add3A_560 = arith.constant 12 : i32
    %add3A_561 = vector.broadcast %add3A_560 : i32 to vector<16xi32>
    %add3A_562 = arith.addi %mul3A_559, %add3A_561 : vector<16xi32>
    %and3A_563 = arith.constant 1 : i32
    %and3A_564 = vector.broadcast %and3A_563 : i32 to vector<16xi32>
    %and3A_565 = arith.andi %add3A_553, %and3A_564 : vector<16xi32>
    %add3A_566 = arith.addi %add3A_562, %and3A_565 : vector<16xi32>
    %gather3A_567 = tpu.vector_load_idx %arg5[%add3A_566] : memref<1600xi32, #tpu.memory_space<vmem>>[vector<16xi32>], vector<16xi32>,
    %swap3A_568 = arith.constant 432 : index
    %swap3A_569 = tpu.vector_load %arg6[%swap3A_568] {strides = array<i32>} : memref<1600xi32, #tpu.memory_space<vmem>>, vector<16xi32>,
    tpu.vector_store %arg6[%swap3A_568], %gather3A_567 {strides = array<i32>} : memref<1600xi32, #tpu.memory_space<vmem>>, vector<16xi32>,
    %add3A_570 = arith.constant 0 : i32
    %add3A_571 = vector.broadcast %add3A_570 : i32 to vector<16xi32>
    %add3A_572 = arith.addi %add3A_571, %iota3A : vector<16xi32>
    %shift_right_arithmetic3A_573 = arith.constant 1 : i32
    %shift_right_arithmetic3A_574 = vector.broadcast %shift_right_arithmetic3A_573 : i32 to vector<16xi32>
    %shift_right_arithmetic3A_575 = arith.shrsi %add3A_572, %shift_right_arithmetic3A_574 : vector<16xi32>
    %mul3A_576 = arith.constant 50 : i32
    %mul3A_577 = vector.broadcast %mul3A_576 : i32 to vector<16xi32>
    %mul3A_578 = arith.muli %shift_right_arithmetic3A_575, %mul3A_577 : vector<16xi32>
    %add3A_579 = arith.constant 14 : i32
    %add3A_580 = vector.broadcast %add3A_579 : i32 to vector<16xi32>
    %add3A_581 = arith.addi %mul3A_578, %add3A_580 : vector<16xi32>
    %and3A_582 = arith.constant 1 : i32
    %and3A_583 = vector.broadcast %and3A_582 : i32 to vector<16xi32>
    %and3A_584 = arith.andi %add3A_572, %and3A_583 : vector<16xi32>
    %add3A_585 = arith.addi %add3A_581, %and3A_584 : vector<16xi32>
    %gather3A_586 = tpu.vector_load_idx %arg5[%add3A_585] : memref<1600xi32, #tpu.memory_space<vmem>>[vector<16xi32>], vector<16xi32>,
    %swap3A_587 = arith.constant 448 : index
    %swap3A_588 = tpu.vector_load %arg6[%swap3A_587] {strides = array<i32>} : memref<1600xi32, #tpu.memory_space<vmem>>, vector<16xi32>,
    tpu.vector_store %arg6[%swap3A_587], %gather3A_586 {strides = array<i32>} : memref<1600xi32, #tpu.memory_space<vmem>>, vector<16xi32>,
    %add3A_589 = arith.constant 16 : i32
    %add3A_590 = vector.broadcast %add3A_589 : i32 to vector<16xi32>
    %add3A_591 = arith.addi %add3A_590, %iota3A : vector<16xi32>
    %shift_right_arithmetic3A_592 = arith.constant 1 : i32
    %shift_right_arithmetic3A_593 = vector.broadcast %shift_right_arithmetic3A_592 : i32 to vector<16xi32>
    %shift_right_arithmetic3A_594 = arith.shrsi %add3A_591, %shift_right_arithmetic3A_593 : vector<16xi32>
    %mul3A_595 = arith.constant 50 : i32
    %mul3A_596 = vector.broadcast %mul3A_595 : i32 to vector<16xi32>
    %mul3A_597 = arith.muli %shift_right_arithmetic3A_594, %mul3A_596 : vector<16xi32>
    %add3A_598 = arith.constant 14 : i32
    %add3A_599 = vector.broadcast %add3A_598 : i32 to vector<16xi32>
    %add3A_600 = arith.addi %mul3A_597, %add3A_599 : vector<16xi32>
    %and3A_601 = arith.constant 1 : i32
    %and3A_602 = vector.broadcast %and3A_601 : i32 to vector<16xi32>
    %and3A_603 = arith.andi %add3A_591, %and3A_602 : vector<16xi32>
    %add3A_604 = arith.addi %add3A_600, %and3A_603 : vector<16xi32>
    %gather3A_605 = tpu.vector_load_idx %arg5[%add3A_604] : memref<1600xi32, #tpu.memory_space<vmem>>[vector<16xi32>], vector<16xi32>,
    %swap3A_606 = arith.constant 464 : index
    %swap3A_607 = tpu.vector_load %arg6[%swap3A_606] {strides = array<i32>} : memref<1600xi32, #tpu.memory_space<vmem>>, vector<16xi32>,
    tpu.vector_store %arg6[%swap3A_606], %gather3A_605 {strides = array<i32>} : memref<1600xi32, #tpu.memory_space<vmem>>, vector<16xi32>,
    %dma_start3A_608 = arith.constant 400 : i32
    %dma_start3A_609 = arith.constant 0 : i32
    %dma_start3A_610 = tpu.memref_slice %arg7[%dma_start3A_608, %dma_start3A_609] : memref<1600x64xf32, #tpu.memory_space<vmem>> -> memref<80x64xf32, #tpu.memory_space<vmem>>
    %dma_start3A_611 = arith.constant 400 : i32
    %dma_start3A_612 = tpu.memref_slice %arg6[%dma_start3A_611] : memref<1600xi32, #tpu.memory_space<vmem>> -> memref<80xi32, #tpu.memory_space<vmem>>
    %dma_start3A_613 = arith.constant 0 : i32
    %dma_start3A_614 = arith.constant 0 : i32
    %dma_start3A_615 = tpu.memref_slice %arg3[%dma_start3A_613, %dma_start3A_614] : memref<1000x64xf32, #tpu.memory_space<hbm>> -> memref<1000x64xf32, #tpu.memory_space<hbm>>
    tpu.enqueue_indirect_dma source(%dma_start3A_615 : memref<1000x64xf32, #tpu.memory_space<hbm>>) target(%dma_start3A_610 : memref<80x64xf32, #tpu.memory_space<vmem>>) offsets(%dma_start3A_612 : memref<80xi32, #tpu.memory_space<vmem>>) semaphore(%arg8 : memref<!tpu.dma_semaphore, #tpu.memory_space<semaphore_mem>>)
    %add3A_616 = arith.constant 32 : i32
    %add3A_617 = vector.broadcast %add3A_616 : i32 to vector<16xi32>
    %add3A_618 = arith.addi %add3A_617, %iota3A : vector<16xi32>
    %shift_right_arithmetic3A_619 = arith.constant 1 : i32
    %shift_right_arithmetic3A_620 = vector.broadcast %shift_right_arithmetic3A_619 : i32 to vector<16xi32>
    %shift_right_arithmetic3A_621 = arith.shrsi %add3A_618, %shift_right_arithmetic3A_620 : vector<16xi32>
    %mul3A_622 = arith.constant 50 : i32
    %mul3A_623 = vector.broadcast %mul3A_622 : i32 to vector<16xi32>
    %mul3A_624 = arith.muli %shift_right_arithmetic3A_621, %mul3A_623 : vector<16xi32>
    %add3A_625 = arith.constant 14 : i32
    %add3A_626 = vector.broadcast %add3A_625 : i32 to vector<16xi32>
    %add3A_627 = arith.addi %mul3A_624, %add3A_626 : vector<16xi32>
    %and3A_628 = arith.constant 1 : i32
    %and3A_629 = vector.broadcast %and3A_628 : i32 to vector<16xi32>
    %and3A_630 = arith.andi %add3A_618, %and3A_629 : vector<16xi32>
    %add3A_631 = arith.addi %add3A_627, %and3A_630 : vector<16xi32>
    %gather3A_632 = tpu.vector_load_idx %arg5[%add3A_631] : memref<1600xi32, #tpu.memory_space<vmem>>[vector<16xi32>], vector<16xi32>,
    %swap3A_633 = arith.constant 480 : index
    %swap3A_634 = tpu.vector_load %arg6[%swap3A_633] {strides = array<i32>} : memref<1600xi32, #tpu.memory_space<vmem>>, vector<16xi32>,
    tpu.vector_store %arg6[%swap3A_633], %gather3A_632 {strides = array<i32>} : memref<1600xi32, #tpu.memory_space<vmem>>, vector<16xi32>,
    %add3A_635 = arith.constant 48 : i32
    %add3A_636 = vector.broadcast %add3A_635 : i32 to vector<16xi32>
    %add3A_637 = arith.addi %add3A_636, %iota3A : vector<16xi32>
    %shift_right_arithmetic3A_638 = arith.constant 1 : i32
    %shift_right_arithmetic3A_639 = vector.broadcast %shift_right_arithmetic3A_638 : i32 to vector<16xi32>
    %shift_right_arithmetic3A_640 = arith.shrsi %add3A_637, %shift_right_arithmetic3A_639 : vector<16xi32>
    %mul3A_641 = arith.constant 50 : i32
    %mul3A_642 = vector.broadcast %mul3A_641 : i32 to vector<16xi32>
    %mul3A_643 = arith.muli %shift_right_arithmetic3A_640, %mul3A_642 : vector<16xi32>
    %add3A_644 = arith.constant 14 : i32
    %add3A_645 = vector.broadcast %add3A_644 : i32 to vector<16xi32>
    %add3A_646 = arith.addi %mul3A_643, %add3A_645 : vector<16xi32>
    %and3A_647 = arith.constant 1 : i32
    %and3A_648 = vector.broadcast %and3A_647 : i32 to vector<16xi32>
    %and3A_649 = arith.andi %add3A_637, %and3A_648 : vector<16xi32>
    %add3A_650 = arith.addi %add3A_646, %and3A_649 : vector<16xi32>
    %gather3A_651 = tpu.vector_load_idx %arg5[%add3A_650] : memref<1600xi32, #tpu.memory_space<vmem>>[vector<16xi32>], vector<16xi32>,
    %swap3A_652 = arith.constant 496 : index
    %swap3A_653 = tpu.vector_load %arg6[%swap3A_652] {strides = array<i32>} : memref<1600xi32, #tpu.memory_space<vmem>>, vector<16xi32>,
    tpu.vector_store %arg6[%swap3A_652], %gather3A_651 {strides = array<i32>} : memref<1600xi32, #tpu.memory_space<vmem>>, vector<16xi32>,
    %add3A_654 = arith.constant 0 : i32
    %add3A_655 = vector.broadcast %add3A_654 : i32 to vector<16xi32>
    %add3A_656 = arith.addi %add3A_655, %iota3A : vector<16xi32>
    %shift_right_arithmetic3A_657 = arith.constant 1 : i32
    %shift_right_arithmetic3A_658 = vector.broadcast %shift_right_arithmetic3A_657 : i32 to vector<16xi32>
    %shift_right_arithmetic3A_659 = arith.shrsi %add3A_656, %shift_right_arithmetic3A_658 : vector<16xi32>
    %mul3A_660 = arith.constant 50 : i32
    %mul3A_661 = vector.broadcast %mul3A_660 : i32 to vector<16xi32>
    %mul3A_662 = arith.muli %shift_right_arithmetic3A_659, %mul3A_661 : vector<16xi32>
    %add3A_663 = arith.constant 16 : i32
    %add3A_664 = vector.broadcast %add3A_663 : i32 to vector<16xi32>
    %add3A_665 = arith.addi %mul3A_662, %add3A_664 : vector<16xi32>
    %and3A_666 = arith.constant 1 : i32
    %and3A_667 = vector.broadcast %and3A_666 : i32 to vector<16xi32>
    %and3A_668 = arith.andi %add3A_656, %and3A_667 : vector<16xi32>
    %add3A_669 = arith.addi %add3A_665, %and3A_668 : vector<16xi32>
    %gather3A_670 = tpu.vector_load_idx %arg5[%add3A_669] : memref<1600xi32, #tpu.memory_space<vmem>>[vector<16xi32>], vector<16xi32>,
    %swap3A_671 = arith.constant 512 : index
    %swap3A_672 = tpu.vector_load %arg6[%swap3A_671] {strides = array<i32>} : memref<1600xi32, #tpu.memory_space<vmem>>, vector<16xi32>,
    tpu.vector_store %arg6[%swap3A_671], %gather3A_670 {strides = array<i32>} : memref<1600xi32, #tpu.memory_space<vmem>>, vector<16xi32>,
    %add3A_673 = arith.constant 16 : i32
    %add3A_674 = vector.broadcast %add3A_673 : i32 to vector<16xi32>
    %add3A_675 = arith.addi %add3A_674, %iota3A : vector<16xi32>
    %shift_right_arithmetic3A_676 = arith.constant 1 : i32
    %shift_right_arithmetic3A_677 = vector.broadcast %shift_right_arithmetic3A_676 : i32 to vector<16xi32>
    %shift_right_arithmetic3A_678 = arith.shrsi %add3A_675, %shift_right_arithmetic3A_677 : vector<16xi32>
    %mul3A_679 = arith.constant 50 : i32
    %mul3A_680 = vector.broadcast %mul3A_679 : i32 to vector<16xi32>
    %mul3A_681 = arith.muli %shift_right_arithmetic3A_678, %mul3A_680 : vector<16xi32>
    %add3A_682 = arith.constant 16 : i32
    %add3A_683 = vector.broadcast %add3A_682 : i32 to vector<16xi32>
    %add3A_684 = arith.addi %mul3A_681, %add3A_683 : vector<16xi32>
    %and3A_685 = arith.constant 1 : i32
    %and3A_686 = vector.broadcast %and3A_685 : i32 to vector<16xi32>
    %and3A_687 = arith.andi %add3A_675, %and3A_686 : vector<16xi32>
    %add3A_688 = arith.addi %add3A_684, %and3A_687 : vector<16xi32>
    %gather3A_689 = tpu.vector_load_idx %arg5[%add3A_688] : memref<1600xi32, #tpu.memory_space<vmem>>[vector<16xi32>], vector<16xi32>,
    %swap3A_690 = arith.constant 528 : index
    %swap3A_691 = tpu.vector_load %arg6[%swap3A_690] {strides = array<i32>} : memref<1600xi32, #tpu.memory_space<vmem>>, vector<16xi32>,
    tpu.vector_store %arg6[%swap3A_690], %gather3A_689 {strides = array<i32>} : memref<1600xi32, #tpu.memory_space<vmem>>, vector<16xi32>,
    %add3A_692 = arith.constant 32 : i32
    %add3A_693 = vector.broadcast %add3A_692 : i32 to vector<16xi32>
    %add3A_694 = arith.addi %add3A_693, %iota3A : vector<16xi32>
    %shift_right_arithmetic3A_695 = arith.constant 1 : i32
    %shift_right_arithmetic3A_696 = vector.broadcast %shift_right_arithmetic3A_695 : i32 to vector<16xi32>
    %shift_right_arithmetic3A_697 = arith.shrsi %add3A_694, %shift_right_arithmetic3A_696 : vector<16xi32>
    %mul3A_698 = arith.constant 50 : i32
    %mul3A_699 = vector.broadcast %mul3A_698 : i32 to vector<16xi32>
    %mul3A_700 = arith.muli %shift_right_arithmetic3A_697, %mul3A_699 : vector<16xi32>
    %add3A_701 = arith.constant 16 : i32
    %add3A_702 = vector.broadcast %add3A_701 : i32 to vector<16xi32>
    %add3A_703 = arith.addi %mul3A_700, %add3A_702 : vector<16xi32>
    %and3A_704 = arith.constant 1 : i32
    %and3A_705 = vector.broadcast %and3A_704 : i32 to vector<16xi32>
    %and3A_706 = arith.andi %add3A_694, %and3A_705 : vector<16xi32>
    %add3A_707 = arith.addi %add3A_703, %and3A_706 : vector<16xi32>
    %gather3A_708 = tpu.vector_load_idx %arg5[%add3A_707] : memref<1600xi32, #tpu.memory_space<vmem>>[vector<16xi32>], vector<16xi32>,
    %swap3A_709 = arith.constant 544 : index
    %swap3A_710 = tpu.vector_load %arg6[%swap3A_709] {strides = array<i32>} : memref<1600xi32, #tpu.memory_space<vmem>>, vector<16xi32>,
    tpu.vector_store %arg6[%swap3A_709], %gather3A_708 {strides = array<i32>} : memref<1600xi32, #tpu.memory_space<vmem>>, vector<16xi32>,
    %dma_start3A_711 = arith.constant 480 : i32
    %dma_start3A_712 = arith.constant 0 : i32
    %dma_start3A_713 = tpu.memref_slice %arg7[%dma_start3A_711, %dma_start3A_712] : memref<1600x64xf32, #tpu.memory_space<vmem>> -> memref<80x64xf32, #tpu.memory_space<vmem>>
    %dma_start3A_714 = arith.constant 480 : i32
    %dma_start3A_715 = tpu.memref_slice %arg6[%dma_start3A_714] : memref<1600xi32, #tpu.memory_space<vmem>> -> memref<80xi32, #tpu.memory_space<vmem>>
    %dma_start3A_716 = arith.constant 0 : i32
    %dma_start3A_717 = arith.constant 0 : i32
    %dma_start3A_718 = tpu.memref_slice %arg3[%dma_start3A_716, %dma_start3A_717] : memref<1000x64xf32, #tpu.memory_space<hbm>> -> memref<1000x64xf32, #tpu.memory_space<hbm>>
    tpu.enqueue_indirect_dma source(%dma_start3A_718 : memref<1000x64xf32, #tpu.memory_space<hbm>>) target(%dma_start3A_713 : memref<80x64xf32, #tpu.memory_space<vmem>>) offsets(%dma_start3A_715 : memref<80xi32, #tpu.memory_space<vmem>>) semaphore(%arg8 : memref<!tpu.dma_semaphore, #tpu.memory_space<semaphore_mem>>)
    %add3A_719 = arith.constant 48 : i32
    %add3A_720 = vector.broadcast %add3A_719 : i32 to vector<16xi32>
    %add3A_721 = arith.addi %add3A_720, %iota3A : vector<16xi32>
    %shift_right_arithmetic3A_722 = arith.constant 1 : i32
    %shift_right_arithmetic3A_723 = vector.broadcast %shift_right_arithmetic3A_722 : i32 to vector<16xi32>
    %shift_right_arithmetic3A_724 = arith.shrsi %add3A_721, %shift_right_arithmetic3A_723 : vector<16xi32>
    %mul3A_725 = arith.constant 50 : i32
    %mul3A_726 = vector.broadcast %mul3A_725 : i32 to vector<16xi32>
    %mul3A_727 = arith.muli %shift_right_arithmetic3A_724, %mul3A_726 : vector<16xi32>
    %add3A_728 = arith.constant 16 : i32
    %add3A_729 = vector.broadcast %add3A_728 : i32 to vector<16xi32>
    %add3A_730 = arith.addi %mul3A_727, %add3A_729 : vector<16xi32>
    %and3A_731 = arith.constant 1 : i32
    %and3A_732 = vector.broadcast %and3A_731 : i32 to vector<16xi32>
    %and3A_733 = arith.andi %add3A_721, %and3A_732 : vector<16xi32>
    %add3A_734 = arith.addi %add3A_730, %and3A_733 : vector<16xi32>
    %gather3A_735 = tpu.vector_load_idx %arg5[%add3A_734] : memref<1600xi32, #tpu.memory_space<vmem>>[vector<16xi32>], vector<16xi32>,
    %swap3A_736 = arith.constant 560 : index
    %swap3A_737 = tpu.vector_load %arg6[%swap3A_736] {strides = array<i32>} : memref<1600xi32, #tpu.memory_space<vmem>>, vector<16xi32>,
    tpu.vector_store %arg6[%swap3A_736], %gather3A_735 {strides = array<i32>} : memref<1600xi32, #tpu.memory_space<vmem>>, vector<16xi32>,
    %add3A_738 = arith.constant 0 : i32
    %add3A_739 = vector.broadcast %add3A_738 : i32 to vector<16xi32>
    %add3A_740 = arith.addi %add3A_739, %iota3A : vector<16xi32>
    %shift_right_arithmetic3A_741 = arith.constant 1 : i32
    %shift_right_arithmetic3A_742 = vector.broadcast %shift_right_arithmetic3A_741 : i32 to vector<16xi32>
    %shift_right_arithmetic3A_743 = arith.shrsi %add3A_740, %shift_right_arithmetic3A_742 : vector<16xi32>
    %mul3A_744 = arith.constant 50 : i32
    %mul3A_745 = vector.broadcast %mul3A_744 : i32 to vector<16xi32>
    %mul3A_746 = arith.muli %shift_right_arithmetic3A_743, %mul3A_745 : vector<16xi32>
    %add3A_747 = arith.constant 18 : i32
    %add3A_748 = vector.broadcast %add3A_747 : i32 to vector<16xi32>
    %add3A_749 = arith.addi %mul3A_746, %add3A_748 : vector<16xi32>
    %and3A_750 = arith.constant 1 : i32
    %and3A_751 = vector.broadcast %and3A_750 : i32 to vector<16xi32>
    %and3A_752 = arith.andi %add3A_740, %and3A_751 : vector<16xi32>
    %add3A_753 = arith.addi %add3A_749, %and3A_752 : vector<16xi32>
    %gather3A_754 = tpu.vector_load_idx %arg5[%add3A_753] : memref<1600xi32, #tpu.memory_space<vmem>>[vector<16xi32>], vector<16xi32>,
    %swap3A_755 = arith.constant 576 : index
    %swap3A_756 = tpu.vector_load %arg6[%swap3A_755] {strides = array<i32>} : memref<1600xi32, #tpu.memory_space<vmem>>, vector<16xi32>,
    tpu.vector_store %arg6[%swap3A_755], %gather3A_754 {strides = array<i32>} : memref<1600xi32, #tpu.memory_space<vmem>>, vector<16xi32>,
    %add3A_757 = arith.constant 16 : i32
    %add3A_758 = vector.broadcast %add3A_757 : i32 to vector<16xi32>
    %add3A_759 = arith.addi %add3A_758, %iota3A : vector<16xi32>
    %shift_right_arithmetic3A_760 = arith.constant 1 : i32
    %shift_right_arithmetic3A_761 = vector.broadcast %shift_right_arithmetic3A_760 : i32 to vector<16xi32>
    %shift_right_arithmetic3A_762 = arith.shrsi %add3A_759, %shift_right_arithmetic3A_761 : vector<16xi32>
    %mul3A_763 = arith.constant 50 : i32
    %mul3A_764 = vector.broadcast %mul3A_763 : i32 to vector<16xi32>
    %mul3A_765 = arith.muli %shift_right_arithmetic3A_762, %mul3A_764 : vector<16xi32>
    %add3A_766 = arith.constant 18 : i32
    %add3A_767 = vector.broadcast %add3A_766 : i32 to vector<16xi32>
    %add3A_768 = arith.addi %mul3A_765, %add3A_767 : vector<16xi32>
    %and3A_769 = arith.constant 1 : i32
    %and3A_770 = vector.broadcast %and3A_769 : i32 to vector<16xi32>
    %and3A_771 = arith.andi %add3A_759, %and3A_770 : vector<16xi32>
    %add3A_772 = arith.addi %add3A_768, %and3A_771 : vector<16xi32>
    %gather3A_773 = tpu.vector_load_idx %arg5[%add3A_772] : memref<1600xi32, #tpu.memory_space<vmem>>[vector<16xi32>], vector<16xi32>,
    %swap3A_774 = arith.constant 592 : index
    %swap3A_775 = tpu.vector_load %arg6[%swap3A_774] {strides = array<i32>} : memref<1600xi32, #tpu.memory_space<vmem>>, vector<16xi32>,
    tpu.vector_store %arg6[%swap3A_774], %gather3A_773 {strides = array<i32>} : memref<1600xi32, #tpu.memory_space<vmem>>, vector<16xi32>,
    %add3A_776 = arith.constant 32 : i32
    %add3A_777 = vector.broadcast %add3A_776 : i32 to vector<16xi32>
    %add3A_778 = arith.addi %add3A_777, %iota3A : vector<16xi32>
    %shift_right_arithmetic3A_779 = arith.constant 1 : i32
    %shift_right_arithmetic3A_780 = vector.broadcast %shift_right_arithmetic3A_779 : i32 to vector<16xi32>
    %shift_right_arithmetic3A_781 = arith.shrsi %add3A_778, %shift_right_arithmetic3A_780 : vector<16xi32>
    %mul3A_782 = arith.constant 50 : i32
    %mul3A_783 = vector.broadcast %mul3A_782 : i32 to vector<16xi32>
    %mul3A_784 = arith.muli %shift_right_arithmetic3A_781, %mul3A_783 : vector<16xi32>
    %add3A_785 = arith.constant 18 : i32
    %add3A_786 = vector.broadcast %add3A_785 : i32 to vector<16xi32>
    %add3A_787 = arith.addi %mul3A_784, %add3A_786 : vector<16xi32>
    %and3A_788 = arith.constant 1 : i32
    %and3A_789 = vector.broadcast %and3A_788 : i32 to vector<16xi32>
    %and3A_790 = arith.andi %add3A_778, %and3A_789 : vector<16xi32>
    %add3A_791 = arith.addi %add3A_787, %and3A_790 : vector<16xi32>
    %gather3A_792 = tpu.vector_load_idx %arg5[%add3A_791] : memref<1600xi32, #tpu.memory_space<vmem>>[vector<16xi32>], vector<16xi32>,
    %swap3A_793 = arith.constant 608 : index
    %swap3A_794 = tpu.vector_load %arg6[%swap3A_793] {strides = array<i32>} : memref<1600xi32, #tpu.memory_space<vmem>>, vector<16xi32>,
    tpu.vector_store %arg6[%swap3A_793], %gather3A_792 {strides = array<i32>} : memref<1600xi32, #tpu.memory_space<vmem>>, vector<16xi32>,
    %add3A_795 = arith.constant 48 : i32
    %add3A_796 = vector.broadcast %add3A_795 : i32 to vector<16xi32>
    %add3A_797 = arith.addi %add3A_796, %iota3A : vector<16xi32>
    %shift_right_arithmetic3A_798 = arith.constant 1 : i32
    %shift_right_arithmetic3A_799 = vector.broadcast %shift_right_arithmetic3A_798 : i32 to vector<16xi32>
    %shift_right_arithmetic3A_800 = arith.shrsi %add3A_797, %shift_right_arithmetic3A_799 : vector<16xi32>
    %mul3A_801 = arith.constant 50 : i32
    %mul3A_802 = vector.broadcast %mul3A_801 : i32 to vector<16xi32>
    %mul3A_803 = arith.muli %shift_right_arithmetic3A_800, %mul3A_802 : vector<16xi32>
    %add3A_804 = arith.constant 18 : i32
    %add3A_805 = vector.broadcast %add3A_804 : i32 to vector<16xi32>
    %add3A_806 = arith.addi %mul3A_803, %add3A_805 : vector<16xi32>
    %and3A_807 = arith.constant 1 : i32
    %and3A_808 = vector.broadcast %and3A_807 : i32 to vector<16xi32>
    %and3A_809 = arith.andi %add3A_797, %and3A_808 : vector<16xi32>
    %add3A_810 = arith.addi %add3A_806, %and3A_809 : vector<16xi32>
    %gather3A_811 = tpu.vector_load_idx %arg5[%add3A_810] : memref<1600xi32, #tpu.memory_space<vmem>>[vector<16xi32>], vector<16xi32>,
    %swap3A_812 = arith.constant 624 : index
    %swap3A_813 = tpu.vector_load %arg6[%swap3A_812] {strides = array<i32>} : memref<1600xi32, #tpu.memory_space<vmem>>, vector<16xi32>,
    tpu.vector_store %arg6[%swap3A_812], %gather3A_811 {strides = array<i32>} : memref<1600xi32, #tpu.memory_space<vmem>>, vector<16xi32>,
    %dma_start3A_814 = arith.constant 560 : i32
    %dma_start3A_815 = arith.constant 0 : i32
    %dma_start3A_816 = tpu.memref_slice %arg7[%dma_start3A_814, %dma_start3A_815] : memref<1600x64xf32, #tpu.memory_space<vmem>> -> memref<80x64xf32, #tpu.memory_space<vmem>>
    %dma_start3A_817 = arith.constant 560 : i32
    %dma_start3A_818 = tpu.memref_slice %arg6[%dma_start3A_817] : memref<1600xi32, #tpu.memory_space<vmem>> -> memref<80xi32, #tpu.memory_space<vmem>>
    %dma_start3A_819 = arith.constant 0 : i32
    %dma_start3A_820 = arith.constant 0 : i32
    %dma_start3A_821 = tpu.memref_slice %arg3[%dma_start3A_819, %dma_start3A_820] : memref<1000x64xf32, #tpu.memory_space<hbm>> -> memref<1000x64xf32, #tpu.memory_space<hbm>>
    tpu.enqueue_indirect_dma source(%dma_start3A_821 : memref<1000x64xf32, #tpu.memory_space<hbm>>) target(%dma_start3A_816 : memref<80x64xf32, #tpu.memory_space<vmem>>) offsets(%dma_start3A_818 : memref<80xi32, #tpu.memory_space<vmem>>) semaphore(%arg8 : memref<!tpu.dma_semaphore, #tpu.memory_space<semaphore_mem>>)
    %add3A_822 = arith.constant 0 : i32
    %add3A_823 = vector.broadcast %add3A_822 : i32 to vector<16xi32>
    %add3A_824 = arith.addi %add3A_823, %iota3A : vector<16xi32>
    %shift_right_arithmetic3A_825 = arith.constant 1 : i32
    %shift_right_arithmetic3A_826 = vector.broadcast %shift_right_arithmetic3A_825 : i32 to vector<16xi32>
    %shift_right_arithmetic3A_827 = arith.shrsi %add3A_824, %shift_right_arithmetic3A_826 : vector<16xi32>
    %mul3A_828 = arith.constant 50 : i32
    %mul3A_829 = vector.broadcast %mul3A_828 : i32 to vector<16xi32>
    %mul3A_830 = arith.muli %shift_right_arithmetic3A_827, %mul3A_829 : vector<16xi32>
    %add3A_831 = arith.constant 20 : i32
    %add3A_832 = vector.broadcast %add3A_831 : i32 to vector<16xi32>
    %add3A_833 = arith.addi %mul3A_830, %add3A_832 : vector<16xi32>
    %and3A_834 = arith.constant 1 : i32
    %and3A_835 = vector.broadcast %and3A_834 : i32 to vector<16xi32>
    %and3A_836 = arith.andi %add3A_824, %and3A_835 : vector<16xi32>
    %add3A_837 = arith.addi %add3A_833, %and3A_836 : vector<16xi32>
    %gather3A_838 = tpu.vector_load_idx %arg5[%add3A_837] : memref<1600xi32, #tpu.memory_space<vmem>>[vector<16xi32>], vector<16xi32>,
    %swap3A_839 = arith.constant 640 : index
    %swap3A_840 = tpu.vector_load %arg6[%swap3A_839] {strides = array<i32>} : memref<1600xi32, #tpu.memory_space<vmem>>, vector<16xi32>,
    tpu.vector_store %arg6[%swap3A_839], %gather3A_838 {strides = array<i32>} : memref<1600xi32, #tpu.memory_space<vmem>>, vector<16xi32>,
    %add3A_841 = arith.constant 16 : i32
    %add3A_842 = vector.broadcast %add3A_841 : i32 to vector<16xi32>
    %add3A_843 = arith.addi %add3A_842, %iota3A : vector<16xi32>
    %shift_right_arithmetic3A_844 = arith.constant 1 : i32
    %shift_right_arithmetic3A_845 = vector.broadcast %shift_right_arithmetic3A_844 : i32 to vector<16xi32>
    %shift_right_arithmetic3A_846 = arith.shrsi %add3A_843, %shift_right_arithmetic3A_845 : vector<16xi32>
    %mul3A_847 = arith.constant 50 : i32
    %mul3A_848 = vector.broadcast %mul3A_847 : i32 to vector<16xi32>
    %mul3A_849 = arith.muli %shift_right_arithmetic3A_846, %mul3A_848 : vector<16xi32>
    %add3A_850 = arith.constant 20 : i32
    %add3A_851 = vector.broadcast %add3A_850 : i32 to vector<16xi32>
    %add3A_852 = arith.addi %mul3A_849, %add3A_851 : vector<16xi32>
    %and3A_853 = arith.constant 1 : i32
    %and3A_854 = vector.broadcast %and3A_853 : i32 to vector<16xi32>
    %and3A_855 = arith.andi %add3A_843, %and3A_854 : vector<16xi32>
    %add3A_856 = arith.addi %add3A_852, %and3A_855 : vector<16xi32>
    %gather3A_857 = tpu.vector_load_idx %arg5[%add3A_856] : memref<1600xi32, #tpu.memory_space<vmem>>[vector<16xi32>], vector<16xi32>,
    %swap3A_858 = arith.constant 656 : index
    %swap3A_859 = tpu.vector_load %arg6[%swap3A_858] {strides = array<i32>} : memref<1600xi32, #tpu.memory_space<vmem>>, vector<16xi32>,
    tpu.vector_store %arg6[%swap3A_858], %gather3A_857 {strides = array<i32>} : memref<1600xi32, #tpu.memory_space<vmem>>, vector<16xi32>,
    %add3A_860 = arith.constant 32 : i32
    %add3A_861 = vector.broadcast %add3A_860 : i32 to vector<16xi32>
    %add3A_862 = arith.addi %add3A_861, %iota3A : vector<16xi32>
    %shift_right_arithmetic3A_863 = arith.constant 1 : i32
    %shift_right_arithmetic3A_864 = vector.broadcast %shift_right_arithmetic3A_863 : i32 to vector<16xi32>
    %shift_right_arithmetic3A_865 = arith.shrsi %add3A_862, %shift_right_arithmetic3A_864 : vector<16xi32>
    %mul3A_866 = arith.constant 50 : i32
    %mul3A_867 = vector.broadcast %mul3A_866 : i32 to vector<16xi32>
    %mul3A_868 = arith.muli %shift_right_arithmetic3A_865, %mul3A_867 : vector<16xi32>
    %add3A_869 = arith.constant 20 : i32
    %add3A_870 = vector.broadcast %add3A_869 : i32 to vector<16xi32>
    %add3A_871 = arith.addi %mul3A_868, %add3A_870 : vector<16xi32>
    %and3A_872 = arith.constant 1 : i32
    %and3A_873 = vector.broadcast %and3A_872 : i32 to vector<16xi32>
    %and3A_874 = arith.andi %add3A_862, %and3A_873 : vector<16xi32>
    %add3A_875 = arith.addi %add3A_871, %and3A_874 : vector<16xi32>
    %gather3A_876 = tpu.vector_load_idx %arg5[%add3A_875] : memref<1600xi32, #tpu.memory_space<vmem>>[vector<16xi32>], vector<16xi32>,
    %swap3A_877 = arith.constant 672 : index
    %swap3A_878 = tpu.vector_load %arg6[%swap3A_877] {strides = array<i32>} : memref<1600xi32, #tpu.memory_space<vmem>>, vector<16xi32>,
    tpu.vector_store %arg6[%swap3A_877], %gather3A_876 {strides = array<i32>} : memref<1600xi32, #tpu.memory_space<vmem>>, vector<16xi32>,
    %add3A_879 = arith.constant 48 : i32
    %add3A_880 = vector.broadcast %add3A_879 : i32 to vector<16xi32>
    %add3A_881 = arith.addi %add3A_880, %iota3A : vector<16xi32>
    %shift_right_arithmetic3A_882 = arith.constant 1 : i32
    %shift_right_arithmetic3A_883 = vector.broadcast %shift_right_arithmetic3A_882 : i32 to vector<16xi32>
    %shift_right_arithmetic3A_884 = arith.shrsi %add3A_881, %shift_right_arithmetic3A_883 : vector<16xi32>
    %mul3A_885 = arith.constant 50 : i32
    %mul3A_886 = vector.broadcast %mul3A_885 : i32 to vector<16xi32>
    %mul3A_887 = arith.muli %shift_right_arithmetic3A_884, %mul3A_886 : vector<16xi32>
    %add3A_888 = arith.constant 20 : i32
    %add3A_889 = vector.broadcast %add3A_888 : i32 to vector<16xi32>
    %add3A_890 = arith.addi %mul3A_887, %add3A_889 : vector<16xi32>
    %and3A_891 = arith.constant 1 : i32
    %and3A_892 = vector.broadcast %and3A_891 : i32 to vector<16xi32>
    %and3A_893 = arith.andi %add3A_881, %and3A_892 : vector<16xi32>
    %add3A_894 = arith.addi %add3A_890, %and3A_893 : vector<16xi32>
    %gather3A_895 = tpu.vector_load_idx %arg5[%add3A_894] : memref<1600xi32, #tpu.memory_space<vmem>>[vector<16xi32>], vector<16xi32>,
    %swap3A_896 = arith.constant 688 : index
    %swap3A_897 = tpu.vector_load %arg6[%swap3A_896] {strides = array<i32>} : memref<1600xi32, #tpu.memory_space<vmem>>, vector<16xi32>,
    tpu.vector_store %arg6[%swap3A_896], %gather3A_895 {strides = array<i32>} : memref<1600xi32, #tpu.memory_space<vmem>>, vector<16xi32>,
    %add3A_898 = arith.constant 0 : i32
    %add3A_899 = vector.broadcast %add3A_898 : i32 to vector<16xi32>
    %add3A_900 = arith.addi %add3A_899, %iota3A : vector<16xi32>
    %shift_right_arithmetic3A_901 = arith.constant 1 : i32
    %shift_right_arithmetic3A_902 = vector.broadcast %shift_right_arithmetic3A_901 : i32 to vector<16xi32>
    %shift_right_arithmetic3A_903 = arith.shrsi %add3A_900, %shift_right_arithmetic3A_902 : vector<16xi32>
    %mul3A_904 = arith.constant 50 : i32
    %mul3A_905 = vector.broadcast %mul3A_904 : i32 to vector<16xi32>
    %mul3A_906 = arith.muli %shift_right_arithmetic3A_903, %mul3A_905 : vector<16xi32>
    %add3A_907 = arith.constant 22 : i32
    %add3A_908 = vector.broadcast %add3A_907 : i32 to vector<16xi32>
    %add3A_909 = arith.addi %mul3A_906, %add3A_908 : vector<16xi32>
    %and3A_910 = arith.constant 1 : i32
    %and3A_911 = vector.broadcast %and3A_910 : i32 to vector<16xi32>
    %and3A_912 = arith.andi %add3A_900, %and3A_911 : vector<16xi32>
    %add3A_913 = arith.addi %add3A_909, %and3A_912 : vector<16xi32>
    %gather3A_914 = tpu.vector_load_idx %arg5[%add3A_913] : memref<1600xi32, #tpu.memory_space<vmem>>[vector<16xi32>], vector<16xi32>,
    %swap3A_915 = arith.constant 704 : index
    %swap3A_916 = tpu.vector_load %arg6[%swap3A_915] {strides = array<i32>} : memref<1600xi32, #tpu.memory_space<vmem>>, vector<16xi32>,
    tpu.vector_store %arg6[%swap3A_915], %gather3A_914 {strides = array<i32>} : memref<1600xi32, #tpu.memory_space<vmem>>, vector<16xi32>,
    %dma_start3A_917 = arith.constant 640 : i32
    %dma_start3A_918 = arith.constant 0 : i32
    %dma_start3A_919 = tpu.memref_slice %arg7[%dma_start3A_917, %dma_start3A_918] : memref<1600x64xf32, #tpu.memory_space<vmem>> -> memref<80x64xf32, #tpu.memory_space<vmem>>
    %dma_start3A_920 = arith.constant 640 : i32
    %dma_start3A_921 = tpu.memref_slice %arg6[%dma_start3A_920] : memref<1600xi32, #tpu.memory_space<vmem>> -> memref<80xi32, #tpu.memory_space<vmem>>
    %dma_start3A_922 = arith.constant 0 : i32
    %dma_start3A_923 = arith.constant 0 : i32
    %dma_start3A_924 = tpu.memref_slice %arg3[%dma_start3A_922, %dma_start3A_923] : memref<1000x64xf32, #tpu.memory_space<hbm>> -> memref<1000x64xf32, #tpu.memory_space<hbm>>
    tpu.enqueue_indirect_dma source(%dma_start3A_924 : memref<1000x64xf32, #tpu.memory_space<hbm>>) target(%dma_start3A_919 : memref<80x64xf32, #tpu.memory_space<vmem>>) offsets(%dma_start3A_921 : memref<80xi32, #tpu.memory_space<vmem>>) semaphore(%arg8 : memref<!tpu.dma_semaphore, #tpu.memory_space<semaphore_mem>>)
    %add3A_925 = arith.constant 16 : i32
    %add3A_926 = vector.broadcast %add3A_925 : i32 to vector<16xi32>
    %add3A_927 = arith.addi %add3A_926, %iota3A : vector<16xi32>
    %shift_right_arithmetic3A_928 = arith.constant 1 : i32
    %shift_right_arithmetic3A_929 = vector.broadcast %shift_right_arithmetic3A_928 : i32 to vector<16xi32>
    %shift_right_arithmetic3A_930 = arith.shrsi %add3A_927, %shift_right_arithmetic3A_929 : vector<16xi32>
    %mul3A_931 = arith.constant 50 : i32
    %mul3A_932 = vector.broadcast %mul3A_931 : i32 to vector<16xi32>
    %mul3A_933 = arith.muli %shift_right_arithmetic3A_930, %mul3A_932 : vector<16xi32>
    %add3A_934 = arith.constant 22 : i32
    %add3A_935 = vector.broadcast %add3A_934 : i32 to vector<16xi32>
    %add3A_936 = arith.addi %mul3A_933, %add3A_935 : vector<16xi32>
    %and3A_937 = arith.constant 1 : i32
    %and3A_938 = vector.broadcast %and3A_937 : i32 to vector<16xi32>
    %and3A_939 = arith.andi %add3A_927, %and3A_938 : vector<16xi32>
    %add3A_940 = arith.addi %add3A_936, %and3A_939 : vector<16xi32>
    %gather3A_941 = tpu.vector_load_idx %arg5[%add3A_940] : memref<1600xi32, #tpu.memory_space<vmem>>[vector<16xi32>], vector<16xi32>,
    %swap3A_942 = arith.constant 720 : index
    %swap3A_943 = tpu.vector_load %arg6[%swap3A_942] {strides = array<i32>} : memref<1600xi32, #tpu.memory_space<vmem>>, vector<16xi32>,
    tpu.vector_store %arg6[%swap3A_942], %gather3A_941 {strides = array<i32>} : memref<1600xi32, #tpu.memory_space<vmem>>, vector<16xi32>,
    %add3A_944 = arith.constant 32 : i32
    %add3A_945 = vector.broadcast %add3A_944 : i32 to vector<16xi32>
    %add3A_946 = arith.addi %add3A_945, %iota3A : vector<16xi32>
    %shift_right_arithmetic3A_947 = arith.constant 1 : i32
    %shift_right_arithmetic3A_948 = vector.broadcast %shift_right_arithmetic3A_947 : i32 to vector<16xi32>
    %shift_right_arithmetic3A_949 = arith.shrsi %add3A_946, %shift_right_arithmetic3A_948 : vector<16xi32>
    %mul3A_950 = arith.constant 50 : i32
    %mul3A_951 = vector.broadcast %mul3A_950 : i32 to vector<16xi32>
    %mul3A_952 = arith.muli %shift_right_arithmetic3A_949, %mul3A_951 : vector<16xi32>
    %add3A_953 = arith.constant 22 : i32
    %add3A_954 = vector.broadcast %add3A_953 : i32 to vector<16xi32>
    %add3A_955 = arith.addi %mul3A_952, %add3A_954 : vector<16xi32>
    %and3A_956 = arith.constant 1 : i32
    %and3A_957 = vector.broadcast %and3A_956 : i32 to vector<16xi32>
    %and3A_958 = arith.andi %add3A_946, %and3A_957 : vector<16xi32>
    %add3A_959 = arith.addi %add3A_955, %and3A_958 : vector<16xi32>
    %gather3A_960 = tpu.vector_load_idx %arg5[%add3A_959] : memref<1600xi32, #tpu.memory_space<vmem>>[vector<16xi32>], vector<16xi32>,
    %swap3A_961 = arith.constant 736 : index
    %swap3A_962 = tpu.vector_load %arg6[%swap3A_961] {strides = array<i32>} : memref<1600xi32, #tpu.memory_space<vmem>>, vector<16xi32>,
    tpu.vector_store %arg6[%swap3A_961], %gather3A_960 {strides = array<i32>} : memref<1600xi32, #tpu.memory_space<vmem>>, vector<16xi32>,
    %add3A_963 = arith.constant 48 : i32
    %add3A_964 = vector.broadcast %add3A_963 : i32 to vector<16xi32>
    %add3A_965 = arith.addi %add3A_964, %iota3A : vector<16xi32>
    %shift_right_arithmetic3A_966 = arith.constant 1 : i32
    %shift_right_arithmetic3A_967 = vector.broadcast %shift_right_arithmetic3A_966 : i32 to vector<16xi32>
    %shift_right_arithmetic3A_968 = arith.shrsi %add3A_965, %shift_right_arithmetic3A_967 : vector<16xi32>
    %mul3A_969 = arith.constant 50 : i32
    %mul3A_970 = vector.broadcast %mul3A_969 : i32 to vector<16xi32>
    %mul3A_971 = arith.muli %shift_right_arithmetic3A_968, %mul3A_970 : vector<16xi32>
    %add3A_972 = arith.constant 22 : i32
    %add3A_973 = vector.broadcast %add3A_972 : i32 to vector<16xi32>
    %add3A_974 = arith.addi %mul3A_971, %add3A_973 : vector<16xi32>
    %and3A_975 = arith.constant 1 : i32
    %and3A_976 = vector.broadcast %and3A_975 : i32 to vector<16xi32>
    %and3A_977 = arith.andi %add3A_965, %and3A_976 : vector<16xi32>
    %add3A_978 = arith.addi %add3A_974, %and3A_977 : vector<16xi32>
    %gather3A_979 = tpu.vector_load_idx %arg5[%add3A_978] : memref<1600xi32, #tpu.memory_space<vmem>>[vector<16xi32>], vector<16xi32>,
    %swap3A_980 = arith.constant 752 : index
    %swap3A_981 = tpu.vector_load %arg6[%swap3A_980] {strides = array<i32>} : memref<1600xi32, #tpu.memory_space<vmem>>, vector<16xi32>,
    tpu.vector_store %arg6[%swap3A_980], %gather3A_979 {strides = array<i32>} : memref<1600xi32, #tpu.memory_space<vmem>>, vector<16xi32>,
    %add3A_982 = arith.constant 0 : i32
    %add3A_983 = vector.broadcast %add3A_982 : i32 to vector<16xi32>
    %add3A_984 = arith.addi %add3A_983, %iota3A : vector<16xi32>
    %shift_right_arithmetic3A_985 = arith.constant 1 : i32
    %shift_right_arithmetic3A_986 = vector.broadcast %shift_right_arithmetic3A_985 : i32 to vector<16xi32>
    %shift_right_arithmetic3A_987 = arith.shrsi %add3A_984, %shift_right_arithmetic3A_986 : vector<16xi32>
    %mul3A_988 = arith.constant 50 : i32
    %mul3A_989 = vector.broadcast %mul3A_988 : i32 to vector<16xi32>
    %mul3A_990 = arith.muli %shift_right_arithmetic3A_987, %mul3A_989 : vector<16xi32>
    %add3A_991 = arith.constant 24 : i32
    %add3A_992 = vector.broadcast %add3A_991 : i32 to vector<16xi32>
    %add3A_993 = arith.addi %mul3A_990, %add3A_992 : vector<16xi32>
    %and3A_994 = arith.constant 1 : i32
    %and3A_995 = vector.broadcast %and3A_994 : i32 to vector<16xi32>
    %and3A_996 = arith.andi %add3A_984, %and3A_995 : vector<16xi32>
    %add3A_997 = arith.addi %add3A_993, %and3A_996 : vector<16xi32>
    %gather3A_998 = tpu.vector_load_idx %arg5[%add3A_997] : memref<1600xi32, #tpu.memory_space<vmem>>[vector<16xi32>], vector<16xi32>,
    %swap3A_999 = arith.constant 768 : index
    %swap3A_1000 = tpu.vector_load %arg6[%swap3A_999] {strides = array<i32>} : memref<1600xi32, #tpu.memory_space<vmem>>, vector<16xi32>,
    tpu.vector_store %arg6[%swap3A_999], %gather3A_998 {strides = array<i32>} : memref<1600xi32, #tpu.memory_space<vmem>>, vector<16xi32>,
    %add3A_1001 = arith.constant 16 : i32
    %add3A_1002 = vector.broadcast %add3A_1001 : i32 to vector<16xi32>
    %add3A_1003 = arith.addi %add3A_1002, %iota3A : vector<16xi32>
    %shift_right_arithmetic3A_1004 = arith.constant 1 : i32
    %shift_right_arithmetic3A_1005 = vector.broadcast %shift_right_arithmetic3A_1004 : i32 to vector<16xi32>
    %shift_right_arithmetic3A_1006 = arith.shrsi %add3A_1003, %shift_right_arithmetic3A_1005 : vector<16xi32>
    %mul3A_1007 = arith.constant 50 : i32
    %mul3A_1008 = vector.broadcast %mul3A_1007 : i32 to vector<16xi32>
    %mul3A_1009 = arith.muli %shift_right_arithmetic3A_1006, %mul3A_1008 : vector<16xi32>
    %add3A_1010 = arith.constant 24 : i32
    %add3A_1011 = vector.broadcast %add3A_1010 : i32 to vector<16xi32>
    %add3A_1012 = arith.addi %mul3A_1009, %add3A_1011 : vector<16xi32>
    %and3A_1013 = arith.constant 1 : i32
    %and3A_1014 = vector.broadcast %and3A_1013 : i32 to vector<16xi32>
    %and3A_1015 = arith.andi %add3A_1003, %and3A_1014 : vector<16xi32>
    %add3A_1016 = arith.addi %add3A_1012, %and3A_1015 : vector<16xi32>
    %gather3A_1017 = tpu.vector_load_idx %arg5[%add3A_1016] : memref<1600xi32, #tpu.memory_space<vmem>>[vector<16xi32>], vector<16xi32>,
    %swap3A_1018 = arith.constant 784 : index
    %swap3A_1019 = tpu.vector_load %arg6[%swap3A_1018] {strides = array<i32>} : memref<1600xi32, #tpu.memory_space<vmem>>, vector<16xi32>,
    tpu.vector_store %arg6[%swap3A_1018], %gather3A_1017 {strides = array<i32>} : memref<1600xi32, #tpu.memory_space<vmem>>, vector<16xi32>,
    %dma_start3A_1020 = arith.constant 720 : i32
    %dma_start3A_1021 = arith.constant 0 : i32
    %dma_start3A_1022 = tpu.memref_slice %arg7[%dma_start3A_1020, %dma_start3A_1021] : memref<1600x64xf32, #tpu.memory_space<vmem>> -> memref<80x64xf32, #tpu.memory_space<vmem>>
    %dma_start3A_1023 = arith.constant 720 : i32
    %dma_start3A_1024 = tpu.memref_slice %arg6[%dma_start3A_1023] : memref<1600xi32, #tpu.memory_space<vmem>> -> memref<80xi32, #tpu.memory_space<vmem>>
    %dma_start3A_1025 = arith.constant 0 : i32
    %dma_start3A_1026 = arith.constant 0 : i32
    %dma_start3A_1027 = tpu.memref_slice %arg3[%dma_start3A_1025, %dma_start3A_1026] : memref<1000x64xf32, #tpu.memory_space<hbm>> -> memref<1000x64xf32, #tpu.memory_space<hbm>>
    tpu.enqueue_indirect_dma source(%dma_start3A_1027 : memref<1000x64xf32, #tpu.memory_space<hbm>>) target(%dma_start3A_1022 : memref<80x64xf32, #tpu.memory_space<vmem>>) offsets(%dma_start3A_1024 : memref<80xi32, #tpu.memory_space<vmem>>) semaphore(%arg8 : memref<!tpu.dma_semaphore, #tpu.memory_space<semaphore_mem>>)
    %add3A_1028 = arith.constant 32 : i32
    %add3A_1029 = vector.broadcast %add3A_1028 : i32 to vector<16xi32>
    %add3A_1030 = arith.addi %add3A_1029, %iota3A : vector<16xi32>
    %shift_right_arithmetic3A_1031 = arith.constant 1 : i32
    %shift_right_arithmetic3A_1032 = vector.broadcast %shift_right_arithmetic3A_1031 : i32 to vector<16xi32>
    %shift_right_arithmetic3A_1033 = arith.shrsi %add3A_1030, %shift_right_arithmetic3A_1032 : vector<16xi32>
    %mul3A_1034 = arith.constant 50 : i32
    %mul3A_1035 = vector.broadcast %mul3A_1034 : i32 to vector<16xi32>
    %mul3A_1036 = arith.muli %shift_right_arithmetic3A_1033, %mul3A_1035 : vector<16xi32>
    %add3A_1037 = arith.constant 24 : i32
    %add3A_1038 = vector.broadcast %add3A_1037 : i32 to vector<16xi32>
    %add3A_1039 = arith.addi %mul3A_1036, %add3A_1038 : vector<16xi32>
    %and3A_1040 = arith.constant 1 : i32
    %and3A_1041 = vector.broadcast %and3A_1040 : i32 to vector<16xi32>
    %and3A_1042 = arith.andi %add3A_1030, %and3A_1041 : vector<16xi32>
    %add3A_1043 = arith.addi %add3A_1039, %and3A_1042 : vector<16xi32>
    %gather3A_1044 = tpu.vector_load_idx %arg5[%add3A_1043] : memref<1600xi32, #tpu.memory_space<vmem>>[vector<16xi32>], vector<16xi32>,
    %swap3A_1045 = arith.constant 800 : index
    %swap3A_1046 = tpu.vector_load %arg6[%swap3A_1045] {strides = array<i32>} : memref<1600xi32, #tpu.memory_space<vmem>>, vector<16xi32>,
    tpu.vector_store %arg6[%swap3A_1045], %gather3A_1044 {strides = array<i32>} : memref<1600xi32, #tpu.memory_space<vmem>>, vector<16xi32>,
    %add3A_1047 = arith.constant 48 : i32
    %add3A_1048 = vector.broadcast %add3A_1047 : i32 to vector<16xi32>
    %add3A_1049 = arith.addi %add3A_1048, %iota3A : vector<16xi32>
    %shift_right_arithmetic3A_1050 = arith.constant 1 : i32
    %shift_right_arithmetic3A_1051 = vector.broadcast %shift_right_arithmetic3A_1050 : i32 to vector<16xi32>
    %shift_right_arithmetic3A_1052 = arith.shrsi %add3A_1049, %shift_right_arithmetic3A_1051 : vector<16xi32>
    %mul3A_1053 = arith.constant 50 : i32
    %mul3A_1054 = vector.broadcast %mul3A_1053 : i32 to vector<16xi32>
    %mul3A_1055 = arith.muli %shift_right_arithmetic3A_1052, %mul3A_1054 : vector<16xi32>
    %add3A_1056 = arith.constant 24 : i32
    %add3A_1057 = vector.broadcast %add3A_1056 : i32 to vector<16xi32>
    %add3A_1058 = arith.addi %mul3A_1055, %add3A_1057 : vector<16xi32>
    %and3A_1059 = arith.constant 1 : i32
    %and3A_1060 = vector.broadcast %and3A_1059 : i32 to vector<16xi32>
    %and3A_1061 = arith.andi %add3A_1049, %and3A_1060 : vector<16xi32>
    %add3A_1062 = arith.addi %add3A_1058, %and3A_1061 : vector<16xi32>
    %gather3A_1063 = tpu.vector_load_idx %arg5[%add3A_1062] : memref<1600xi32, #tpu.memory_space<vmem>>[vector<16xi32>], vector<16xi32>,
    %swap3A_1064 = arith.constant 816 : index
    %swap3A_1065 = tpu.vector_load %arg6[%swap3A_1064] {strides = array<i32>} : memref<1600xi32, #tpu.memory_space<vmem>>, vector<16xi32>,
    tpu.vector_store %arg6[%swap3A_1064], %gather3A_1063 {strides = array<i32>} : memref<1600xi32, #tpu.memory_space<vmem>>, vector<16xi32>,
    %add3A_1066 = arith.constant 0 : i32
    %add3A_1067 = vector.broadcast %add3A_1066 : i32 to vector<16xi32>
    %add3A_1068 = arith.addi %add3A_1067, %iota3A : vector<16xi32>
    %shift_right_arithmetic3A_1069 = arith.constant 1 : i32
    %shift_right_arithmetic3A_1070 = vector.broadcast %shift_right_arithmetic3A_1069 : i32 to vector<16xi32>
    %shift_right_arithmetic3A_1071 = arith.shrsi %add3A_1068, %shift_right_arithmetic3A_1070 : vector<16xi32>
    %mul3A_1072 = arith.constant 50 : i32
    %mul3A_1073 = vector.broadcast %mul3A_1072 : i32 to vector<16xi32>
    %mul3A_1074 = arith.muli %shift_right_arithmetic3A_1071, %mul3A_1073 : vector<16xi32>
    %add3A_1075 = arith.constant 26 : i32
    %add3A_1076 = vector.broadcast %add3A_1075 : i32 to vector<16xi32>
    %add3A_1077 = arith.addi %mul3A_1074, %add3A_1076 : vector<16xi32>
    %and3A_1078 = arith.constant 1 : i32
    %and3A_1079 = vector.broadcast %and3A_1078 : i32 to vector<16xi32>
    %and3A_1080 = arith.andi %add3A_1068, %and3A_1079 : vector<16xi32>
    %add3A_1081 = arith.addi %add3A_1077, %and3A_1080 : vector<16xi32>
    %gather3A_1082 = tpu.vector_load_idx %arg5[%add3A_1081] : memref<1600xi32, #tpu.memory_space<vmem>>[vector<16xi32>], vector<16xi32>,
    %swap3A_1083 = arith.constant 832 : index
    %swap3A_1084 = tpu.vector_load %arg6[%swap3A_1083] {strides = array<i32>} : memref<1600xi32, #tpu.memory_space<vmem>>, vector<16xi32>,
    tpu.vector_store %arg6[%swap3A_1083], %gather3A_1082 {strides = array<i32>} : memref<1600xi32, #tpu.memory_space<vmem>>, vector<16xi32>,
    %add3A_1085 = arith.constant 16 : i32
    %add3A_1086 = vector.broadcast %add3A_1085 : i32 to vector<16xi32>
    %add3A_1087 = arith.addi %add3A_1086, %iota3A : vector<16xi32>
    %shift_right_arithmetic3A_1088 = arith.constant 1 : i32
    %shift_right_arithmetic3A_1089 = vector.broadcast %shift_right_arithmetic3A_1088 : i32 to vector<16xi32>
    %shift_right_arithmetic3A_1090 = arith.shrsi %add3A_1087, %shift_right_arithmetic3A_1089 : vector<16xi32>
    %mul3A_1091 = arith.constant 50 : i32
    %mul3A_1092 = vector.broadcast %mul3A_1091 : i32 to vector<16xi32>
    %mul3A_1093 = arith.muli %shift_right_arithmetic3A_1090, %mul3A_1092 : vector<16xi32>
    %add3A_1094 = arith.constant 26 : i32
    %add3A_1095 = vector.broadcast %add3A_1094 : i32 to vector<16xi32>
    %add3A_1096 = arith.addi %mul3A_1093, %add3A_1095 : vector<16xi32>
    %and3A_1097 = arith.constant 1 : i32
    %and3A_1098 = vector.broadcast %and3A_1097 : i32 to vector<16xi32>
    %and3A_1099 = arith.andi %add3A_1087, %and3A_1098 : vector<16xi32>
    %add3A_1100 = arith.addi %add3A_1096, %and3A_1099 : vector<16xi32>
    %gather3A_1101 = tpu.vector_load_idx %arg5[%add3A_1100] : memref<1600xi32, #tpu.memory_space<vmem>>[vector<16xi32>], vector<16xi32>,
    %swap3A_1102 = arith.constant 848 : index
    %swap3A_1103 = tpu.vector_load %arg6[%swap3A_1102] {strides = array<i32>} : memref<1600xi32, #tpu.memory_space<vmem>>, vector<16xi32>,
    tpu.vector_store %arg6[%swap3A_1102], %gather3A_1101 {strides = array<i32>} : memref<1600xi32, #tpu.memory_space<vmem>>, vector<16xi32>,
    %add3A_1104 = arith.constant 32 : i32
    %add3A_1105 = vector.broadcast %add3A_1104 : i32 to vector<16xi32>
    %add3A_1106 = arith.addi %add3A_1105, %iota3A : vector<16xi32>
    %shift_right_arithmetic3A_1107 = arith.constant 1 : i32
    %shift_right_arithmetic3A_1108 = vector.broadcast %shift_right_arithmetic3A_1107 : i32 to vector<16xi32>
    %shift_right_arithmetic3A_1109 = arith.shrsi %add3A_1106, %shift_right_arithmetic3A_1108 : vector<16xi32>
    %mul3A_1110 = arith.constant 50 : i32
    %mul3A_1111 = vector.broadcast %mul3A_1110 : i32 to vector<16xi32>
    %mul3A_1112 = arith.muli %shift_right_arithmetic3A_1109, %mul3A_1111 : vector<16xi32>
    %add3A_1113 = arith.constant 26 : i32
    %add3A_1114 = vector.broadcast %add3A_1113 : i32 to vector<16xi32>
    %add3A_1115 = arith.addi %mul3A_1112, %add3A_1114 : vector<16xi32>
    %and3A_1116 = arith.constant 1 : i32
    %and3A_1117 = vector.broadcast %and3A_1116 : i32 to vector<16xi32>
    %and3A_1118 = arith.andi %add3A_1106, %and3A_1117 : vector<16xi32>
    %add3A_1119 = arith.addi %add3A_1115, %and3A_1118 : vector<16xi32>
    %gather3A_1120 = tpu.vector_load_idx %arg5[%add3A_1119] : memref<1600xi32, #tpu.memory_space<vmem>>[vector<16xi32>], vector<16xi32>,
    %swap3A_1121 = arith.constant 864 : index
    %swap3A_1122 = tpu.vector_load %arg6[%swap3A_1121] {strides = array<i32>} : memref<1600xi32, #tpu.memory_space<vmem>>, vector<16xi32>,
    tpu.vector_store %arg6[%swap3A_1121], %gather3A_1120 {strides = array<i32>} : memref<1600xi32, #tpu.memory_space<vmem>>, vector<16xi32>,
    %dma_start3A_1123 = arith.constant 800 : i32
    %dma_start3A_1124 = arith.constant 0 : i32
    %dma_start3A_1125 = tpu.memref_slice %arg7[%dma_start3A_1123, %dma_start3A_1124] : memref<1600x64xf32, #tpu.memory_space<vmem>> -> memref<80x64xf32, #tpu.memory_space<vmem>>
    %dma_start3A_1126 = arith.constant 800 : i32
    %dma_start3A_1127 = tpu.memref_slice %arg6[%dma_start3A_1126] : memref<1600xi32, #tpu.memory_space<vmem>> -> memref<80xi32, #tpu.memory_space<vmem>>
    %dma_start3A_1128 = arith.constant 0 : i32
    %dma_start3A_1129 = arith.constant 0 : i32
    %dma_start3A_1130 = tpu.memref_slice %arg3[%dma_start3A_1128, %dma_start3A_1129] : memref<1000x64xf32, #tpu.memory_space<hbm>> -> memref<1000x64xf32, #tpu.memory_space<hbm>>
    tpu.enqueue_indirect_dma source(%dma_start3A_1130 : memref<1000x64xf32, #tpu.memory_space<hbm>>) target(%dma_start3A_1125 : memref<80x64xf32, #tpu.memory_space<vmem>>) offsets(%dma_start3A_1127 : memref<80xi32, #tpu.memory_space<vmem>>) semaphore(%arg8 : memref<!tpu.dma_semaphore, #tpu.memory_space<semaphore_mem>>)
    %add3A_1131 = arith.constant 48 : i32
    %add3A_1132 = vector.broadcast %add3A_1131 : i32 to vector<16xi32>
    %add3A_1133 = arith.addi %add3A_1132, %iota3A : vector<16xi32>
    %shift_right_arithmetic3A_1134 = arith.constant 1 : i32
    %shift_right_arithmetic3A_1135 = vector.broadcast %shift_right_arithmetic3A_1134 : i32 to vector<16xi32>
    %shift_right_arithmetic3A_1136 = arith.shrsi %add3A_1133, %shift_right_arithmetic3A_1135 : vector<16xi32>
    %mul3A_1137 = arith.constant 50 : i32
    %mul3A_1138 = vector.broadcast %mul3A_1137 : i32 to vector<16xi32>
    %mul3A_1139 = arith.muli %shift_right_arithmetic3A_1136, %mul3A_1138 : vector<16xi32>
    %add3A_1140 = arith.constant 26 : i32
    %add3A_1141 = vector.broadcast %add3A_1140 : i32 to vector<16xi32>
    %add3A_1142 = arith.addi %mul3A_1139, %add3A_1141 : vector<16xi32>
    %and3A_1143 = arith.constant 1 : i32
    %and3A_1144 = vector.broadcast %and3A_1143 : i32 to vector<16xi32>
    %and3A_1145 = arith.andi %add3A_1133, %and3A_1144 : vector<16xi32>
    %add3A_1146 = arith.addi %add3A_1142, %and3A_1145 : vector<16xi32>
    %gather3A_1147 = tpu.vector_load_idx %arg5[%add3A_1146] : memref<1600xi32, #tpu.memory_space<vmem>>[vector<16xi32>], vector<16xi32>,
    %swap3A_1148 = arith.constant 880 : index
    %swap3A_1149 = tpu.vector_load %arg6[%swap3A_1148] {strides = array<i32>} : memref<1600xi32, #tpu.memory_space<vmem>>, vector<16xi32>,
    tpu.vector_store %arg6[%swap3A_1148], %gather3A_1147 {strides = array<i32>} : memref<1600xi32, #tpu.memory_space<vmem>>, vector<16xi32>,
    %add3A_1150 = arith.constant 0 : i32
    %add3A_1151 = vector.broadcast %add3A_1150 : i32 to vector<16xi32>
    %add3A_1152 = arith.addi %add3A_1151, %iota3A : vector<16xi32>
    %shift_right_arithmetic3A_1153 = arith.constant 1 : i32
    %shift_right_arithmetic3A_1154 = vector.broadcast %shift_right_arithmetic3A_1153 : i32 to vector<16xi32>
    %shift_right_arithmetic3A_1155 = arith.shrsi %add3A_1152, %shift_right_arithmetic3A_1154 : vector<16xi32>
    %mul3A_1156 = arith.constant 50 : i32
    %mul3A_1157 = vector.broadcast %mul3A_1156 : i32 to vector<16xi32>
    %mul3A_1158 = arith.muli %shift_right_arithmetic3A_1155, %mul3A_1157 : vector<16xi32>
    %add3A_1159 = arith.constant 28 : i32
    %add3A_1160 = vector.broadcast %add3A_1159 : i32 to vector<16xi32>
    %add3A_1161 = arith.addi %mul3A_1158, %add3A_1160 : vector<16xi32>
    %and3A_1162 = arith.constant 1 : i32
    %and3A_1163 = vector.broadcast %and3A_1162 : i32 to vector<16xi32>
    %and3A_1164 = arith.andi %add3A_1152, %and3A_1163 : vector<16xi32>
    %add3A_1165 = arith.addi %add3A_1161, %and3A_1164 : vector<16xi32>
    %gather3A_1166 = tpu.vector_load_idx %arg5[%add3A_1165] : memref<1600xi32, #tpu.memory_space<vmem>>[vector<16xi32>], vector<16xi32>,
    %swap3A_1167 = arith.constant 896 : index
    %swap3A_1168 = tpu.vector_load %arg6[%swap3A_1167] {strides = array<i32>} : memref<1600xi32, #tpu.memory_space<vmem>>, vector<16xi32>,
    tpu.vector_store %arg6[%swap3A_1167], %gather3A_1166 {strides = array<i32>} : memref<1600xi32, #tpu.memory_space<vmem>>, vector<16xi32>,
    %add3A_1169 = arith.constant 16 : i32
    %add3A_1170 = vector.broadcast %add3A_1169 : i32 to vector<16xi32>
    %add3A_1171 = arith.addi %add3A_1170, %iota3A : vector<16xi32>
    %shift_right_arithmetic3A_1172 = arith.constant 1 : i32
    %shift_right_arithmetic3A_1173 = vector.broadcast %shift_right_arithmetic3A_1172 : i32 to vector<16xi32>
    %shift_right_arithmetic3A_1174 = arith.shrsi %add3A_1171, %shift_right_arithmetic3A_1173 : vector<16xi32>
    %mul3A_1175 = arith.constant 50 : i32
    %mul3A_1176 = vector.broadcast %mul3A_1175 : i32 to vector<16xi32>
    %mul3A_1177 = arith.muli %shift_right_arithmetic3A_1174, %mul3A_1176 : vector<16xi32>
    %add3A_1178 = arith.constant 28 : i32
    %add3A_1179 = vector.broadcast %add3A_1178 : i32 to vector<16xi32>
    %add3A_1180 = arith.addi %mul3A_1177, %add3A_1179 : vector<16xi32>
    %and3A_1181 = arith.constant 1 : i32
    %and3A_1182 = vector.broadcast %and3A_1181 : i32 to vector<16xi32>
    %and3A_1183 = arith.andi %add3A_1171, %and3A_1182 : vector<16xi32>
    %add3A_1184 = arith.addi %add3A_1180, %and3A_1183 : vector<16xi32>
    %gather3A_1185 = tpu.vector_load_idx %arg5[%add3A_1184] : memref<1600xi32, #tpu.memory_space<vmem>>[vector<16xi32>], vector<16xi32>,
    %swap3A_1186 = arith.constant 912 : index
    %swap3A_1187 = tpu.vector_load %arg6[%swap3A_1186] {strides = array<i32>} : memref<1600xi32, #tpu.memory_space<vmem>>, vector<16xi32>,
    tpu.vector_store %arg6[%swap3A_1186], %gather3A_1185 {strides = array<i32>} : memref<1600xi32, #tpu.memory_space<vmem>>, vector<16xi32>,
    %add3A_1188 = arith.constant 32 : i32
    %add3A_1189 = vector.broadcast %add3A_1188 : i32 to vector<16xi32>
    %add3A_1190 = arith.addi %add3A_1189, %iota3A : vector<16xi32>
    %shift_right_arithmetic3A_1191 = arith.constant 1 : i32
    %shift_right_arithmetic3A_1192 = vector.broadcast %shift_right_arithmetic3A_1191 : i32 to vector<16xi32>
    %shift_right_arithmetic3A_1193 = arith.shrsi %add3A_1190, %shift_right_arithmetic3A_1192 : vector<16xi32>
    %mul3A_1194 = arith.constant 50 : i32
    %mul3A_1195 = vector.broadcast %mul3A_1194 : i32 to vector<16xi32>
    %mul3A_1196 = arith.muli %shift_right_arithmetic3A_1193, %mul3A_1195 : vector<16xi32>
    %add3A_1197 = arith.constant 28 : i32
    %add3A_1198 = vector.broadcast %add3A_1197 : i32 to vector<16xi32>
    %add3A_1199 = arith.addi %mul3A_1196, %add3A_1198 : vector<16xi32>
    %and3A_1200 = arith.constant 1 : i32
    %and3A_1201 = vector.broadcast %and3A_1200 : i32 to vector<16xi32>
    %and3A_1202 = arith.andi %add3A_1190, %and3A_1201 : vector<16xi32>
    %add3A_1203 = arith.addi %add3A_1199, %and3A_1202 : vector<16xi32>
    %gather3A_1204 = tpu.vector_load_idx %arg5[%add3A_1203] : memref<1600xi32, #tpu.memory_space<vmem>>[vector<16xi32>], vector<16xi32>,
    %swap3A_1205 = arith.constant 928 : index
    %swap3A_1206 = tpu.vector_load %arg6[%swap3A_1205] {strides = array<i32>} : memref<1600xi32, #tpu.memory_space<vmem>>, vector<16xi32>,
    tpu.vector_store %arg6[%swap3A_1205], %gather3A_1204 {strides = array<i32>} : memref<1600xi32, #tpu.memory_space<vmem>>, vector<16xi32>,
    %add3A_1207 = arith.constant 48 : i32
    %add3A_1208 = vector.broadcast %add3A_1207 : i32 to vector<16xi32>
    %add3A_1209 = arith.addi %add3A_1208, %iota3A : vector<16xi32>
    %shift_right_arithmetic3A_1210 = arith.constant 1 : i32
    %shift_right_arithmetic3A_1211 = vector.broadcast %shift_right_arithmetic3A_1210 : i32 to vector<16xi32>
    %shift_right_arithmetic3A_1212 = arith.shrsi %add3A_1209, %shift_right_arithmetic3A_1211 : vector<16xi32>
    %mul3A_1213 = arith.constant 50 : i32
    %mul3A_1214 = vector.broadcast %mul3A_1213 : i32 to vector<16xi32>
    %mul3A_1215 = arith.muli %shift_right_arithmetic3A_1212, %mul3A_1214 : vector<16xi32>
    %add3A_1216 = arith.constant 28 : i32
    %add3A_1217 = vector.broadcast %add3A_1216 : i32 to vector<16xi32>
    %add3A_1218 = arith.addi %mul3A_1215, %add3A_1217 : vector<16xi32>
    %and3A_1219 = arith.constant 1 : i32
    %and3A_1220 = vector.broadcast %and3A_1219 : i32 to vector<16xi32>
    %and3A_1221 = arith.andi %add3A_1209, %and3A_1220 : vector<16xi32>
    %add3A_1222 = arith.addi %add3A_1218, %and3A_1221 : vector<16xi32>
    %gather3A_1223 = tpu.vector_load_idx %arg5[%add3A_1222] : memref<1600xi32, #tpu.memory_space<vmem>>[vector<16xi32>], vector<16xi32>,
    %swap3A_1224 = arith.constant 944 : index
    %swap3A_1225 = tpu.vector_load %arg6[%swap3A_1224] {strides = array<i32>} : memref<1600xi32, #tpu.memory_space<vmem>>, vector<16xi32>,
    tpu.vector_store %arg6[%swap3A_1224], %gather3A_1223 {strides = array<i32>} : memref<1600xi32, #tpu.memory_space<vmem>>, vector<16xi32>,
    %dma_start3A_1226 = arith.constant 880 : i32
    %dma_start3A_1227 = arith.constant 0 : i32
    %dma_start3A_1228 = tpu.memref_slice %arg7[%dma_start3A_1226, %dma_start3A_1227] : memref<1600x64xf32, #tpu.memory_space<vmem>> -> memref<80x64xf32, #tpu.memory_space<vmem>>
    %dma_start3A_1229 = arith.constant 880 : i32
    %dma_start3A_1230 = tpu.memref_slice %arg6[%dma_start3A_1229] : memref<1600xi32, #tpu.memory_space<vmem>> -> memref<80xi32, #tpu.memory_space<vmem>>
    %dma_start3A_1231 = arith.constant 0 : i32
    %dma_start3A_1232 = arith.constant 0 : i32
    %dma_start3A_1233 = tpu.memref_slice %arg3[%dma_start3A_1231, %dma_start3A_1232] : memref<1000x64xf32, #tpu.memory_space<hbm>> -> memref<1000x64xf32, #tpu.memory_space<hbm>>
    tpu.enqueue_indirect_dma source(%dma_start3A_1233 : memref<1000x64xf32, #tpu.memory_space<hbm>>) target(%dma_start3A_1228 : memref<80x64xf32, #tpu.memory_space<vmem>>) offsets(%dma_start3A_1230 : memref<80xi32, #tpu.memory_space<vmem>>) semaphore(%arg8 : memref<!tpu.dma_semaphore, #tpu.memory_space<semaphore_mem>>)
    %add3A_1234 = arith.constant 0 : i32
    %add3A_1235 = vector.broadcast %add3A_1234 : i32 to vector<16xi32>
    %add3A_1236 = arith.addi %add3A_1235, %iota3A : vector<16xi32>
    %shift_right_arithmetic3A_1237 = arith.constant 1 : i32
    %shift_right_arithmetic3A_1238 = vector.broadcast %shift_right_arithmetic3A_1237 : i32 to vector<16xi32>
    %shift_right_arithmetic3A_1239 = arith.shrsi %add3A_1236, %shift_right_arithmetic3A_1238 : vector<16xi32>
    %mul3A_1240 = arith.constant 50 : i32
    %mul3A_1241 = vector.broadcast %mul3A_1240 : i32 to vector<16xi32>
    %mul3A_1242 = arith.muli %shift_right_arithmetic3A_1239, %mul3A_1241 : vector<16xi32>
    %add3A_1243 = arith.constant 30 : i32
    %add3A_1244 = vector.broadcast %add3A_1243 : i32 to vector<16xi32>
    %add3A_1245 = arith.addi %mul3A_1242, %add3A_1244 : vector<16xi32>
    %and3A_1246 = arith.constant 1 : i32
    %and3A_1247 = vector.broadcast %and3A_1246 : i32 to vector<16xi32>
    %and3A_1248 = arith.andi %add3A_1236, %and3A_1247 : vector<16xi32>
    %add3A_1249 = arith.addi %add3A_1245, %and3A_1248 : vector<16xi32>
    %gather3A_1250 = tpu.vector_load_idx %arg5[%add3A_1249] : memref<1600xi32, #tpu.memory_space<vmem>>[vector<16xi32>], vector<16xi32>,
    %swap3A_1251 = arith.constant 960 : index
    %swap3A_1252 = tpu.vector_load %arg6[%swap3A_1251] {strides = array<i32>} : memref<1600xi32, #tpu.memory_space<vmem>>, vector<16xi32>,
    tpu.vector_store %arg6[%swap3A_1251], %gather3A_1250 {strides = array<i32>} : memref<1600xi32, #tpu.memory_space<vmem>>, vector<16xi32>,
    %add3A_1253 = arith.constant 16 : i32
    %add3A_1254 = vector.broadcast %add3A_1253 : i32 to vector<16xi32>
    %add3A_1255 = arith.addi %add3A_1254, %iota3A : vector<16xi32>
    %shift_right_arithmetic3A_1256 = arith.constant 1 : i32
    %shift_right_arithmetic3A_1257 = vector.broadcast %shift_right_arithmetic3A_1256 : i32 to vector<16xi32>
    %shift_right_arithmetic3A_1258 = arith.shrsi %add3A_1255, %shift_right_arithmetic3A_1257 : vector<16xi32>
    %mul3A_1259 = arith.constant 50 : i32
    %mul3A_1260 = vector.broadcast %mul3A_1259 : i32 to vector<16xi32>
    %mul3A_1261 = arith.muli %shift_right_arithmetic3A_1258, %mul3A_1260 : vector<16xi32>
    %add3A_1262 = arith.constant 30 : i32
    %add3A_1263 = vector.broadcast %add3A_1262 : i32 to vector<16xi32>
    %add3A_1264 = arith.addi %mul3A_1261, %add3A_1263 : vector<16xi32>
    %and3A_1265 = arith.constant 1 : i32
    %and3A_1266 = vector.broadcast %and3A_1265 : i32 to vector<16xi32>
    %and3A_1267 = arith.andi %add3A_1255, %and3A_1266 : vector<16xi32>
    %add3A_1268 = arith.addi %add3A_1264, %and3A_1267 : vector<16xi32>
    %gather3A_1269 = tpu.vector_load_idx %arg5[%add3A_1268] : memref<1600xi32, #tpu.memory_space<vmem>>[vector<16xi32>], vector<16xi32>,
    %swap3A_1270 = arith.constant 976 : index
    %swap3A_1271 = tpu.vector_load %arg6[%swap3A_1270] {strides = array<i32>} : memref<1600xi32, #tpu.memory_space<vmem>>, vector<16xi32>,
    tpu.vector_store %arg6[%swap3A_1270], %gather3A_1269 {strides = array<i32>} : memref<1600xi32, #tpu.memory_space<vmem>>, vector<16xi32>,
    %add3A_1272 = arith.constant 32 : i32
    %add3A_1273 = vector.broadcast %add3A_1272 : i32 to vector<16xi32>
    %add3A_1274 = arith.addi %add3A_1273, %iota3A : vector<16xi32>
    %shift_right_arithmetic3A_1275 = arith.constant 1 : i32
    %shift_right_arithmetic3A_1276 = vector.broadcast %shift_right_arithmetic3A_1275 : i32 to vector<16xi32>
    %shift_right_arithmetic3A_1277 = arith.shrsi %add3A_1274, %shift_right_arithmetic3A_1276 : vector<16xi32>
    %mul3A_1278 = arith.constant 50 : i32
    %mul3A_1279 = vector.broadcast %mul3A_1278 : i32 to vector<16xi32>
    %mul3A_1280 = arith.muli %shift_right_arithmetic3A_1277, %mul3A_1279 : vector<16xi32>
    %add3A_1281 = arith.constant 30 : i32
    %add3A_1282 = vector.broadcast %add3A_1281 : i32 to vector<16xi32>
    %add3A_1283 = arith.addi %mul3A_1280, %add3A_1282 : vector<16xi32>
    %and3A_1284 = arith.constant 1 : i32
    %and3A_1285 = vector.broadcast %and3A_1284 : i32 to vector<16xi32>
    %and3A_1286 = arith.andi %add3A_1274, %and3A_1285 : vector<16xi32>
    %add3A_1287 = arith.addi %add3A_1283, %and3A_1286 : vector<16xi32>
    %gather3A_1288 = tpu.vector_load_idx %arg5[%add3A_1287] : memref<1600xi32, #tpu.memory_space<vmem>>[vector<16xi32>], vector<16xi32>,
    %swap3A_1289 = arith.constant 992 : index
    %swap3A_1290 = tpu.vector_load %arg6[%swap3A_1289] {strides = array<i32>} : memref<1600xi32, #tpu.memory_space<vmem>>, vector<16xi32>,
    tpu.vector_store %arg6[%swap3A_1289], %gather3A_1288 {strides = array<i32>} : memref<1600xi32, #tpu.memory_space<vmem>>, vector<16xi32>,
    %add3A_1291 = arith.constant 48 : i32
    %add3A_1292 = vector.broadcast %add3A_1291 : i32 to vector<16xi32>
    %add3A_1293 = arith.addi %add3A_1292, %iota3A : vector<16xi32>
    %shift_right_arithmetic3A_1294 = arith.constant 1 : i32
    %shift_right_arithmetic3A_1295 = vector.broadcast %shift_right_arithmetic3A_1294 : i32 to vector<16xi32>
    %shift_right_arithmetic3A_1296 = arith.shrsi %add3A_1293, %shift_right_arithmetic3A_1295 : vector<16xi32>
    %mul3A_1297 = arith.constant 50 : i32
    %mul3A_1298 = vector.broadcast %mul3A_1297 : i32 to vector<16xi32>
    %mul3A_1299 = arith.muli %shift_right_arithmetic3A_1296, %mul3A_1298 : vector<16xi32>
    %add3A_1300 = arith.constant 30 : i32
    %add3A_1301 = vector.broadcast %add3A_1300 : i32 to vector<16xi32>
    %add3A_1302 = arith.addi %mul3A_1299, %add3A_1301 : vector<16xi32>
    %and3A_1303 = arith.constant 1 : i32
    %and3A_1304 = vector.broadcast %and3A_1303 : i32 to vector<16xi32>
    %and3A_1305 = arith.andi %add3A_1293, %and3A_1304 : vector<16xi32>
    %add3A_1306 = arith.addi %add3A_1302, %and3A_1305 : vector<16xi32>
    %gather3A_1307 = tpu.vector_load_idx %arg5[%add3A_1306] : memref<1600xi32, #tpu.memory_space<vmem>>[vector<16xi32>], vector<16xi32>,
    %swap3A_1308 = arith.constant 1008 : index
    %swap3A_1309 = tpu.vector_load %arg6[%swap3A_1308] {strides = array<i32>} : memref<1600xi32, #tpu.memory_space<vmem>>, vector<16xi32>,
    tpu.vector_store %arg6[%swap3A_1308], %gather3A_1307 {strides = array<i32>} : memref<1600xi32, #tpu.memory_space<vmem>>, vector<16xi32>,
    %add3A_1310 = arith.constant 0 : i32
    %add3A_1311 = vector.broadcast %add3A_1310 : i32 to vector<16xi32>
    %add3A_1312 = arith.addi %add3A_1311, %iota3A : vector<16xi32>
    %shift_right_arithmetic3A_1313 = arith.constant 1 : i32
    %shift_right_arithmetic3A_1314 = vector.broadcast %shift_right_arithmetic3A_1313 : i32 to vector<16xi32>
    %shift_right_arithmetic3A_1315 = arith.shrsi %add3A_1312, %shift_right_arithmetic3A_1314 : vector<16xi32>
    %mul3A_1316 = arith.constant 50 : i32
    %mul3A_1317 = vector.broadcast %mul3A_1316 : i32 to vector<16xi32>
    %mul3A_1318 = arith.muli %shift_right_arithmetic3A_1315, %mul3A_1317 : vector<16xi32>
    %add3A_1319 = arith.constant 32 : i32
    %add3A_1320 = vector.broadcast %add3A_1319 : i32 to vector<16xi32>
    %add3A_1321 = arith.addi %mul3A_1318, %add3A_1320 : vector<16xi32>
    %and3A_1322 = arith.constant 1 : i32
    %and3A_1323 = vector.broadcast %and3A_1322 : i32 to vector<16xi32>
    %and3A_1324 = arith.andi %add3A_1312, %and3A_1323 : vector<16xi32>
    %add3A_1325 = arith.addi %add3A_1321, %and3A_1324 : vector<16xi32>
    %gather3A_1326 = tpu.vector_load_idx %arg5[%add3A_1325] : memref<1600xi32, #tpu.memory_space<vmem>>[vector<16xi32>], vector<16xi32>,
    %swap3A_1327 = arith.constant 1024 : index
    %swap3A_1328 = tpu.vector_load %arg6[%swap3A_1327] {strides = array<i32>} : memref<1600xi32, #tpu.memory_space<vmem>>, vector<16xi32>,
    tpu.vector_store %arg6[%swap3A_1327], %gather3A_1326 {strides = array<i32>} : memref<1600xi32, #tpu.memory_space<vmem>>, vector<16xi32>,
    %dma_start3A_1329 = arith.constant 960 : i32
    %dma_start3A_1330 = arith.constant 0 : i32
    %dma_start3A_1331 = tpu.memref_slice %arg7[%dma_start3A_1329, %dma_start3A_1330] : memref<1600x64xf32, #tpu.memory_space<vmem>> -> memref<80x64xf32, #tpu.memory_space<vmem>>
    %dma_start3A_1332 = arith.constant 960 : i32
    %dma_start3A_1333 = tpu.memref_slice %arg6[%dma_start3A_1332] : memref<1600xi32, #tpu.memory_space<vmem>> -> memref<80xi32, #tpu.memory_space<vmem>>
    %dma_start3A_1334 = arith.constant 0 : i32
    %dma_start3A_1335 = arith.constant 0 : i32
    %dma_start3A_1336 = tpu.memref_slice %arg3[%dma_start3A_1334, %dma_start3A_1335] : memref<1000x64xf32, #tpu.memory_space<hbm>> -> memref<1000x64xf32, #tpu.memory_space<hbm>>
    tpu.enqueue_indirect_dma source(%dma_start3A_1336 : memref<1000x64xf32, #tpu.memory_space<hbm>>) target(%dma_start3A_1331 : memref<80x64xf32, #tpu.memory_space<vmem>>) offsets(%dma_start3A_1333 : memref<80xi32, #tpu.memory_space<vmem>>) semaphore(%arg8 : memref<!tpu.dma_semaphore, #tpu.memory_space<semaphore_mem>>)
    %add3A_1337 = arith.constant 16 : i32
    %add3A_1338 = vector.broadcast %add3A_1337 : i32 to vector<16xi32>
    %add3A_1339 = arith.addi %add3A_1338, %iota3A : vector<16xi32>
    %shift_right_arithmetic3A_1340 = arith.constant 1 : i32
    %shift_right_arithmetic3A_1341 = vector.broadcast %shift_right_arithmetic3A_1340 : i32 to vector<16xi32>
    %shift_right_arithmetic3A_1342 = arith.shrsi %add3A_1339, %shift_right_arithmetic3A_1341 : vector<16xi32>
    %mul3A_1343 = arith.constant 50 : i32
    %mul3A_1344 = vector.broadcast %mul3A_1343 : i32 to vector<16xi32>
    %mul3A_1345 = arith.muli %shift_right_arithmetic3A_1342, %mul3A_1344 : vector<16xi32>
    %add3A_1346 = arith.constant 32 : i32
    %add3A_1347 = vector.broadcast %add3A_1346 : i32 to vector<16xi32>
    %add3A_1348 = arith.addi %mul3A_1345, %add3A_1347 : vector<16xi32>
    %and3A_1349 = arith.constant 1 : i32
    %and3A_1350 = vector.broadcast %and3A_1349 : i32 to vector<16xi32>
    %and3A_1351 = arith.andi %add3A_1339, %and3A_1350 : vector<16xi32>
    %add3A_1352 = arith.addi %add3A_1348, %and3A_1351 : vector<16xi32>
    %gather3A_1353 = tpu.vector_load_idx %arg5[%add3A_1352] : memref<1600xi32, #tpu.memory_space<vmem>>[vector<16xi32>], vector<16xi32>,
    %swap3A_1354 = arith.constant 1040 : index
    %swap3A_1355 = tpu.vector_load %arg6[%swap3A_1354] {strides = array<i32>} : memref<1600xi32, #tpu.memory_space<vmem>>, vector<16xi32>,
    tpu.vector_store %arg6[%swap3A_1354], %gather3A_1353 {strides = array<i32>} : memref<1600xi32, #tpu.memory_space<vmem>>, vector<16xi32>,
    %add3A_1356 = arith.constant 32 : i32
    %add3A_1357 = vector.broadcast %add3A_1356 : i32 to vector<16xi32>
    %add3A_1358 = arith.addi %add3A_1357, %iota3A : vector<16xi32>
    %shift_right_arithmetic3A_1359 = arith.constant 1 : i32
    %shift_right_arithmetic3A_1360 = vector.broadcast %shift_right_arithmetic3A_1359 : i32 to vector<16xi32>
    %shift_right_arithmetic3A_1361 = arith.shrsi %add3A_1358, %shift_right_arithmetic3A_1360 : vector<16xi32>
    %mul3A_1362 = arith.constant 50 : i32
    %mul3A_1363 = vector.broadcast %mul3A_1362 : i32 to vector<16xi32>
    %mul3A_1364 = arith.muli %shift_right_arithmetic3A_1361, %mul3A_1363 : vector<16xi32>
    %add3A_1365 = arith.constant 32 : i32
    %add3A_1366 = vector.broadcast %add3A_1365 : i32 to vector<16xi32>
    %add3A_1367 = arith.addi %mul3A_1364, %add3A_1366 : vector<16xi32>
    %and3A_1368 = arith.constant 1 : i32
    %and3A_1369 = vector.broadcast %and3A_1368 : i32 to vector<16xi32>
    %and3A_1370 = arith.andi %add3A_1358, %and3A_1369 : vector<16xi32>
    %add3A_1371 = arith.addi %add3A_1367, %and3A_1370 : vector<16xi32>
    %gather3A_1372 = tpu.vector_load_idx %arg5[%add3A_1371] : memref<1600xi32, #tpu.memory_space<vmem>>[vector<16xi32>], vector<16xi32>,
    %swap3A_1373 = arith.constant 1056 : index
    %swap3A_1374 = tpu.vector_load %arg6[%swap3A_1373] {strides = array<i32>} : memref<1600xi32, #tpu.memory_space<vmem>>, vector<16xi32>,
    tpu.vector_store %arg6[%swap3A_1373], %gather3A_1372 {strides = array<i32>} : memref<1600xi32, #tpu.memory_space<vmem>>, vector<16xi32>,
    %add3A_1375 = arith.constant 48 : i32
    %add3A_1376 = vector.broadcast %add3A_1375 : i32 to vector<16xi32>
    %add3A_1377 = arith.addi %add3A_1376, %iota3A : vector<16xi32>
    %shift_right_arithmetic3A_1378 = arith.constant 1 : i32
    %shift_right_arithmetic3A_1379 = vector.broadcast %shift_right_arithmetic3A_1378 : i32 to vector<16xi32>
    %shift_right_arithmetic3A_1380 = arith.shrsi %add3A_1377, %shift_right_arithmetic3A_1379 : vector<16xi32>
    %mul3A_1381 = arith.constant 50 : i32
    %mul3A_1382 = vector.broadcast %mul3A_1381 : i32 to vector<16xi32>
    %mul3A_1383 = arith.muli %shift_right_arithmetic3A_1380, %mul3A_1382 : vector<16xi32>
    %add3A_1384 = arith.constant 32 : i32
    %add3A_1385 = vector.broadcast %add3A_1384 : i32 to vector<16xi32>
    %add3A_1386 = arith.addi %mul3A_1383, %add3A_1385 : vector<16xi32>
    %and3A_1387 = arith.constant 1 : i32
    %and3A_1388 = vector.broadcast %and3A_1387 : i32 to vector<16xi32>
    %and3A_1389 = arith.andi %add3A_1377, %and3A_1388 : vector<16xi32>
    %add3A_1390 = arith.addi %add3A_1386, %and3A_1389 : vector<16xi32>
    %gather3A_1391 = tpu.vector_load_idx %arg5[%add3A_1390] : memref<1600xi32, #tpu.memory_space<vmem>>[vector<16xi32>], vector<16xi32>,
    %swap3A_1392 = arith.constant 1072 : index
    %swap3A_1393 = tpu.vector_load %arg6[%swap3A_1392] {strides = array<i32>} : memref<1600xi32, #tpu.memory_space<vmem>>, vector<16xi32>,
    tpu.vector_store %arg6[%swap3A_1392], %gather3A_1391 {strides = array<i32>} : memref<1600xi32, #tpu.memory_space<vmem>>, vector<16xi32>,
    %add3A_1394 = arith.constant 0 : i32
    %add3A_1395 = vector.broadcast %add3A_1394 : i32 to vector<16xi32>
    %add3A_1396 = arith.addi %add3A_1395, %iota3A : vector<16xi32>
    %shift_right_arithmetic3A_1397 = arith.constant 1 : i32
    %shift_right_arithmetic3A_1398 = vector.broadcast %shift_right_arithmetic3A_1397 : i32 to vector<16xi32>
    %shift_right_arithmetic3A_1399 = arith.shrsi %add3A_1396, %shift_right_arithmetic3A_1398 : vector<16xi32>
    %mul3A_1400 = arith.constant 50 : i32
    %mul3A_1401 = vector.broadcast %mul3A_1400 : i32 to vector<16xi32>
    %mul3A_1402 = arith.muli %shift_right_arithmetic3A_1399, %mul3A_1401 : vector<16xi32>
    %add3A_1403 = arith.constant 34 : i32
    %add3A_1404 = vector.broadcast %add3A_1403 : i32 to vector<16xi32>
    %add3A_1405 = arith.addi %mul3A_1402, %add3A_1404 : vector<16xi32>
    %and3A_1406 = arith.constant 1 : i32
    %and3A_1407 = vector.broadcast %and3A_1406 : i32 to vector<16xi32>
    %and3A_1408 = arith.andi %add3A_1396, %and3A_1407 : vector<16xi32>
    %add3A_1409 = arith.addi %add3A_1405, %and3A_1408 : vector<16xi32>
    %gather3A_1410 = tpu.vector_load_idx %arg5[%add3A_1409] : memref<1600xi32, #tpu.memory_space<vmem>>[vector<16xi32>], vector<16xi32>,
    %swap3A_1411 = arith.constant 1088 : index
    %swap3A_1412 = tpu.vector_load %arg6[%swap3A_1411] {strides = array<i32>} : memref<1600xi32, #tpu.memory_space<vmem>>, vector<16xi32>,
    tpu.vector_store %arg6[%swap3A_1411], %gather3A_1410 {strides = array<i32>} : memref<1600xi32, #tpu.memory_space<vmem>>, vector<16xi32>,
    %add3A_1413 = arith.constant 16 : i32
    %add3A_1414 = vector.broadcast %add3A_1413 : i32 to vector<16xi32>
    %add3A_1415 = arith.addi %add3A_1414, %iota3A : vector<16xi32>
    %shift_right_arithmetic3A_1416 = arith.constant 1 : i32
    %shift_right_arithmetic3A_1417 = vector.broadcast %shift_right_arithmetic3A_1416 : i32 to vector<16xi32>
    %shift_right_arithmetic3A_1418 = arith.shrsi %add3A_1415, %shift_right_arithmetic3A_1417 : vector<16xi32>
    %mul3A_1419 = arith.constant 50 : i32
    %mul3A_1420 = vector.broadcast %mul3A_1419 : i32 to vector<16xi32>
    %mul3A_1421 = arith.muli %shift_right_arithmetic3A_1418, %mul3A_1420 : vector<16xi32>
    %add3A_1422 = arith.constant 34 : i32
    %add3A_1423 = vector.broadcast %add3A_1422 : i32 to vector<16xi32>
    %add3A_1424 = arith.addi %mul3A_1421, %add3A_1423 : vector<16xi32>
    %and3A_1425 = arith.constant 1 : i32
    %and3A_1426 = vector.broadcast %and3A_1425 : i32 to vector<16xi32>
    %and3A_1427 = arith.andi %add3A_1415, %and3A_1426 : vector<16xi32>
    %add3A_1428 = arith.addi %add3A_1424, %and3A_1427 : vector<16xi32>
    %gather3A_1429 = tpu.vector_load_idx %arg5[%add3A_1428] : memref<1600xi32, #tpu.memory_space<vmem>>[vector<16xi32>], vector<16xi32>,
    %swap3A_1430 = arith.constant 1104 : index
    %swap3A_1431 = tpu.vector_load %arg6[%swap3A_1430] {strides = array<i32>} : memref<1600xi32, #tpu.memory_space<vmem>>, vector<16xi32>,
    tpu.vector_store %arg6[%swap3A_1430], %gather3A_1429 {strides = array<i32>} : memref<1600xi32, #tpu.memory_space<vmem>>, vector<16xi32>,
    %dma_start3A_1432 = arith.constant 1040 : i32
    %dma_start3A_1433 = arith.constant 0 : i32
    %dma_start3A_1434 = tpu.memref_slice %arg7[%dma_start3A_1432, %dma_start3A_1433] : memref<1600x64xf32, #tpu.memory_space<vmem>> -> memref<80x64xf32, #tpu.memory_space<vmem>>
    %dma_start3A_1435 = arith.constant 1040 : i32
    %dma_start3A_1436 = tpu.memref_slice %arg6[%dma_start3A_1435] : memref<1600xi32, #tpu.memory_space<vmem>> -> memref<80xi32, #tpu.memory_space<vmem>>
    %dma_start3A_1437 = arith.constant 0 : i32
    %dma_start3A_1438 = arith.constant 0 : i32
    %dma_start3A_1439 = tpu.memref_slice %arg3[%dma_start3A_1437, %dma_start3A_1438] : memref<1000x64xf32, #tpu.memory_space<hbm>> -> memref<1000x64xf32, #tpu.memory_space<hbm>>
    tpu.enqueue_indirect_dma source(%dma_start3A_1439 : memref<1000x64xf32, #tpu.memory_space<hbm>>) target(%dma_start3A_1434 : memref<80x64xf32, #tpu.memory_space<vmem>>) offsets(%dma_start3A_1436 : memref<80xi32, #tpu.memory_space<vmem>>) semaphore(%arg8 : memref<!tpu.dma_semaphore, #tpu.memory_space<semaphore_mem>>)
    %add3A_1440 = arith.constant 32 : i32
    %add3A_1441 = vector.broadcast %add3A_1440 : i32 to vector<16xi32>
    %add3A_1442 = arith.addi %add3A_1441, %iota3A : vector<16xi32>
    %shift_right_arithmetic3A_1443 = arith.constant 1 : i32
    %shift_right_arithmetic3A_1444 = vector.broadcast %shift_right_arithmetic3A_1443 : i32 to vector<16xi32>
    %shift_right_arithmetic3A_1445 = arith.shrsi %add3A_1442, %shift_right_arithmetic3A_1444 : vector<16xi32>
    %mul3A_1446 = arith.constant 50 : i32
    %mul3A_1447 = vector.broadcast %mul3A_1446 : i32 to vector<16xi32>
    %mul3A_1448 = arith.muli %shift_right_arithmetic3A_1445, %mul3A_1447 : vector<16xi32>
    %add3A_1449 = arith.constant 34 : i32
    %add3A_1450 = vector.broadcast %add3A_1449 : i32 to vector<16xi32>
    %add3A_1451 = arith.addi %mul3A_1448, %add3A_1450 : vector<16xi32>
    %and3A_1452 = arith.constant 1 : i32
    %and3A_1453 = vector.broadcast %and3A_1452 : i32 to vector<16xi32>
    %and3A_1454 = arith.andi %add3A_1442, %and3A_1453 : vector<16xi32>
    %add3A_1455 = arith.addi %add3A_1451, %and3A_1454 : vector<16xi32>
    %gather3A_1456 = tpu.vector_load_idx %arg5[%add3A_1455] : memref<1600xi32, #tpu.memory_space<vmem>>[vector<16xi32>], vector<16xi32>,
    %swap3A_1457 = arith.constant 1120 : index
    %swap3A_1458 = tpu.vector_load %arg6[%swap3A_1457] {strides = array<i32>} : memref<1600xi32, #tpu.memory_space<vmem>>, vector<16xi32>,
    tpu.vector_store %arg6[%swap3A_1457], %gather3A_1456 {strides = array<i32>} : memref<1600xi32, #tpu.memory_space<vmem>>, vector<16xi32>,
    %add3A_1459 = arith.constant 48 : i32
    %add3A_1460 = vector.broadcast %add3A_1459 : i32 to vector<16xi32>
    %add3A_1461 = arith.addi %add3A_1460, %iota3A : vector<16xi32>
    %shift_right_arithmetic3A_1462 = arith.constant 1 : i32
    %shift_right_arithmetic3A_1463 = vector.broadcast %shift_right_arithmetic3A_1462 : i32 to vector<16xi32>
    %shift_right_arithmetic3A_1464 = arith.shrsi %add3A_1461, %shift_right_arithmetic3A_1463 : vector<16xi32>
    %mul3A_1465 = arith.constant 50 : i32
    %mul3A_1466 = vector.broadcast %mul3A_1465 : i32 to vector<16xi32>
    %mul3A_1467 = arith.muli %shift_right_arithmetic3A_1464, %mul3A_1466 : vector<16xi32>
    %add3A_1468 = arith.constant 34 : i32
    %add3A_1469 = vector.broadcast %add3A_1468 : i32 to vector<16xi32>
    %add3A_1470 = arith.addi %mul3A_1467, %add3A_1469 : vector<16xi32>
    %and3A_1471 = arith.constant 1 : i32
    %and3A_1472 = vector.broadcast %and3A_1471 : i32 to vector<16xi32>
    %and3A_1473 = arith.andi %add3A_1461, %and3A_1472 : vector<16xi32>
    %add3A_1474 = arith.addi %add3A_1470, %and3A_1473 : vector<16xi32>
    %gather3A_1475 = tpu.vector_load_idx %arg5[%add3A_1474] : memref<1600xi32, #tpu.memory_space<vmem>>[vector<16xi32>], vector<16xi32>,
    %swap3A_1476 = arith.constant 1136 : index
    %swap3A_1477 = tpu.vector_load %arg6[%swap3A_1476] {strides = array<i32>} : memref<1600xi32, #tpu.memory_space<vmem>>, vector<16xi32>,
    tpu.vector_store %arg6[%swap3A_1476], %gather3A_1475 {strides = array<i32>} : memref<1600xi32, #tpu.memory_space<vmem>>, vector<16xi32>,
    %add3A_1478 = arith.constant 0 : i32
    %add3A_1479 = vector.broadcast %add3A_1478 : i32 to vector<16xi32>
    %add3A_1480 = arith.addi %add3A_1479, %iota3A : vector<16xi32>
    %shift_right_arithmetic3A_1481 = arith.constant 1 : i32
    %shift_right_arithmetic3A_1482 = vector.broadcast %shift_right_arithmetic3A_1481 : i32 to vector<16xi32>
    %shift_right_arithmetic3A_1483 = arith.shrsi %add3A_1480, %shift_right_arithmetic3A_1482 : vector<16xi32>
    %mul3A_1484 = arith.constant 50 : i32
    %mul3A_1485 = vector.broadcast %mul3A_1484 : i32 to vector<16xi32>
    %mul3A_1486 = arith.muli %shift_right_arithmetic3A_1483, %mul3A_1485 : vector<16xi32>
    %add3A_1487 = arith.constant 36 : i32
    %add3A_1488 = vector.broadcast %add3A_1487 : i32 to vector<16xi32>
    %add3A_1489 = arith.addi %mul3A_1486, %add3A_1488 : vector<16xi32>
    %and3A_1490 = arith.constant 1 : i32
    %and3A_1491 = vector.broadcast %and3A_1490 : i32 to vector<16xi32>
    %and3A_1492 = arith.andi %add3A_1480, %and3A_1491 : vector<16xi32>
    %add3A_1493 = arith.addi %add3A_1489, %and3A_1492 : vector<16xi32>
    %gather3A_1494 = tpu.vector_load_idx %arg5[%add3A_1493] : memref<1600xi32, #tpu.memory_space<vmem>>[vector<16xi32>], vector<16xi32>,
    %swap3A_1495 = arith.constant 1152 : index
    %swap3A_1496 = tpu.vector_load %arg6[%swap3A_1495] {strides = array<i32>} : memref<1600xi32, #tpu.memory_space<vmem>>, vector<16xi32>,
    tpu.vector_store %arg6[%swap3A_1495], %gather3A_1494 {strides = array<i32>} : memref<1600xi32, #tpu.memory_space<vmem>>, vector<16xi32>,
    %add3A_1497 = arith.constant 16 : i32
    %add3A_1498 = vector.broadcast %add3A_1497 : i32 to vector<16xi32>
    %add3A_1499 = arith.addi %add3A_1498, %iota3A : vector<16xi32>
    %shift_right_arithmetic3A_1500 = arith.constant 1 : i32
    %shift_right_arithmetic3A_1501 = vector.broadcast %shift_right_arithmetic3A_1500 : i32 to vector<16xi32>
    %shift_right_arithmetic3A_1502 = arith.shrsi %add3A_1499, %shift_right_arithmetic3A_1501 : vector<16xi32>
    %mul3A_1503 = arith.constant 50 : i32
    %mul3A_1504 = vector.broadcast %mul3A_1503 : i32 to vector<16xi32>
    %mul3A_1505 = arith.muli %shift_right_arithmetic3A_1502, %mul3A_1504 : vector<16xi32>
    %add3A_1506 = arith.constant 36 : i32
    %add3A_1507 = vector.broadcast %add3A_1506 : i32 to vector<16xi32>
    %add3A_1508 = arith.addi %mul3A_1505, %add3A_1507 : vector<16xi32>
    %and3A_1509 = arith.constant 1 : i32
    %and3A_1510 = vector.broadcast %and3A_1509 : i32 to vector<16xi32>
    %and3A_1511 = arith.andi %add3A_1499, %and3A_1510 : vector<16xi32>
    %add3A_1512 = arith.addi %add3A_1508, %and3A_1511 : vector<16xi32>
    %gather3A_1513 = tpu.vector_load_idx %arg5[%add3A_1512] : memref<1600xi32, #tpu.memory_space<vmem>>[vector<16xi32>], vector<16xi32>,
    %swap3A_1514 = arith.constant 1168 : index
    %swap3A_1515 = tpu.vector_load %arg6[%swap3A_1514] {strides = array<i32>} : memref<1600xi32, #tpu.memory_space<vmem>>, vector<16xi32>,
    tpu.vector_store %arg6[%swap3A_1514], %gather3A_1513 {strides = array<i32>} : memref<1600xi32, #tpu.memory_space<vmem>>, vector<16xi32>,
    %add3A_1516 = arith.constant 32 : i32
    %add3A_1517 = vector.broadcast %add3A_1516 : i32 to vector<16xi32>
    %add3A_1518 = arith.addi %add3A_1517, %iota3A : vector<16xi32>
    %shift_right_arithmetic3A_1519 = arith.constant 1 : i32
    %shift_right_arithmetic3A_1520 = vector.broadcast %shift_right_arithmetic3A_1519 : i32 to vector<16xi32>
    %shift_right_arithmetic3A_1521 = arith.shrsi %add3A_1518, %shift_right_arithmetic3A_1520 : vector<16xi32>
    %mul3A_1522 = arith.constant 50 : i32
    %mul3A_1523 = vector.broadcast %mul3A_1522 : i32 to vector<16xi32>
    %mul3A_1524 = arith.muli %shift_right_arithmetic3A_1521, %mul3A_1523 : vector<16xi32>
    %add3A_1525 = arith.constant 36 : i32
    %add3A_1526 = vector.broadcast %add3A_1525 : i32 to vector<16xi32>
    %add3A_1527 = arith.addi %mul3A_1524, %add3A_1526 : vector<16xi32>
    %and3A_1528 = arith.constant 1 : i32
    %and3A_1529 = vector.broadcast %and3A_1528 : i32 to vector<16xi32>
    %and3A_1530 = arith.andi %add3A_1518, %and3A_1529 : vector<16xi32>
    %add3A_1531 = arith.addi %add3A_1527, %and3A_1530 : vector<16xi32>
    %gather3A_1532 = tpu.vector_load_idx %arg5[%add3A_1531] : memref<1600xi32, #tpu.memory_space<vmem>>[vector<16xi32>], vector<16xi32>,
    %swap3A_1533 = arith.constant 1184 : index
    %swap3A_1534 = tpu.vector_load %arg6[%swap3A_1533] {strides = array<i32>} : memref<1600xi32, #tpu.memory_space<vmem>>, vector<16xi32>,
    tpu.vector_store %arg6[%swap3A_1533], %gather3A_1532 {strides = array<i32>} : memref<1600xi32, #tpu.memory_space<vmem>>, vector<16xi32>,
    %dma_start3A_1535 = arith.constant 1120 : i32
    %dma_start3A_1536 = arith.constant 0 : i32
    %dma_start3A_1537 = tpu.memref_slice %arg7[%dma_start3A_1535, %dma_start3A_1536] : memref<1600x64xf32, #tpu.memory_space<vmem>> -> memref<80x64xf32, #tpu.memory_space<vmem>>
    %dma_start3A_1538 = arith.constant 1120 : i32
    %dma_start3A_1539 = tpu.memref_slice %arg6[%dma_start3A_1538] : memref<1600xi32, #tpu.memory_space<vmem>> -> memref<80xi32, #tpu.memory_space<vmem>>
    %dma_start3A_1540 = arith.constant 0 : i32
    %dma_start3A_1541 = arith.constant 0 : i32
    %dma_start3A_1542 = tpu.memref_slice %arg3[%dma_start3A_1540, %dma_start3A_1541] : memref<1000x64xf32, #tpu.memory_space<hbm>> -> memref<1000x64xf32, #tpu.memory_space<hbm>>
    tpu.enqueue_indirect_dma source(%dma_start3A_1542 : memref<1000x64xf32, #tpu.memory_space<hbm>>) target(%dma_start3A_1537 : memref<80x64xf32, #tpu.memory_space<vmem>>) offsets(%dma_start3A_1539 : memref<80xi32, #tpu.memory_space<vmem>>) semaphore(%arg8 : memref<!tpu.dma_semaphore, #tpu.memory_space<semaphore_mem>>)
    %add3A_1543 = arith.constant 48 : i32
    %add3A_1544 = vector.broadcast %add3A_1543 : i32 to vector<16xi32>
    %add3A_1545 = arith.addi %add3A_1544, %iota3A : vector<16xi32>
    %shift_right_arithmetic3A_1546 = arith.constant 1 : i32
    %shift_right_arithmetic3A_1547 = vector.broadcast %shift_right_arithmetic3A_1546 : i32 to vector<16xi32>
    %shift_right_arithmetic3A_1548 = arith.shrsi %add3A_1545, %shift_right_arithmetic3A_1547 : vector<16xi32>
    %mul3A_1549 = arith.constant 50 : i32
    %mul3A_1550 = vector.broadcast %mul3A_1549 : i32 to vector<16xi32>
    %mul3A_1551 = arith.muli %shift_right_arithmetic3A_1548, %mul3A_1550 : vector<16xi32>
    %add3A_1552 = arith.constant 36 : i32
    %add3A_1553 = vector.broadcast %add3A_1552 : i32 to vector<16xi32>
    %add3A_1554 = arith.addi %mul3A_1551, %add3A_1553 : vector<16xi32>
    %and3A_1555 = arith.constant 1 : i32
    %and3A_1556 = vector.broadcast %and3A_1555 : i32 to vector<16xi32>
    %and3A_1557 = arith.andi %add3A_1545, %and3A_1556 : vector<16xi32>
    %add3A_1558 = arith.addi %add3A_1554, %and3A_1557 : vector<16xi32>
    %gather3A_1559 = tpu.vector_load_idx %arg5[%add3A_1558] : memref<1600xi32, #tpu.memory_space<vmem>>[vector<16xi32>], vector<16xi32>,
    %swap3A_1560 = arith.constant 1200 : index
    %swap3A_1561 = tpu.vector_load %arg6[%swap3A_1560] {strides = array<i32>} : memref<1600xi32, #tpu.memory_space<vmem>>, vector<16xi32>,
    tpu.vector_store %arg6[%swap3A_1560], %gather3A_1559 {strides = array<i32>} : memref<1600xi32, #tpu.memory_space<vmem>>, vector<16xi32>,
    %add3A_1562 = arith.constant 0 : i32
    %add3A_1563 = vector.broadcast %add3A_1562 : i32 to vector<16xi32>
    %add3A_1564 = arith.addi %add3A_1563, %iota3A : vector<16xi32>
    %shift_right_arithmetic3A_1565 = arith.constant 1 : i32
    %shift_right_arithmetic3A_1566 = vector.broadcast %shift_right_arithmetic3A_1565 : i32 to vector<16xi32>
    %shift_right_arithmetic3A_1567 = arith.shrsi %add3A_1564, %shift_right_arithmetic3A_1566 : vector<16xi32>
    %mul3A_1568 = arith.constant 50 : i32
    %mul3A_1569 = vector.broadcast %mul3A_1568 : i32 to vector<16xi32>
    %mul3A_1570 = arith.muli %shift_right_arithmetic3A_1567, %mul3A_1569 : vector<16xi32>
    %add3A_1571 = arith.constant 38 : i32
    %add3A_1572 = vector.broadcast %add3A_1571 : i32 to vector<16xi32>
    %add3A_1573 = arith.addi %mul3A_1570, %add3A_1572 : vector<16xi32>
    %and3A_1574 = arith.constant 1 : i32
    %and3A_1575 = vector.broadcast %and3A_1574 : i32 to vector<16xi32>
    %and3A_1576 = arith.andi %add3A_1564, %and3A_1575 : vector<16xi32>
    %add3A_1577 = arith.addi %add3A_1573, %and3A_1576 : vector<16xi32>
    %gather3A_1578 = tpu.vector_load_idx %arg5[%add3A_1577] : memref<1600xi32, #tpu.memory_space<vmem>>[vector<16xi32>], vector<16xi32>,
    %swap3A_1579 = arith.constant 1216 : index
    %swap3A_1580 = tpu.vector_load %arg6[%swap3A_1579] {strides = array<i32>} : memref<1600xi32, #tpu.memory_space<vmem>>, vector<16xi32>,
    tpu.vector_store %arg6[%swap3A_1579], %gather3A_1578 {strides = array<i32>} : memref<1600xi32, #tpu.memory_space<vmem>>, vector<16xi32>,
    %add3A_1581 = arith.constant 16 : i32
    %add3A_1582 = vector.broadcast %add3A_1581 : i32 to vector<16xi32>
    %add3A_1583 = arith.addi %add3A_1582, %iota3A : vector<16xi32>
    %shift_right_arithmetic3A_1584 = arith.constant 1 : i32
    %shift_right_arithmetic3A_1585 = vector.broadcast %shift_right_arithmetic3A_1584 : i32 to vector<16xi32>
    %shift_right_arithmetic3A_1586 = arith.shrsi %add3A_1583, %shift_right_arithmetic3A_1585 : vector<16xi32>
    %mul3A_1587 = arith.constant 50 : i32
    %mul3A_1588 = vector.broadcast %mul3A_1587 : i32 to vector<16xi32>
    %mul3A_1589 = arith.muli %shift_right_arithmetic3A_1586, %mul3A_1588 : vector<16xi32>
    %add3A_1590 = arith.constant 38 : i32
    %add3A_1591 = vector.broadcast %add3A_1590 : i32 to vector<16xi32>
    %add3A_1592 = arith.addi %mul3A_1589, %add3A_1591 : vector<16xi32>
    %and3A_1593 = arith.constant 1 : i32
    %and3A_1594 = vector.broadcast %and3A_1593 : i32 to vector<16xi32>
    %and3A_1595 = arith.andi %add3A_1583, %and3A_1594 : vector<16xi32>
    %add3A_1596 = arith.addi %add3A_1592, %and3A_1595 : vector<16xi32>
    %gather3A_1597 = tpu.vector_load_idx %arg5[%add3A_1596] : memref<1600xi32, #tpu.memory_space<vmem>>[vector<16xi32>], vector<16xi32>,
    %swap3A_1598 = arith.constant 1232 : index
    %swap3A_1599 = tpu.vector_load %arg6[%swap3A_1598] {strides = array<i32>} : memref<1600xi32, #tpu.memory_space<vmem>>, vector<16xi32>,
    tpu.vector_store %arg6[%swap3A_1598], %gather3A_1597 {strides = array<i32>} : memref<1600xi32, #tpu.memory_space<vmem>>, vector<16xi32>,
    %add3A_1600 = arith.constant 32 : i32
    %add3A_1601 = vector.broadcast %add3A_1600 : i32 to vector<16xi32>
    %add3A_1602 = arith.addi %add3A_1601, %iota3A : vector<16xi32>
    %shift_right_arithmetic3A_1603 = arith.constant 1 : i32
    %shift_right_arithmetic3A_1604 = vector.broadcast %shift_right_arithmetic3A_1603 : i32 to vector<16xi32>
    %shift_right_arithmetic3A_1605 = arith.shrsi %add3A_1602, %shift_right_arithmetic3A_1604 : vector<16xi32>
    %mul3A_1606 = arith.constant 50 : i32
    %mul3A_1607 = vector.broadcast %mul3A_1606 : i32 to vector<16xi32>
    %mul3A_1608 = arith.muli %shift_right_arithmetic3A_1605, %mul3A_1607 : vector<16xi32>
    %add3A_1609 = arith.constant 38 : i32
    %add3A_1610 = vector.broadcast %add3A_1609 : i32 to vector<16xi32>
    %add3A_1611 = arith.addi %mul3A_1608, %add3A_1610 : vector<16xi32>
    %and3A_1612 = arith.constant 1 : i32
    %and3A_1613 = vector.broadcast %and3A_1612 : i32 to vector<16xi32>
    %and3A_1614 = arith.andi %add3A_1602, %and3A_1613 : vector<16xi32>
    %add3A_1615 = arith.addi %add3A_1611, %and3A_1614 : vector<16xi32>
    %gather3A_1616 = tpu.vector_load_idx %arg5[%add3A_1615] : memref<1600xi32, #tpu.memory_space<vmem>>[vector<16xi32>], vector<16xi32>,
    %swap3A_1617 = arith.constant 1248 : index
    %swap3A_1618 = tpu.vector_load %arg6[%swap3A_1617] {strides = array<i32>} : memref<1600xi32, #tpu.memory_space<vmem>>, vector<16xi32>,
    tpu.vector_store %arg6[%swap3A_1617], %gather3A_1616 {strides = array<i32>} : memref<1600xi32, #tpu.memory_space<vmem>>, vector<16xi32>,
    %add3A_1619 = arith.constant 48 : i32
    %add3A_1620 = vector.broadcast %add3A_1619 : i32 to vector<16xi32>
    %add3A_1621 = arith.addi %add3A_1620, %iota3A : vector<16xi32>
    %shift_right_arithmetic3A_1622 = arith.constant 1 : i32
    %shift_right_arithmetic3A_1623 = vector.broadcast %shift_right_arithmetic3A_1622 : i32 to vector<16xi32>
    %shift_right_arithmetic3A_1624 = arith.shrsi %add3A_1621, %shift_right_arithmetic3A_1623 : vector<16xi32>
    %mul3A_1625 = arith.constant 50 : i32
    %mul3A_1626 = vector.broadcast %mul3A_1625 : i32 to vector<16xi32>
    %mul3A_1627 = arith.muli %shift_right_arithmetic3A_1624, %mul3A_1626 : vector<16xi32>
    %add3A_1628 = arith.constant 38 : i32
    %add3A_1629 = vector.broadcast %add3A_1628 : i32 to vector<16xi32>
    %add3A_1630 = arith.addi %mul3A_1627, %add3A_1629 : vector<16xi32>
    %and3A_1631 = arith.constant 1 : i32
    %and3A_1632 = vector.broadcast %and3A_1631 : i32 to vector<16xi32>
    %and3A_1633 = arith.andi %add3A_1621, %and3A_1632 : vector<16xi32>
    %add3A_1634 = arith.addi %add3A_1630, %and3A_1633 : vector<16xi32>
    %gather3A_1635 = tpu.vector_load_idx %arg5[%add3A_1634] : memref<1600xi32, #tpu.memory_space<vmem>>[vector<16xi32>], vector<16xi32>,
    %swap3A_1636 = arith.constant 1264 : index
    %swap3A_1637 = tpu.vector_load %arg6[%swap3A_1636] {strides = array<i32>} : memref<1600xi32, #tpu.memory_space<vmem>>, vector<16xi32>,
    tpu.vector_store %arg6[%swap3A_1636], %gather3A_1635 {strides = array<i32>} : memref<1600xi32, #tpu.memory_space<vmem>>, vector<16xi32>,
    %dma_start3A_1638 = arith.constant 1200 : i32
    %dma_start3A_1639 = arith.constant 0 : i32
    %dma_start3A_1640 = tpu.memref_slice %arg7[%dma_start3A_1638, %dma_start3A_1639] : memref<1600x64xf32, #tpu.memory_space<vmem>> -> memref<80x64xf32, #tpu.memory_space<vmem>>
    %dma_start3A_1641 = arith.constant 1200 : i32
    %dma_start3A_1642 = tpu.memref_slice %arg6[%dma_start3A_1641] : memref<1600xi32, #tpu.memory_space<vmem>> -> memref<80xi32, #tpu.memory_space<vmem>>
    %dma_start3A_1643 = arith.constant 0 : i32
    %dma_start3A_1644 = arith.constant 0 : i32
    %dma_start3A_1645 = tpu.memref_slice %arg3[%dma_start3A_1643, %dma_start3A_1644] : memref<1000x64xf32, #tpu.memory_space<hbm>> -> memref<1000x64xf32, #tpu.memory_space<hbm>>
    tpu.enqueue_indirect_dma source(%dma_start3A_1645 : memref<1000x64xf32, #tpu.memory_space<hbm>>) target(%dma_start3A_1640 : memref<80x64xf32, #tpu.memory_space<vmem>>) offsets(%dma_start3A_1642 : memref<80xi32, #tpu.memory_space<vmem>>) semaphore(%arg8 : memref<!tpu.dma_semaphore, #tpu.memory_space<semaphore_mem>>)
    %add3A_1646 = arith.constant 0 : i32
    %add3A_1647 = vector.broadcast %add3A_1646 : i32 to vector<16xi32>
    %add3A_1648 = arith.addi %add3A_1647, %iota3A : vector<16xi32>
    %shift_right_arithmetic3A_1649 = arith.constant 1 : i32
    %shift_right_arithmetic3A_1650 = vector.broadcast %shift_right_arithmetic3A_1649 : i32 to vector<16xi32>
    %shift_right_arithmetic3A_1651 = arith.shrsi %add3A_1648, %shift_right_arithmetic3A_1650 : vector<16xi32>
    %mul3A_1652 = arith.constant 50 : i32
    %mul3A_1653 = vector.broadcast %mul3A_1652 : i32 to vector<16xi32>
    %mul3A_1654 = arith.muli %shift_right_arithmetic3A_1651, %mul3A_1653 : vector<16xi32>
    %add3A_1655 = arith.constant 40 : i32
    %add3A_1656 = vector.broadcast %add3A_1655 : i32 to vector<16xi32>
    %add3A_1657 = arith.addi %mul3A_1654, %add3A_1656 : vector<16xi32>
    %and3A_1658 = arith.constant 1 : i32
    %and3A_1659 = vector.broadcast %and3A_1658 : i32 to vector<16xi32>
    %and3A_1660 = arith.andi %add3A_1648, %and3A_1659 : vector<16xi32>
    %add3A_1661 = arith.addi %add3A_1657, %and3A_1660 : vector<16xi32>
    %gather3A_1662 = tpu.vector_load_idx %arg5[%add3A_1661] : memref<1600xi32, #tpu.memory_space<vmem>>[vector<16xi32>], vector<16xi32>,
    %swap3A_1663 = arith.constant 1280 : index
    %swap3A_1664 = tpu.vector_load %arg6[%swap3A_1663] {strides = array<i32>} : memref<1600xi32, #tpu.memory_space<vmem>>, vector<16xi32>,
    tpu.vector_store %arg6[%swap3A_1663], %gather3A_1662 {strides = array<i32>} : memref<1600xi32, #tpu.memory_space<vmem>>, vector<16xi32>,
    %add3A_1665 = arith.constant 16 : i32
    %add3A_1666 = vector.broadcast %add3A_1665 : i32 to vector<16xi32>
    %add3A_1667 = arith.addi %add3A_1666, %iota3A : vector<16xi32>
    %shift_right_arithmetic3A_1668 = arith.constant 1 : i32
    %shift_right_arithmetic3A_1669 = vector.broadcast %shift_right_arithmetic3A_1668 : i32 to vector<16xi32>
    %shift_right_arithmetic3A_1670 = arith.shrsi %add3A_1667, %shift_right_arithmetic3A_1669 : vector<16xi32>
    %mul3A_1671 = arith.constant 50 : i32
    %mul3A_1672 = vector.broadcast %mul3A_1671 : i32 to vector<16xi32>
    %mul3A_1673 = arith.muli %shift_right_arithmetic3A_1670, %mul3A_1672 : vector<16xi32>
    %add3A_1674 = arith.constant 40 : i32
    %add3A_1675 = vector.broadcast %add3A_1674 : i32 to vector<16xi32>
    %add3A_1676 = arith.addi %mul3A_1673, %add3A_1675 : vector<16xi32>
    %and3A_1677 = arith.constant 1 : i32
    %and3A_1678 = vector.broadcast %and3A_1677 : i32 to vector<16xi32>
    %and3A_1679 = arith.andi %add3A_1667, %and3A_1678 : vector<16xi32>
    %add3A_1680 = arith.addi %add3A_1676, %and3A_1679 : vector<16xi32>
    %gather3A_1681 = tpu.vector_load_idx %arg5[%add3A_1680] : memref<1600xi32, #tpu.memory_space<vmem>>[vector<16xi32>], vector<16xi32>,
    %swap3A_1682 = arith.constant 1296 : index
    %swap3A_1683 = tpu.vector_load %arg6[%swap3A_1682] {strides = array<i32>} : memref<1600xi32, #tpu.memory_space<vmem>>, vector<16xi32>,
    tpu.vector_store %arg6[%swap3A_1682], %gather3A_1681 {strides = array<i32>} : memref<1600xi32, #tpu.memory_space<vmem>>, vector<16xi32>,
    %add3A_1684 = arith.constant 32 : i32
    %add3A_1685 = vector.broadcast %add3A_1684 : i32 to vector<16xi32>
    %add3A_1686 = arith.addi %add3A_1685, %iota3A : vector<16xi32>
    %shift_right_arithmetic3A_1687 = arith.constant 1 : i32
    %shift_right_arithmetic3A_1688 = vector.broadcast %shift_right_arithmetic3A_1687 : i32 to vector<16xi32>
    %shift_right_arithmetic3A_1689 = arith.shrsi %add3A_1686, %shift_right_arithmetic3A_1688 : vector<16xi32>
    %mul3A_1690 = arith.constant 50 : i32
    %mul3A_1691 = vector.broadcast %mul3A_1690 : i32 to vector<16xi32>
    %mul3A_1692 = arith.muli %shift_right_arithmetic3A_1689, %mul3A_1691 : vector<16xi32>
    %add3A_1693 = arith.constant 40 : i32
    %add3A_1694 = vector.broadcast %add3A_1693 : i32 to vector<16xi32>
    %add3A_1695 = arith.addi %mul3A_1692, %add3A_1694 : vector<16xi32>
    %and3A_1696 = arith.constant 1 : i32
    %and3A_1697 = vector.broadcast %and3A_1696 : i32 to vector<16xi32>
    %and3A_1698 = arith.andi %add3A_1686, %and3A_1697 : vector<16xi32>
    %add3A_1699 = arith.addi %add3A_1695, %and3A_1698 : vector<16xi32>
    %gather3A_1700 = tpu.vector_load_idx %arg5[%add3A_1699] : memref<1600xi32, #tpu.memory_space<vmem>>[vector<16xi32>], vector<16xi32>,
    %swap3A_1701 = arith.constant 1312 : index
    %swap3A_1702 = tpu.vector_load %arg6[%swap3A_1701] {strides = array<i32>} : memref<1600xi32, #tpu.memory_space<vmem>>, vector<16xi32>,
    tpu.vector_store %arg6[%swap3A_1701], %gather3A_1700 {strides = array<i32>} : memref<1600xi32, #tpu.memory_space<vmem>>, vector<16xi32>,
    %add3A_1703 = arith.constant 48 : i32
    %add3A_1704 = vector.broadcast %add3A_1703 : i32 to vector<16xi32>
    %add3A_1705 = arith.addi %add3A_1704, %iota3A : vector<16xi32>
    %shift_right_arithmetic3A_1706 = arith.constant 1 : i32
    %shift_right_arithmetic3A_1707 = vector.broadcast %shift_right_arithmetic3A_1706 : i32 to vector<16xi32>
    %shift_right_arithmetic3A_1708 = arith.shrsi %add3A_1705, %shift_right_arithmetic3A_1707 : vector<16xi32>
    %mul3A_1709 = arith.constant 50 : i32
    %mul3A_1710 = vector.broadcast %mul3A_1709 : i32 to vector<16xi32>
    %mul3A_1711 = arith.muli %shift_right_arithmetic3A_1708, %mul3A_1710 : vector<16xi32>
    %add3A_1712 = arith.constant 40 : i32
    %add3A_1713 = vector.broadcast %add3A_1712 : i32 to vector<16xi32>
    %add3A_1714 = arith.addi %mul3A_1711, %add3A_1713 : vector<16xi32>
    %and3A_1715 = arith.constant 1 : i32
    %and3A_1716 = vector.broadcast %and3A_1715 : i32 to vector<16xi32>
    %and3A_1717 = arith.andi %add3A_1705, %and3A_1716 : vector<16xi32>
    %add3A_1718 = arith.addi %add3A_1714, %and3A_1717 : vector<16xi32>
    %gather3A_1719 = tpu.vector_load_idx %arg5[%add3A_1718] : memref<1600xi32, #tpu.memory_space<vmem>>[vector<16xi32>], vector<16xi32>,
    %swap3A_1720 = arith.constant 1328 : index
    %swap3A_1721 = tpu.vector_load %arg6[%swap3A_1720] {strides = array<i32>} : memref<1600xi32, #tpu.memory_space<vmem>>, vector<16xi32>,
    tpu.vector_store %arg6[%swap3A_1720], %gather3A_1719 {strides = array<i32>} : memref<1600xi32, #tpu.memory_space<vmem>>, vector<16xi32>,
    %add3A_1722 = arith.constant 0 : i32
    %add3A_1723 = vector.broadcast %add3A_1722 : i32 to vector<16xi32>
    %add3A_1724 = arith.addi %add3A_1723, %iota3A : vector<16xi32>
    %shift_right_arithmetic3A_1725 = arith.constant 1 : i32
    %shift_right_arithmetic3A_1726 = vector.broadcast %shift_right_arithmetic3A_1725 : i32 to vector<16xi32>
    %shift_right_arithmetic3A_1727 = arith.shrsi %add3A_1724, %shift_right_arithmetic3A_1726 : vector<16xi32>
    %mul3A_1728 = arith.constant 50 : i32
    %mul3A_1729 = vector.broadcast %mul3A_1728 : i32 to vector<16xi32>
    %mul3A_1730 = arith.muli %shift_right_arithmetic3A_1727, %mul3A_1729 : vector<16xi32>
    %add3A_1731 = arith.constant 42 : i32
    %add3A_1732 = vector.broadcast %add3A_1731 : i32 to vector<16xi32>
    %add3A_1733 = arith.addi %mul3A_1730, %add3A_1732 : vector<16xi32>
    %and3A_1734 = arith.constant 1 : i32
    %and3A_1735 = vector.broadcast %and3A_1734 : i32 to vector<16xi32>
    %and3A_1736 = arith.andi %add3A_1724, %and3A_1735 : vector<16xi32>
    %add3A_1737 = arith.addi %add3A_1733, %and3A_1736 : vector<16xi32>
    %gather3A_1738 = tpu.vector_load_idx %arg5[%add3A_1737] : memref<1600xi32, #tpu.memory_space<vmem>>[vector<16xi32>], vector<16xi32>,
    %swap3A_1739 = arith.constant 1344 : index
    %swap3A_1740 = tpu.vector_load %arg6[%swap3A_1739] {strides = array<i32>} : memref<1600xi32, #tpu.memory_space<vmem>>, vector<16xi32>,
    tpu.vector_store %arg6[%swap3A_1739], %gather3A_1738 {strides = array<i32>} : memref<1600xi32, #tpu.memory_space<vmem>>, vector<16xi32>,
    %dma_start3A_1741 = arith.constant 1280 : i32
    %dma_start3A_1742 = arith.constant 0 : i32
    %dma_start3A_1743 = tpu.memref_slice %arg7[%dma_start3A_1741, %dma_start3A_1742] : memref<1600x64xf32, #tpu.memory_space<vmem>> -> memref<80x64xf32, #tpu.memory_space<vmem>>
    %dma_start3A_1744 = arith.constant 1280 : i32
    %dma_start3A_1745 = tpu.memref_slice %arg6[%dma_start3A_1744] : memref<1600xi32, #tpu.memory_space<vmem>> -> memref<80xi32, #tpu.memory_space<vmem>>
    %dma_start3A_1746 = arith.constant 0 : i32
    %dma_start3A_1747 = arith.constant 0 : i32
    %dma_start3A_1748 = tpu.memref_slice %arg3[%dma_start3A_1746, %dma_start3A_1747] : memref<1000x64xf32, #tpu.memory_space<hbm>> -> memref<1000x64xf32, #tpu.memory_space<hbm>>
    tpu.enqueue_indirect_dma source(%dma_start3A_1748 : memref<1000x64xf32, #tpu.memory_space<hbm>>) target(%dma_start3A_1743 : memref<80x64xf32, #tpu.memory_space<vmem>>) offsets(%dma_start3A_1745 : memref<80xi32, #tpu.memory_space<vmem>>) semaphore(%arg8 : memref<!tpu.dma_semaphore, #tpu.memory_space<semaphore_mem>>)
    %add3A_1749 = arith.constant 16 : i32
    %add3A_1750 = vector.broadcast %add3A_1749 : i32 to vector<16xi32>
    %add3A_1751 = arith.addi %add3A_1750, %iota3A : vector<16xi32>
    %shift_right_arithmetic3A_1752 = arith.constant 1 : i32
    %shift_right_arithmetic3A_1753 = vector.broadcast %shift_right_arithmetic3A_1752 : i32 to vector<16xi32>
    %shift_right_arithmetic3A_1754 = arith.shrsi %add3A_1751, %shift_right_arithmetic3A_1753 : vector<16xi32>
    %mul3A_1755 = arith.constant 50 : i32
    %mul3A_1756 = vector.broadcast %mul3A_1755 : i32 to vector<16xi32>
    %mul3A_1757 = arith.muli %shift_right_arithmetic3A_1754, %mul3A_1756 : vector<16xi32>
    %add3A_1758 = arith.constant 42 : i32
    %add3A_1759 = vector.broadcast %add3A_1758 : i32 to vector<16xi32>
    %add3A_1760 = arith.addi %mul3A_1757, %add3A_1759 : vector<16xi32>
    %and3A_1761 = arith.constant 1 : i32
    %and3A_1762 = vector.broadcast %and3A_1761 : i32 to vector<16xi32>
    %and3A_1763 = arith.andi %add3A_1751, %and3A_1762 : vector<16xi32>
    %add3A_1764 = arith.addi %add3A_1760, %and3A_1763 : vector<16xi32>
    %gather3A_1765 = tpu.vector_load_idx %arg5[%add3A_1764] : memref<1600xi32, #tpu.memory_space<vmem>>[vector<16xi32>], vector<16xi32>,
    %swap3A_1766 = arith.constant 1360 : index
    %swap3A_1767 = tpu.vector_load %arg6[%swap3A_1766] {strides = array<i32>} : memref<1600xi32, #tpu.memory_space<vmem>>, vector<16xi32>,
    tpu.vector_store %arg6[%swap3A_1766], %gather3A_1765 {strides = array<i32>} : memref<1600xi32, #tpu.memory_space<vmem>>, vector<16xi32>,
    %add3A_1768 = arith.constant 32 : i32
    %add3A_1769 = vector.broadcast %add3A_1768 : i32 to vector<16xi32>
    %add3A_1770 = arith.addi %add3A_1769, %iota3A : vector<16xi32>
    %shift_right_arithmetic3A_1771 = arith.constant 1 : i32
    %shift_right_arithmetic3A_1772 = vector.broadcast %shift_right_arithmetic3A_1771 : i32 to vector<16xi32>
    %shift_right_arithmetic3A_1773 = arith.shrsi %add3A_1770, %shift_right_arithmetic3A_1772 : vector<16xi32>
    %mul3A_1774 = arith.constant 50 : i32
    %mul3A_1775 = vector.broadcast %mul3A_1774 : i32 to vector<16xi32>
    %mul3A_1776 = arith.muli %shift_right_arithmetic3A_1773, %mul3A_1775 : vector<16xi32>
    %add3A_1777 = arith.constant 42 : i32
    %add3A_1778 = vector.broadcast %add3A_1777 : i32 to vector<16xi32>
    %add3A_1779 = arith.addi %mul3A_1776, %add3A_1778 : vector<16xi32>
    %and3A_1780 = arith.constant 1 : i32
    %and3A_1781 = vector.broadcast %and3A_1780 : i32 to vector<16xi32>
    %and3A_1782 = arith.andi %add3A_1770, %and3A_1781 : vector<16xi32>
    %add3A_1783 = arith.addi %add3A_1779, %and3A_1782 : vector<16xi32>
    %gather3A_1784 = tpu.vector_load_idx %arg5[%add3A_1783] : memref<1600xi32, #tpu.memory_space<vmem>>[vector<16xi32>], vector<16xi32>,
    %swap3A_1785 = arith.constant 1376 : index
    %swap3A_1786 = tpu.vector_load %arg6[%swap3A_1785] {strides = array<i32>} : memref<1600xi32, #tpu.memory_space<vmem>>, vector<16xi32>,
    tpu.vector_store %arg6[%swap3A_1785], %gather3A_1784 {strides = array<i32>} : memref<1600xi32, #tpu.memory_space<vmem>>, vector<16xi32>,
    %add3A_1787 = arith.constant 48 : i32
    %add3A_1788 = vector.broadcast %add3A_1787 : i32 to vector<16xi32>
    %add3A_1789 = arith.addi %add3A_1788, %iota3A : vector<16xi32>
    %shift_right_arithmetic3A_1790 = arith.constant 1 : i32
    %shift_right_arithmetic3A_1791 = vector.broadcast %shift_right_arithmetic3A_1790 : i32 to vector<16xi32>
    %shift_right_arithmetic3A_1792 = arith.shrsi %add3A_1789, %shift_right_arithmetic3A_1791 : vector<16xi32>
    %mul3A_1793 = arith.constant 50 : i32
    %mul3A_1794 = vector.broadcast %mul3A_1793 : i32 to vector<16xi32>
    %mul3A_1795 = arith.muli %shift_right_arithmetic3A_1792, %mul3A_1794 : vector<16xi32>
    %add3A_1796 = arith.constant 42 : i32
    %add3A_1797 = vector.broadcast %add3A_1796 : i32 to vector<16xi32>
    %add3A_1798 = arith.addi %mul3A_1795, %add3A_1797 : vector<16xi32>
    %and3A_1799 = arith.constant 1 : i32
    %and3A_1800 = vector.broadcast %and3A_1799 : i32 to vector<16xi32>
    %and3A_1801 = arith.andi %add3A_1789, %and3A_1800 : vector<16xi32>
    %add3A_1802 = arith.addi %add3A_1798, %and3A_1801 : vector<16xi32>
    %gather3A_1803 = tpu.vector_load_idx %arg5[%add3A_1802] : memref<1600xi32, #tpu.memory_space<vmem>>[vector<16xi32>], vector<16xi32>,
    %swap3A_1804 = arith.constant 1392 : index
    %swap3A_1805 = tpu.vector_load %arg6[%swap3A_1804] {strides = array<i32>} : memref<1600xi32, #tpu.memory_space<vmem>>, vector<16xi32>,
    tpu.vector_store %arg6[%swap3A_1804], %gather3A_1803 {strides = array<i32>} : memref<1600xi32, #tpu.memory_space<vmem>>, vector<16xi32>,
    %add3A_1806 = arith.constant 0 : i32
    %add3A_1807 = vector.broadcast %add3A_1806 : i32 to vector<16xi32>
    %add3A_1808 = arith.addi %add3A_1807, %iota3A : vector<16xi32>
    %shift_right_arithmetic3A_1809 = arith.constant 1 : i32
    %shift_right_arithmetic3A_1810 = vector.broadcast %shift_right_arithmetic3A_1809 : i32 to vector<16xi32>
    %shift_right_arithmetic3A_1811 = arith.shrsi %add3A_1808, %shift_right_arithmetic3A_1810 : vector<16xi32>
    %mul3A_1812 = arith.constant 50 : i32
    %mul3A_1813 = vector.broadcast %mul3A_1812 : i32 to vector<16xi32>
    %mul3A_1814 = arith.muli %shift_right_arithmetic3A_1811, %mul3A_1813 : vector<16xi32>
    %add3A_1815 = arith.constant 44 : i32
    %add3A_1816 = vector.broadcast %add3A_1815 : i32 to vector<16xi32>
    %add3A_1817 = arith.addi %mul3A_1814, %add3A_1816 : vector<16xi32>
    %and3A_1818 = arith.constant 1 : i32
    %and3A_1819 = vector.broadcast %and3A_1818 : i32 to vector<16xi32>
    %and3A_1820 = arith.andi %add3A_1808, %and3A_1819 : vector<16xi32>
    %add3A_1821 = arith.addi %add3A_1817, %and3A_1820 : vector<16xi32>
    %gather3A_1822 = tpu.vector_load_idx %arg5[%add3A_1821] : memref<1600xi32, #tpu.memory_space<vmem>>[vector<16xi32>], vector<16xi32>,
    %swap3A_1823 = arith.constant 1408 : index
    %swap3A_1824 = tpu.vector_load %arg6[%swap3A_1823] {strides = array<i32>} : memref<1600xi32, #tpu.memory_space<vmem>>, vector<16xi32>,
    tpu.vector_store %arg6[%swap3A_1823], %gather3A_1822 {strides = array<i32>} : memref<1600xi32, #tpu.memory_space<vmem>>, vector<16xi32>,
    %add3A_1825 = arith.constant 16 : i32
    %add3A_1826 = vector.broadcast %add3A_1825 : i32 to vector<16xi32>
    %add3A_1827 = arith.addi %add3A_1826, %iota3A : vector<16xi32>
    %shift_right_arithmetic3A_1828 = arith.constant 1 : i32
    %shift_right_arithmetic3A_1829 = vector.broadcast %shift_right_arithmetic3A_1828 : i32 to vector<16xi32>
    %shift_right_arithmetic3A_1830 = arith.shrsi %add3A_1827, %shift_right_arithmetic3A_1829 : vector<16xi32>
    %mul3A_1831 = arith.constant 50 : i32
    %mul3A_1832 = vector.broadcast %mul3A_1831 : i32 to vector<16xi32>
    %mul3A_1833 = arith.muli %shift_right_arithmetic3A_1830, %mul3A_1832 : vector<16xi32>
    %add3A_1834 = arith.constant 44 : i32
    %add3A_1835 = vector.broadcast %add3A_1834 : i32 to vector<16xi32>
    %add3A_1836 = arith.addi %mul3A_1833, %add3A_1835 : vector<16xi32>
    %and3A_1837 = arith.constant 1 : i32
    %and3A_1838 = vector.broadcast %and3A_1837 : i32 to vector<16xi32>
    %and3A_1839 = arith.andi %add3A_1827, %and3A_1838 : vector<16xi32>
    %add3A_1840 = arith.addi %add3A_1836, %and3A_1839 : vector<16xi32>
    %gather3A_1841 = tpu.vector_load_idx %arg5[%add3A_1840] : memref<1600xi32, #tpu.memory_space<vmem>>[vector<16xi32>], vector<16xi32>,
    %swap3A_1842 = arith.constant 1424 : index
    %swap3A_1843 = tpu.vector_load %arg6[%swap3A_1842] {strides = array<i32>} : memref<1600xi32, #tpu.memory_space<vmem>>, vector<16xi32>,
    tpu.vector_store %arg6[%swap3A_1842], %gather3A_1841 {strides = array<i32>} : memref<1600xi32, #tpu.memory_space<vmem>>, vector<16xi32>,
    %dma_start3A_1844 = arith.constant 1360 : i32
    %dma_start3A_1845 = arith.constant 0 : i32
    %dma_start3A_1846 = tpu.memref_slice %arg7[%dma_start3A_1844, %dma_start3A_1845] : memref<1600x64xf32, #tpu.memory_space<vmem>> -> memref<80x64xf32, #tpu.memory_space<vmem>>
    %dma_start3A_1847 = arith.constant 1360 : i32
    %dma_start3A_1848 = tpu.memref_slice %arg6[%dma_start3A_1847] : memref<1600xi32, #tpu.memory_space<vmem>> -> memref<80xi32, #tpu.memory_space<vmem>>
    %dma_start3A_1849 = arith.constant 0 : i32
    %dma_start3A_1850 = arith.constant 0 : i32
    %dma_start3A_1851 = tpu.memref_slice %arg3[%dma_start3A_1849, %dma_start3A_1850] : memref<1000x64xf32, #tpu.memory_space<hbm>> -> memref<1000x64xf32, #tpu.memory_space<hbm>>
    tpu.enqueue_indirect_dma source(%dma_start3A_1851 : memref<1000x64xf32, #tpu.memory_space<hbm>>) target(%dma_start3A_1846 : memref<80x64xf32, #tpu.memory_space<vmem>>) offsets(%dma_start3A_1848 : memref<80xi32, #tpu.memory_space<vmem>>) semaphore(%arg8 : memref<!tpu.dma_semaphore, #tpu.memory_space<semaphore_mem>>)
    %add3A_1852 = arith.constant 32 : i32
    %add3A_1853 = vector.broadcast %add3A_1852 : i32 to vector<16xi32>
    %add3A_1854 = arith.addi %add3A_1853, %iota3A : vector<16xi32>
    %shift_right_arithmetic3A_1855 = arith.constant 1 : i32
    %shift_right_arithmetic3A_1856 = vector.broadcast %shift_right_arithmetic3A_1855 : i32 to vector<16xi32>
    %shift_right_arithmetic3A_1857 = arith.shrsi %add3A_1854, %shift_right_arithmetic3A_1856 : vector<16xi32>
    %mul3A_1858 = arith.constant 50 : i32
    %mul3A_1859 = vector.broadcast %mul3A_1858 : i32 to vector<16xi32>
    %mul3A_1860 = arith.muli %shift_right_arithmetic3A_1857, %mul3A_1859 : vector<16xi32>
    %add3A_1861 = arith.constant 44 : i32
    %add3A_1862 = vector.broadcast %add3A_1861 : i32 to vector<16xi32>
    %add3A_1863 = arith.addi %mul3A_1860, %add3A_1862 : vector<16xi32>
    %and3A_1864 = arith.constant 1 : i32
    %and3A_1865 = vector.broadcast %and3A_1864 : i32 to vector<16xi32>
    %and3A_1866 = arith.andi %add3A_1854, %and3A_1865 : vector<16xi32>
    %add3A_1867 = arith.addi %add3A_1863, %and3A_1866 : vector<16xi32>
    %gather3A_1868 = tpu.vector_load_idx %arg5[%add3A_1867] : memref<1600xi32, #tpu.memory_space<vmem>>[vector<16xi32>], vector<16xi32>,
    %swap3A_1869 = arith.constant 1440 : index
    %swap3A_1870 = tpu.vector_load %arg6[%swap3A_1869] {strides = array<i32>} : memref<1600xi32, #tpu.memory_space<vmem>>, vector<16xi32>,
    tpu.vector_store %arg6[%swap3A_1869], %gather3A_1868 {strides = array<i32>} : memref<1600xi32, #tpu.memory_space<vmem>>, vector<16xi32>,
    %add3A_1871 = arith.constant 48 : i32
    %add3A_1872 = vector.broadcast %add3A_1871 : i32 to vector<16xi32>
    %add3A_1873 = arith.addi %add3A_1872, %iota3A : vector<16xi32>
    %shift_right_arithmetic3A_1874 = arith.constant 1 : i32
    %shift_right_arithmetic3A_1875 = vector.broadcast %shift_right_arithmetic3A_1874 : i32 to vector<16xi32>
    %shift_right_arithmetic3A_1876 = arith.shrsi %add3A_1873, %shift_right_arithmetic3A_1875 : vector<16xi32>
    %mul3A_1877 = arith.constant 50 : i32
    %mul3A_1878 = vector.broadcast %mul3A_1877 : i32 to vector<16xi32>
    %mul3A_1879 = arith.muli %shift_right_arithmetic3A_1876, %mul3A_1878 : vector<16xi32>
    %add3A_1880 = arith.constant 44 : i32
    %add3A_1881 = vector.broadcast %add3A_1880 : i32 to vector<16xi32>
    %add3A_1882 = arith.addi %mul3A_1879, %add3A_1881 : vector<16xi32>
    %and3A_1883 = arith.constant 1 : i32
    %and3A_1884 = vector.broadcast %and3A_1883 : i32 to vector<16xi32>
    %and3A_1885 = arith.andi %add3A_1873, %and3A_1884 : vector<16xi32>
    %add3A_1886 = arith.addi %add3A_1882, %and3A_1885 : vector<16xi32>
    %gather3A_1887 = tpu.vector_load_idx %arg5[%add3A_1886] : memref<1600xi32, #tpu.memory_space<vmem>>[vector<16xi32>], vector<16xi32>,
    %swap3A_1888 = arith.constant 1456 : index
    %swap3A_1889 = tpu.vector_load %arg6[%swap3A_1888] {strides = array<i32>} : memref<1600xi32, #tpu.memory_space<vmem>>, vector<16xi32>,
    tpu.vector_store %arg6[%swap3A_1888], %gather3A_1887 {strides = array<i32>} : memref<1600xi32, #tpu.memory_space<vmem>>, vector<16xi32>,
    %add3A_1890 = arith.constant 0 : i32
    %add3A_1891 = vector.broadcast %add3A_1890 : i32 to vector<16xi32>
    %add3A_1892 = arith.addi %add3A_1891, %iota3A : vector<16xi32>
    %shift_right_arithmetic3A_1893 = arith.constant 1 : i32
    %shift_right_arithmetic3A_1894 = vector.broadcast %shift_right_arithmetic3A_1893 : i32 to vector<16xi32>
    %shift_right_arithmetic3A_1895 = arith.shrsi %add3A_1892, %shift_right_arithmetic3A_1894 : vector<16xi32>
    %mul3A_1896 = arith.constant 50 : i32
    %mul3A_1897 = vector.broadcast %mul3A_1896 : i32 to vector<16xi32>
    %mul3A_1898 = arith.muli %shift_right_arithmetic3A_1895, %mul3A_1897 : vector<16xi32>
    %add3A_1899 = arith.constant 46 : i32
    %add3A_1900 = vector.broadcast %add3A_1899 : i32 to vector<16xi32>
    %add3A_1901 = arith.addi %mul3A_1898, %add3A_1900 : vector<16xi32>
    %and3A_1902 = arith.constant 1 : i32
    %and3A_1903 = vector.broadcast %and3A_1902 : i32 to vector<16xi32>
    %and3A_1904 = arith.andi %add3A_1892, %and3A_1903 : vector<16xi32>
    %add3A_1905 = arith.addi %add3A_1901, %and3A_1904 : vector<16xi32>
    %gather3A_1906 = tpu.vector_load_idx %arg5[%add3A_1905] : memref<1600xi32, #tpu.memory_space<vmem>>[vector<16xi32>], vector<16xi32>,
    %swap3A_1907 = arith.constant 1472 : index
    %swap3A_1908 = tpu.vector_load %arg6[%swap3A_1907] {strides = array<i32>} : memref<1600xi32, #tpu.memory_space<vmem>>, vector<16xi32>,
    tpu.vector_store %arg6[%swap3A_1907], %gather3A_1906 {strides = array<i32>} : memref<1600xi32, #tpu.memory_space<vmem>>, vector<16xi32>,
    %add3A_1909 = arith.constant 16 : i32
    %add3A_1910 = vector.broadcast %add3A_1909 : i32 to vector<16xi32>
    %add3A_1911 = arith.addi %add3A_1910, %iota3A : vector<16xi32>
    %shift_right_arithmetic3A_1912 = arith.constant 1 : i32
    %shift_right_arithmetic3A_1913 = vector.broadcast %shift_right_arithmetic3A_1912 : i32 to vector<16xi32>
    %shift_right_arithmetic3A_1914 = arith.shrsi %add3A_1911, %shift_right_arithmetic3A_1913 : vector<16xi32>
    %mul3A_1915 = arith.constant 50 : i32
    %mul3A_1916 = vector.broadcast %mul3A_1915 : i32 to vector<16xi32>
    %mul3A_1917 = arith.muli %shift_right_arithmetic3A_1914, %mul3A_1916 : vector<16xi32>
    %add3A_1918 = arith.constant 46 : i32
    %add3A_1919 = vector.broadcast %add3A_1918 : i32 to vector<16xi32>
    %add3A_1920 = arith.addi %mul3A_1917, %add3A_1919 : vector<16xi32>
    %and3A_1921 = arith.constant 1 : i32
    %and3A_1922 = vector.broadcast %and3A_1921 : i32 to vector<16xi32>
    %and3A_1923 = arith.andi %add3A_1911, %and3A_1922 : vector<16xi32>
    %add3A_1924 = arith.addi %add3A_1920, %and3A_1923 : vector<16xi32>
    %gather3A_1925 = tpu.vector_load_idx %arg5[%add3A_1924] : memref<1600xi32, #tpu.memory_space<vmem>>[vector<16xi32>], vector<16xi32>,
    %swap3A_1926 = arith.constant 1488 : index
    %swap3A_1927 = tpu.vector_load %arg6[%swap3A_1926] {strides = array<i32>} : memref<1600xi32, #tpu.memory_space<vmem>>, vector<16xi32>,
    tpu.vector_store %arg6[%swap3A_1926], %gather3A_1925 {strides = array<i32>} : memref<1600xi32, #tpu.memory_space<vmem>>, vector<16xi32>,
    %add3A_1928 = arith.constant 32 : i32
    %add3A_1929 = vector.broadcast %add3A_1928 : i32 to vector<16xi32>
    %add3A_1930 = arith.addi %add3A_1929, %iota3A : vector<16xi32>
    %shift_right_arithmetic3A_1931 = arith.constant 1 : i32
    %shift_right_arithmetic3A_1932 = vector.broadcast %shift_right_arithmetic3A_1931 : i32 to vector<16xi32>
    %shift_right_arithmetic3A_1933 = arith.shrsi %add3A_1930, %shift_right_arithmetic3A_1932 : vector<16xi32>
    %mul3A_1934 = arith.constant 50 : i32
    %mul3A_1935 = vector.broadcast %mul3A_1934 : i32 to vector<16xi32>
    %mul3A_1936 = arith.muli %shift_right_arithmetic3A_1933, %mul3A_1935 : vector<16xi32>
    %add3A_1937 = arith.constant 46 : i32
    %add3A_1938 = vector.broadcast %add3A_1937 : i32 to vector<16xi32>
    %add3A_1939 = arith.addi %mul3A_1936, %add3A_1938 : vector<16xi32>
    %and3A_1940 = arith.constant 1 : i32
    %and3A_1941 = vector.broadcast %and3A_1940 : i32 to vector<16xi32>
    %and3A_1942 = arith.andi %add3A_1930, %and3A_1941 : vector<16xi32>
    %add3A_1943 = arith.addi %add3A_1939, %and3A_1942 : vector<16xi32>
    %gather3A_1944 = tpu.vector_load_idx %arg5[%add3A_1943] : memref<1600xi32, #tpu.memory_space<vmem>>[vector<16xi32>], vector<16xi32>,
    %swap3A_1945 = arith.constant 1504 : index
    %swap3A_1946 = tpu.vector_load %arg6[%swap3A_1945] {strides = array<i32>} : memref<1600xi32, #tpu.memory_space<vmem>>, vector<16xi32>,
    tpu.vector_store %arg6[%swap3A_1945], %gather3A_1944 {strides = array<i32>} : memref<1600xi32, #tpu.memory_space<vmem>>, vector<16xi32>,
    %dma_start3A_1947 = arith.constant 1440 : i32
    %dma_start3A_1948 = arith.constant 0 : i32
    %dma_start3A_1949 = tpu.memref_slice %arg7[%dma_start3A_1947, %dma_start3A_1948] : memref<1600x64xf32, #tpu.memory_space<vmem>> -> memref<80x64xf32, #tpu.memory_space<vmem>>
    %dma_start3A_1950 = arith.constant 1440 : i32
    %dma_start3A_1951 = tpu.memref_slice %arg6[%dma_start3A_1950] : memref<1600xi32, #tpu.memory_space<vmem>> -> memref<80xi32, #tpu.memory_space<vmem>>
    %dma_start3A_1952 = arith.constant 0 : i32
    %dma_start3A_1953 = arith.constant 0 : i32
    %dma_start3A_1954 = tpu.memref_slice %arg3[%dma_start3A_1952, %dma_start3A_1953] : memref<1000x64xf32, #tpu.memory_space<hbm>> -> memref<1000x64xf32, #tpu.memory_space<hbm>>
    tpu.enqueue_indirect_dma source(%dma_start3A_1954 : memref<1000x64xf32, #tpu.memory_space<hbm>>) target(%dma_start3A_1949 : memref<80x64xf32, #tpu.memory_space<vmem>>) offsets(%dma_start3A_1951 : memref<80xi32, #tpu.memory_space<vmem>>) semaphore(%arg8 : memref<!tpu.dma_semaphore, #tpu.memory_space<semaphore_mem>>)
    %add3A_1955 = arith.constant 48 : i32
    %add3A_1956 = vector.broadcast %add3A_1955 : i32 to vector<16xi32>
    %add3A_1957 = arith.addi %add3A_1956, %iota3A : vector<16xi32>
    %shift_right_arithmetic3A_1958 = arith.constant 1 : i32
    %shift_right_arithmetic3A_1959 = vector.broadcast %shift_right_arithmetic3A_1958 : i32 to vector<16xi32>
    %shift_right_arithmetic3A_1960 = arith.shrsi %add3A_1957, %shift_right_arithmetic3A_1959 : vector<16xi32>
    %mul3A_1961 = arith.constant 50 : i32
    %mul3A_1962 = vector.broadcast %mul3A_1961 : i32 to vector<16xi32>
    %mul3A_1963 = arith.muli %shift_right_arithmetic3A_1960, %mul3A_1962 : vector<16xi32>
    %add3A_1964 = arith.constant 46 : i32
    %add3A_1965 = vector.broadcast %add3A_1964 : i32 to vector<16xi32>
    %add3A_1966 = arith.addi %mul3A_1963, %add3A_1965 : vector<16xi32>
    %and3A_1967 = arith.constant 1 : i32
    %and3A_1968 = vector.broadcast %and3A_1967 : i32 to vector<16xi32>
    %and3A_1969 = arith.andi %add3A_1957, %and3A_1968 : vector<16xi32>
    %add3A_1970 = arith.addi %add3A_1966, %and3A_1969 : vector<16xi32>
    %gather3A_1971 = tpu.vector_load_idx %arg5[%add3A_1970] : memref<1600xi32, #tpu.memory_space<vmem>>[vector<16xi32>], vector<16xi32>,
    %swap3A_1972 = arith.constant 1520 : index
    %swap3A_1973 = tpu.vector_load %arg6[%swap3A_1972] {strides = array<i32>} : memref<1600xi32, #tpu.memory_space<vmem>>, vector<16xi32>,
    tpu.vector_store %arg6[%swap3A_1972], %gather3A_1971 {strides = array<i32>} : memref<1600xi32, #tpu.memory_space<vmem>>, vector<16xi32>,
    %add3A_1974 = arith.constant 0 : i32
    %add3A_1975 = vector.broadcast %add3A_1974 : i32 to vector<16xi32>
    %add3A_1976 = arith.addi %add3A_1975, %iota3A : vector<16xi32>
    %shift_right_arithmetic3A_1977 = arith.constant 1 : i32
    %shift_right_arithmetic3A_1978 = vector.broadcast %shift_right_arithmetic3A_1977 : i32 to vector<16xi32>
    %shift_right_arithmetic3A_1979 = arith.shrsi %add3A_1976, %shift_right_arithmetic3A_1978 : vector<16xi32>
    %mul3A_1980 = arith.constant 50 : i32
    %mul3A_1981 = vector.broadcast %mul3A_1980 : i32 to vector<16xi32>
    %mul3A_1982 = arith.muli %shift_right_arithmetic3A_1979, %mul3A_1981 : vector<16xi32>
    %add3A_1983 = arith.constant 48 : i32
    %add3A_1984 = vector.broadcast %add3A_1983 : i32 to vector<16xi32>
    %add3A_1985 = arith.addi %mul3A_1982, %add3A_1984 : vector<16xi32>
    %and3A_1986 = arith.constant 1 : i32
    %and3A_1987 = vector.broadcast %and3A_1986 : i32 to vector<16xi32>
    %and3A_1988 = arith.andi %add3A_1976, %and3A_1987 : vector<16xi32>
    %add3A_1989 = arith.addi %add3A_1985, %and3A_1988 : vector<16xi32>
    %gather3A_1990 = tpu.vector_load_idx %arg5[%add3A_1989] : memref<1600xi32, #tpu.memory_space<vmem>>[vector<16xi32>], vector<16xi32>,
    %swap3A_1991 = arith.constant 1536 : index
    %swap3A_1992 = tpu.vector_load %arg6[%swap3A_1991] {strides = array<i32>} : memref<1600xi32, #tpu.memory_space<vmem>>, vector<16xi32>,
    tpu.vector_store %arg6[%swap3A_1991], %gather3A_1990 {strides = array<i32>} : memref<1600xi32, #tpu.memory_space<vmem>>, vector<16xi32>,
    %add3A_1993 = arith.constant 16 : i32
    %add3A_1994 = vector.broadcast %add3A_1993 : i32 to vector<16xi32>
    %add3A_1995 = arith.addi %add3A_1994, %iota3A : vector<16xi32>
    %shift_right_arithmetic3A_1996 = arith.constant 1 : i32
    %shift_right_arithmetic3A_1997 = vector.broadcast %shift_right_arithmetic3A_1996 : i32 to vector<16xi32>
    %shift_right_arithmetic3A_1998 = arith.shrsi %add3A_1995, %shift_right_arithmetic3A_1997 : vector<16xi32>
    %mul3A_1999 = arith.constant 50 : i32
    %mul3A_2000 = vector.broadcast %mul3A_1999 : i32 to vector<16xi32>
    %mul3A_2001 = arith.muli %shift_right_arithmetic3A_1998, %mul3A_2000 : vector<16xi32>
    %add3A_2002 = arith.constant 48 : i32
    %add3A_2003 = vector.broadcast %add3A_2002 : i32 to vector<16xi32>
    %add3A_2004 = arith.addi %mul3A_2001, %add3A_2003 : vector<16xi32>
    %and3A_2005 = arith.constant 1 : i32
    %and3A_2006 = vector.broadcast %and3A_2005 : i32 to vector<16xi32>
    %and3A_2007 = arith.andi %add3A_1995, %and3A_2006 : vector<16xi32>
    %add3A_2008 = arith.addi %add3A_2004, %and3A_2007 : vector<16xi32>
    %gather3A_2009 = tpu.vector_load_idx %arg5[%add3A_2008] : memref<1600xi32, #tpu.memory_space<vmem>>[vector<16xi32>], vector<16xi32>,
    %swap3A_2010 = arith.constant 1552 : index
    %swap3A_2011 = tpu.vector_load %arg6[%swap3A_2010] {strides = array<i32>} : memref<1600xi32, #tpu.memory_space<vmem>>, vector<16xi32>,
    tpu.vector_store %arg6[%swap3A_2010], %gather3A_2009 {strides = array<i32>} : memref<1600xi32, #tpu.memory_space<vmem>>, vector<16xi32>,
    %add3A_2012 = arith.constant 32 : i32
    %add3A_2013 = vector.broadcast %add3A_2012 : i32 to vector<16xi32>
    %add3A_2014 = arith.addi %add3A_2013, %iota3A : vector<16xi32>
    %shift_right_arithmetic3A_2015 = arith.constant 1 : i32
    %shift_right_arithmetic3A_2016 = vector.broadcast %shift_right_arithmetic3A_2015 : i32 to vector<16xi32>
    %shift_right_arithmetic3A_2017 = arith.shrsi %add3A_2014, %shift_right_arithmetic3A_2016 : vector<16xi32>
    %mul3A_2018 = arith.constant 50 : i32
    %mul3A_2019 = vector.broadcast %mul3A_2018 : i32 to vector<16xi32>
    %mul3A_2020 = arith.muli %shift_right_arithmetic3A_2017, %mul3A_2019 : vector<16xi32>
    %add3A_2021 = arith.constant 48 : i32
    %add3A_2022 = vector.broadcast %add3A_2021 : i32 to vector<16xi32>
    %add3A_2023 = arith.addi %mul3A_2020, %add3A_2022 : vector<16xi32>
    %and3A_2024 = arith.constant 1 : i32
    %and3A_2025 = vector.broadcast %and3A_2024 : i32 to vector<16xi32>
    %and3A_2026 = arith.andi %add3A_2014, %and3A_2025 : vector<16xi32>
    %add3A_2027 = arith.addi %add3A_2023, %and3A_2026 : vector<16xi32>
    %gather3A_2028 = tpu.vector_load_idx %arg5[%add3A_2027] : memref<1600xi32, #tpu.memory_space<vmem>>[vector<16xi32>], vector<16xi32>,
    %swap3A_2029 = arith.constant 1568 : index
    %swap3A_2030 = tpu.vector_load %arg6[%swap3A_2029] {strides = array<i32>} : memref<1600xi32, #tpu.memory_space<vmem>>, vector<16xi32>,
    tpu.vector_store %arg6[%swap3A_2029], %gather3A_2028 {strides = array<i32>} : memref<1600xi32, #tpu.memory_space<vmem>>, vector<16xi32>,
    %add3A_2031 = arith.constant 48 : i32
    %add3A_2032 = vector.broadcast %add3A_2031 : i32 to vector<16xi32>
    %add3A_2033 = arith.addi %add3A_2032, %iota3A : vector<16xi32>
    %shift_right_arithmetic3A_2034 = arith.constant 1 : i32
    %shift_right_arithmetic3A_2035 = vector.broadcast %shift_right_arithmetic3A_2034 : i32 to vector<16xi32>
    %shift_right_arithmetic3A_2036 = arith.shrsi %add3A_2033, %shift_right_arithmetic3A_2035 : vector<16xi32>
    %mul3A_2037 = arith.constant 50 : i32
    %mul3A_2038 = vector.broadcast %mul3A_2037 : i32 to vector<16xi32>
    %mul3A_2039 = arith.muli %shift_right_arithmetic3A_2036, %mul3A_2038 : vector<16xi32>
    %add3A_2040 = arith.constant 48 : i32
    %add3A_2041 = vector.broadcast %add3A_2040 : i32 to vector<16xi32>
    %add3A_2042 = arith.addi %mul3A_2039, %add3A_2041 : vector<16xi32>
    %and3A_2043 = arith.constant 1 : i32
    %and3A_2044 = vector.broadcast %and3A_2043 : i32 to vector<16xi32>
    %and3A_2045 = arith.andi %add3A_2033, %and3A_2044 : vector<16xi32>
    %add3A_2046 = arith.addi %add3A_2042, %and3A_2045 : vector<16xi32>
    %gather3A_2047 = tpu.vector_load_idx %arg5[%add3A_2046] : memref<1600xi32, #tpu.memory_space<vmem>>[vector<16xi32>], vector<16xi32>,
    %swap3A_2048 = arith.constant 1584 : index
    %swap3A_2049 = tpu.vector_load %arg6[%swap3A_2048] {strides = array<i32>} : memref<1600xi32, #tpu.memory_space<vmem>>, vector<16xi32>,
    tpu.vector_store %arg6[%swap3A_2048], %gather3A_2047 {strides = array<i32>} : memref<1600xi32, #tpu.memory_space<vmem>>, vector<16xi32>,
    %dma_start3A_2050 = arith.constant 1520 : i32
    %dma_start3A_2051 = arith.constant 0 : i32
    %dma_start3A_2052 = tpu.memref_slice %arg7[%dma_start3A_2050, %dma_start3A_2051] : memref<1600x64xf32, #tpu.memory_space<vmem>> -> memref<80x64xf32, #tpu.memory_space<vmem>>
    %dma_start3A_2053 = arith.constant 1520 : i32
    %dma_start3A_2054 = tpu.memref_slice %arg6[%dma_start3A_2053] : memref<1600xi32, #tpu.memory_space<vmem>> -> memref<80xi32, #tpu.memory_space<vmem>>
    %dma_start3A_2055 = arith.constant 0 : i32
    %dma_start3A_2056 = arith.constant 0 : i32
    %dma_start3A_2057 = tpu.memref_slice %arg3[%dma_start3A_2055, %dma_start3A_2056] : memref<1000x64xf32, #tpu.memory_space<hbm>> -> memref<1000x64xf32, #tpu.memory_space<hbm>>
    tpu.enqueue_indirect_dma source(%dma_start3A_2057 : memref<1000x64xf32, #tpu.memory_space<hbm>>) target(%dma_start3A_2052 : memref<80x64xf32, #tpu.memory_space<vmem>>) offsets(%dma_start3A_2054 : memref<80xi32, #tpu.memory_space<vmem>>) semaphore(%arg8 : memref<!tpu.dma_semaphore, #tpu.memory_space<semaphore_mem>>)
    %dma_wait3A = arith.constant 0 : i32
    %dma_wait3A_2058 = arith.constant 0 : i32
    %dma_wait3A_2059 = tpu.memref_slice %arg7[%dma_wait3A, %dma_wait3A_2058] : memref<1600x64xf32, #tpu.memory_space<vmem>> -> memref<80x64xf32, #tpu.memory_space<vmem>>
    %dma_wait3A_2060 = arith.constant 0 : i32
    %dma_wait3A_2061 = tpu.memref_slice %arg6[%dma_wait3A_2060] : memref<1600xi32, #tpu.memory_space<vmem>> -> memref<80xi32, #tpu.memory_space<vmem>>
    %dma_wait3A_2062 = arith.constant 0 : i32
    %dma_wait3A_2063 = arith.constant 0 : i32
    %dma_wait3A_2064 = tpu.memref_slice %arg3[%dma_wait3A_2062, %dma_wait3A_2063] : memref<1000x64xf32, #tpu.memory_space<hbm>> -> memref<1000x64xf32, #tpu.memory_space<hbm>>
    tpu.wait_indirect_dma semaphore(%arg8 : memref<!tpu.dma_semaphore, #tpu.memory_space<semaphore_mem>>) src(%dma_wait3A_2064 : memref<1000x64xf32, #tpu.memory_space<hbm>>) dst(%dma_wait3A_2059 : memref<80x64xf32, #tpu.memory_space<vmem>>)
    %dma_wait3A_2065 = arith.constant 80 : i32
    %dma_wait3A_2066 = arith.constant 0 : i32
    %dma_wait3A_2067 = tpu.memref_slice %arg7[%dma_wait3A_2065, %dma_wait3A_2066] : memref<1600x64xf32, #tpu.memory_space<vmem>> -> memref<80x64xf32, #tpu.memory_space<vmem>>
    %dma_wait3A_2068 = arith.constant 80 : i32
    %dma_wait3A_2069 = tpu.memref_slice %arg6[%dma_wait3A_2068] : memref<1600xi32, #tpu.memory_space<vmem>> -> memref<80xi32, #tpu.memory_space<vmem>>
    %dma_wait3A_2070 = arith.constant 0 : i32
    %dma_wait3A_2071 = arith.constant 0 : i32
    %dma_wait3A_2072 = tpu.memref_slice %arg3[%dma_wait3A_2070, %dma_wait3A_2071] : memref<1000x64xf32, #tpu.memory_space<hbm>> -> memref<1000x64xf32, #tpu.memory_space<hbm>>
    tpu.wait_indirect_dma semaphore(%arg8 : memref<!tpu.dma_semaphore, #tpu.memory_space<semaphore_mem>>) src(%dma_wait3A_2072 : memref<1000x64xf32, #tpu.memory_space<hbm>>) dst(%dma_wait3A_2067 : memref<80x64xf32, #tpu.memory_space<vmem>>)
    %dma_wait3A_2073 = arith.constant 160 : i32
    %dma_wait3A_2074 = arith.constant 0 : i32
    %dma_wait3A_2075 = tpu.memref_slice %arg7[%dma_wait3A_2073, %dma_wait3A_2074] : memref<1600x64xf32, #tpu.memory_space<vmem>> -> memref<80x64xf32, #tpu.memory_space<vmem>>
    %dma_wait3A_2076 = arith.constant 160 : i32
    %dma_wait3A_2077 = tpu.memref_slice %arg6[%dma_wait3A_2076] : memref<1600xi32, #tpu.memory_space<vmem>> -> memref<80xi32, #tpu.memory_space<vmem>>
    %dma_wait3A_2078 = arith.constant 0 : i32
    %dma_wait3A_2079 = arith.constant 0 : i32
    %dma_wait3A_2080 = tpu.memref_slice %arg3[%dma_wait3A_2078, %dma_wait3A_2079] : memref<1000x64xf32, #tpu.memory_space<hbm>> -> memref<1000x64xf32, #tpu.memory_space<hbm>>
    tpu.wait_indirect_dma semaphore(%arg8 : memref<!tpu.dma_semaphore, #tpu.memory_space<semaphore_mem>>) src(%dma_wait3A_2080 : memref<1000x64xf32, #tpu.memory_space<hbm>>) dst(%dma_wait3A_2075 : memref<80x64xf32, #tpu.memory_space<vmem>>)
    %dma_wait3A_2081 = arith.constant 240 : i32
    %dma_wait3A_2082 = arith.constant 0 : i32
    %dma_wait3A_2083 = tpu.memref_slice %arg7[%dma_wait3A_2081, %dma_wait3A_2082] : memref<1600x64xf32, #tpu.memory_space<vmem>> -> memref<80x64xf32, #tpu.memory_space<vmem>>
    %dma_wait3A_2084 = arith.constant 240 : i32
    %dma_wait3A_2085 = tpu.memref_slice %arg6[%dma_wait3A_2084] : memref<1600xi32, #tpu.memory_space<vmem>> -> memref<80xi32, #tpu.memory_space<vmem>>
    %dma_wait3A_2086 = arith.constant 0 : i32
    %dma_wait3A_2087 = arith.constant 0 : i32
    %dma_wait3A_2088 = tpu.memref_slice %arg3[%dma_wait3A_2086, %dma_wait3A_2087] : memref<1000x64xf32, #tpu.memory_space<hbm>> -> memref<1000x64xf32, #tpu.memory_space<hbm>>
    tpu.wait_indirect_dma semaphore(%arg8 : memref<!tpu.dma_semaphore, #tpu.memory_space<semaphore_mem>>) src(%dma_wait3A_2088 : memref<1000x64xf32, #tpu.memory_space<hbm>>) dst(%dma_wait3A_2083 : memref<80x64xf32, #tpu.memory_space<vmem>>)
    %dma_wait3A_2089 = arith.constant 320 : i32
    %dma_wait3A_2090 = arith.constant 0 : i32
    %dma_wait3A_2091 = tpu.memref_slice %arg7[%dma_wait3A_2089, %dma_wait3A_2090] : memref<1600x64xf32, #tpu.memory_space<vmem>> -> memref<80x64xf32, #tpu.memory_space<vmem>>
    %dma_wait3A_2092 = arith.constant 320 : i32
    %dma_wait3A_2093 = tpu.memref_slice %arg6[%dma_wait3A_2092] : memref<1600xi32, #tpu.memory_space<vmem>> -> memref<80xi32, #tpu.memory_space<vmem>>
    %dma_wait3A_2094 = arith.constant 0 : i32
    %dma_wait3A_2095 = arith.constant 0 : i32
    %dma_wait3A_2096 = tpu.memref_slice %arg3[%dma_wait3A_2094, %dma_wait3A_2095] : memref<1000x64xf32, #tpu.memory_space<hbm>> -> memref<1000x64xf32, #tpu.memory_space<hbm>>
    tpu.wait_indirect_dma semaphore(%arg8 : memref<!tpu.dma_semaphore, #tpu.memory_space<semaphore_mem>>) src(%dma_wait3A_2096 : memref<1000x64xf32, #tpu.memory_space<hbm>>) dst(%dma_wait3A_2091 : memref<80x64xf32, #tpu.memory_space<vmem>>)
    %dma_wait3A_2097 = arith.constant 400 : i32
    %dma_wait3A_2098 = arith.constant 0 : i32
    %dma_wait3A_2099 = tpu.memref_slice %arg7[%dma_wait3A_2097, %dma_wait3A_2098] : memref<1600x64xf32, #tpu.memory_space<vmem>> -> memref<80x64xf32, #tpu.memory_space<vmem>>
    %dma_wait3A_2100 = arith.constant 400 : i32
    %dma_wait3A_2101 = tpu.memref_slice %arg6[%dma_wait3A_2100] : memref<1600xi32, #tpu.memory_space<vmem>> -> memref<80xi32, #tpu.memory_space<vmem>>
    %dma_wait3A_2102 = arith.constant 0 : i32
    %dma_wait3A_2103 = arith.constant 0 : i32
    %dma_wait3A_2104 = tpu.memref_slice %arg3[%dma_wait3A_2102, %dma_wait3A_2103] : memref<1000x64xf32, #tpu.memory_space<hbm>> -> memref<1000x64xf32, #tpu.memory_space<hbm>>
    tpu.wait_indirect_dma semaphore(%arg8 : memref<!tpu.dma_semaphore, #tpu.memory_space<semaphore_mem>>) src(%dma_wait3A_2104 : memref<1000x64xf32, #tpu.memory_space<hbm>>) dst(%dma_wait3A_2099 : memref<80x64xf32, #tpu.memory_space<vmem>>)
    %dma_wait3A_2105 = arith.constant 480 : i32
    %dma_wait3A_2106 = arith.constant 0 : i32
    %dma_wait3A_2107 = tpu.memref_slice %arg7[%dma_wait3A_2105, %dma_wait3A_2106] : memref<1600x64xf32, #tpu.memory_space<vmem>> -> memref<80x64xf32, #tpu.memory_space<vmem>>
    %dma_wait3A_2108 = arith.constant 480 : i32
    %dma_wait3A_2109 = tpu.memref_slice %arg6[%dma_wait3A_2108] : memref<1600xi32, #tpu.memory_space<vmem>> -> memref<80xi32, #tpu.memory_space<vmem>>
    %dma_wait3A_2110 = arith.constant 0 : i32
    %dma_wait3A_2111 = arith.constant 0 : i32
    %dma_wait3A_2112 = tpu.memref_slice %arg3[%dma_wait3A_2110, %dma_wait3A_2111] : memref<1000x64xf32, #tpu.memory_space<hbm>> -> memref<1000x64xf32, #tpu.memory_space<hbm>>
    tpu.wait_indirect_dma semaphore(%arg8 : memref<!tpu.dma_semaphore, #tpu.memory_space<semaphore_mem>>) src(%dma_wait3A_2112 : memref<1000x64xf32, #tpu.memory_space<hbm>>) dst(%dma_wait3A_2107 : memref<80x64xf32, #tpu.memory_space<vmem>>)
    %dma_wait3A_2113 = arith.constant 560 : i32
    %dma_wait3A_2114 = arith.constant 0 : i32
    %dma_wait3A_2115 = tpu.memref_slice %arg7[%dma_wait3A_2113, %dma_wait3A_2114] : memref<1600x64xf32, #tpu.memory_space<vmem>> -> memref<80x64xf32, #tpu.memory_space<vmem>>
    %dma_wait3A_2116 = arith.constant 560 : i32
    %dma_wait3A_2117 = tpu.memref_slice %arg6[%dma_wait3A_2116] : memref<1600xi32, #tpu.memory_space<vmem>> -> memref<80xi32, #tpu.memory_space<vmem>>
    %dma_wait3A_2118 = arith.constant 0 : i32
    %dma_wait3A_2119 = arith.constant 0 : i32
    %dma_wait3A_2120 = tpu.memref_slice %arg3[%dma_wait3A_2118, %dma_wait3A_2119] : memref<1000x64xf32, #tpu.memory_space<hbm>> -> memref<1000x64xf32, #tpu.memory_space<hbm>>
    tpu.wait_indirect_dma semaphore(%arg8 : memref<!tpu.dma_semaphore, #tpu.memory_space<semaphore_mem>>) src(%dma_wait3A_2120 : memref<1000x64xf32, #tpu.memory_space<hbm>>) dst(%dma_wait3A_2115 : memref<80x64xf32, #tpu.memory_space<vmem>>)
    %dma_wait3A_2121 = arith.constant 640 : i32
    %dma_wait3A_2122 = arith.constant 0 : i32
    %dma_wait3A_2123 = tpu.memref_slice %arg7[%dma_wait3A_2121, %dma_wait3A_2122] : memref<1600x64xf32, #tpu.memory_space<vmem>> -> memref<80x64xf32, #tpu.memory_space<vmem>>
    %dma_wait3A_2124 = arith.constant 640 : i32
    %dma_wait3A_2125 = tpu.memref_slice %arg6[%dma_wait3A_2124] : memref<1600xi32, #tpu.memory_space<vmem>> -> memref<80xi32, #tpu.memory_space<vmem>>
    %dma_wait3A_2126 = arith.constant 0 : i32
    %dma_wait3A_2127 = arith.constant 0 : i32
    %dma_wait3A_2128 = tpu.memref_slice %arg3[%dma_wait3A_2126, %dma_wait3A_2127] : memref<1000x64xf32, #tpu.memory_space<hbm>> -> memref<1000x64xf32, #tpu.memory_space<hbm>>
    tpu.wait_indirect_dma semaphore(%arg8 : memref<!tpu.dma_semaphore, #tpu.memory_space<semaphore_mem>>) src(%dma_wait3A_2128 : memref<1000x64xf32, #tpu.memory_space<hbm>>) dst(%dma_wait3A_2123 : memref<80x64xf32, #tpu.memory_space<vmem>>)
    %dma_wait3A_2129 = arith.constant 720 : i32
    %dma_wait3A_2130 = arith.constant 0 : i32
    %dma_wait3A_2131 = tpu.memref_slice %arg7[%dma_wait3A_2129, %dma_wait3A_2130] : memref<1600x64xf32, #tpu.memory_space<vmem>> -> memref<80x64xf32, #tpu.memory_space<vmem>>
    %dma_wait3A_2132 = arith.constant 720 : i32
    %dma_wait3A_2133 = tpu.memref_slice %arg6[%dma_wait3A_2132] : memref<1600xi32, #tpu.memory_space<vmem>> -> memref<80xi32, #tpu.memory_space<vmem>>
    %dma_wait3A_2134 = arith.constant 0 : i32
    %dma_wait3A_2135 = arith.constant 0 : i32
    %dma_wait3A_2136 = tpu.memref_slice %arg3[%dma_wait3A_2134, %dma_wait3A_2135] : memref<1000x64xf32, #tpu.memory_space<hbm>> -> memref<1000x64xf32, #tpu.memory_space<hbm>>
    tpu.wait_indirect_dma semaphore(%arg8 : memref<!tpu.dma_semaphore, #tpu.memory_space<semaphore_mem>>) src(%dma_wait3A_2136 : memref<1000x64xf32, #tpu.memory_space<hbm>>) dst(%dma_wait3A_2131 : memref<80x64xf32, #tpu.memory_space<vmem>>)
    %dma_wait3A_2137 = arith.constant 800 : i32
    %dma_wait3A_2138 = arith.constant 0 : i32
    %dma_wait3A_2139 = tpu.memref_slice %arg7[%dma_wait3A_2137, %dma_wait3A_2138] : memref<1600x64xf32, #tpu.memory_space<vmem>> -> memref<80x64xf32, #tpu.memory_space<vmem>>
    %dma_wait3A_2140 = arith.constant 800 : i32
    %dma_wait3A_2141 = tpu.memref_slice %arg6[%dma_wait3A_2140] : memref<1600xi32, #tpu.memory_space<vmem>> -> memref<80xi32, #tpu.memory_space<vmem>>
    %dma_wait3A_2142 = arith.constant 0 : i32
    %dma_wait3A_2143 = arith.constant 0 : i32
    %dma_wait3A_2144 = tpu.memref_slice %arg3[%dma_wait3A_2142, %dma_wait3A_2143] : memref<1000x64xf32, #tpu.memory_space<hbm>> -> memref<1000x64xf32, #tpu.memory_space<hbm>>
    tpu.wait_indirect_dma semaphore(%arg8 : memref<!tpu.dma_semaphore, #tpu.memory_space<semaphore_mem>>) src(%dma_wait3A_2144 : memref<1000x64xf32, #tpu.memory_space<hbm>>) dst(%dma_wait3A_2139 : memref<80x64xf32, #tpu.memory_space<vmem>>)
    %dma_wait3A_2145 = arith.constant 880 : i32
    %dma_wait3A_2146 = arith.constant 0 : i32
    %dma_wait3A_2147 = tpu.memref_slice %arg7[%dma_wait3A_2145, %dma_wait3A_2146] : memref<1600x64xf32, #tpu.memory_space<vmem>> -> memref<80x64xf32, #tpu.memory_space<vmem>>
    %dma_wait3A_2148 = arith.constant 880 : i32
    %dma_wait3A_2149 = tpu.memref_slice %arg6[%dma_wait3A_2148] : memref<1600xi32, #tpu.memory_space<vmem>> -> memref<80xi32, #tpu.memory_space<vmem>>
    %dma_wait3A_2150 = arith.constant 0 : i32
    %dma_wait3A_2151 = arith.constant 0 : i32
    %dma_wait3A_2152 = tpu.memref_slice %arg3[%dma_wait3A_2150, %dma_wait3A_2151] : memref<1000x64xf32, #tpu.memory_space<hbm>> -> memref<1000x64xf32, #tpu.memory_space<hbm>>
    tpu.wait_indirect_dma semaphore(%arg8 : memref<!tpu.dma_semaphore, #tpu.memory_space<semaphore_mem>>) src(%dma_wait3A_2152 : memref<1000x64xf32, #tpu.memory_space<hbm>>) dst(%dma_wait3A_2147 : memref<80x64xf32, #tpu.memory_space<vmem>>)
    %dma_wait3A_2153 = arith.constant 960 : i32
    %dma_wait3A_2154 = arith.constant 0 : i32
    %dma_wait3A_2155 = tpu.memref_slice %arg7[%dma_wait3A_2153, %dma_wait3A_2154] : memref<1600x64xf32, #tpu.memory_space<vmem>> -> memref<80x64xf32, #tpu.memory_space<vmem>>
    %dma_wait3A_2156 = arith.constant 960 : i32
    %dma_wait3A_2157 = tpu.memref_slice %arg6[%dma_wait3A_2156] : memref<1600xi32, #tpu.memory_space<vmem>> -> memref<80xi32, #tpu.memory_space<vmem>>
    %dma_wait3A_2158 = arith.constant 0 : i32
    %dma_wait3A_2159 = arith.constant 0 : i32
    %dma_wait3A_2160 = tpu.memref_slice %arg3[%dma_wait3A_2158, %dma_wait3A_2159] : memref<1000x64xf32, #tpu.memory_space<hbm>> -> memref<1000x64xf32, #tpu.memory_space<hbm>>
    tpu.wait_indirect_dma semaphore(%arg8 : memref<!tpu.dma_semaphore, #tpu.memory_space<semaphore_mem>>) src(%dma_wait3A_2160 : memref<1000x64xf32, #tpu.memory_space<hbm>>) dst(%dma_wait3A_2155 : memref<80x64xf32, #tpu.memory_space<vmem>>)
    %dma_wait3A_2161 = arith.constant 1040 : i32
    %dma_wait3A_2162 = arith.constant 0 : i32
    %dma_wait3A_2163 = tpu.memref_slice %arg7[%dma_wait3A_2161, %dma_wait3A_2162] : memref<1600x64xf32, #tpu.memory_space<vmem>> -> memref<80x64xf32, #tpu.memory_space<vmem>>
    %dma_wait3A_2164 = arith.constant 1040 : i32
    %dma_wait3A_2165 = tpu.memref_slice %arg6[%dma_wait3A_2164] : memref<1600xi32, #tpu.memory_space<vmem>> -> memref<80xi32, #tpu.memory_space<vmem>>
    %dma_wait3A_2166 = arith.constant 0 : i32
    %dma_wait3A_2167 = arith.constant 0 : i32
    %dma_wait3A_2168 = tpu.memref_slice %arg3[%dma_wait3A_2166, %dma_wait3A_2167] : memref<1000x64xf32, #tpu.memory_space<hbm>> -> memref<1000x64xf32, #tpu.memory_space<hbm>>
    tpu.wait_indirect_dma semaphore(%arg8 : memref<!tpu.dma_semaphore, #tpu.memory_space<semaphore_mem>>) src(%dma_wait3A_2168 : memref<1000x64xf32, #tpu.memory_space<hbm>>) dst(%dma_wait3A_2163 : memref<80x64xf32, #tpu.memory_space<vmem>>)
    %dma_wait3A_2169 = arith.constant 1120 : i32
    %dma_wait3A_2170 = arith.constant 0 : i32
    %dma_wait3A_2171 = tpu.memref_slice %arg7[%dma_wait3A_2169, %dma_wait3A_2170] : memref<1600x64xf32, #tpu.memory_space<vmem>> -> memref<80x64xf32, #tpu.memory_space<vmem>>
    %dma_wait3A_2172 = arith.constant 1120 : i32
    %dma_wait3A_2173 = tpu.memref_slice %arg6[%dma_wait3A_2172] : memref<1600xi32, #tpu.memory_space<vmem>> -> memref<80xi32, #tpu.memory_space<vmem>>
    %dma_wait3A_2174 = arith.constant 0 : i32
    %dma_wait3A_2175 = arith.constant 0 : i32
    %dma_wait3A_2176 = tpu.memref_slice %arg3[%dma_wait3A_2174, %dma_wait3A_2175] : memref<1000x64xf32, #tpu.memory_space<hbm>> -> memref<1000x64xf32, #tpu.memory_space<hbm>>
    tpu.wait_indirect_dma semaphore(%arg8 : memref<!tpu.dma_semaphore, #tpu.memory_space<semaphore_mem>>) src(%dma_wait3A_2176 : memref<1000x64xf32, #tpu.memory_space<hbm>>) dst(%dma_wait3A_2171 : memref<80x64xf32, #tpu.memory_space<vmem>>)
    %dma_wait3A_2177 = arith.constant 1200 : i32
    %dma_wait3A_2178 = arith.constant 0 : i32
    %dma_wait3A_2179 = tpu.memref_slice %arg7[%dma_wait3A_2177, %dma_wait3A_2178] : memref<1600x64xf32, #tpu.memory_space<vmem>> -> memref<80x64xf32, #tpu.memory_space<vmem>>
    %dma_wait3A_2180 = arith.constant 1200 : i32
    %dma_wait3A_2181 = tpu.memref_slice %arg6[%dma_wait3A_2180] : memref<1600xi32, #tpu.memory_space<vmem>> -> memref<80xi32, #tpu.memory_space<vmem>>
    %dma_wait3A_2182 = arith.constant 0 : i32
    %dma_wait3A_2183 = arith.constant 0 : i32
    %dma_wait3A_2184 = tpu.memref_slice %arg3[%dma_wait3A_2182, %dma_wait3A_2183] : memref<1000x64xf32, #tpu.memory_space<hbm>> -> memref<1000x64xf32, #tpu.memory_space<hbm>>
    tpu.wait_indirect_dma semaphore(%arg8 : memref<!tpu.dma_semaphore, #tpu.memory_space<semaphore_mem>>) src(%dma_wait3A_2184 : memref<1000x64xf32, #tpu.memory_space<hbm>>) dst(%dma_wait3A_2179 : memref<80x64xf32, #tpu.memory_space<vmem>>)
    %dma_wait3A_2185 = arith.constant 1280 : i32
    %dma_wait3A_2186 = arith.constant 0 : i32
    %dma_wait3A_2187 = tpu.memref_slice %arg7[%dma_wait3A_2185, %dma_wait3A_2186] : memref<1600x64xf32, #tpu.memory_space<vmem>> -> memref<80x64xf32, #tpu.memory_space<vmem>>
    %dma_wait3A_2188 = arith.constant 1280 : i32
    %dma_wait3A_2189 = tpu.memref_slice %arg6[%dma_wait3A_2188] : memref<1600xi32, #tpu.memory_space<vmem>> -> memref<80xi32, #tpu.memory_space<vmem>>
    %dma_wait3A_2190 = arith.constant 0 : i32
    %dma_wait3A_2191 = arith.constant 0 : i32
    %dma_wait3A_2192 = tpu.memref_slice %arg3[%dma_wait3A_2190, %dma_wait3A_2191] : memref<1000x64xf32, #tpu.memory_space<hbm>> -> memref<1000x64xf32, #tpu.memory_space<hbm>>
    tpu.wait_indirect_dma semaphore(%arg8 : memref<!tpu.dma_semaphore, #tpu.memory_space<semaphore_mem>>) src(%dma_wait3A_2192 : memref<1000x64xf32, #tpu.memory_space<hbm>>) dst(%dma_wait3A_2187 : memref<80x64xf32, #tpu.memory_space<vmem>>)
    %dma_wait3A_2193 = arith.constant 1360 : i32
    %dma_wait3A_2194 = arith.constant 0 : i32
    %dma_wait3A_2195 = tpu.memref_slice %arg7[%dma_wait3A_2193, %dma_wait3A_2194] : memref<1600x64xf32, #tpu.memory_space<vmem>> -> memref<80x64xf32, #tpu.memory_space<vmem>>
    %dma_wait3A_2196 = arith.constant 1360 : i32
    %dma_wait3A_2197 = tpu.memref_slice %arg6[%dma_wait3A_2196] : memref<1600xi32, #tpu.memory_space<vmem>> -> memref<80xi32, #tpu.memory_space<vmem>>
    %dma_wait3A_2198 = arith.constant 0 : i32
    %dma_wait3A_2199 = arith.constant 0 : i32
    %dma_wait3A_2200 = tpu.memref_slice %arg3[%dma_wait3A_2198, %dma_wait3A_2199] : memref<1000x64xf32, #tpu.memory_space<hbm>> -> memref<1000x64xf32, #tpu.memory_space<hbm>>
    tpu.wait_indirect_dma semaphore(%arg8 : memref<!tpu.dma_semaphore, #tpu.memory_space<semaphore_mem>>) src(%dma_wait3A_2200 : memref<1000x64xf32, #tpu.memory_space<hbm>>) dst(%dma_wait3A_2195 : memref<80x64xf32, #tpu.memory_space<vmem>>)
    %dma_wait3A_2201 = arith.constant 1440 : i32
    %dma_wait3A_2202 = arith.constant 0 : i32
    %dma_wait3A_2203 = tpu.memref_slice %arg7[%dma_wait3A_2201, %dma_wait3A_2202] : memref<1600x64xf32, #tpu.memory_space<vmem>> -> memref<80x64xf32, #tpu.memory_space<vmem>>
    %dma_wait3A_2204 = arith.constant 1440 : i32
    %dma_wait3A_2205 = tpu.memref_slice %arg6[%dma_wait3A_2204] : memref<1600xi32, #tpu.memory_space<vmem>> -> memref<80xi32, #tpu.memory_space<vmem>>
    %dma_wait3A_2206 = arith.constant 0 : i32
    %dma_wait3A_2207 = arith.constant 0 : i32
    %dma_wait3A_2208 = tpu.memref_slice %arg3[%dma_wait3A_2206, %dma_wait3A_2207] : memref<1000x64xf32, #tpu.memory_space<hbm>> -> memref<1000x64xf32, #tpu.memory_space<hbm>>
    tpu.wait_indirect_dma semaphore(%arg8 : memref<!tpu.dma_semaphore, #tpu.memory_space<semaphore_mem>>) src(%dma_wait3A_2208 : memref<1000x64xf32, #tpu.memory_space<hbm>>) dst(%dma_wait3A_2203 : memref<80x64xf32, #tpu.memory_space<vmem>>)
    %dma_wait3A_2209 = arith.constant 1520 : i32
    %dma_wait3A_2210 = arith.constant 0 : i32
    %dma_wait3A_2211 = tpu.memref_slice %arg7[%dma_wait3A_2209, %dma_wait3A_2210] : memref<1600x64xf32, #tpu.memory_space<vmem>> -> memref<80x64xf32, #tpu.memory_space<vmem>>
    %dma_wait3A_2212 = arith.constant 1520 : i32
    %dma_wait3A_2213 = tpu.memref_slice %arg6[%dma_wait3A_2212] : memref<1600xi32, #tpu.memory_space<vmem>> -> memref<80xi32, #tpu.memory_space<vmem>>
    %dma_wait3A_2214 = arith.constant 0 : i32
    %dma_wait3A_2215 = arith.constant 0 : i32
    %dma_wait3A_2216 = tpu.memref_slice %arg3[%dma_wait3A_2214, %dma_wait3A_2215] : memref<1000x64xf32, #tpu.memory_space<hbm>> -> memref<1000x64xf32, #tpu.memory_space<hbm>>
    tpu.wait_indirect_dma semaphore(%arg8 : memref<!tpu.dma_semaphore, #tpu.memory_space<semaphore_mem>>) src(%dma_wait3A_2216 : memref<1000x64xf32, #tpu.memory_space<hbm>>) dst(%dma_wait3A_2211 : memref<80x64xf32, #tpu.memory_space<vmem>>)
    %mul3A_2217 = arith.constant 64 : i32
    %mul3A_2218 = arith.muli %add3A, %mul3A_2217 : i32
    %dma_start3A_2219 = arith.constant 0 : i32
    %dma_start3A_2220 = arith.constant 0 : i32
    %dma_start3A_2221 = arith.constant 0 : i32
    %dma_start3A_2222 = tpu.memref_slice %arg7[%dma_start3A_2220, %dma_start3A_2221] : memref<1600x64xf32, #tpu.memory_space<vmem>> -> memref<64x64xf32, #tpu.memory_space<vmem>>
    %dma_start3A_2223 = arith.constant 0 : i32
    %dma_start3A_2224 = tpu.memref_slice %arg4[%dma_start3A_2219, %mul3A_2218, %dma_start3A_2223] : memref<25x2048x64xf32, #tpu.memory_space<hbm>> -> memref<1x64x64xf32, #tpu.memory_space<hbm>>
    %dma_start3A_2225 = tpu.memref_squeeze %dma_start3A_2224 : memref<1x64x64xf32, #tpu.memory_space<hbm>> -> memref<64x64xf32, #tpu.memory_space<hbm>>
    %dma_start3A_2226 = arith.constant 0 : i32
    %dma_start3A_2227 = tpu.memref_slice %arg4[%dma_start3A_2219, %mul3A_2218, %dma_start3A_2226] : memref<25x2048x64xf32, #tpu.memory_space<hbm>> -> memref<1x64x64xf32, #tpu.memory_space<hbm>>
    %dma_start3A_2228 = tpu.memref_squeeze %dma_start3A_2227 : memref<1x64x64xf32, #tpu.memory_space<hbm>> -> memref<64x64xf32, #tpu.memory_space<hbm>>
    %dma_start3A_2229 = arith.constant 0 : i32
    %dma_start3A_2230 = arith.constant 0 : i32
    %dma_start3A_2231 = tpu.memref_slice %arg7[%dma_start3A_2229, %dma_start3A_2230] : memref<1600x64xf32, #tpu.memory_space<vmem>> -> memref<64x64xf32, #tpu.memory_space<vmem>>
    tpu.enqueue_dma source(%dma_start3A_2231 : memref<64x64xf32, #tpu.memory_space<vmem>>) target(%dma_start3A_2228 : memref<64x64xf32, #tpu.memory_space<hbm>>) target_semaphore(%arg9 : memref<!tpu.dma_semaphore, #tpu.memory_space<semaphore_mem>>)
    %mul3A_2232 = arith.constant 64 : i32
    %mul3A_2233 = arith.muli %add3A, %mul3A_2232 : i32
    %dma_start3A_2234 = arith.constant 1 : i32
    %dma_start3A_2235 = arith.constant 64 : i32
    %dma_start3A_2236 = arith.constant 0 : i32
    %dma_start3A_2237 = tpu.memref_slice %arg7[%dma_start3A_2235, %dma_start3A_2236] : memref<1600x64xf32, #tpu.memory_space<vmem>> -> memref<64x64xf32, #tpu.memory_space<vmem>>
    %dma_start3A_2238 = arith.constant 0 : i32
    %dma_start3A_2239 = tpu.memref_slice %arg4[%dma_start3A_2234, %mul3A_2233, %dma_start3A_2238] : memref<25x2048x64xf32, #tpu.memory_space<hbm>> -> memref<1x64x64xf32, #tpu.memory_space<hbm>>
    %dma_start3A_2240 = tpu.memref_squeeze %dma_start3A_2239 : memref<1x64x64xf32, #tpu.memory_space<hbm>> -> memref<64x64xf32, #tpu.memory_space<hbm>>
    %dma_start3A_2241 = arith.constant 0 : i32
    %dma_start3A_2242 = tpu.memref_slice %arg4[%dma_start3A_2234, %mul3A_2233, %dma_start3A_2241] : memref<25x2048x64xf32, #tpu.memory_space<hbm>> -> memref<1x64x64xf32, #tpu.memory_space<hbm>>
    %dma_start3A_2243 = tpu.memref_squeeze %dma_start3A_2242 : memref<1x64x64xf32, #tpu.memory_space<hbm>> -> memref<64x64xf32, #tpu.memory_space<hbm>>
    %dma_start3A_2244 = arith.constant 64 : i32
    %dma_start3A_2245 = arith.constant 0 : i32
    %dma_start3A_2246 = tpu.memref_slice %arg7[%dma_start3A_2244, %dma_start3A_2245] : memref<1600x64xf32, #tpu.memory_space<vmem>> -> memref<64x64xf32, #tpu.memory_space<vmem>>
    tpu.enqueue_dma source(%dma_start3A_2246 : memref<64x64xf32, #tpu.memory_space<vmem>>) target(%dma_start3A_2243 : memref<64x64xf32, #tpu.memory_space<hbm>>) target_semaphore(%arg9 : memref<!tpu.dma_semaphore, #tpu.memory_space<semaphore_mem>>)
    %mul3A_2247 = arith.constant 64 : i32
    %mul3A_2248 = arith.muli %add3A, %mul3A_2247 : i32
    %dma_start3A_2249 = arith.constant 2 : i32
    %dma_start3A_2250 = arith.constant 128 : i32
    %dma_start3A_2251 = arith.constant 0 : i32
    %dma_start3A_2252 = tpu.memref_slice %arg7[%dma_start3A_2250, %dma_start3A_2251] : memref<1600x64xf32, #tpu.memory_space<vmem>> -> memref<64x64xf32, #tpu.memory_space<vmem>>
    %dma_start3A_2253 = arith.constant 0 : i32
    %dma_start3A_2254 = tpu.memref_slice %arg4[%dma_start3A_2249, %mul3A_2248, %dma_start3A_2253] : memref<25x2048x64xf32, #tpu.memory_space<hbm>> -> memref<1x64x64xf32, #tpu.memory_space<hbm>>
    %dma_start3A_2255 = tpu.memref_squeeze %dma_start3A_2254 : memref<1x64x64xf32, #tpu.memory_space<hbm>> -> memref<64x64xf32, #tpu.memory_space<hbm>>
    %dma_start3A_2256 = arith.constant 0 : i32
    %dma_start3A_2257 = tpu.memref_slice %arg4[%dma_start3A_2249, %mul3A_2248, %dma_start3A_2256] : memref<25x2048x64xf32, #tpu.memory_space<hbm>> -> memref<1x64x64xf32, #tpu.memory_space<hbm>>
    %dma_start3A_2258 = tpu.memref_squeeze %dma_start3A_2257 : memref<1x64x64xf32, #tpu.memory_space<hbm>> -> memref<64x64xf32, #tpu.memory_space<hbm>>
    %dma_start3A_2259 = arith.constant 128 : i32
    %dma_start3A_2260 = arith.constant 0 : i32
    %dma_start3A_2261 = tpu.memref_slice %arg7[%dma_start3A_2259, %dma_start3A_2260] : memref<1600x64xf32, #tpu.memory_space<vmem>> -> memref<64x64xf32, #tpu.memory_space<vmem>>
    tpu.enqueue_dma source(%dma_start3A_2261 : memref<64x64xf32, #tpu.memory_space<vmem>>) target(%dma_start3A_2258 : memref<64x64xf32, #tpu.memory_space<hbm>>) target_semaphore(%arg9 : memref<!tpu.dma_semaphore, #tpu.memory_space<semaphore_mem>>)
    %mul3A_2262 = arith.constant 64 : i32
    %mul3A_2263 = arith.muli %add3A, %mul3A_2262 : i32
    %dma_start3A_2264 = arith.constant 3 : i32
    %dma_start3A_2265 = arith.constant 192 : i32
    %dma_start3A_2266 = arith.constant 0 : i32
    %dma_start3A_2267 = tpu.memref_slice %arg7[%dma_start3A_2265, %dma_start3A_2266] : memref<1600x64xf32, #tpu.memory_space<vmem>> -> memref<64x64xf32, #tpu.memory_space<vmem>>
    %dma_start3A_2268 = arith.constant 0 : i32
    %dma_start3A_2269 = tpu.memref_slice %arg4[%dma_start3A_2264, %mul3A_2263, %dma_start3A_2268] : memref<25x2048x64xf32, #tpu.memory_space<hbm>> -> memref<1x64x64xf32, #tpu.memory_space<hbm>>
    %dma_start3A_2270 = tpu.memref_squeeze %dma_start3A_2269 : memref<1x64x64xf32, #tpu.memory_space<hbm>> -> memref<64x64xf32, #tpu.memory_space<hbm>>
    %dma_start3A_2271 = arith.constant 0 : i32
    %dma_start3A_2272 = tpu.memref_slice %arg4[%dma_start3A_2264, %mul3A_2263, %dma_start3A_2271] : memref<25x2048x64xf32, #tpu.memory_space<hbm>> -> memref<1x64x64xf32, #tpu.memory_space<hbm>>
    %dma_start3A_2273 = tpu.memref_squeeze %dma_start3A_2272 : memref<1x64x64xf32, #tpu.memory_space<hbm>> -> memref<64x64xf32, #tpu.memory_space<hbm>>
    %dma_start3A_2274 = arith.constant 192 : i32
    %dma_start3A_2275 = arith.constant 0 : i32
    %dma_start3A_2276 = tpu.memref_slice %arg7[%dma_start3A_2274, %dma_start3A_2275] : memref<1600x64xf32, #tpu.memory_space<vmem>> -> memref<64x64xf32, #tpu.memory_space<vmem>>
    tpu.enqueue_dma source(%dma_start3A_2276 : memref<64x64xf32, #tpu.memory_space<vmem>>) target(%dma_start3A_2273 : memref<64x64xf32, #tpu.memory_space<hbm>>) target_semaphore(%arg9 : memref<!tpu.dma_semaphore, #tpu.memory_space<semaphore_mem>>)
    %mul3A_2277 = arith.constant 64 : i32
    %mul3A_2278 = arith.muli %add3A, %mul3A_2277 : i32
    %dma_start3A_2279 = arith.constant 4 : i32
    %dma_start3A_2280 = arith.constant 256 : i32
    %dma_start3A_2281 = arith.constant 0 : i32
    %dma_start3A_2282 = tpu.memref_slice %arg7[%dma_start3A_2280, %dma_start3A_2281] : memref<1600x64xf32, #tpu.memory_space<vmem>> -> memref<64x64xf32, #tpu.memory_space<vmem>>
    %dma_start3A_2283 = arith.constant 0 : i32
    %dma_start3A_2284 = tpu.memref_slice %arg4[%dma_start3A_2279, %mul3A_2278, %dma_start3A_2283] : memref<25x2048x64xf32, #tpu.memory_space<hbm>> -> memref<1x64x64xf32, #tpu.memory_space<hbm>>
    %dma_start3A_2285 = tpu.memref_squeeze %dma_start3A_2284 : memref<1x64x64xf32, #tpu.memory_space<hbm>> -> memref<64x64xf32, #tpu.memory_space<hbm>>
    %dma_start3A_2286 = arith.constant 0 : i32
    %dma_start3A_2287 = tpu.memref_slice %arg4[%dma_start3A_2279, %mul3A_2278, %dma_start3A_2286] : memref<25x2048x64xf32, #tpu.memory_space<hbm>> -> memref<1x64x64xf32, #tpu.memory_space<hbm>>
    %dma_start3A_2288 = tpu.memref_squeeze %dma_start3A_2287 : memref<1x64x64xf32, #tpu.memory_space<hbm>> -> memref<64x64xf32, #tpu.memory_space<hbm>>
    %dma_start3A_2289 = arith.constant 256 : i32
    %dma_start3A_2290 = arith.constant 0 : i32
    %dma_start3A_2291 = tpu.memref_slice %arg7[%dma_start3A_2289, %dma_start3A_2290] : memref<1600x64xf32, #tpu.memory_space<vmem>> -> memref<64x64xf32, #tpu.memory_space<vmem>>
    tpu.enqueue_dma source(%dma_start3A_2291 : memref<64x64xf32, #tpu.memory_space<vmem>>) target(%dma_start3A_2288 : memref<64x64xf32, #tpu.memory_space<hbm>>) target_semaphore(%arg9 : memref<!tpu.dma_semaphore, #tpu.memory_space<semaphore_mem>>)
    %mul3A_2292 = arith.constant 64 : i32
    %mul3A_2293 = arith.muli %add3A, %mul3A_2292 : i32
    %dma_start3A_2294 = arith.constant 5 : i32
    %dma_start3A_2295 = arith.constant 320 : i32
    %dma_start3A_2296 = arith.constant 0 : i32
    %dma_start3A_2297 = tpu.memref_slice %arg7[%dma_start3A_2295, %dma_start3A_2296] : memref<1600x64xf32, #tpu.memory_space<vmem>> -> memref<64x64xf32, #tpu.memory_space<vmem>>
    %dma_start3A_2298 = arith.constant 0 : i32
    %dma_start3A_2299 = tpu.memref_slice %arg4[%dma_start3A_2294, %mul3A_2293, %dma_start3A_2298] : memref<25x2048x64xf32, #tpu.memory_space<hbm>> -> memref<1x64x64xf32, #tpu.memory_space<hbm>>
    %dma_start3A_2300 = tpu.memref_squeeze %dma_start3A_2299 : memref<1x64x64xf32, #tpu.memory_space<hbm>> -> memref<64x64xf32, #tpu.memory_space<hbm>>
    %dma_start3A_2301 = arith.constant 0 : i32
    %dma_start3A_2302 = tpu.memref_slice %arg4[%dma_start3A_2294, %mul3A_2293, %dma_start3A_2301] : memref<25x2048x64xf32, #tpu.memory_space<hbm>> -> memref<1x64x64xf32, #tpu.memory_space<hbm>>
    %dma_start3A_2303 = tpu.memref_squeeze %dma_start3A_2302 : memref<1x64x64xf32, #tpu.memory_space<hbm>> -> memref<64x64xf32, #tpu.memory_space<hbm>>
    %dma_start3A_2304 = arith.constant 320 : i32
    %dma_start3A_2305 = arith.constant 0 : i32
    %dma_start3A_2306 = tpu.memref_slice %arg7[%dma_start3A_2304, %dma_start3A_2305] : memref<1600x64xf32, #tpu.memory_space<vmem>> -> memref<64x64xf32, #tpu.memory_space<vmem>>
    tpu.enqueue_dma source(%dma_start3A_2306 : memref<64x64xf32, #tpu.memory_space<vmem>>) target(%dma_start3A_2303 : memref<64x64xf32, #tpu.memory_space<hbm>>) target_semaphore(%arg9 : memref<!tpu.dma_semaphore, #tpu.memory_space<semaphore_mem>>)
    %mul3A_2307 = arith.constant 64 : i32
    %mul3A_2308 = arith.muli %add3A, %mul3A_2307 : i32
    %dma_start3A_2309 = arith.constant 6 : i32
    %dma_start3A_2310 = arith.constant 384 : i32
    %dma_start3A_2311 = arith.constant 0 : i32
    %dma_start3A_2312 = tpu.memref_slice %arg7[%dma_start3A_2310, %dma_start3A_2311] : memref<1600x64xf32, #tpu.memory_space<vmem>> -> memref<64x64xf32, #tpu.memory_space<vmem>>
    %dma_start3A_2313 = arith.constant 0 : i32
    %dma_start3A_2314 = tpu.memref_slice %arg4[%dma_start3A_2309, %mul3A_2308, %dma_start3A_2313] : memref<25x2048x64xf32, #tpu.memory_space<hbm>> -> memref<1x64x64xf32, #tpu.memory_space<hbm>>
    %dma_start3A_2315 = tpu.memref_squeeze %dma_start3A_2314 : memref<1x64x64xf32, #tpu.memory_space<hbm>> -> memref<64x64xf32, #tpu.memory_space<hbm>>
    %dma_start3A_2316 = arith.constant 0 : i32
    %dma_start3A_2317 = tpu.memref_slice %arg4[%dma_start3A_2309, %mul3A_2308, %dma_start3A_2316] : memref<25x2048x64xf32, #tpu.memory_space<hbm>> -> memref<1x64x64xf32, #tpu.memory_space<hbm>>
    %dma_start3A_2318 = tpu.memref_squeeze %dma_start3A_2317 : memref<1x64x64xf32, #tpu.memory_space<hbm>> -> memref<64x64xf32, #tpu.memory_space<hbm>>
    %dma_start3A_2319 = arith.constant 384 : i32
    %dma_start3A_2320 = arith.constant 0 : i32
    %dma_start3A_2321 = tpu.memref_slice %arg7[%dma_start3A_2319, %dma_start3A_2320] : memref<1600x64xf32, #tpu.memory_space<vmem>> -> memref<64x64xf32, #tpu.memory_space<vmem>>
    tpu.enqueue_dma source(%dma_start3A_2321 : memref<64x64xf32, #tpu.memory_space<vmem>>) target(%dma_start3A_2318 : memref<64x64xf32, #tpu.memory_space<hbm>>) target_semaphore(%arg9 : memref<!tpu.dma_semaphore, #tpu.memory_space<semaphore_mem>>)
    %mul3A_2322 = arith.constant 64 : i32
    %mul3A_2323 = arith.muli %add3A, %mul3A_2322 : i32
    %dma_start3A_2324 = arith.constant 7 : i32
    %dma_start3A_2325 = arith.constant 448 : i32
    %dma_start3A_2326 = arith.constant 0 : i32
    %dma_start3A_2327 = tpu.memref_slice %arg7[%dma_start3A_2325, %dma_start3A_2326] : memref<1600x64xf32, #tpu.memory_space<vmem>> -> memref<64x64xf32, #tpu.memory_space<vmem>>
    %dma_start3A_2328 = arith.constant 0 : i32
    %dma_start3A_2329 = tpu.memref_slice %arg4[%dma_start3A_2324, %mul3A_2323, %dma_start3A_2328] : memref<25x2048x64xf32, #tpu.memory_space<hbm>> -> memref<1x64x64xf32, #tpu.memory_space<hbm>>
    %dma_start3A_2330 = tpu.memref_squeeze %dma_start3A_2329 : memref<1x64x64xf32, #tpu.memory_space<hbm>> -> memref<64x64xf32, #tpu.memory_space<hbm>>
    %dma_start3A_2331 = arith.constant 0 : i32
    %dma_start3A_2332 = tpu.memref_slice %arg4[%dma_start3A_2324, %mul3A_2323, %dma_start3A_2331] : memref<25x2048x64xf32, #tpu.memory_space<hbm>> -> memref<1x64x64xf32, #tpu.memory_space<hbm>>
    %dma_start3A_2333 = tpu.memref_squeeze %dma_start3A_2332 : memref<1x64x64xf32, #tpu.memory_space<hbm>> -> memref<64x64xf32, #tpu.memory_space<hbm>>
    %dma_start3A_2334 = arith.constant 448 : i32
    %dma_start3A_2335 = arith.constant 0 : i32
    %dma_start3A_2336 = tpu.memref_slice %arg7[%dma_start3A_2334, %dma_start3A_2335] : memref<1600x64xf32, #tpu.memory_space<vmem>> -> memref<64x64xf32, #tpu.memory_space<vmem>>
    tpu.enqueue_dma source(%dma_start3A_2336 : memref<64x64xf32, #tpu.memory_space<vmem>>) target(%dma_start3A_2333 : memref<64x64xf32, #tpu.memory_space<hbm>>) target_semaphore(%arg9 : memref<!tpu.dma_semaphore, #tpu.memory_space<semaphore_mem>>)
    %mul3A_2337 = arith.constant 64 : i32
    %mul3A_2338 = arith.muli %add3A, %mul3A_2337 : i32
    %dma_start3A_2339 = arith.constant 8 : i32
    %dma_start3A_2340 = arith.constant 512 : i32
    %dma_start3A_2341 = arith.constant 0 : i32
    %dma_start3A_2342 = tpu.memref_slice %arg7[%dma_start3A_2340, %dma_start3A_2341] : memref<1600x64xf32, #tpu.memory_space<vmem>> -> memref<64x64xf32, #tpu.memory_space<vmem>>
    %dma_start3A_2343 = arith.constant 0 : i32
    %dma_start3A_2344 = tpu.memref_slice %arg4[%dma_start3A_2339, %mul3A_2338, %dma_start3A_2343] : memref<25x2048x64xf32, #tpu.memory_space<hbm>> -> memref<1x64x64xf32, #tpu.memory_space<hbm>>
    %dma_start3A_2345 = tpu.memref_squeeze %dma_start3A_2344 : memref<1x64x64xf32, #tpu.memory_space<hbm>> -> memref<64x64xf32, #tpu.memory_space<hbm>>
    %dma_start3A_2346 = arith.constant 0 : i32
    %dma_start3A_2347 = tpu.memref_slice %arg4[%dma_start3A_2339, %mul3A_2338, %dma_start3A_2346] : memref<25x2048x64xf32, #tpu.memory_space<hbm>> -> memref<1x64x64xf32, #tpu.memory_space<hbm>>
    %dma_start3A_2348 = tpu.memref_squeeze %dma_start3A_2347 : memref<1x64x64xf32, #tpu.memory_space<hbm>> -> memref<64x64xf32, #tpu.memory_space<hbm>>
    %dma_start3A_2349 = arith.constant 512 : i32
    %dma_start3A_2350 = arith.constant 0 : i32
    %dma_start3A_2351 = tpu.memref_slice %arg7[%dma_start3A_2349, %dma_start3A_2350] : memref<1600x64xf32, #tpu.memory_space<vmem>> -> memref<64x64xf32, #tpu.memory_space<vmem>>
    tpu.enqueue_dma source(%dma_start3A_2351 : memref<64x64xf32, #tpu.memory_space<vmem>>) target(%dma_start3A_2348 : memref<64x64xf32, #tpu.memory_space<hbm>>) target_semaphore(%arg9 : memref<!tpu.dma_semaphore, #tpu.memory_space<semaphore_mem>>)
    %mul3A_2352 = arith.constant 64 : i32
    %mul3A_2353 = arith.muli %add3A, %mul3A_2352 : i32
    %dma_start3A_2354 = arith.constant 9 : i32
    %dma_start3A_2355 = arith.constant 576 : i32
    %dma_start3A_2356 = arith.constant 0 : i32
    %dma_start3A_2357 = tpu.memref_slice %arg7[%dma_start3A_2355, %dma_start3A_2356] : memref<1600x64xf32, #tpu.memory_space<vmem>> -> memref<64x64xf32, #tpu.memory_space<vmem>>
    %dma_start3A_2358 = arith.constant 0 : i32
    %dma_start3A_2359 = tpu.memref_slice %arg4[%dma_start3A_2354, %mul3A_2353, %dma_start3A_2358] : memref<25x2048x64xf32, #tpu.memory_space<hbm>> -> memref<1x64x64xf32, #tpu.memory_space<hbm>>
    %dma_start3A_2360 = tpu.memref_squeeze %dma_start3A_2359 : memref<1x64x64xf32, #tpu.memory_space<hbm>> -> memref<64x64xf32, #tpu.memory_space<hbm>>
    %dma_start3A_2361 = arith.constant 0 : i32
    %dma_start3A_2362 = tpu.memref_slice %arg4[%dma_start3A_2354, %mul3A_2353, %dma_start3A_2361] : memref<25x2048x64xf32, #tpu.memory_space<hbm>> -> memref<1x64x64xf32, #tpu.memory_space<hbm>>
    %dma_start3A_2363 = tpu.memref_squeeze %dma_start3A_2362 : memref<1x64x64xf32, #tpu.memory_space<hbm>> -> memref<64x64xf32, #tpu.memory_space<hbm>>
    %dma_start3A_2364 = arith.constant 576 : i32
    %dma_start3A_2365 = arith.constant 0 : i32
    %dma_start3A_2366 = tpu.memref_slice %arg7[%dma_start3A_2364, %dma_start3A_2365] : memref<1600x64xf32, #tpu.memory_space<vmem>> -> memref<64x64xf32, #tpu.memory_space<vmem>>
    tpu.enqueue_dma source(%dma_start3A_2366 : memref<64x64xf32, #tpu.memory_space<vmem>>) target(%dma_start3A_2363 : memref<64x64xf32, #tpu.memory_space<hbm>>) target_semaphore(%arg9 : memref<!tpu.dma_semaphore, #tpu.memory_space<semaphore_mem>>)
    %mul3A_2367 = arith.constant 64 : i32
    %mul3A_2368 = arith.muli %add3A, %mul3A_2367 : i32
    %dma_start3A_2369 = arith.constant 10 : i32
    %dma_start3A_2370 = arith.constant 640 : i32
    %dma_start3A_2371 = arith.constant 0 : i32
    %dma_start3A_2372 = tpu.memref_slice %arg7[%dma_start3A_2370, %dma_start3A_2371] : memref<1600x64xf32, #tpu.memory_space<vmem>> -> memref<64x64xf32, #tpu.memory_space<vmem>>
    %dma_start3A_2373 = arith.constant 0 : i32
    %dma_start3A_2374 = tpu.memref_slice %arg4[%dma_start3A_2369, %mul3A_2368, %dma_start3A_2373] : memref<25x2048x64xf32, #tpu.memory_space<hbm>> -> memref<1x64x64xf32, #tpu.memory_space<hbm>>
    %dma_start3A_2375 = tpu.memref_squeeze %dma_start3A_2374 : memref<1x64x64xf32, #tpu.memory_space<hbm>> -> memref<64x64xf32, #tpu.memory_space<hbm>>
    %dma_start3A_2376 = arith.constant 0 : i32
    %dma_start3A_2377 = tpu.memref_slice %arg4[%dma_start3A_2369, %mul3A_2368, %dma_start3A_2376] : memref<25x2048x64xf32, #tpu.memory_space<hbm>> -> memref<1x64x64xf32, #tpu.memory_space<hbm>>
    %dma_start3A_2378 = tpu.memref_squeeze %dma_start3A_2377 : memref<1x64x64xf32, #tpu.memory_space<hbm>> -> memref<64x64xf32, #tpu.memory_space<hbm>>
    %dma_start3A_2379 = arith.constant 640 : i32
    %dma_start3A_2380 = arith.constant 0 : i32
    %dma_start3A_2381 = tpu.memref_slice %arg7[%dma_start3A_2379, %dma_start3A_2380] : memref<1600x64xf32, #tpu.memory_space<vmem>> -> memref<64x64xf32, #tpu.memory_space<vmem>>
    tpu.enqueue_dma source(%dma_start3A_2381 : memref<64x64xf32, #tpu.memory_space<vmem>>) target(%dma_start3A_2378 : memref<64x64xf32, #tpu.memory_space<hbm>>) target_semaphore(%arg9 : memref<!tpu.dma_semaphore, #tpu.memory_space<semaphore_mem>>)
    %mul3A_2382 = arith.constant 64 : i32
    %mul3A_2383 = arith.muli %add3A, %mul3A_2382 : i32
    %dma_start3A_2384 = arith.constant 11 : i32
    %dma_start3A_2385 = arith.constant 704 : i32
    %dma_start3A_2386 = arith.constant 0 : i32
    %dma_start3A_2387 = tpu.memref_slice %arg7[%dma_start3A_2385, %dma_start3A_2386] : memref<1600x64xf32, #tpu.memory_space<vmem>> -> memref<64x64xf32, #tpu.memory_space<vmem>>
    %dma_start3A_2388 = arith.constant 0 : i32
    %dma_start3A_2389 = tpu.memref_slice %arg4[%dma_start3A_2384, %mul3A_2383, %dma_start3A_2388] : memref<25x2048x64xf32, #tpu.memory_space<hbm>> -> memref<1x64x64xf32, #tpu.memory_space<hbm>>
    %dma_start3A_2390 = tpu.memref_squeeze %dma_start3A_2389 : memref<1x64x64xf32, #tpu.memory_space<hbm>> -> memref<64x64xf32, #tpu.memory_space<hbm>>
    %dma_start3A_2391 = arith.constant 0 : i32
    %dma_start3A_2392 = tpu.memref_slice %arg4[%dma_start3A_2384, %mul3A_2383, %dma_start3A_2391] : memref<25x2048x64xf32, #tpu.memory_space<hbm>> -> memref<1x64x64xf32, #tpu.memory_space<hbm>>
    %dma_start3A_2393 = tpu.memref_squeeze %dma_start3A_2392 : memref<1x64x64xf32, #tpu.memory_space<hbm>> -> memref<64x64xf32, #tpu.memory_space<hbm>>
    %dma_start3A_2394 = arith.constant 704 : i32
    %dma_start3A_2395 = arith.constant 0 : i32
    %dma_start3A_2396 = tpu.memref_slice %arg7[%dma_start3A_2394, %dma_start3A_2395] : memref<1600x64xf32, #tpu.memory_space<vmem>> -> memref<64x64xf32, #tpu.memory_space<vmem>>
    tpu.enqueue_dma source(%dma_start3A_2396 : memref<64x64xf32, #tpu.memory_space<vmem>>) target(%dma_start3A_2393 : memref<64x64xf32, #tpu.memory_space<hbm>>) target_semaphore(%arg9 : memref<!tpu.dma_semaphore, #tpu.memory_space<semaphore_mem>>)
    %mul3A_2397 = arith.constant 64 : i32
    %mul3A_2398 = arith.muli %add3A, %mul3A_2397 : i32
    %dma_start3A_2399 = arith.constant 12 : i32
    %dma_start3A_2400 = arith.constant 768 : i32
    %dma_start3A_2401 = arith.constant 0 : i32
    %dma_start3A_2402 = tpu.memref_slice %arg7[%dma_start3A_2400, %dma_start3A_2401] : memref<1600x64xf32, #tpu.memory_space<vmem>> -> memref<64x64xf32, #tpu.memory_space<vmem>>
    %dma_start3A_2403 = arith.constant 0 : i32
    %dma_start3A_2404 = tpu.memref_slice %arg4[%dma_start3A_2399, %mul3A_2398, %dma_start3A_2403] : memref<25x2048x64xf32, #tpu.memory_space<hbm>> -> memref<1x64x64xf32, #tpu.memory_space<hbm>>
    %dma_start3A_2405 = tpu.memref_squeeze %dma_start3A_2404 : memref<1x64x64xf32, #tpu.memory_space<hbm>> -> memref<64x64xf32, #tpu.memory_space<hbm>>
    %dma_start3A_2406 = arith.constant 0 : i32
    %dma_start3A_2407 = tpu.memref_slice %arg4[%dma_start3A_2399, %mul3A_2398, %dma_start3A_2406] : memref<25x2048x64xf32, #tpu.memory_space<hbm>> -> memref<1x64x64xf32, #tpu.memory_space<hbm>>
    %dma_start3A_2408 = tpu.memref_squeeze %dma_start3A_2407 : memref<1x64x64xf32, #tpu.memory_space<hbm>> -> memref<64x64xf32, #tpu.memory_space<hbm>>
    %dma_start3A_2409 = arith.constant 768 : i32
    %dma_start3A_2410 = arith.constant 0 : i32
    %dma_start3A_2411 = tpu.memref_slice %arg7[%dma_start3A_2409, %dma_start3A_2410] : memref<1600x64xf32, #tpu.memory_space<vmem>> -> memref<64x64xf32, #tpu.memory_space<vmem>>
    tpu.enqueue_dma source(%dma_start3A_2411 : memref<64x64xf32, #tpu.memory_space<vmem>>) target(%dma_start3A_2408 : memref<64x64xf32, #tpu.memory_space<hbm>>) target_semaphore(%arg9 : memref<!tpu.dma_semaphore, #tpu.memory_space<semaphore_mem>>)
    %mul3A_2412 = arith.constant 64 : i32
    %mul3A_2413 = arith.muli %add3A, %mul3A_2412 : i32
    %dma_start3A_2414 = arith.constant 13 : i32
    %dma_start3A_2415 = arith.constant 832 : i32
    %dma_start3A_2416 = arith.constant 0 : i32
    %dma_start3A_2417 = tpu.memref_slice %arg7[%dma_start3A_2415, %dma_start3A_2416] : memref<1600x64xf32, #tpu.memory_space<vmem>> -> memref<64x64xf32, #tpu.memory_space<vmem>>
    %dma_start3A_2418 = arith.constant 0 : i32
    %dma_start3A_2419 = tpu.memref_slice %arg4[%dma_start3A_2414, %mul3A_2413, %dma_start3A_2418] : memref<25x2048x64xf32, #tpu.memory_space<hbm>> -> memref<1x64x64xf32, #tpu.memory_space<hbm>>
    %dma_start3A_2420 = tpu.memref_squeeze %dma_start3A_2419 : memref<1x64x64xf32, #tpu.memory_space<hbm>> -> memref<64x64xf32, #tpu.memory_space<hbm>>
    %dma_start3A_2421 = arith.constant 0 : i32
    %dma_start3A_2422 = tpu.memref_slice %arg4[%dma_start3A_2414, %mul3A_2413, %dma_start3A_2421] : memref<25x2048x64xf32, #tpu.memory_space<hbm>> -> memref<1x64x64xf32, #tpu.memory_space<hbm>>
    %dma_start3A_2423 = tpu.memref_squeeze %dma_start3A_2422 : memref<1x64x64xf32, #tpu.memory_space<hbm>> -> memref<64x64xf32, #tpu.memory_space<hbm>>
    %dma_start3A_2424 = arith.constant 832 : i32
    %dma_start3A_2425 = arith.constant 0 : i32
    %dma_start3A_2426 = tpu.memref_slice %arg7[%dma_start3A_2424, %dma_start3A_2425] : memref<1600x64xf32, #tpu.memory_space<vmem>> -> memref<64x64xf32, #tpu.memory_space<vmem>>
    tpu.enqueue_dma source(%dma_start3A_2426 : memref<64x64xf32, #tpu.memory_space<vmem>>) target(%dma_start3A_2423 : memref<64x64xf32, #tpu.memory_space<hbm>>) target_semaphore(%arg9 : memref<!tpu.dma_semaphore, #tpu.memory_space<semaphore_mem>>)
    %mul3A_2427 = arith.constant 64 : i32
    %mul3A_2428 = arith.muli %add3A, %mul3A_2427 : i32
    %dma_start3A_2429 = arith.constant 14 : i32
    %dma_start3A_2430 = arith.constant 896 : i32
    %dma_start3A_2431 = arith.constant 0 : i32
    %dma_start3A_2432 = tpu.memref_slice %arg7[%dma_start3A_2430, %dma_start3A_2431] : memref<1600x64xf32, #tpu.memory_space<vmem>> -> memref<64x64xf32, #tpu.memory_space<vmem>>
    %dma_start3A_2433 = arith.constant 0 : i32
    %dma_start3A_2434 = tpu.memref_slice %arg4[%dma_start3A_2429, %mul3A_2428, %dma_start3A_2433] : memref<25x2048x64xf32, #tpu.memory_space<hbm>> -> memref<1x64x64xf32, #tpu.memory_space<hbm>>
    %dma_start3A_2435 = tpu.memref_squeeze %dma_start3A_2434 : memref<1x64x64xf32, #tpu.memory_space<hbm>> -> memref<64x64xf32, #tpu.memory_space<hbm>>
    %dma_start3A_2436 = arith.constant 0 : i32
    %dma_start3A_2437 = tpu.memref_slice %arg4[%dma_start3A_2429, %mul3A_2428, %dma_start3A_2436] : memref<25x2048x64xf32, #tpu.memory_space<hbm>> -> memref<1x64x64xf32, #tpu.memory_space<hbm>>
    %dma_start3A_2438 = tpu.memref_squeeze %dma_start3A_2437 : memref<1x64x64xf32, #tpu.memory_space<hbm>> -> memref<64x64xf32, #tpu.memory_space<hbm>>
    %dma_start3A_2439 = arith.constant 896 : i32
    %dma_start3A_2440 = arith.constant 0 : i32
    %dma_start3A_2441 = tpu.memref_slice %arg7[%dma_start3A_2439, %dma_start3A_2440] : memref<1600x64xf32, #tpu.memory_space<vmem>> -> memref<64x64xf32, #tpu.memory_space<vmem>>
    tpu.enqueue_dma source(%dma_start3A_2441 : memref<64x64xf32, #tpu.memory_space<vmem>>) target(%dma_start3A_2438 : memref<64x64xf32, #tpu.memory_space<hbm>>) target_semaphore(%arg9 : memref<!tpu.dma_semaphore, #tpu.memory_space<semaphore_mem>>)
    %mul3A_2442 = arith.constant 64 : i32
    %mul3A_2443 = arith.muli %add3A, %mul3A_2442 : i32
    %dma_start3A_2444 = arith.constant 15 : i32
    %dma_start3A_2445 = arith.constant 960 : i32
    %dma_start3A_2446 = arith.constant 0 : i32
    %dma_start3A_2447 = tpu.memref_slice %arg7[%dma_start3A_2445, %dma_start3A_2446] : memref<1600x64xf32, #tpu.memory_space<vmem>> -> memref<64x64xf32, #tpu.memory_space<vmem>>
    %dma_start3A_2448 = arith.constant 0 : i32
    %dma_start3A_2449 = tpu.memref_slice %arg4[%dma_start3A_2444, %mul3A_2443, %dma_start3A_2448] : memref<25x2048x64xf32, #tpu.memory_space<hbm>> -> memref<1x64x64xf32, #tpu.memory_space<hbm>>
    %dma_start3A_2450 = tpu.memref_squeeze %dma_start3A_2449 : memref<1x64x64xf32, #tpu.memory_space<hbm>> -> memref<64x64xf32, #tpu.memory_space<hbm>>
    %dma_start3A_2451 = arith.constant 0 : i32
    %dma_start3A_2452 = tpu.memref_slice %arg4[%dma_start3A_2444, %mul3A_2443, %dma_start3A_2451] : memref<25x2048x64xf32, #tpu.memory_space<hbm>> -> memref<1x64x64xf32, #tpu.memory_space<hbm>>
    %dma_start3A_2453 = tpu.memref_squeeze %dma_start3A_2452 : memref<1x64x64xf32, #tpu.memory_space<hbm>> -> memref<64x64xf32, #tpu.memory_space<hbm>>
    %dma_start3A_2454 = arith.constant 960 : i32
    %dma_start3A_2455 = arith.constant 0 : i32
    %dma_start3A_2456 = tpu.memref_slice %arg7[%dma_start3A_2454, %dma_start3A_2455] : memref<1600x64xf32, #tpu.memory_space<vmem>> -> memref<64x64xf32, #tpu.memory_space<vmem>>
    tpu.enqueue_dma source(%dma_start3A_2456 : memref<64x64xf32, #tpu.memory_space<vmem>>) target(%dma_start3A_2453 : memref<64x64xf32, #tpu.memory_space<hbm>>) target_semaphore(%arg9 : memref<!tpu.dma_semaphore, #tpu.memory_space<semaphore_mem>>)
    %mul3A_2457 = arith.constant 64 : i32
    %mul3A_2458 = arith.muli %add3A, %mul3A_2457 : i32
    %dma_start3A_2459 = arith.constant 16 : i32
    %dma_start3A_2460 = arith.constant 1024 : i32
    %dma_start3A_2461 = arith.constant 0 : i32
    %dma_start3A_2462 = tpu.memref_slice %arg7[%dma_start3A_2460, %dma_start3A_2461] : memref<1600x64xf32, #tpu.memory_space<vmem>> -> memref<64x64xf32, #tpu.memory_space<vmem>>
    %dma_start3A_2463 = arith.constant 0 : i32
    %dma_start3A_2464 = tpu.memref_slice %arg4[%dma_start3A_2459, %mul3A_2458, %dma_start3A_2463] : memref<25x2048x64xf32, #tpu.memory_space<hbm>> -> memref<1x64x64xf32, #tpu.memory_space<hbm>>
    %dma_start3A_2465 = tpu.memref_squeeze %dma_start3A_2464 : memref<1x64x64xf32, #tpu.memory_space<hbm>> -> memref<64x64xf32, #tpu.memory_space<hbm>>
    %dma_start3A_2466 = arith.constant 0 : i32
    %dma_start3A_2467 = tpu.memref_slice %arg4[%dma_start3A_2459, %mul3A_2458, %dma_start3A_2466] : memref<25x2048x64xf32, #tpu.memory_space<hbm>> -> memref<1x64x64xf32, #tpu.memory_space<hbm>>
    %dma_start3A_2468 = tpu.memref_squeeze %dma_start3A_2467 : memref<1x64x64xf32, #tpu.memory_space<hbm>> -> memref<64x64xf32, #tpu.memory_space<hbm>>
    %dma_start3A_2469 = arith.constant 1024 : i32
    %dma_start3A_2470 = arith.constant 0 : i32
    %dma_start3A_2471 = tpu.memref_slice %arg7[%dma_start3A_2469, %dma_start3A_2470] : memref<1600x64xf32, #tpu.memory_space<vmem>> -> memref<64x64xf32, #tpu.memory_space<vmem>>
    tpu.enqueue_dma source(%dma_start3A_2471 : memref<64x64xf32, #tpu.memory_space<vmem>>) target(%dma_start3A_2468 : memref<64x64xf32, #tpu.memory_space<hbm>>) target_semaphore(%arg9 : memref<!tpu.dma_semaphore, #tpu.memory_space<semaphore_mem>>)
    %mul3A_2472 = arith.constant 64 : i32
    %mul3A_2473 = arith.muli %add3A, %mul3A_2472 : i32
    %dma_start3A_2474 = arith.constant 17 : i32
    %dma_start3A_2475 = arith.constant 1088 : i32
    %dma_start3A_2476 = arith.constant 0 : i32
    %dma_start3A_2477 = tpu.memref_slice %arg7[%dma_start3A_2475, %dma_start3A_2476] : memref<1600x64xf32, #tpu.memory_space<vmem>> -> memref<64x64xf32, #tpu.memory_space<vmem>>
    %dma_start3A_2478 = arith.constant 0 : i32
    %dma_start3A_2479 = tpu.memref_slice %arg4[%dma_start3A_2474, %mul3A_2473, %dma_start3A_2478] : memref<25x2048x64xf32, #tpu.memory_space<hbm>> -> memref<1x64x64xf32, #tpu.memory_space<hbm>>
    %dma_start3A_2480 = tpu.memref_squeeze %dma_start3A_2479 : memref<1x64x64xf32, #tpu.memory_space<hbm>> -> memref<64x64xf32, #tpu.memory_space<hbm>>
    %dma_start3A_2481 = arith.constant 0 : i32
    %dma_start3A_2482 = tpu.memref_slice %arg4[%dma_start3A_2474, %mul3A_2473, %dma_start3A_2481] : memref<25x2048x64xf32, #tpu.memory_space<hbm>> -> memref<1x64x64xf32, #tpu.memory_space<hbm>>
    %dma_start3A_2483 = tpu.memref_squeeze %dma_start3A_2482 : memref<1x64x64xf32, #tpu.memory_space<hbm>> -> memref<64x64xf32, #tpu.memory_space<hbm>>
    %dma_start3A_2484 = arith.constant 1088 : i32
    %dma_start3A_2485 = arith.constant 0 : i32
    %dma_start3A_2486 = tpu.memref_slice %arg7[%dma_start3A_2484, %dma_start3A_2485] : memref<1600x64xf32, #tpu.memory_space<vmem>> -> memref<64x64xf32, #tpu.memory_space<vmem>>
    tpu.enqueue_dma source(%dma_start3A_2486 : memref<64x64xf32, #tpu.memory_space<vmem>>) target(%dma_start3A_2483 : memref<64x64xf32, #tpu.memory_space<hbm>>) target_semaphore(%arg9 : memref<!tpu.dma_semaphore, #tpu.memory_space<semaphore_mem>>)
    %mul3A_2487 = arith.constant 64 : i32
    %mul3A_2488 = arith.muli %add3A, %mul3A_2487 : i32
    %dma_start3A_2489 = arith.constant 18 : i32
    %dma_start3A_2490 = arith.constant 1152 : i32
    %dma_start3A_2491 = arith.constant 0 : i32
    %dma_start3A_2492 = tpu.memref_slice %arg7[%dma_start3A_2490, %dma_start3A_2491] : memref<1600x64xf32, #tpu.memory_space<vmem>> -> memref<64x64xf32, #tpu.memory_space<vmem>>
    %dma_start3A_2493 = arith.constant 0 : i32
    %dma_start3A_2494 = tpu.memref_slice %arg4[%dma_start3A_2489, %mul3A_2488, %dma_start3A_2493] : memref<25x2048x64xf32, #tpu.memory_space<hbm>> -> memref<1x64x64xf32, #tpu.memory_space<hbm>>
    %dma_start3A_2495 = tpu.memref_squeeze %dma_start3A_2494 : memref<1x64x64xf32, #tpu.memory_space<hbm>> -> memref<64x64xf32, #tpu.memory_space<hbm>>
    %dma_start3A_2496 = arith.constant 0 : i32
    %dma_start3A_2497 = tpu.memref_slice %arg4[%dma_start3A_2489, %mul3A_2488, %dma_start3A_2496] : memref<25x2048x64xf32, #tpu.memory_space<hbm>> -> memref<1x64x64xf32, #tpu.memory_space<hbm>>
    %dma_start3A_2498 = tpu.memref_squeeze %dma_start3A_2497 : memref<1x64x64xf32, #tpu.memory_space<hbm>> -> memref<64x64xf32, #tpu.memory_space<hbm>>
    %dma_start3A_2499 = arith.constant 1152 : i32
    %dma_start3A_2500 = arith.constant 0 : i32
    %dma_start3A_2501 = tpu.memref_slice %arg7[%dma_start3A_2499, %dma_start3A_2500] : memref<1600x64xf32, #tpu.memory_space<vmem>> -> memref<64x64xf32, #tpu.memory_space<vmem>>
    tpu.enqueue_dma source(%dma_start3A_2501 : memref<64x64xf32, #tpu.memory_space<vmem>>) target(%dma_start3A_2498 : memref<64x64xf32, #tpu.memory_space<hbm>>) target_semaphore(%arg9 : memref<!tpu.dma_semaphore, #tpu.memory_space<semaphore_mem>>)
    %mul3A_2502 = arith.constant 64 : i32
    %mul3A_2503 = arith.muli %add3A, %mul3A_2502 : i32
    %dma_start3A_2504 = arith.constant 19 : i32
    %dma_start3A_2505 = arith.constant 1216 : i32
    %dma_start3A_2506 = arith.constant 0 : i32
    %dma_start3A_2507 = tpu.memref_slice %arg7[%dma_start3A_2505, %dma_start3A_2506] : memref<1600x64xf32, #tpu.memory_space<vmem>> -> memref<64x64xf32, #tpu.memory_space<vmem>>
    %dma_start3A_2508 = arith.constant 0 : i32
    %dma_start3A_2509 = tpu.memref_slice %arg4[%dma_start3A_2504, %mul3A_2503, %dma_start3A_2508] : memref<25x2048x64xf32, #tpu.memory_space<hbm>> -> memref<1x64x64xf32, #tpu.memory_space<hbm>>
    %dma_start3A_2510 = tpu.memref_squeeze %dma_start3A_2509 : memref<1x64x64xf32, #tpu.memory_space<hbm>> -> memref<64x64xf32, #tpu.memory_space<hbm>>
    %dma_start3A_2511 = arith.constant 0 : i32
    %dma_start3A_2512 = tpu.memref_slice %arg4[%dma_start3A_2504, %mul3A_2503, %dma_start3A_2511] : memref<25x2048x64xf32, #tpu.memory_space<hbm>> -> memref<1x64x64xf32, #tpu.memory_space<hbm>>
    %dma_start3A_2513 = tpu.memref_squeeze %dma_start3A_2512 : memref<1x64x64xf32, #tpu.memory_space<hbm>> -> memref<64x64xf32, #tpu.memory_space<hbm>>
    %dma_start3A_2514 = arith.constant 1216 : i32
    %dma_start3A_2515 = arith.constant 0 : i32
    %dma_start3A_2516 = tpu.memref_slice %arg7[%dma_start3A_2514, %dma_start3A_2515] : memref<1600x64xf32, #tpu.memory_space<vmem>> -> memref<64x64xf32, #tpu.memory_space<vmem>>
    tpu.enqueue_dma source(%dma_start3A_2516 : memref<64x64xf32, #tpu.memory_space<vmem>>) target(%dma_start3A_2513 : memref<64x64xf32, #tpu.memory_space<hbm>>) target_semaphore(%arg9 : memref<!tpu.dma_semaphore, #tpu.memory_space<semaphore_mem>>)
    %mul3A_2517 = arith.constant 64 : i32
    %mul3A_2518 = arith.muli %add3A, %mul3A_2517 : i32
    %dma_start3A_2519 = arith.constant 20 : i32
    %dma_start3A_2520 = arith.constant 1280 : i32
    %dma_start3A_2521 = arith.constant 0 : i32
    %dma_start3A_2522 = tpu.memref_slice %arg7[%dma_start3A_2520, %dma_start3A_2521] : memref<1600x64xf32, #tpu.memory_space<vmem>> -> memref<64x64xf32, #tpu.memory_space<vmem>>
    %dma_start3A_2523 = arith.constant 0 : i32
    %dma_start3A_2524 = tpu.memref_slice %arg4[%dma_start3A_2519, %mul3A_2518, %dma_start3A_2523] : memref<25x2048x64xf32, #tpu.memory_space<hbm>> -> memref<1x64x64xf32, #tpu.memory_space<hbm>>
    %dma_start3A_2525 = tpu.memref_squeeze %dma_start3A_2524 : memref<1x64x64xf32, #tpu.memory_space<hbm>> -> memref<64x64xf32, #tpu.memory_space<hbm>>
    %dma_start3A_2526 = arith.constant 0 : i32
    %dma_start3A_2527 = tpu.memref_slice %arg4[%dma_start3A_2519, %mul3A_2518, %dma_start3A_2526] : memref<25x2048x64xf32, #tpu.memory_space<hbm>> -> memref<1x64x64xf32, #tpu.memory_space<hbm>>
    %dma_start3A_2528 = tpu.memref_squeeze %dma_start3A_2527 : memref<1x64x64xf32, #tpu.memory_space<hbm>> -> memref<64x64xf32, #tpu.memory_space<hbm>>
    %dma_start3A_2529 = arith.constant 1280 : i32
    %dma_start3A_2530 = arith.constant 0 : i32
    %dma_start3A_2531 = tpu.memref_slice %arg7[%dma_start3A_2529, %dma_start3A_2530] : memref<1600x64xf32, #tpu.memory_space<vmem>> -> memref<64x64xf32, #tpu.memory_space<vmem>>
    tpu.enqueue_dma source(%dma_start3A_2531 : memref<64x64xf32, #tpu.memory_space<vmem>>) target(%dma_start3A_2528 : memref<64x64xf32, #tpu.memory_space<hbm>>) target_semaphore(%arg9 : memref<!tpu.dma_semaphore, #tpu.memory_space<semaphore_mem>>)
    %mul3A_2532 = arith.constant 64 : i32
    %mul3A_2533 = arith.muli %add3A, %mul3A_2532 : i32
    %dma_start3A_2534 = arith.constant 21 : i32
    %dma_start3A_2535 = arith.constant 1344 : i32
    %dma_start3A_2536 = arith.constant 0 : i32
    %dma_start3A_2537 = tpu.memref_slice %arg7[%dma_start3A_2535, %dma_start3A_2536] : memref<1600x64xf32, #tpu.memory_space<vmem>> -> memref<64x64xf32, #tpu.memory_space<vmem>>
    %dma_start3A_2538 = arith.constant 0 : i32
    %dma_start3A_2539 = tpu.memref_slice %arg4[%dma_start3A_2534, %mul3A_2533, %dma_start3A_2538] : memref<25x2048x64xf32, #tpu.memory_space<hbm>> -> memref<1x64x64xf32, #tpu.memory_space<hbm>>
    %dma_start3A_2540 = tpu.memref_squeeze %dma_start3A_2539 : memref<1x64x64xf32, #tpu.memory_space<hbm>> -> memref<64x64xf32, #tpu.memory_space<hbm>>
    %dma_start3A_2541 = arith.constant 0 : i32
    %dma_start3A_2542 = tpu.memref_slice %arg4[%dma_start3A_2534, %mul3A_2533, %dma_start3A_2541] : memref<25x2048x64xf32, #tpu.memory_space<hbm>> -> memref<1x64x64xf32, #tpu.memory_space<hbm>>
    %dma_start3A_2543 = tpu.memref_squeeze %dma_start3A_2542 : memref<1x64x64xf32, #tpu.memory_space<hbm>> -> memref<64x64xf32, #tpu.memory_space<hbm>>
    %dma_start3A_2544 = arith.constant 1344 : i32
    %dma_start3A_2545 = arith.constant 0 : i32
    %dma_start3A_2546 = tpu.memref_slice %arg7[%dma_start3A_2544, %dma_start3A_2545] : memref<1600x64xf32, #tpu.memory_space<vmem>> -> memref<64x64xf32, #tpu.memory_space<vmem>>
    tpu.enqueue_dma source(%dma_start3A_2546 : memref<64x64xf32, #tpu.memory_space<vmem>>) target(%dma_start3A_2543 : memref<64x64xf32, #tpu.memory_space<hbm>>) target_semaphore(%arg9 : memref<!tpu.dma_semaphore, #tpu.memory_space<semaphore_mem>>)
    %mul3A_2547 = arith.constant 64 : i32
    %mul3A_2548 = arith.muli %add3A, %mul3A_2547 : i32
    %dma_start3A_2549 = arith.constant 22 : i32
    %dma_start3A_2550 = arith.constant 1408 : i32
    %dma_start3A_2551 = arith.constant 0 : i32
    %dma_start3A_2552 = tpu.memref_slice %arg7[%dma_start3A_2550, %dma_start3A_2551] : memref<1600x64xf32, #tpu.memory_space<vmem>> -> memref<64x64xf32, #tpu.memory_space<vmem>>
    %dma_start3A_2553 = arith.constant 0 : i32
    %dma_start3A_2554 = tpu.memref_slice %arg4[%dma_start3A_2549, %mul3A_2548, %dma_start3A_2553] : memref<25x2048x64xf32, #tpu.memory_space<hbm>> -> memref<1x64x64xf32, #tpu.memory_space<hbm>>
    %dma_start3A_2555 = tpu.memref_squeeze %dma_start3A_2554 : memref<1x64x64xf32, #tpu.memory_space<hbm>> -> memref<64x64xf32, #tpu.memory_space<hbm>>
    %dma_start3A_2556 = arith.constant 0 : i32
    %dma_start3A_2557 = tpu.memref_slice %arg4[%dma_start3A_2549, %mul3A_2548, %dma_start3A_2556] : memref<25x2048x64xf32, #tpu.memory_space<hbm>> -> memref<1x64x64xf32, #tpu.memory_space<hbm>>
    %dma_start3A_2558 = tpu.memref_squeeze %dma_start3A_2557 : memref<1x64x64xf32, #tpu.memory_space<hbm>> -> memref<64x64xf32, #tpu.memory_space<hbm>>
    %dma_start3A_2559 = arith.constant 1408 : i32
    %dma_start3A_2560 = arith.constant 0 : i32
    %dma_start3A_2561 = tpu.memref_slice %arg7[%dma_start3A_2559, %dma_start3A_2560] : memref<1600x64xf32, #tpu.memory_space<vmem>> -> memref<64x64xf32, #tpu.memory_space<vmem>>
    tpu.enqueue_dma source(%dma_start3A_2561 : memref<64x64xf32, #tpu.memory_space<vmem>>) target(%dma_start3A_2558 : memref<64x64xf32, #tpu.memory_space<hbm>>) target_semaphore(%arg9 : memref<!tpu.dma_semaphore, #tpu.memory_space<semaphore_mem>>)
    %mul3A_2562 = arith.constant 64 : i32
    %mul3A_2563 = arith.muli %add3A, %mul3A_2562 : i32
    %dma_start3A_2564 = arith.constant 23 : i32
    %dma_start3A_2565 = arith.constant 1472 : i32
    %dma_start3A_2566 = arith.constant 0 : i32
    %dma_start3A_2567 = tpu.memref_slice %arg7[%dma_start3A_2565, %dma_start3A_2566] : memref<1600x64xf32, #tpu.memory_space<vmem>> -> memref<64x64xf32, #tpu.memory_space<vmem>>
    %dma_start3A_2568 = arith.constant 0 : i32
    %dma_start3A_2569 = tpu.memref_slice %arg4[%dma_start3A_2564, %mul3A_2563, %dma_start3A_2568] : memref<25x2048x64xf32, #tpu.memory_space<hbm>> -> memref<1x64x64xf32, #tpu.memory_space<hbm>>
    %dma_start3A_2570 = tpu.memref_squeeze %dma_start3A_2569 : memref<1x64x64xf32, #tpu.memory_space<hbm>> -> memref<64x64xf32, #tpu.memory_space<hbm>>
    %dma_start3A_2571 = arith.constant 0 : i32
    %dma_start3A_2572 = tpu.memref_slice %arg4[%dma_start3A_2564, %mul3A_2563, %dma_start3A_2571] : memref<25x2048x64xf32, #tpu.memory_space<hbm>> -> memref<1x64x64xf32, #tpu.memory_space<hbm>>
    %dma_start3A_2573 = tpu.memref_squeeze %dma_start3A_2572 : memref<1x64x64xf32, #tpu.memory_space<hbm>> -> memref<64x64xf32, #tpu.memory_space<hbm>>
    %dma_start3A_2574 = arith.constant 1472 : i32
    %dma_start3A_2575 = arith.constant 0 : i32
    %dma_start3A_2576 = tpu.memref_slice %arg7[%dma_start3A_2574, %dma_start3A_2575] : memref<1600x64xf32, #tpu.memory_space<vmem>> -> memref<64x64xf32, #tpu.memory_space<vmem>>
    tpu.enqueue_dma source(%dma_start3A_2576 : memref<64x64xf32, #tpu.memory_space<vmem>>) target(%dma_start3A_2573 : memref<64x64xf32, #tpu.memory_space<hbm>>) target_semaphore(%arg9 : memref<!tpu.dma_semaphore, #tpu.memory_space<semaphore_mem>>)
    %mul3A_2577 = arith.constant 64 : i32
    %mul3A_2578 = arith.muli %add3A, %mul3A_2577 : i32
    %dma_start3A_2579 = arith.constant 24 : i32
    %dma_start3A_2580 = arith.constant 1536 : i32
    %dma_start3A_2581 = arith.constant 0 : i32
    %dma_start3A_2582 = tpu.memref_slice %arg7[%dma_start3A_2580, %dma_start3A_2581] : memref<1600x64xf32, #tpu.memory_space<vmem>> -> memref<64x64xf32, #tpu.memory_space<vmem>>
    %dma_start3A_2583 = arith.constant 0 : i32
    %dma_start3A_2584 = tpu.memref_slice %arg4[%dma_start3A_2579, %mul3A_2578, %dma_start3A_2583] : memref<25x2048x64xf32, #tpu.memory_space<hbm>> -> memref<1x64x64xf32, #tpu.memory_space<hbm>>
    %dma_start3A_2585 = tpu.memref_squeeze %dma_start3A_2584 : memref<1x64x64xf32, #tpu.memory_space<hbm>> -> memref<64x64xf32, #tpu.memory_space<hbm>>
    %dma_start3A_2586 = arith.constant 0 : i32
    %dma_start3A_2587 = tpu.memref_slice %arg4[%dma_start3A_2579, %mul3A_2578, %dma_start3A_2586] : memref<25x2048x64xf32, #tpu.memory_space<hbm>> -> memref<1x64x64xf32, #tpu.memory_space<hbm>>
    %dma_start3A_2588 = tpu.memref_squeeze %dma_start3A_2587 : memref<1x64x64xf32, #tpu.memory_space<hbm>> -> memref<64x64xf32, #tpu.memory_space<hbm>>
    %dma_start3A_2589 = arith.constant 1536 : i32
    %dma_start3A_2590 = arith.constant 0 : i32
    %dma_start3A_2591 = tpu.memref_slice %arg7[%dma_start3A_2589, %dma_start3A_2590] : memref<1600x64xf32, #tpu.memory_space<vmem>> -> memref<64x64xf32, #tpu.memory_space<vmem>>
    tpu.enqueue_dma source(%dma_start3A_2591 : memref<64x64xf32, #tpu.memory_space<vmem>>) target(%dma_start3A_2588 : memref<64x64xf32, #tpu.memory_space<hbm>>) target_semaphore(%arg9 : memref<!tpu.dma_semaphore, #tpu.memory_space<semaphore_mem>>)
    %dma_wait3A_2592 = arith.constant 0 : i32
    %dma_wait3A_2593 = arith.constant 0 : i32
    %dma_wait3A_2594 = arith.constant 0 : i32
    %dma_wait3A_2595 = tpu.memref_slice %arg7[%dma_wait3A_2593, %dma_wait3A_2594] : memref<1600x64xf32, #tpu.memory_space<vmem>> -> memref<64x64xf32, #tpu.memory_space<vmem>>
    %dma_wait3A_2596 = arith.constant 0 : i32
    %dma_wait3A_2597 = tpu.memref_slice %arg4[%dma_wait3A_2592, %mul3A_2218, %dma_wait3A_2596] : memref<25x2048x64xf32, #tpu.memory_space<hbm>> -> memref<1x64x64xf32, #tpu.memory_space<hbm>>
    %dma_wait3A_2598 = tpu.memref_squeeze %dma_wait3A_2597 : memref<1x64x64xf32, #tpu.memory_space<hbm>> -> memref<64x64xf32, #tpu.memory_space<hbm>>
    %dma_wait3A_2599 = arith.constant 0 : i32
    %dma_wait3A_2600 = tpu.memref_slice %arg4[%dma_wait3A_2592, %mul3A_2218, %dma_wait3A_2599] : memref<25x2048x64xf32, #tpu.memory_space<hbm>> -> memref<1x64x64xf32, #tpu.memory_space<hbm>>
    %dma_wait3A_2601 = tpu.memref_squeeze %dma_wait3A_2600 : memref<1x64x64xf32, #tpu.memory_space<hbm>> -> memref<64x64xf32, #tpu.memory_space<hbm>>
    %dma_wait3A_2602 = arith.constant 0 : i32
    %dma_wait3A_2603 = arith.constant 0 : i32
    %dma_wait3A_2604 = tpu.memref_slice %arg7[%dma_wait3A_2602, %dma_wait3A_2603] : memref<1600x64xf32, #tpu.memory_space<vmem>> -> memref<64x64xf32, #tpu.memory_space<vmem>>
    tpu.wait_dma2 semaphore(%arg9 : memref<!tpu.dma_semaphore, #tpu.memory_space<semaphore_mem>>) src(%dma_wait3A_2604 : memref<64x64xf32, #tpu.memory_space<vmem>>) dst(%dma_wait3A_2601 : memref<64x64xf32, #tpu.memory_space<hbm>>)
    %dma_wait3A_2605 = arith.constant 1 : i32
    %dma_wait3A_2606 = arith.constant 64 : i32
    %dma_wait3A_2607 = arith.constant 0 : i32
    %dma_wait3A_2608 = tpu.memref_slice %arg7[%dma_wait3A_2606, %dma_wait3A_2607] : memref<1600x64xf32, #tpu.memory_space<vmem>> -> memref<64x64xf32, #tpu.memory_space<vmem>>
    %dma_wait3A_2609 = arith.constant 0 : i32
    %dma_wait3A_2610 = tpu.memref_slice %arg4[%dma_wait3A_2605, %mul3A_2233, %dma_wait3A_2609] : memref<25x2048x64xf32, #tpu.memory_space<hbm>> -> memref<1x64x64xf32, #tpu.memory_space<hbm>>
    %dma_wait3A_2611 = tpu.memref_squeeze %dma_wait3A_2610 : memref<1x64x64xf32, #tpu.memory_space<hbm>> -> memref<64x64xf32, #tpu.memory_space<hbm>>
    %dma_wait3A_2612 = arith.constant 0 : i32
    %dma_wait3A_2613 = tpu.memref_slice %arg4[%dma_wait3A_2605, %mul3A_2233, %dma_wait3A_2612] : memref<25x2048x64xf32, #tpu.memory_space<hbm>> -> memref<1x64x64xf32, #tpu.memory_space<hbm>>
    %dma_wait3A_2614 = tpu.memref_squeeze %dma_wait3A_2613 : memref<1x64x64xf32, #tpu.memory_space<hbm>> -> memref<64x64xf32, #tpu.memory_space<hbm>>
    %dma_wait3A_2615 = arith.constant 64 : i32
    %dma_wait3A_2616 = arith.constant 0 : i32
    %dma_wait3A_2617 = tpu.memref_slice %arg7[%dma_wait3A_2615, %dma_wait3A_2616] : memref<1600x64xf32, #tpu.memory_space<vmem>> -> memref<64x64xf32, #tpu.memory_space<vmem>>
    tpu.wait_dma2 semaphore(%arg9 : memref<!tpu.dma_semaphore, #tpu.memory_space<semaphore_mem>>) src(%dma_wait3A_2617 : memref<64x64xf32, #tpu.memory_space<vmem>>) dst(%dma_wait3A_2614 : memref<64x64xf32, #tpu.memory_space<hbm>>)
    %dma_wait3A_2618 = arith.constant 2 : i32
    %dma_wait3A_2619 = arith.constant 128 : i32
    %dma_wait3A_2620 = arith.constant 0 : i32
    %dma_wait3A_2621 = tpu.memref_slice %arg7[%dma_wait3A_2619, %dma_wait3A_2620] : memref<1600x64xf32, #tpu.memory_space<vmem>> -> memref<64x64xf32, #tpu.memory_space<vmem>>
    %dma_wait3A_2622 = arith.constant 0 : i32
    %dma_wait3A_2623 = tpu.memref_slice %arg4[%dma_wait3A_2618, %mul3A_2248, %dma_wait3A_2622] : memref<25x2048x64xf32, #tpu.memory_space<hbm>> -> memref<1x64x64xf32, #tpu.memory_space<hbm>>
    %dma_wait3A_2624 = tpu.memref_squeeze %dma_wait3A_2623 : memref<1x64x64xf32, #tpu.memory_space<hbm>> -> memref<64x64xf32, #tpu.memory_space<hbm>>
    %dma_wait3A_2625 = arith.constant 0 : i32
    %dma_wait3A_2626 = tpu.memref_slice %arg4[%dma_wait3A_2618, %mul3A_2248, %dma_wait3A_2625] : memref<25x2048x64xf32, #tpu.memory_space<hbm>> -> memref<1x64x64xf32, #tpu.memory_space<hbm>>
    %dma_wait3A_2627 = tpu.memref_squeeze %dma_wait3A_2626 : memref<1x64x64xf32, #tpu.memory_space<hbm>> -> memref<64x64xf32, #tpu.memory_space<hbm>>
    %dma_wait3A_2628 = arith.constant 128 : i32
    %dma_wait3A_2629 = arith.constant 0 : i32
    %dma_wait3A_2630 = tpu.memref_slice %arg7[%dma_wait3A_2628, %dma_wait3A_2629] : memref<1600x64xf32, #tpu.memory_space<vmem>> -> memref<64x64xf32, #tpu.memory_space<vmem>>
    tpu.wait_dma2 semaphore(%arg9 : memref<!tpu.dma_semaphore, #tpu.memory_space<semaphore_mem>>) src(%dma_wait3A_2630 : memref<64x64xf32, #tpu.memory_space<vmem>>) dst(%dma_wait3A_2627 : memref<64x64xf32, #tpu.memory_space<hbm>>)
    %dma_wait3A_2631 = arith.constant 3 : i32
    %dma_wait3A_2632 = arith.constant 192 : i32
    %dma_wait3A_2633 = arith.constant 0 : i32
    %dma_wait3A_2634 = tpu.memref_slice %arg7[%dma_wait3A_2632, %dma_wait3A_2633] : memref<1600x64xf32, #tpu.memory_space<vmem>> -> memref<64x64xf32, #tpu.memory_space<vmem>>
    %dma_wait3A_2635 = arith.constant 0 : i32
    %dma_wait3A_2636 = tpu.memref_slice %arg4[%dma_wait3A_2631, %mul3A_2263, %dma_wait3A_2635] : memref<25x2048x64xf32, #tpu.memory_space<hbm>> -> memref<1x64x64xf32, #tpu.memory_space<hbm>>
    %dma_wait3A_2637 = tpu.memref_squeeze %dma_wait3A_2636 : memref<1x64x64xf32, #tpu.memory_space<hbm>> -> memref<64x64xf32, #tpu.memory_space<hbm>>
    %dma_wait3A_2638 = arith.constant 0 : i32
    %dma_wait3A_2639 = tpu.memref_slice %arg4[%dma_wait3A_2631, %mul3A_2263, %dma_wait3A_2638] : memref<25x2048x64xf32, #tpu.memory_space<hbm>> -> memref<1x64x64xf32, #tpu.memory_space<hbm>>
    %dma_wait3A_2640 = tpu.memref_squeeze %dma_wait3A_2639 : memref<1x64x64xf32, #tpu.memory_space<hbm>> -> memref<64x64xf32, #tpu.memory_space<hbm>>
    %dma_wait3A_2641 = arith.constant 192 : i32
    %dma_wait3A_2642 = arith.constant 0 : i32
    %dma_wait3A_2643 = tpu.memref_slice %arg7[%dma_wait3A_2641, %dma_wait3A_2642] : memref<1600x64xf32, #tpu.memory_space<vmem>> -> memref<64x64xf32, #tpu.memory_space<vmem>>
    tpu.wait_dma2 semaphore(%arg9 : memref<!tpu.dma_semaphore, #tpu.memory_space<semaphore_mem>>) src(%dma_wait3A_2643 : memref<64x64xf32, #tpu.memory_space<vmem>>) dst(%dma_wait3A_2640 : memref<64x64xf32, #tpu.memory_space<hbm>>)
    %dma_wait3A_2644 = arith.constant 4 : i32
    %dma_wait3A_2645 = arith.constant 256 : i32
    %dma_wait3A_2646 = arith.constant 0 : i32
    %dma_wait3A_2647 = tpu.memref_slice %arg7[%dma_wait3A_2645, %dma_wait3A_2646] : memref<1600x64xf32, #tpu.memory_space<vmem>> -> memref<64x64xf32, #tpu.memory_space<vmem>>
    %dma_wait3A_2648 = arith.constant 0 : i32
    %dma_wait3A_2649 = tpu.memref_slice %arg4[%dma_wait3A_2644, %mul3A_2278, %dma_wait3A_2648] : memref<25x2048x64xf32, #tpu.memory_space<hbm>> -> memref<1x64x64xf32, #tpu.memory_space<hbm>>
    %dma_wait3A_2650 = tpu.memref_squeeze %dma_wait3A_2649 : memref<1x64x64xf32, #tpu.memory_space<hbm>> -> memref<64x64xf32, #tpu.memory_space<hbm>>
    %dma_wait3A_2651 = arith.constant 0 : i32
    %dma_wait3A_2652 = tpu.memref_slice %arg4[%dma_wait3A_2644, %mul3A_2278, %dma_wait3A_2651] : memref<25x2048x64xf32, #tpu.memory_space<hbm>> -> memref<1x64x64xf32, #tpu.memory_space<hbm>>
    %dma_wait3A_2653 = tpu.memref_squeeze %dma_wait3A_2652 : memref<1x64x64xf32, #tpu.memory_space<hbm>> -> memref<64x64xf32, #tpu.memory_space<hbm>>
    %dma_wait3A_2654 = arith.constant 256 : i32
    %dma_wait3A_2655 = arith.constant 0 : i32
    %dma_wait3A_2656 = tpu.memref_slice %arg7[%dma_wait3A_2654, %dma_wait3A_2655] : memref<1600x64xf32, #tpu.memory_space<vmem>> -> memref<64x64xf32, #tpu.memory_space<vmem>>
    tpu.wait_dma2 semaphore(%arg9 : memref<!tpu.dma_semaphore, #tpu.memory_space<semaphore_mem>>) src(%dma_wait3A_2656 : memref<64x64xf32, #tpu.memory_space<vmem>>) dst(%dma_wait3A_2653 : memref<64x64xf32, #tpu.memory_space<hbm>>)
    %dma_wait3A_2657 = arith.constant 5 : i32
    %dma_wait3A_2658 = arith.constant 320 : i32
    %dma_wait3A_2659 = arith.constant 0 : i32
    %dma_wait3A_2660 = tpu.memref_slice %arg7[%dma_wait3A_2658, %dma_wait3A_2659] : memref<1600x64xf32, #tpu.memory_space<vmem>> -> memref<64x64xf32, #tpu.memory_space<vmem>>
    %dma_wait3A_2661 = arith.constant 0 : i32
    %dma_wait3A_2662 = tpu.memref_slice %arg4[%dma_wait3A_2657, %mul3A_2293, %dma_wait3A_2661] : memref<25x2048x64xf32, #tpu.memory_space<hbm>> -> memref<1x64x64xf32, #tpu.memory_space<hbm>>
    %dma_wait3A_2663 = tpu.memref_squeeze %dma_wait3A_2662 : memref<1x64x64xf32, #tpu.memory_space<hbm>> -> memref<64x64xf32, #tpu.memory_space<hbm>>
    %dma_wait3A_2664 = arith.constant 0 : i32
    %dma_wait3A_2665 = tpu.memref_slice %arg4[%dma_wait3A_2657, %mul3A_2293, %dma_wait3A_2664] : memref<25x2048x64xf32, #tpu.memory_space<hbm>> -> memref<1x64x64xf32, #tpu.memory_space<hbm>>
    %dma_wait3A_2666 = tpu.memref_squeeze %dma_wait3A_2665 : memref<1x64x64xf32, #tpu.memory_space<hbm>> -> memref<64x64xf32, #tpu.memory_space<hbm>>
    %dma_wait3A_2667 = arith.constant 320 : i32
    %dma_wait3A_2668 = arith.constant 0 : i32
    %dma_wait3A_2669 = tpu.memref_slice %arg7[%dma_wait3A_2667, %dma_wait3A_2668] : memref<1600x64xf32, #tpu.memory_space<vmem>> -> memref<64x64xf32, #tpu.memory_space<vmem>>
    tpu.wait_dma2 semaphore(%arg9 : memref<!tpu.dma_semaphore, #tpu.memory_space<semaphore_mem>>) src(%dma_wait3A_2669 : memref<64x64xf32, #tpu.memory_space<vmem>>) dst(%dma_wait3A_2666 : memref<64x64xf32, #tpu.memory_space<hbm>>)
    %dma_wait3A_2670 = arith.constant 6 : i32
    %dma_wait3A_2671 = arith.constant 384 : i32
    %dma_wait3A_2672 = arith.constant 0 : i32
    %dma_wait3A_2673 = tpu.memref_slice %arg7[%dma_wait3A_2671, %dma_wait3A_2672] : memref<1600x64xf32, #tpu.memory_space<vmem>> -> memref<64x64xf32, #tpu.memory_space<vmem>>
    %dma_wait3A_2674 = arith.constant 0 : i32
    %dma_wait3A_2675 = tpu.memref_slice %arg4[%dma_wait3A_2670, %mul3A_2308, %dma_wait3A_2674] : memref<25x2048x64xf32, #tpu.memory_space<hbm>> -> memref<1x64x64xf32, #tpu.memory_space<hbm>>
    %dma_wait3A_2676 = tpu.memref_squeeze %dma_wait3A_2675 : memref<1x64x64xf32, #tpu.memory_space<hbm>> -> memref<64x64xf32, #tpu.memory_space<hbm>>
    %dma_wait3A_2677 = arith.constant 0 : i32
    %dma_wait3A_2678 = tpu.memref_slice %arg4[%dma_wait3A_2670, %mul3A_2308, %dma_wait3A_2677] : memref<25x2048x64xf32, #tpu.memory_space<hbm>> -> memref<1x64x64xf32, #tpu.memory_space<hbm>>
    %dma_wait3A_2679 = tpu.memref_squeeze %dma_wait3A_2678 : memref<1x64x64xf32, #tpu.memory_space<hbm>> -> memref<64x64xf32, #tpu.memory_space<hbm>>
    %dma_wait3A_2680 = arith.constant 384 : i32
    %dma_wait3A_2681 = arith.constant 0 : i32
    %dma_wait3A_2682 = tpu.memref_slice %arg7[%dma_wait3A_2680, %dma_wait3A_2681] : memref<1600x64xf32, #tpu.memory_space<vmem>> -> memref<64x64xf32, #tpu.memory_space<vmem>>
    tpu.wait_dma2 semaphore(%arg9 : memref<!tpu.dma_semaphore, #tpu.memory_space<semaphore_mem>>) src(%dma_wait3A_2682 : memref<64x64xf32, #tpu.memory_space<vmem>>) dst(%dma_wait3A_2679 : memref<64x64xf32, #tpu.memory_space<hbm>>)
    %dma_wait3A_2683 = arith.constant 7 : i32
    %dma_wait3A_2684 = arith.constant 448 : i32
    %dma_wait3A_2685 = arith.constant 0 : i32
    %dma_wait3A_2686 = tpu.memref_slice %arg7[%dma_wait3A_2684, %dma_wait3A_2685] : memref<1600x64xf32, #tpu.memory_space<vmem>> -> memref<64x64xf32, #tpu.memory_space<vmem>>
    %dma_wait3A_2687 = arith.constant 0 : i32
    %dma_wait3A_2688 = tpu.memref_slice %arg4[%dma_wait3A_2683, %mul3A_2323, %dma_wait3A_2687] : memref<25x2048x64xf32, #tpu.memory_space<hbm>> -> memref<1x64x64xf32, #tpu.memory_space<hbm>>
    %dma_wait3A_2689 = tpu.memref_squeeze %dma_wait3A_2688 : memref<1x64x64xf32, #tpu.memory_space<hbm>> -> memref<64x64xf32, #tpu.memory_space<hbm>>
    %dma_wait3A_2690 = arith.constant 0 : i32
    %dma_wait3A_2691 = tpu.memref_slice %arg4[%dma_wait3A_2683, %mul3A_2323, %dma_wait3A_2690] : memref<25x2048x64xf32, #tpu.memory_space<hbm>> -> memref<1x64x64xf32, #tpu.memory_space<hbm>>
    %dma_wait3A_2692 = tpu.memref_squeeze %dma_wait3A_2691 : memref<1x64x64xf32, #tpu.memory_space<hbm>> -> memref<64x64xf32, #tpu.memory_space<hbm>>
    %dma_wait3A_2693 = arith.constant 448 : i32
    %dma_wait3A_2694 = arith.constant 0 : i32
    %dma_wait3A_2695 = tpu.memref_slice %arg7[%dma_wait3A_2693, %dma_wait3A_2694] : memref<1600x64xf32, #tpu.memory_space<vmem>> -> memref<64x64xf32, #tpu.memory_space<vmem>>
    tpu.wait_dma2 semaphore(%arg9 : memref<!tpu.dma_semaphore, #tpu.memory_space<semaphore_mem>>) src(%dma_wait3A_2695 : memref<64x64xf32, #tpu.memory_space<vmem>>) dst(%dma_wait3A_2692 : memref<64x64xf32, #tpu.memory_space<hbm>>)
    %dma_wait3A_2696 = arith.constant 8 : i32
    %dma_wait3A_2697 = arith.constant 512 : i32
    %dma_wait3A_2698 = arith.constant 0 : i32
    %dma_wait3A_2699 = tpu.memref_slice %arg7[%dma_wait3A_2697, %dma_wait3A_2698] : memref<1600x64xf32, #tpu.memory_space<vmem>> -> memref<64x64xf32, #tpu.memory_space<vmem>>
    %dma_wait3A_2700 = arith.constant 0 : i32
    %dma_wait3A_2701 = tpu.memref_slice %arg4[%dma_wait3A_2696, %mul3A_2338, %dma_wait3A_2700] : memref<25x2048x64xf32, #tpu.memory_space<hbm>> -> memref<1x64x64xf32, #tpu.memory_space<hbm>>
    %dma_wait3A_2702 = tpu.memref_squeeze %dma_wait3A_2701 : memref<1x64x64xf32, #tpu.memory_space<hbm>> -> memref<64x64xf32, #tpu.memory_space<hbm>>
    %dma_wait3A_2703 = arith.constant 0 : i32
    %dma_wait3A_2704 = tpu.memref_slice %arg4[%dma_wait3A_2696, %mul3A_2338, %dma_wait3A_2703] : memref<25x2048x64xf32, #tpu.memory_space<hbm>> -> memref<1x64x64xf32, #tpu.memory_space<hbm>>
    %dma_wait3A_2705 = tpu.memref_squeeze %dma_wait3A_2704 : memref<1x64x64xf32, #tpu.memory_space<hbm>> -> memref<64x64xf32, #tpu.memory_space<hbm>>
    %dma_wait3A_2706 = arith.constant 512 : i32
    %dma_wait3A_2707 = arith.constant 0 : i32
    %dma_wait3A_2708 = tpu.memref_slice %arg7[%dma_wait3A_2706, %dma_wait3A_2707] : memref<1600x64xf32, #tpu.memory_space<vmem>> -> memref<64x64xf32, #tpu.memory_space<vmem>>
    tpu.wait_dma2 semaphore(%arg9 : memref<!tpu.dma_semaphore, #tpu.memory_space<semaphore_mem>>) src(%dma_wait3A_2708 : memref<64x64xf32, #tpu.memory_space<vmem>>) dst(%dma_wait3A_2705 : memref<64x64xf32, #tpu.memory_space<hbm>>)
    %dma_wait3A_2709 = arith.constant 9 : i32
    %dma_wait3A_2710 = arith.constant 576 : i32
    %dma_wait3A_2711 = arith.constant 0 : i32
    %dma_wait3A_2712 = tpu.memref_slice %arg7[%dma_wait3A_2710, %dma_wait3A_2711] : memref<1600x64xf32, #tpu.memory_space<vmem>> -> memref<64x64xf32, #tpu.memory_space<vmem>>
    %dma_wait3A_2713 = arith.constant 0 : i32
    %dma_wait3A_2714 = tpu.memref_slice %arg4[%dma_wait3A_2709, %mul3A_2353, %dma_wait3A_2713] : memref<25x2048x64xf32, #tpu.memory_space<hbm>> -> memref<1x64x64xf32, #tpu.memory_space<hbm>>
    %dma_wait3A_2715 = tpu.memref_squeeze %dma_wait3A_2714 : memref<1x64x64xf32, #tpu.memory_space<hbm>> -> memref<64x64xf32, #tpu.memory_space<hbm>>
    %dma_wait3A_2716 = arith.constant 0 : i32
    %dma_wait3A_2717 = tpu.memref_slice %arg4[%dma_wait3A_2709, %mul3A_2353, %dma_wait3A_2716] : memref<25x2048x64xf32, #tpu.memory_space<hbm>> -> memref<1x64x64xf32, #tpu.memory_space<hbm>>
    %dma_wait3A_2718 = tpu.memref_squeeze %dma_wait3A_2717 : memref<1x64x64xf32, #tpu.memory_space<hbm>> -> memref<64x64xf32, #tpu.memory_space<hbm>>
    %dma_wait3A_2719 = arith.constant 576 : i32
    %dma_wait3A_2720 = arith.constant 0 : i32
    %dma_wait3A_2721 = tpu.memref_slice %arg7[%dma_wait3A_2719, %dma_wait3A_2720] : memref<1600x64xf32, #tpu.memory_space<vmem>> -> memref<64x64xf32, #tpu.memory_space<vmem>>
    tpu.wait_dma2 semaphore(%arg9 : memref<!tpu.dma_semaphore, #tpu.memory_space<semaphore_mem>>) src(%dma_wait3A_2721 : memref<64x64xf32, #tpu.memory_space<vmem>>) dst(%dma_wait3A_2718 : memref<64x64xf32, #tpu.memory_space<hbm>>)
    %dma_wait3A_2722 = arith.constant 10 : i32
    %dma_wait3A_2723 = arith.constant 640 : i32
    %dma_wait3A_2724 = arith.constant 0 : i32
    %dma_wait3A_2725 = tpu.memref_slice %arg7[%dma_wait3A_2723, %dma_wait3A_2724] : memref<1600x64xf32, #tpu.memory_space<vmem>> -> memref<64x64xf32, #tpu.memory_space<vmem>>
    %dma_wait3A_2726 = arith.constant 0 : i32
    %dma_wait3A_2727 = tpu.memref_slice %arg4[%dma_wait3A_2722, %mul3A_2368, %dma_wait3A_2726] : memref<25x2048x64xf32, #tpu.memory_space<hbm>> -> memref<1x64x64xf32, #tpu.memory_space<hbm>>
    %dma_wait3A_2728 = tpu.memref_squeeze %dma_wait3A_2727 : memref<1x64x64xf32, #tpu.memory_space<hbm>> -> memref<64x64xf32, #tpu.memory_space<hbm>>
    %dma_wait3A_2729 = arith.constant 0 : i32
    %dma_wait3A_2730 = tpu.memref_slice %arg4[%dma_wait3A_2722, %mul3A_2368, %dma_wait3A_2729] : memref<25x2048x64xf32, #tpu.memory_space<hbm>> -> memref<1x64x64xf32, #tpu.memory_space<hbm>>
    %dma_wait3A_2731 = tpu.memref_squeeze %dma_wait3A_2730 : memref<1x64x64xf32, #tpu.memory_space<hbm>> -> memref<64x64xf32, #tpu.memory_space<hbm>>
    %dma_wait3A_2732 = arith.constant 640 : i32
    %dma_wait3A_2733 = arith.constant 0 : i32
    %dma_wait3A_2734 = tpu.memref_slice %arg7[%dma_wait3A_2732, %dma_wait3A_2733] : memref<1600x64xf32, #tpu.memory_space<vmem>> -> memref<64x64xf32, #tpu.memory_space<vmem>>
    tpu.wait_dma2 semaphore(%arg9 : memref<!tpu.dma_semaphore, #tpu.memory_space<semaphore_mem>>) src(%dma_wait3A_2734 : memref<64x64xf32, #tpu.memory_space<vmem>>) dst(%dma_wait3A_2731 : memref<64x64xf32, #tpu.memory_space<hbm>>)
    %dma_wait3A_2735 = arith.constant 11 : i32
    %dma_wait3A_2736 = arith.constant 704 : i32
    %dma_wait3A_2737 = arith.constant 0 : i32
    %dma_wait3A_2738 = tpu.memref_slice %arg7[%dma_wait3A_2736, %dma_wait3A_2737] : memref<1600x64xf32, #tpu.memory_space<vmem>> -> memref<64x64xf32, #tpu.memory_space<vmem>>
    %dma_wait3A_2739 = arith.constant 0 : i32
    %dma_wait3A_2740 = tpu.memref_slice %arg4[%dma_wait3A_2735, %mul3A_2383, %dma_wait3A_2739] : memref<25x2048x64xf32, #tpu.memory_space<hbm>> -> memref<1x64x64xf32, #tpu.memory_space<hbm>>
    %dma_wait3A_2741 = tpu.memref_squeeze %dma_wait3A_2740 : memref<1x64x64xf32, #tpu.memory_space<hbm>> -> memref<64x64xf32, #tpu.memory_space<hbm>>
    %dma_wait3A_2742 = arith.constant 0 : i32
    %dma_wait3A_2743 = tpu.memref_slice %arg4[%dma_wait3A_2735, %mul3A_2383, %dma_wait3A_2742] : memref<25x2048x64xf32, #tpu.memory_space<hbm>> -> memref<1x64x64xf32, #tpu.memory_space<hbm>>
    %dma_wait3A_2744 = tpu.memref_squeeze %dma_wait3A_2743 : memref<1x64x64xf32, #tpu.memory_space<hbm>> -> memref<64x64xf32, #tpu.memory_space<hbm>>
    %dma_wait3A_2745 = arith.constant 704 : i32
    %dma_wait3A_2746 = arith.constant 0 : i32
    %dma_wait3A_2747 = tpu.memref_slice %arg7[%dma_wait3A_2745, %dma_wait3A_2746] : memref<1600x64xf32, #tpu.memory_space<vmem>> -> memref<64x64xf32, #tpu.memory_space<vmem>>
    tpu.wait_dma2 semaphore(%arg9 : memref<!tpu.dma_semaphore, #tpu.memory_space<semaphore_mem>>) src(%dma_wait3A_2747 : memref<64x64xf32, #tpu.memory_space<vmem>>) dst(%dma_wait3A_2744 : memref<64x64xf32, #tpu.memory_space<hbm>>)
    %dma_wait3A_2748 = arith.constant 12 : i32
    %dma_wait3A_2749 = arith.constant 768 : i32
    %dma_wait3A_2750 = arith.constant 0 : i32
    %dma_wait3A_2751 = tpu.memref_slice %arg7[%dma_wait3A_2749, %dma_wait3A_2750] : memref<1600x64xf32, #tpu.memory_space<vmem>> -> memref<64x64xf32, #tpu.memory_space<vmem>>
    %dma_wait3A_2752 = arith.constant 0 : i32
    %dma_wait3A_2753 = tpu.memref_slice %arg4[%dma_wait3A_2748, %mul3A_2398, %dma_wait3A_2752] : memref<25x2048x64xf32, #tpu.memory_space<hbm>> -> memref<1x64x64xf32, #tpu.memory_space<hbm>>
    %dma_wait3A_2754 = tpu.memref_squeeze %dma_wait3A_2753 : memref<1x64x64xf32, #tpu.memory_space<hbm>> -> memref<64x64xf32, #tpu.memory_space<hbm>>
    %dma_wait3A_2755 = arith.constant 0 : i32
    %dma_wait3A_2756 = tpu.memref_slice %arg4[%dma_wait3A_2748, %mul3A_2398, %dma_wait3A_2755] : memref<25x2048x64xf32, #tpu.memory_space<hbm>> -> memref<1x64x64xf32, #tpu.memory_space<hbm>>
    %dma_wait3A_2757 = tpu.memref_squeeze %dma_wait3A_2756 : memref<1x64x64xf32, #tpu.memory_space<hbm>> -> memref<64x64xf32, #tpu.memory_space<hbm>>
    %dma_wait3A_2758 = arith.constant 768 : i32
    %dma_wait3A_2759 = arith.constant 0 : i32
    %dma_wait3A_2760 = tpu.memref_slice %arg7[%dma_wait3A_2758, %dma_wait3A_2759] : memref<1600x64xf32, #tpu.memory_space<vmem>> -> memref<64x64xf32, #tpu.memory_space<vmem>>
    tpu.wait_dma2 semaphore(%arg9 : memref<!tpu.dma_semaphore, #tpu.memory_space<semaphore_mem>>) src(%dma_wait3A_2760 : memref<64x64xf32, #tpu.memory_space<vmem>>) dst(%dma_wait3A_2757 : memref<64x64xf32, #tpu.memory_space<hbm>>)
    %dma_wait3A_2761 = arith.constant 13 : i32
    %dma_wait3A_2762 = arith.constant 832 : i32
    %dma_wait3A_2763 = arith.constant 0 : i32
    %dma_wait3A_2764 = tpu.memref_slice %arg7[%dma_wait3A_2762, %dma_wait3A_2763] : memref<1600x64xf32, #tpu.memory_space<vmem>> -> memref<64x64xf32, #tpu.memory_space<vmem>>
    %dma_wait3A_2765 = arith.constant 0 : i32
    %dma_wait3A_2766 = tpu.memref_slice %arg4[%dma_wait3A_2761, %mul3A_2413, %dma_wait3A_2765] : memref<25x2048x64xf32, #tpu.memory_space<hbm>> -> memref<1x64x64xf32, #tpu.memory_space<hbm>>
    %dma_wait3A_2767 = tpu.memref_squeeze %dma_wait3A_2766 : memref<1x64x64xf32, #tpu.memory_space<hbm>> -> memref<64x64xf32, #tpu.memory_space<hbm>>
    %dma_wait3A_2768 = arith.constant 0 : i32
    %dma_wait3A_2769 = tpu.memref_slice %arg4[%dma_wait3A_2761, %mul3A_2413, %dma_wait3A_2768] : memref<25x2048x64xf32, #tpu.memory_space<hbm>> -> memref<1x64x64xf32, #tpu.memory_space<hbm>>
    %dma_wait3A_2770 = tpu.memref_squeeze %dma_wait3A_2769 : memref<1x64x64xf32, #tpu.memory_space<hbm>> -> memref<64x64xf32, #tpu.memory_space<hbm>>
    %dma_wait3A_2771 = arith.constant 832 : i32
    %dma_wait3A_2772 = arith.constant 0 : i32
    %dma_wait3A_2773 = tpu.memref_slice %arg7[%dma_wait3A_2771, %dma_wait3A_2772] : memref<1600x64xf32, #tpu.memory_space<vmem>> -> memref<64x64xf32, #tpu.memory_space<vmem>>
    tpu.wait_dma2 semaphore(%arg9 : memref<!tpu.dma_semaphore, #tpu.memory_space<semaphore_mem>>) src(%dma_wait3A_2773 : memref<64x64xf32, #tpu.memory_space<vmem>>) dst(%dma_wait3A_2770 : memref<64x64xf32, #tpu.memory_space<hbm>>)
    %dma_wait3A_2774 = arith.constant 14 : i32
    %dma_wait3A_2775 = arith.constant 896 : i32
    %dma_wait3A_2776 = arith.constant 0 : i32
    %dma_wait3A_2777 = tpu.memref_slice %arg7[%dma_wait3A_2775, %dma_wait3A_2776] : memref<1600x64xf32, #tpu.memory_space<vmem>> -> memref<64x64xf32, #tpu.memory_space<vmem>>
    %dma_wait3A_2778 = arith.constant 0 : i32
    %dma_wait3A_2779 = tpu.memref_slice %arg4[%dma_wait3A_2774, %mul3A_2428, %dma_wait3A_2778] : memref<25x2048x64xf32, #tpu.memory_space<hbm>> -> memref<1x64x64xf32, #tpu.memory_space<hbm>>
    %dma_wait3A_2780 = tpu.memref_squeeze %dma_wait3A_2779 : memref<1x64x64xf32, #tpu.memory_space<hbm>> -> memref<64x64xf32, #tpu.memory_space<hbm>>
    %dma_wait3A_2781 = arith.constant 0 : i32
    %dma_wait3A_2782 = tpu.memref_slice %arg4[%dma_wait3A_2774, %mul3A_2428, %dma_wait3A_2781] : memref<25x2048x64xf32, #tpu.memory_space<hbm>> -> memref<1x64x64xf32, #tpu.memory_space<hbm>>
    %dma_wait3A_2783 = tpu.memref_squeeze %dma_wait3A_2782 : memref<1x64x64xf32, #tpu.memory_space<hbm>> -> memref<64x64xf32, #tpu.memory_space<hbm>>
    %dma_wait3A_2784 = arith.constant 896 : i32
    %dma_wait3A_2785 = arith.constant 0 : i32
    %dma_wait3A_2786 = tpu.memref_slice %arg7[%dma_wait3A_2784, %dma_wait3A_2785] : memref<1600x64xf32, #tpu.memory_space<vmem>> -> memref<64x64xf32, #tpu.memory_space<vmem>>
    tpu.wait_dma2 semaphore(%arg9 : memref<!tpu.dma_semaphore, #tpu.memory_space<semaphore_mem>>) src(%dma_wait3A_2786 : memref<64x64xf32, #tpu.memory_space<vmem>>) dst(%dma_wait3A_2783 : memref<64x64xf32, #tpu.memory_space<hbm>>)
    %dma_wait3A_2787 = arith.constant 15 : i32
    %dma_wait3A_2788 = arith.constant 960 : i32
    %dma_wait3A_2789 = arith.constant 0 : i32
    %dma_wait3A_2790 = tpu.memref_slice %arg7[%dma_wait3A_2788, %dma_wait3A_2789] : memref<1600x64xf32, #tpu.memory_space<vmem>> -> memref<64x64xf32, #tpu.memory_space<vmem>>
    %dma_wait3A_2791 = arith.constant 0 : i32
    %dma_wait3A_2792 = tpu.memref_slice %arg4[%dma_wait3A_2787, %mul3A_2443, %dma_wait3A_2791] : memref<25x2048x64xf32, #tpu.memory_space<hbm>> -> memref<1x64x64xf32, #tpu.memory_space<hbm>>
    %dma_wait3A_2793 = tpu.memref_squeeze %dma_wait3A_2792 : memref<1x64x64xf32, #tpu.memory_space<hbm>> -> memref<64x64xf32, #tpu.memory_space<hbm>>
    %dma_wait3A_2794 = arith.constant 0 : i32
    %dma_wait3A_2795 = tpu.memref_slice %arg4[%dma_wait3A_2787, %mul3A_2443, %dma_wait3A_2794] : memref<25x2048x64xf32, #tpu.memory_space<hbm>> -> memref<1x64x64xf32, #tpu.memory_space<hbm>>
    %dma_wait3A_2796 = tpu.memref_squeeze %dma_wait3A_2795 : memref<1x64x64xf32, #tpu.memory_space<hbm>> -> memref<64x64xf32, #tpu.memory_space<hbm>>
    %dma_wait3A_2797 = arith.constant 960 : i32
    %dma_wait3A_2798 = arith.constant 0 : i32
    %dma_wait3A_2799 = tpu.memref_slice %arg7[%dma_wait3A_2797, %dma_wait3A_2798] : memref<1600x64xf32, #tpu.memory_space<vmem>> -> memref<64x64xf32, #tpu.memory_space<vmem>>
    tpu.wait_dma2 semaphore(%arg9 : memref<!tpu.dma_semaphore, #tpu.memory_space<semaphore_mem>>) src(%dma_wait3A_2799 : memref<64x64xf32, #tpu.memory_space<vmem>>) dst(%dma_wait3A_2796 : memref<64x64xf32, #tpu.memory_space<hbm>>)
    %dma_wait3A_2800 = arith.constant 16 : i32
    %dma_wait3A_2801 = arith.constant 1024 : i32
    %dma_wait3A_2802 = arith.constant 0 : i32
    %dma_wait3A_2803 = tpu.memref_slice %arg7[%dma_wait3A_2801, %dma_wait3A_2802] : memref<1600x64xf32, #tpu.memory_space<vmem>> -> memref<64x64xf32, #tpu.memory_space<vmem>>
    %dma_wait3A_2804 = arith.constant 0 : i32
    %dma_wait3A_2805 = tpu.memref_slice %arg4[%dma_wait3A_2800, %mul3A_2458, %dma_wait3A_2804] : memref<25x2048x64xf32, #tpu.memory_space<hbm>> -> memref<1x64x64xf32, #tpu.memory_space<hbm>>
    %dma_wait3A_2806 = tpu.memref_squeeze %dma_wait3A_2805 : memref<1x64x64xf32, #tpu.memory_space<hbm>> -> memref<64x64xf32, #tpu.memory_space<hbm>>
    %dma_wait3A_2807 = arith.constant 0 : i32
    %dma_wait3A_2808 = tpu.memref_slice %arg4[%dma_wait3A_2800, %mul3A_2458, %dma_wait3A_2807] : memref<25x2048x64xf32, #tpu.memory_space<hbm>> -> memref<1x64x64xf32, #tpu.memory_space<hbm>>
    %dma_wait3A_2809 = tpu.memref_squeeze %dma_wait3A_2808 : memref<1x64x64xf32, #tpu.memory_space<hbm>> -> memref<64x64xf32, #tpu.memory_space<hbm>>
    %dma_wait3A_2810 = arith.constant 1024 : i32
    %dma_wait3A_2811 = arith.constant 0 : i32
    %dma_wait3A_2812 = tpu.memref_slice %arg7[%dma_wait3A_2810, %dma_wait3A_2811] : memref<1600x64xf32, #tpu.memory_space<vmem>> -> memref<64x64xf32, #tpu.memory_space<vmem>>
    tpu.wait_dma2 semaphore(%arg9 : memref<!tpu.dma_semaphore, #tpu.memory_space<semaphore_mem>>) src(%dma_wait3A_2812 : memref<64x64xf32, #tpu.memory_space<vmem>>) dst(%dma_wait3A_2809 : memref<64x64xf32, #tpu.memory_space<hbm>>)
    %dma_wait3A_2813 = arith.constant 17 : i32
    %dma_wait3A_2814 = arith.constant 1088 : i32
    %dma_wait3A_2815 = arith.constant 0 : i32
    %dma_wait3A_2816 = tpu.memref_slice %arg7[%dma_wait3A_2814, %dma_wait3A_2815] : memref<1600x64xf32, #tpu.memory_space<vmem>> -> memref<64x64xf32, #tpu.memory_space<vmem>>
    %dma_wait3A_2817 = arith.constant 0 : i32
    %dma_wait3A_2818 = tpu.memref_slice %arg4[%dma_wait3A_2813, %mul3A_2473, %dma_wait3A_2817] : memref<25x2048x64xf32, #tpu.memory_space<hbm>> -> memref<1x64x64xf32, #tpu.memory_space<hbm>>
    %dma_wait3A_2819 = tpu.memref_squeeze %dma_wait3A_2818 : memref<1x64x64xf32, #tpu.memory_space<hbm>> -> memref<64x64xf32, #tpu.memory_space<hbm>>
    %dma_wait3A_2820 = arith.constant 0 : i32
    %dma_wait3A_2821 = tpu.memref_slice %arg4[%dma_wait3A_2813, %mul3A_2473, %dma_wait3A_2820] : memref<25x2048x64xf32, #tpu.memory_space<hbm>> -> memref<1x64x64xf32, #tpu.memory_space<hbm>>
    %dma_wait3A_2822 = tpu.memref_squeeze %dma_wait3A_2821 : memref<1x64x64xf32, #tpu.memory_space<hbm>> -> memref<64x64xf32, #tpu.memory_space<hbm>>
    %dma_wait3A_2823 = arith.constant 1088 : i32
    %dma_wait3A_2824 = arith.constant 0 : i32
    %dma_wait3A_2825 = tpu.memref_slice %arg7[%dma_wait3A_2823, %dma_wait3A_2824] : memref<1600x64xf32, #tpu.memory_space<vmem>> -> memref<64x64xf32, #tpu.memory_space<vmem>>
    tpu.wait_dma2 semaphore(%arg9 : memref<!tpu.dma_semaphore, #tpu.memory_space<semaphore_mem>>) src(%dma_wait3A_2825 : memref<64x64xf32, #tpu.memory_space<vmem>>) dst(%dma_wait3A_2822 : memref<64x64xf32, #tpu.memory_space<hbm>>)
    %dma_wait3A_2826 = arith.constant 18 : i32
    %dma_wait3A_2827 = arith.constant 1152 : i32
    %dma_wait3A_2828 = arith.constant 0 : i32
    %dma_wait3A_2829 = tpu.memref_slice %arg7[%dma_wait3A_2827, %dma_wait3A_2828] : memref<1600x64xf32, #tpu.memory_space<vmem>> -> memref<64x64xf32, #tpu.memory_space<vmem>>
    %dma_wait3A_2830 = arith.constant 0 : i32
    %dma_wait3A_2831 = tpu.memref_slice %arg4[%dma_wait3A_2826, %mul3A_2488, %dma_wait3A_2830] : memref<25x2048x64xf32, #tpu.memory_space<hbm>> -> memref<1x64x64xf32, #tpu.memory_space<hbm>>
    %dma_wait3A_2832 = tpu.memref_squeeze %dma_wait3A_2831 : memref<1x64x64xf32, #tpu.memory_space<hbm>> -> memref<64x64xf32, #tpu.memory_space<hbm>>
    %dma_wait3A_2833 = arith.constant 0 : i32
    %dma_wait3A_2834 = tpu.memref_slice %arg4[%dma_wait3A_2826, %mul3A_2488, %dma_wait3A_2833] : memref<25x2048x64xf32, #tpu.memory_space<hbm>> -> memref<1x64x64xf32, #tpu.memory_space<hbm>>
    %dma_wait3A_2835 = tpu.memref_squeeze %dma_wait3A_2834 : memref<1x64x64xf32, #tpu.memory_space<hbm>> -> memref<64x64xf32, #tpu.memory_space<hbm>>
    %dma_wait3A_2836 = arith.constant 1152 : i32
    %dma_wait3A_2837 = arith.constant 0 : i32
    %dma_wait3A_2838 = tpu.memref_slice %arg7[%dma_wait3A_2836, %dma_wait3A_2837] : memref<1600x64xf32, #tpu.memory_space<vmem>> -> memref<64x64xf32, #tpu.memory_space<vmem>>
    tpu.wait_dma2 semaphore(%arg9 : memref<!tpu.dma_semaphore, #tpu.memory_space<semaphore_mem>>) src(%dma_wait3A_2838 : memref<64x64xf32, #tpu.memory_space<vmem>>) dst(%dma_wait3A_2835 : memref<64x64xf32, #tpu.memory_space<hbm>>)
    %dma_wait3A_2839 = arith.constant 19 : i32
    %dma_wait3A_2840 = arith.constant 1216 : i32
    %dma_wait3A_2841 = arith.constant 0 : i32
    %dma_wait3A_2842 = tpu.memref_slice %arg7[%dma_wait3A_2840, %dma_wait3A_2841] : memref<1600x64xf32, #tpu.memory_space<vmem>> -> memref<64x64xf32, #tpu.memory_space<vmem>>
    %dma_wait3A_2843 = arith.constant 0 : i32
    %dma_wait3A_2844 = tpu.memref_slice %arg4[%dma_wait3A_2839, %mul3A_2503, %dma_wait3A_2843] : memref<25x2048x64xf32, #tpu.memory_space<hbm>> -> memref<1x64x64xf32, #tpu.memory_space<hbm>>
    %dma_wait3A_2845 = tpu.memref_squeeze %dma_wait3A_2844 : memref<1x64x64xf32, #tpu.memory_space<hbm>> -> memref<64x64xf32, #tpu.memory_space<hbm>>
    %dma_wait3A_2846 = arith.constant 0 : i32
    %dma_wait3A_2847 = tpu.memref_slice %arg4[%dma_wait3A_2839, %mul3A_2503, %dma_wait3A_2846] : memref<25x2048x64xf32, #tpu.memory_space<hbm>> -> memref<1x64x64xf32, #tpu.memory_space<hbm>>
    %dma_wait3A_2848 = tpu.memref_squeeze %dma_wait3A_2847 : memref<1x64x64xf32, #tpu.memory_space<hbm>> -> memref<64x64xf32, #tpu.memory_space<hbm>>
    %dma_wait3A_2849 = arith.constant 1216 : i32
    %dma_wait3A_2850 = arith.constant 0 : i32
    %dma_wait3A_2851 = tpu.memref_slice %arg7[%dma_wait3A_2849, %dma_wait3A_2850] : memref<1600x64xf32, #tpu.memory_space<vmem>> -> memref<64x64xf32, #tpu.memory_space<vmem>>
    tpu.wait_dma2 semaphore(%arg9 : memref<!tpu.dma_semaphore, #tpu.memory_space<semaphore_mem>>) src(%dma_wait3A_2851 : memref<64x64xf32, #tpu.memory_space<vmem>>) dst(%dma_wait3A_2848 : memref<64x64xf32, #tpu.memory_space<hbm>>)
    %dma_wait3A_2852 = arith.constant 20 : i32
    %dma_wait3A_2853 = arith.constant 1280 : i32
    %dma_wait3A_2854 = arith.constant 0 : i32
    %dma_wait3A_2855 = tpu.memref_slice %arg7[%dma_wait3A_2853, %dma_wait3A_2854] : memref<1600x64xf32, #tpu.memory_space<vmem>> -> memref<64x64xf32, #tpu.memory_space<vmem>>
    %dma_wait3A_2856 = arith.constant 0 : i32
    %dma_wait3A_2857 = tpu.memref_slice %arg4[%dma_wait3A_2852, %mul3A_2518, %dma_wait3A_2856] : memref<25x2048x64xf32, #tpu.memory_space<hbm>> -> memref<1x64x64xf32, #tpu.memory_space<hbm>>
    %dma_wait3A_2858 = tpu.memref_squeeze %dma_wait3A_2857 : memref<1x64x64xf32, #tpu.memory_space<hbm>> -> memref<64x64xf32, #tpu.memory_space<hbm>>
    %dma_wait3A_2859 = arith.constant 0 : i32
    %dma_wait3A_2860 = tpu.memref_slice %arg4[%dma_wait3A_2852, %mul3A_2518, %dma_wait3A_2859] : memref<25x2048x64xf32, #tpu.memory_space<hbm>> -> memref<1x64x64xf32, #tpu.memory_space<hbm>>
    %dma_wait3A_2861 = tpu.memref_squeeze %dma_wait3A_2860 : memref<1x64x64xf32, #tpu.memory_space<hbm>> -> memref<64x64xf32, #tpu.memory_space<hbm>>
    %dma_wait3A_2862 = arith.constant 1280 : i32
    %dma_wait3A_2863 = arith.constant 0 : i32
    %dma_wait3A_2864 = tpu.memref_slice %arg7[%dma_wait3A_2862, %dma_wait3A_2863] : memref<1600x64xf32, #tpu.memory_space<vmem>> -> memref<64x64xf32, #tpu.memory_space<vmem>>
    tpu.wait_dma2 semaphore(%arg9 : memref<!tpu.dma_semaphore, #tpu.memory_space<semaphore_mem>>) src(%dma_wait3A_2864 : memref<64x64xf32, #tpu.memory_space<vmem>>) dst(%dma_wait3A_2861 : memref<64x64xf32, #tpu.memory_space<hbm>>)
    %dma_wait3A_2865 = arith.constant 21 : i32
    %dma_wait3A_2866 = arith.constant 1344 : i32
    %dma_wait3A_2867 = arith.constant 0 : i32
    %dma_wait3A_2868 = tpu.memref_slice %arg7[%dma_wait3A_2866, %dma_wait3A_2867] : memref<1600x64xf32, #tpu.memory_space<vmem>> -> memref<64x64xf32, #tpu.memory_space<vmem>>
    %dma_wait3A_2869 = arith.constant 0 : i32
    %dma_wait3A_2870 = tpu.memref_slice %arg4[%dma_wait3A_2865, %mul3A_2533, %dma_wait3A_2869] : memref<25x2048x64xf32, #tpu.memory_space<hbm>> -> memref<1x64x64xf32, #tpu.memory_space<hbm>>
    %dma_wait3A_2871 = tpu.memref_squeeze %dma_wait3A_2870 : memref<1x64x64xf32, #tpu.memory_space<hbm>> -> memref<64x64xf32, #tpu.memory_space<hbm>>
    %dma_wait3A_2872 = arith.constant 0 : i32
    %dma_wait3A_2873 = tpu.memref_slice %arg4[%dma_wait3A_2865, %mul3A_2533, %dma_wait3A_2872] : memref<25x2048x64xf32, #tpu.memory_space<hbm>> -> memref<1x64x64xf32, #tpu.memory_space<hbm>>
    %dma_wait3A_2874 = tpu.memref_squeeze %dma_wait3A_2873 : memref<1x64x64xf32, #tpu.memory_space<hbm>> -> memref<64x64xf32, #tpu.memory_space<hbm>>
    %dma_wait3A_2875 = arith.constant 1344 : i32
    %dma_wait3A_2876 = arith.constant 0 : i32
    %dma_wait3A_2877 = tpu.memref_slice %arg7[%dma_wait3A_2875, %dma_wait3A_2876] : memref<1600x64xf32, #tpu.memory_space<vmem>> -> memref<64x64xf32, #tpu.memory_space<vmem>>
    tpu.wait_dma2 semaphore(%arg9 : memref<!tpu.dma_semaphore, #tpu.memory_space<semaphore_mem>>) src(%dma_wait3A_2877 : memref<64x64xf32, #tpu.memory_space<vmem>>) dst(%dma_wait3A_2874 : memref<64x64xf32, #tpu.memory_space<hbm>>)
    %dma_wait3A_2878 = arith.constant 22 : i32
    %dma_wait3A_2879 = arith.constant 1408 : i32
    %dma_wait3A_2880 = arith.constant 0 : i32
    %dma_wait3A_2881 = tpu.memref_slice %arg7[%dma_wait3A_2879, %dma_wait3A_2880] : memref<1600x64xf32, #tpu.memory_space<vmem>> -> memref<64x64xf32, #tpu.memory_space<vmem>>
    %dma_wait3A_2882 = arith.constant 0 : i32
    %dma_wait3A_2883 = tpu.memref_slice %arg4[%dma_wait3A_2878, %mul3A_2548, %dma_wait3A_2882] : memref<25x2048x64xf32, #tpu.memory_space<hbm>> -> memref<1x64x64xf32, #tpu.memory_space<hbm>>
    %dma_wait3A_2884 = tpu.memref_squeeze %dma_wait3A_2883 : memref<1x64x64xf32, #tpu.memory_space<hbm>> -> memref<64x64xf32, #tpu.memory_space<hbm>>
    %dma_wait3A_2885 = arith.constant 0 : i32
    %dma_wait3A_2886 = tpu.memref_slice %arg4[%dma_wait3A_2878, %mul3A_2548, %dma_wait3A_2885] : memref<25x2048x64xf32, #tpu.memory_space<hbm>> -> memref<1x64x64xf32, #tpu.memory_space<hbm>>
    %dma_wait3A_2887 = tpu.memref_squeeze %dma_wait3A_2886 : memref<1x64x64xf32, #tpu.memory_space<hbm>> -> memref<64x64xf32, #tpu.memory_space<hbm>>
    %dma_wait3A_2888 = arith.constant 1408 : i32
    %dma_wait3A_2889 = arith.constant 0 : i32
    %dma_wait3A_2890 = tpu.memref_slice %arg7[%dma_wait3A_2888, %dma_wait3A_2889] : memref<1600x64xf32, #tpu.memory_space<vmem>> -> memref<64x64xf32, #tpu.memory_space<vmem>>
    tpu.wait_dma2 semaphore(%arg9 : memref<!tpu.dma_semaphore, #tpu.memory_space<semaphore_mem>>) src(%dma_wait3A_2890 : memref<64x64xf32, #tpu.memory_space<vmem>>) dst(%dma_wait3A_2887 : memref<64x64xf32, #tpu.memory_space<hbm>>)
    %dma_wait3A_2891 = arith.constant 23 : i32
    %dma_wait3A_2892 = arith.constant 1472 : i32
    %dma_wait3A_2893 = arith.constant 0 : i32
    %dma_wait3A_2894 = tpu.memref_slice %arg7[%dma_wait3A_2892, %dma_wait3A_2893] : memref<1600x64xf32, #tpu.memory_space<vmem>> -> memref<64x64xf32, #tpu.memory_space<vmem>>
    %dma_wait3A_2895 = arith.constant 0 : i32
    %dma_wait3A_2896 = tpu.memref_slice %arg4[%dma_wait3A_2891, %mul3A_2563, %dma_wait3A_2895] : memref<25x2048x64xf32, #tpu.memory_space<hbm>> -> memref<1x64x64xf32, #tpu.memory_space<hbm>>
    %dma_wait3A_2897 = tpu.memref_squeeze %dma_wait3A_2896 : memref<1x64x64xf32, #tpu.memory_space<hbm>> -> memref<64x64xf32, #tpu.memory_space<hbm>>
    %dma_wait3A_2898 = arith.constant 0 : i32
    %dma_wait3A_2899 = tpu.memref_slice %arg4[%dma_wait3A_2891, %mul3A_2563, %dma_wait3A_2898] : memref<25x2048x64xf32, #tpu.memory_space<hbm>> -> memref<1x64x64xf32, #tpu.memory_space<hbm>>
    %dma_wait3A_2900 = tpu.memref_squeeze %dma_wait3A_2899 : memref<1x64x64xf32, #tpu.memory_space<hbm>> -> memref<64x64xf32, #tpu.memory_space<hbm>>
    %dma_wait3A_2901 = arith.constant 1472 : i32
    %dma_wait3A_2902 = arith.constant 0 : i32
    %dma_wait3A_2903 = tpu.memref_slice %arg7[%dma_wait3A_2901, %dma_wait3A_2902] : memref<1600x64xf32, #tpu.memory_space<vmem>> -> memref<64x64xf32, #tpu.memory_space<vmem>>
    tpu.wait_dma2 semaphore(%arg9 : memref<!tpu.dma_semaphore, #tpu.memory_space<semaphore_mem>>) src(%dma_wait3A_2903 : memref<64x64xf32, #tpu.memory_space<vmem>>) dst(%dma_wait3A_2900 : memref<64x64xf32, #tpu.memory_space<hbm>>)
    %dma_wait3A_2904 = arith.constant 24 : i32
    %dma_wait3A_2905 = arith.constant 1536 : i32
    %dma_wait3A_2906 = arith.constant 0 : i32
    %dma_wait3A_2907 = tpu.memref_slice %arg7[%dma_wait3A_2905, %dma_wait3A_2906] : memref<1600x64xf32, #tpu.memory_space<vmem>> -> memref<64x64xf32, #tpu.memory_space<vmem>>
    %dma_wait3A_2908 = arith.constant 0 : i32
    %dma_wait3A_2909 = tpu.memref_slice %arg4[%dma_wait3A_2904, %mul3A_2578, %dma_wait3A_2908] : memref<25x2048x64xf32, #tpu.memory_space<hbm>> -> memref<1x64x64xf32, #tpu.memory_space<hbm>>
    %dma_wait3A_2910 = tpu.memref_squeeze %dma_wait3A_2909 : memref<1x64x64xf32, #tpu.memory_space<hbm>> -> memref<64x64xf32, #tpu.memory_space<hbm>>
    %dma_wait3A_2911 = arith.constant 0 : i32
    %dma_wait3A_2912 = tpu.memref_slice %arg4[%dma_wait3A_2904, %mul3A_2578, %dma_wait3A_2911] : memref<25x2048x64xf32, #tpu.memory_space<hbm>> -> memref<1x64x64xf32, #tpu.memory_space<hbm>>
    %dma_wait3A_2913 = tpu.memref_squeeze %dma_wait3A_2912 : memref<1x64x64xf32, #tpu.memory_space<hbm>> -> memref<64x64xf32, #tpu.memory_space<hbm>>
    %dma_wait3A_2914 = arith.constant 1536 : i32
    %dma_wait3A_2915 = arith.constant 0 : i32
    %dma_wait3A_2916 = tpu.memref_slice %arg7[%dma_wait3A_2914, %dma_wait3A_2915] : memref<1600x64xf32, #tpu.memory_space<vmem>> -> memref<64x64xf32, #tpu.memory_space<vmem>>
    tpu.wait_dma2 semaphore(%arg9 : memref<!tpu.dma_semaphore, #tpu.memory_space<semaphore_mem>>) src(%dma_wait3A_2916 : memref<64x64xf32, #tpu.memory_space<vmem>>) dst(%dma_wait3A_2913 : memref<64x64xf32, #tpu.memory_space<hbm>>)
    return
  }
}

module attributes {stable_mosaic.version = 14 : i64} {
  func.func @body(%arg0: i32, %arg1: memref<1x1024x128xf32, #tpu.memory_space<vmem>>, %arg2: memref<2x64x1024xf32, #tpu.memory_space<vmem>>, %arg3: memref<50x1000x1024xf32, #tpu.memory_space<any>>, %arg4: memref<1x1000x1024xf32, #tpu.memory_space<vmem>>, %arg5: memref<!tpu.dma_semaphore, #tpu.memory_space<semaphore_mem>>) attributes {dimension_semantics = [#tpu.dimension_semantics<arbitrary>], iteration_bounds = array<i64: 25>, scalar_prefetch = 0 : i64, scratch_operands = 2 : i64, tpu.core_type = #tpu.core_type<tc>, window_params = [{transform_indices = @transform_0, window_bounds = array<i64: 1, 1024, 128>}, {transform_indices = @transform_1, window_bounds = array<i64: 2, 64, 1024>}, {}]} {
    %eq3A = arith.constant 0 : i32
    %eq3A_0 = arith.cmpi eq, %arg0, %eq3A : i32
    %convert_element_type3A = arith.extui %eq3A_0 : i1 to i32
    %cond3A = arith.constant 0 : i32
    %cond3A_1 = arith.cmpi ne, %convert_element_type3A, %cond3A : i32
    scf.if %cond3A_1 {
      %broadcast_in_dim3A = arith.constant 0.000000e+00 : f32
      %broadcast_in_dim3A_23 = vector.broadcast %broadcast_in_dim3A : f32 to vector<1x1000x1024xf32>
      %swap3A_24 = arith.constant 0 : index
      %swap3A_25 = arith.constant 0 : index
      %swap3A_26 = arith.constant 0 : index
      %swap3A_27 = vector.load %arg4[%swap3A_24, %swap3A_25, %swap3A_26] : memref<1x1000x1024xf32, #tpu.memory_space<vmem>>, vector<1x1000x1024xf32>
      tpu.vector_store %arg4[%swap3A_24, %swap3A_25, %swap3A_26], %broadcast_in_dim3A_23 {strides = array<i32>} : memref<1x1000x1024xf32, #tpu.memory_space<vmem>>, vector<1x1000x1024xf32>,
    } else {
    }
    %mul3A = arith.constant 2 : i32
    %mul3A_2 = arith.muli %mul3A, %arg0 : i32
    %dma_start3A = arith.constant 0 : i32
    %dma_start3A_3 = arith.constant 0 : i32
    %dma_start3A_4 = tpu.memref_slice %arg3[%mul3A_2, %dma_start3A, %dma_start3A_3] : memref<50x1000x1024xf32, #tpu.memory_space<any>> -> memref<1x1000x1024xf32, #tpu.memory_space<any>>
    tpu.enqueue_dma source(%arg4 : memref<1x1000x1024xf32, #tpu.memory_space<vmem>>) target(%dma_start3A_4 : memref<1x1000x1024xf32, #tpu.memory_space<any>>) target_semaphore(%arg5 : memref<!tpu.dma_semaphore, #tpu.memory_space<semaphore_mem>>)
    %mul3A_5 = arith.constant 2 : i32
    %mul3A_6 = arith.muli %mul3A_5, %arg0 : i32
    %add3A = arith.constant 1 : i32
    %add3A_7 = arith.addi %mul3A_6, %add3A : i32
    %dma_start3A_8 = arith.constant 0 : i32
    %dma_start3A_9 = arith.constant 0 : i32
    %dma_start3A_10 = tpu.memref_slice %arg3[%add3A_7, %dma_start3A_8, %dma_start3A_9] : memref<50x1000x1024xf32, #tpu.memory_space<any>> -> memref<1x1000x1024xf32, #tpu.memory_space<any>>
    tpu.enqueue_dma source(%arg4 : memref<1x1000x1024xf32, #tpu.memory_space<vmem>>) target(%dma_start3A_10 : memref<1x1000x1024xf32, #tpu.memory_space<any>>) target_semaphore(%arg5 : memref<!tpu.dma_semaphore, #tpu.memory_space<semaphore_mem>>)
    %get3A = arith.constant 0 : index
    %get3A_11 = arith.constant 0 : index
    %get3A_12 = arith.constant 0 : index
    %get3A_13 = vector.load %arg1[%get3A, %get3A_11, %get3A_12] : memref<1x1024x128xf32, #tpu.memory_space<vmem>>, vector<1x1024x128xf32>
    %get3A_14 = vector.shape_cast %get3A_13 : vector<1x1024x128xf32> to vector<1024x128xf32>
    %transpose3A = tpu.transpose %get3A_14, [1, 0] : vector<1024x128xf32> -> vector<128x1024xf32>
    %reshape3A = vector.shape_cast %transpose3A : vector<128x1024xf32> to vector<2x64x1024xf32>
    %swap3A = arith.constant 0 : index
    %swap3A_15 = arith.constant 0 : index
    %swap3A_16 = arith.constant 0 : index
    %swap3A_17 = vector.load %arg2[%swap3A, %swap3A_15, %swap3A_16] : memref<2x64x1024xf32, #tpu.memory_space<vmem>>, vector<2x64x1024xf32>
    tpu.vector_store %arg2[%swap3A, %swap3A_15, %swap3A_16], %reshape3A {strides = array<i32>} : memref<2x64x1024xf32, #tpu.memory_space<vmem>>, vector<2x64x1024xf32>,
    %eq3A_18 = arith.constant 24 : i32
    %eq3A_19 = arith.cmpi eq, %arg0, %eq3A_18 : i32
    %convert_element_type3A_20 = arith.extui %eq3A_19 : i1 to i32
    %cond3A_21 = arith.constant 0 : i32
    %cond3A_22 = arith.cmpi ne, %convert_element_type3A_20, %cond3A_21 : i32
    scf.if %cond3A_22 {
      %dma_wait3A = arith.constant 0 : i32
      %dma_wait3A_23 = arith.constant 0 : i32
      %dma_wait3A_24 = arith.constant 0 : i32
      %dma_wait3A_25 = tpu.memref_slice %arg3[%dma_wait3A, %dma_wait3A_23, %dma_wait3A_24] : memref<50x1000x1024xf32, #tpu.memory_space<any>> -> memref<1x1000x1024xf32, #tpu.memory_space<any>>
      tpu.wait_dma2 semaphore(%arg5 : memref<!tpu.dma_semaphore, #tpu.memory_space<semaphore_mem>>) src(%arg4 : memref<1x1000x1024xf32, #tpu.memory_space<vmem>>) dst(%dma_wait3A_25 : memref<1x1000x1024xf32, #tpu.memory_space<any>>)
      %dma_wait3A_26 = arith.constant 0 : i32
      %dma_wait3A_27 = arith.constant 0 : i32
      %dma_wait3A_28 = arith.constant 0 : i32
      %dma_wait3A_29 = tpu.memref_slice %arg3[%dma_wait3A_26, %dma_wait3A_27, %dma_wait3A_28] : memref<50x1000x1024xf32, #tpu.memory_space<any>> -> memref<1x1000x1024xf32, #tpu.memory_space<any>>
      tpu.wait_dma2 semaphore(%arg5 : memref<!tpu.dma_semaphore, #tpu.memory_space<semaphore_mem>>) src(%arg4 : memref<1x1000x1024xf32, #tpu.memory_space<vmem>>) dst(%dma_wait3A_29 : memref<1x1000x1024xf32, #tpu.memory_space<any>>)
      %dma_wait3A_30 = arith.constant 0 : i32
      %dma_wait3A_31 = arith.constant 0 : i32
      %dma_wait3A_32 = arith.constant 0 : i32
      %dma_wait3A_33 = tpu.memref_slice %arg3[%dma_wait3A_30, %dma_wait3A_31, %dma_wait3A_32] : memref<50x1000x1024xf32, #tpu.memory_space<any>> -> memref<1x1000x1024xf32, #tpu.memory_space<any>>
      tpu.wait_dma2 semaphore(%arg5 : memref<!tpu.dma_semaphore, #tpu.memory_space<semaphore_mem>>) src(%arg4 : memref<1x1000x1024xf32, #tpu.memory_space<vmem>>) dst(%dma_wait3A_33 : memref<1x1000x1024xf32, #tpu.memory_space<any>>)
      %dma_wait3A_34 = arith.constant 0 : i32
      %dma_wait3A_35 = arith.constant 0 : i32
      %dma_wait3A_36 = arith.constant 0 : i32
      %dma_wait3A_37 = tpu.memref_slice %arg3[%dma_wait3A_34, %dma_wait3A_35, %dma_wait3A_36] : memref<50x1000x1024xf32, #tpu.memory_space<any>> -> memref<1x1000x1024xf32, #tpu.memory_space<any>>
      tpu.wait_dma2 semaphore(%arg5 : memref<!tpu.dma_semaphore, #tpu.memory_space<semaphore_mem>>) src(%arg4 : memref<1x1000x1024xf32, #tpu.memory_space<vmem>>) dst(%dma_wait3A_37 : memref<1x1000x1024xf32, #tpu.memory_space<any>>)
      %dma_wait3A_38 = arith.constant 0 : i32
      %dma_wait3A_39 = arith.constant 0 : i32
      %dma_wait3A_40 = arith.constant 0 : i32
      %dma_wait3A_41 = tpu.memref_slice %arg3[%dma_wait3A_38, %dma_wait3A_39, %dma_wait3A_40] : memref<50x1000x1024xf32, #tpu.memory_space<any>> -> memref<1x1000x1024xf32, #tpu.memory_space<any>>
      tpu.wait_dma2 semaphore(%arg5 : memref<!tpu.dma_semaphore, #tpu.memory_space<semaphore_mem>>) src(%arg4 : memref<1x1000x1024xf32, #tpu.memory_space<vmem>>) dst(%dma_wait3A_41 : memref<1x1000x1024xf32, #tpu.memory_space<any>>)
      %dma_wait3A_42 = arith.constant 0 : i32
      %dma_wait3A_43 = arith.constant 0 : i32
      %dma_wait3A_44 = arith.constant 0 : i32
      %dma_wait3A_45 = tpu.memref_slice %arg3[%dma_wait3A_42, %dma_wait3A_43, %dma_wait3A_44] : memref<50x1000x1024xf32, #tpu.memory_space<any>> -> memref<1x1000x1024xf32, #tpu.memory_space<any>>
      tpu.wait_dma2 semaphore(%arg5 : memref<!tpu.dma_semaphore, #tpu.memory_space<semaphore_mem>>) src(%arg4 : memref<1x1000x1024xf32, #tpu.memory_space<vmem>>) dst(%dma_wait3A_45 : memref<1x1000x1024xf32, #tpu.memory_space<any>>)
      %dma_wait3A_46 = arith.constant 0 : i32
      %dma_wait3A_47 = arith.constant 0 : i32
      %dma_wait3A_48 = arith.constant 0 : i32
      %dma_wait3A_49 = tpu.memref_slice %arg3[%dma_wait3A_46, %dma_wait3A_47, %dma_wait3A_48] : memref<50x1000x1024xf32, #tpu.memory_space<any>> -> memref<1x1000x1024xf32, #tpu.memory_space<any>>
      tpu.wait_dma2 semaphore(%arg5 : memref<!tpu.dma_semaphore, #tpu.memory_space<semaphore_mem>>) src(%arg4 : memref<1x1000x1024xf32, #tpu.memory_space<vmem>>) dst(%dma_wait3A_49 : memref<1x1000x1024xf32, #tpu.memory_space<any>>)
      %dma_wait3A_50 = arith.constant 0 : i32
      %dma_wait3A_51 = arith.constant 0 : i32
      %dma_wait3A_52 = arith.constant 0 : i32
      %dma_wait3A_53 = tpu.memref_slice %arg3[%dma_wait3A_50, %dma_wait3A_51, %dma_wait3A_52] : memref<50x1000x1024xf32, #tpu.memory_space<any>> -> memref<1x1000x1024xf32, #tpu.memory_space<any>>
      tpu.wait_dma2 semaphore(%arg5 : memref<!tpu.dma_semaphore, #tpu.memory_space<semaphore_mem>>) src(%arg4 : memref<1x1000x1024xf32, #tpu.memory_space<vmem>>) dst(%dma_wait3A_53 : memref<1x1000x1024xf32, #tpu.memory_space<any>>)
      %dma_wait3A_54 = arith.constant 0 : i32
      %dma_wait3A_55 = arith.constant 0 : i32
      %dma_wait3A_56 = arith.constant 0 : i32
      %dma_wait3A_57 = tpu.memref_slice %arg3[%dma_wait3A_54, %dma_wait3A_55, %dma_wait3A_56] : memref<50x1000x1024xf32, #tpu.memory_space<any>> -> memref<1x1000x1024xf32, #tpu.memory_space<any>>
      tpu.wait_dma2 semaphore(%arg5 : memref<!tpu.dma_semaphore, #tpu.memory_space<semaphore_mem>>) src(%arg4 : memref<1x1000x1024xf32, #tpu.memory_space<vmem>>) dst(%dma_wait3A_57 : memref<1x1000x1024xf32, #tpu.memory_space<any>>)
      %dma_wait3A_58 = arith.constant 0 : i32
      %dma_wait3A_59 = arith.constant 0 : i32
      %dma_wait3A_60 = arith.constant 0 : i32
      %dma_wait3A_61 = tpu.memref_slice %arg3[%dma_wait3A_58, %dma_wait3A_59, %dma_wait3A_60] : memref<50x1000x1024xf32, #tpu.memory_space<any>> -> memref<1x1000x1024xf32, #tpu.memory_space<any>>
      tpu.wait_dma2 semaphore(%arg5 : memref<!tpu.dma_semaphore, #tpu.memory_space<semaphore_mem>>) src(%arg4 : memref<1x1000x1024xf32, #tpu.memory_space<vmem>>) dst(%dma_wait3A_61 : memref<1x1000x1024xf32, #tpu.memory_space<any>>)
      %dma_wait3A_62 = arith.constant 0 : i32
      %dma_wait3A_63 = arith.constant 0 : i32
      %dma_wait3A_64 = arith.constant 0 : i32
      %dma_wait3A_65 = tpu.memref_slice %arg3[%dma_wait3A_62, %dma_wait3A_63, %dma_wait3A_64] : memref<50x1000x1024xf32, #tpu.memory_space<any>> -> memref<1x1000x1024xf32, #tpu.memory_space<any>>
      tpu.wait_dma2 semaphore(%arg5 : memref<!tpu.dma_semaphore, #tpu.memory_space<semaphore_mem>>) src(%arg4 : memref<1x1000x1024xf32, #tpu.memory_space<vmem>>) dst(%dma_wait3A_65 : memref<1x1000x1024xf32, #tpu.memory_space<any>>)
      %dma_wait3A_66 = arith.constant 0 : i32
      %dma_wait3A_67 = arith.constant 0 : i32
      %dma_wait3A_68 = arith.constant 0 : i32
      %dma_wait3A_69 = tpu.memref_slice %arg3[%dma_wait3A_66, %dma_wait3A_67, %dma_wait3A_68] : memref<50x1000x1024xf32, #tpu.memory_space<any>> -> memref<1x1000x1024xf32, #tpu.memory_space<any>>
      tpu.wait_dma2 semaphore(%arg5 : memref<!tpu.dma_semaphore, #tpu.memory_space<semaphore_mem>>) src(%arg4 : memref<1x1000x1024xf32, #tpu.memory_space<vmem>>) dst(%dma_wait3A_69 : memref<1x1000x1024xf32, #tpu.memory_space<any>>)
      %dma_wait3A_70 = arith.constant 0 : i32
      %dma_wait3A_71 = arith.constant 0 : i32
      %dma_wait3A_72 = arith.constant 0 : i32
      %dma_wait3A_73 = tpu.memref_slice %arg3[%dma_wait3A_70, %dma_wait3A_71, %dma_wait3A_72] : memref<50x1000x1024xf32, #tpu.memory_space<any>> -> memref<1x1000x1024xf32, #tpu.memory_space<any>>
      tpu.wait_dma2 semaphore(%arg5 : memref<!tpu.dma_semaphore, #tpu.memory_space<semaphore_mem>>) src(%arg4 : memref<1x1000x1024xf32, #tpu.memory_space<vmem>>) dst(%dma_wait3A_73 : memref<1x1000x1024xf32, #tpu.memory_space<any>>)
      %dma_wait3A_74 = arith.constant 0 : i32
      %dma_wait3A_75 = arith.constant 0 : i32
      %dma_wait3A_76 = arith.constant 0 : i32
      %dma_wait3A_77 = tpu.memref_slice %arg3[%dma_wait3A_74, %dma_wait3A_75, %dma_wait3A_76] : memref<50x1000x1024xf32, #tpu.memory_space<any>> -> memref<1x1000x1024xf32, #tpu.memory_space<any>>
      tpu.wait_dma2 semaphore(%arg5 : memref<!tpu.dma_semaphore, #tpu.memory_space<semaphore_mem>>) src(%arg4 : memref<1x1000x1024xf32, #tpu.memory_space<vmem>>) dst(%dma_wait3A_77 : memref<1x1000x1024xf32, #tpu.memory_space<any>>)
      %dma_wait3A_78 = arith.constant 0 : i32
      %dma_wait3A_79 = arith.constant 0 : i32
      %dma_wait3A_80 = arith.constant 0 : i32
      %dma_wait3A_81 = tpu.memref_slice %arg3[%dma_wait3A_78, %dma_wait3A_79, %dma_wait3A_80] : memref<50x1000x1024xf32, #tpu.memory_space<any>> -> memref<1x1000x1024xf32, #tpu.memory_space<any>>
      tpu.wait_dma2 semaphore(%arg5 : memref<!tpu.dma_semaphore, #tpu.memory_space<semaphore_mem>>) src(%arg4 : memref<1x1000x1024xf32, #tpu.memory_space<vmem>>) dst(%dma_wait3A_81 : memref<1x1000x1024xf32, #tpu.memory_space<any>>)
      %dma_wait3A_82 = arith.constant 0 : i32
      %dma_wait3A_83 = arith.constant 0 : i32
      %dma_wait3A_84 = arith.constant 0 : i32
      %dma_wait3A_85 = tpu.memref_slice %arg3[%dma_wait3A_82, %dma_wait3A_83, %dma_wait3A_84] : memref<50x1000x1024xf32, #tpu.memory_space<any>> -> memref<1x1000x1024xf32, #tpu.memory_space<any>>
      tpu.wait_dma2 semaphore(%arg5 : memref<!tpu.dma_semaphore, #tpu.memory_space<semaphore_mem>>) src(%arg4 : memref<1x1000x1024xf32, #tpu.memory_space<vmem>>) dst(%dma_wait3A_85 : memref<1x1000x1024xf32, #tpu.memory_space<any>>)
      %dma_wait3A_86 = arith.constant 0 : i32
      %dma_wait3A_87 = arith.constant 0 : i32
      %dma_wait3A_88 = arith.constant 0 : i32
      %dma_wait3A_89 = tpu.memref_slice %arg3[%dma_wait3A_86, %dma_wait3A_87, %dma_wait3A_88] : memref<50x1000x1024xf32, #tpu.memory_space<any>> -> memref<1x1000x1024xf32, #tpu.memory_space<any>>
      tpu.wait_dma2 semaphore(%arg5 : memref<!tpu.dma_semaphore, #tpu.memory_space<semaphore_mem>>) src(%arg4 : memref<1x1000x1024xf32, #tpu.memory_space<vmem>>) dst(%dma_wait3A_89 : memref<1x1000x1024xf32, #tpu.memory_space<any>>)
      %dma_wait3A_90 = arith.constant 0 : i32
      %dma_wait3A_91 = arith.constant 0 : i32
      %dma_wait3A_92 = arith.constant 0 : i32
      %dma_wait3A_93 = tpu.memref_slice %arg3[%dma_wait3A_90, %dma_wait3A_91, %dma_wait3A_92] : memref<50x1000x1024xf32, #tpu.memory_space<any>> -> memref<1x1000x1024xf32, #tpu.memory_space<any>>
      tpu.wait_dma2 semaphore(%arg5 : memref<!tpu.dma_semaphore, #tpu.memory_space<semaphore_mem>>) src(%arg4 : memref<1x1000x1024xf32, #tpu.memory_space<vmem>>) dst(%dma_wait3A_93 : memref<1x1000x1024xf32, #tpu.memory_space<any>>)
      %dma_wait3A_94 = arith.constant 0 : i32
      %dma_wait3A_95 = arith.constant 0 : i32
      %dma_wait3A_96 = arith.constant 0 : i32
      %dma_wait3A_97 = tpu.memref_slice %arg3[%dma_wait3A_94, %dma_wait3A_95, %dma_wait3A_96] : memref<50x1000x1024xf32, #tpu.memory_space<any>> -> memref<1x1000x1024xf32, #tpu.memory_space<any>>
      tpu.wait_dma2 semaphore(%arg5 : memref<!tpu.dma_semaphore, #tpu.memory_space<semaphore_mem>>) src(%arg4 : memref<1x1000x1024xf32, #tpu.memory_space<vmem>>) dst(%dma_wait3A_97 : memref<1x1000x1024xf32, #tpu.memory_space<any>>)
      %dma_wait3A_98 = arith.constant 0 : i32
      %dma_wait3A_99 = arith.constant 0 : i32
      %dma_wait3A_100 = arith.constant 0 : i32
      %dma_wait3A_101 = tpu.memref_slice %arg3[%dma_wait3A_98, %dma_wait3A_99, %dma_wait3A_100] : memref<50x1000x1024xf32, #tpu.memory_space<any>> -> memref<1x1000x1024xf32, #tpu.memory_space<any>>
      tpu.wait_dma2 semaphore(%arg5 : memref<!tpu.dma_semaphore, #tpu.memory_space<semaphore_mem>>) src(%arg4 : memref<1x1000x1024xf32, #tpu.memory_space<vmem>>) dst(%dma_wait3A_101 : memref<1x1000x1024xf32, #tpu.memory_space<any>>)
      %dma_wait3A_102 = arith.constant 0 : i32
      %dma_wait3A_103 = arith.constant 0 : i32
      %dma_wait3A_104 = arith.constant 0 : i32
      %dma_wait3A_105 = tpu.memref_slice %arg3[%dma_wait3A_102, %dma_wait3A_103, %dma_wait3A_104] : memref<50x1000x1024xf32, #tpu.memory_space<any>> -> memref<1x1000x1024xf32, #tpu.memory_space<any>>
      tpu.wait_dma2 semaphore(%arg5 : memref<!tpu.dma_semaphore, #tpu.memory_space<semaphore_mem>>) src(%arg4 : memref<1x1000x1024xf32, #tpu.memory_space<vmem>>) dst(%dma_wait3A_105 : memref<1x1000x1024xf32, #tpu.memory_space<any>>)
      %dma_wait3A_106 = arith.constant 0 : i32
      %dma_wait3A_107 = arith.constant 0 : i32
      %dma_wait3A_108 = arith.constant 0 : i32
      %dma_wait3A_109 = tpu.memref_slice %arg3[%dma_wait3A_106, %dma_wait3A_107, %dma_wait3A_108] : memref<50x1000x1024xf32, #tpu.memory_space<any>> -> memref<1x1000x1024xf32, #tpu.memory_space<any>>
      tpu.wait_dma2 semaphore(%arg5 : memref<!tpu.dma_semaphore, #tpu.memory_space<semaphore_mem>>) src(%arg4 : memref<1x1000x1024xf32, #tpu.memory_space<vmem>>) dst(%dma_wait3A_109 : memref<1x1000x1024xf32, #tpu.memory_space<any>>)
      %dma_wait3A_110 = arith.constant 0 : i32
      %dma_wait3A_111 = arith.constant 0 : i32
      %dma_wait3A_112 = arith.constant 0 : i32
      %dma_wait3A_113 = tpu.memref_slice %arg3[%dma_wait3A_110, %dma_wait3A_111, %dma_wait3A_112] : memref<50x1000x1024xf32, #tpu.memory_space<any>> -> memref<1x1000x1024xf32, #tpu.memory_space<any>>
      tpu.wait_dma2 semaphore(%arg5 : memref<!tpu.dma_semaphore, #tpu.memory_space<semaphore_mem>>) src(%arg4 : memref<1x1000x1024xf32, #tpu.memory_space<vmem>>) dst(%dma_wait3A_113 : memref<1x1000x1024xf32, #tpu.memory_space<any>>)
      %dma_wait3A_114 = arith.constant 0 : i32
      %dma_wait3A_115 = arith.constant 0 : i32
      %dma_wait3A_116 = arith.constant 0 : i32
      %dma_wait3A_117 = tpu.memref_slice %arg3[%dma_wait3A_114, %dma_wait3A_115, %dma_wait3A_116] : memref<50x1000x1024xf32, #tpu.memory_space<any>> -> memref<1x1000x1024xf32, #tpu.memory_space<any>>
      tpu.wait_dma2 semaphore(%arg5 : memref<!tpu.dma_semaphore, #tpu.memory_space<semaphore_mem>>) src(%arg4 : memref<1x1000x1024xf32, #tpu.memory_space<vmem>>) dst(%dma_wait3A_117 : memref<1x1000x1024xf32, #tpu.memory_space<any>>)
      %dma_wait3A_118 = arith.constant 0 : i32
      %dma_wait3A_119 = arith.constant 0 : i32
      %dma_wait3A_120 = arith.constant 0 : i32
      %dma_wait3A_121 = tpu.memref_slice %arg3[%dma_wait3A_118, %dma_wait3A_119, %dma_wait3A_120] : memref<50x1000x1024xf32, #tpu.memory_space<any>> -> memref<1x1000x1024xf32, #tpu.memory_space<any>>
      tpu.wait_dma2 semaphore(%arg5 : memref<!tpu.dma_semaphore, #tpu.memory_space<semaphore_mem>>) src(%arg4 : memref<1x1000x1024xf32, #tpu.memory_space<vmem>>) dst(%dma_wait3A_121 : memref<1x1000x1024xf32, #tpu.memory_space<any>>)
      %dma_wait3A_122 = arith.constant 0 : i32
      %dma_wait3A_123 = arith.constant 0 : i32
      %dma_wait3A_124 = arith.constant 0 : i32
      %dma_wait3A_125 = tpu.memref_slice %arg3[%dma_wait3A_122, %dma_wait3A_123, %dma_wait3A_124] : memref<50x1000x1024xf32, #tpu.memory_space<any>> -> memref<1x1000x1024xf32, #tpu.memory_space<any>>
      tpu.wait_dma2 semaphore(%arg5 : memref<!tpu.dma_semaphore, #tpu.memory_space<semaphore_mem>>) src(%arg4 : memref<1x1000x1024xf32, #tpu.memory_space<vmem>>) dst(%dma_wait3A_125 : memref<1x1000x1024xf32, #tpu.memory_space<any>>)
      %dma_wait3A_126 = arith.constant 0 : i32
      %dma_wait3A_127 = arith.constant 0 : i32
      %dma_wait3A_128 = arith.constant 0 : i32
      %dma_wait3A_129 = tpu.memref_slice %arg3[%dma_wait3A_126, %dma_wait3A_127, %dma_wait3A_128] : memref<50x1000x1024xf32, #tpu.memory_space<any>> -> memref<1x1000x1024xf32, #tpu.memory_space<any>>
      tpu.wait_dma2 semaphore(%arg5 : memref<!tpu.dma_semaphore, #tpu.memory_space<semaphore_mem>>) src(%arg4 : memref<1x1000x1024xf32, #tpu.memory_space<vmem>>) dst(%dma_wait3A_129 : memref<1x1000x1024xf32, #tpu.memory_space<any>>)
      %dma_wait3A_130 = arith.constant 0 : i32
      %dma_wait3A_131 = arith.constant 0 : i32
      %dma_wait3A_132 = arith.constant 0 : i32
      %dma_wait3A_133 = tpu.memref_slice %arg3[%dma_wait3A_130, %dma_wait3A_131, %dma_wait3A_132] : memref<50x1000x1024xf32, #tpu.memory_space<any>> -> memref<1x1000x1024xf32, #tpu.memory_space<any>>
      tpu.wait_dma2 semaphore(%arg5 : memref<!tpu.dma_semaphore, #tpu.memory_space<semaphore_mem>>) src(%arg4 : memref<1x1000x1024xf32, #tpu.memory_space<vmem>>) dst(%dma_wait3A_133 : memref<1x1000x1024xf32, #tpu.memory_space<any>>)
      %dma_wait3A_134 = arith.constant 0 : i32
      %dma_wait3A_135 = arith.constant 0 : i32
      %dma_wait3A_136 = arith.constant 0 : i32
      %dma_wait3A_137 = tpu.memref_slice %arg3[%dma_wait3A_134, %dma_wait3A_135, %dma_wait3A_136] : memref<50x1000x1024xf32, #tpu.memory_space<any>> -> memref<1x1000x1024xf32, #tpu.memory_space<any>>
      tpu.wait_dma2 semaphore(%arg5 : memref<!tpu.dma_semaphore, #tpu.memory_space<semaphore_mem>>) src(%arg4 : memref<1x1000x1024xf32, #tpu.memory_space<vmem>>) dst(%dma_wait3A_137 : memref<1x1000x1024xf32, #tpu.memory_space<any>>)
      %dma_wait3A_138 = arith.constant 0 : i32
      %dma_wait3A_139 = arith.constant 0 : i32
      %dma_wait3A_140 = arith.constant 0 : i32
      %dma_wait3A_141 = tpu.memref_slice %arg3[%dma_wait3A_138, %dma_wait3A_139, %dma_wait3A_140] : memref<50x1000x1024xf32, #tpu.memory_space<any>> -> memref<1x1000x1024xf32, #tpu.memory_space<any>>
      tpu.wait_dma2 semaphore(%arg5 : memref<!tpu.dma_semaphore, #tpu.memory_space<semaphore_mem>>) src(%arg4 : memref<1x1000x1024xf32, #tpu.memory_space<vmem>>) dst(%dma_wait3A_141 : memref<1x1000x1024xf32, #tpu.memory_space<any>>)
      %dma_wait3A_142 = arith.constant 0 : i32
      %dma_wait3A_143 = arith.constant 0 : i32
      %dma_wait3A_144 = arith.constant 0 : i32
      %dma_wait3A_145 = tpu.memref_slice %arg3[%dma_wait3A_142, %dma_wait3A_143, %dma_wait3A_144] : memref<50x1000x1024xf32, #tpu.memory_space<any>> -> memref<1x1000x1024xf32, #tpu.memory_space<any>>
      tpu.wait_dma2 semaphore(%arg5 : memref<!tpu.dma_semaphore, #tpu.memory_space<semaphore_mem>>) src(%arg4 : memref<1x1000x1024xf32, #tpu.memory_space<vmem>>) dst(%dma_wait3A_145 : memref<1x1000x1024xf32, #tpu.memory_space<any>>)
      %dma_wait3A_146 = arith.constant 0 : i32
      %dma_wait3A_147 = arith.constant 0 : i32
      %dma_wait3A_148 = arith.constant 0 : i32
      %dma_wait3A_149 = tpu.memref_slice %arg3[%dma_wait3A_146, %dma_wait3A_147, %dma_wait3A_148] : memref<50x1000x1024xf32, #tpu.memory_space<any>> -> memref<1x1000x1024xf32, #tpu.memory_space<any>>
      tpu.wait_dma2 semaphore(%arg5 : memref<!tpu.dma_semaphore, #tpu.memory_space<semaphore_mem>>) src(%arg4 : memref<1x1000x1024xf32, #tpu.memory_space<vmem>>) dst(%dma_wait3A_149 : memref<1x1000x1024xf32, #tpu.memory_space<any>>)
      %dma_wait3A_150 = arith.constant 0 : i32
      %dma_wait3A_151 = arith.constant 0 : i32
      %dma_wait3A_152 = arith.constant 0 : i32
      %dma_wait3A_153 = tpu.memref_slice %arg3[%dma_wait3A_150, %dma_wait3A_151, %dma_wait3A_152] : memref<50x1000x1024xf32, #tpu.memory_space<any>> -> memref<1x1000x1024xf32, #tpu.memory_space<any>>
      tpu.wait_dma2 semaphore(%arg5 : memref<!tpu.dma_semaphore, #tpu.memory_space<semaphore_mem>>) src(%arg4 : memref<1x1000x1024xf32, #tpu.memory_space<vmem>>) dst(%dma_wait3A_153 : memref<1x1000x1024xf32, #tpu.memory_space<any>>)
      %dma_wait3A_154 = arith.constant 0 : i32
      %dma_wait3A_155 = arith.constant 0 : i32
      %dma_wait3A_156 = arith.constant 0 : i32
      %dma_wait3A_157 = tpu.memref_slice %arg3[%dma_wait3A_154, %dma_wait3A_155, %dma_wait3A_156] : memref<50x1000x1024xf32, #tpu.memory_space<any>> -> memref<1x1000x1024xf32, #tpu.memory_space<any>>
      tpu.wait_dma2 semaphore(%arg5 : memref<!tpu.dma_semaphore, #tpu.memory_space<semaphore_mem>>) src(%arg4 : memref<1x1000x1024xf32, #tpu.memory_space<vmem>>) dst(%dma_wait3A_157 : memref<1x1000x1024xf32, #tpu.memory_space<any>>)
      %dma_wait3A_158 = arith.constant 0 : i32
      %dma_wait3A_159 = arith.constant 0 : i32
      %dma_wait3A_160 = arith.constant 0 : i32
      %dma_wait3A_161 = tpu.memref_slice %arg3[%dma_wait3A_158, %dma_wait3A_159, %dma_wait3A_160] : memref<50x1000x1024xf32, #tpu.memory_space<any>> -> memref<1x1000x1024xf32, #tpu.memory_space<any>>
      tpu.wait_dma2 semaphore(%arg5 : memref<!tpu.dma_semaphore, #tpu.memory_space<semaphore_mem>>) src(%arg4 : memref<1x1000x1024xf32, #tpu.memory_space<vmem>>) dst(%dma_wait3A_161 : memref<1x1000x1024xf32, #tpu.memory_space<any>>)
      %dma_wait3A_162 = arith.constant 0 : i32
      %dma_wait3A_163 = arith.constant 0 : i32
      %dma_wait3A_164 = arith.constant 0 : i32
      %dma_wait3A_165 = tpu.memref_slice %arg3[%dma_wait3A_162, %dma_wait3A_163, %dma_wait3A_164] : memref<50x1000x1024xf32, #tpu.memory_space<any>> -> memref<1x1000x1024xf32, #tpu.memory_space<any>>
      tpu.wait_dma2 semaphore(%arg5 : memref<!tpu.dma_semaphore, #tpu.memory_space<semaphore_mem>>) src(%arg4 : memref<1x1000x1024xf32, #tpu.memory_space<vmem>>) dst(%dma_wait3A_165 : memref<1x1000x1024xf32, #tpu.memory_space<any>>)
      %dma_wait3A_166 = arith.constant 0 : i32
      %dma_wait3A_167 = arith.constant 0 : i32
      %dma_wait3A_168 = arith.constant 0 : i32
      %dma_wait3A_169 = tpu.memref_slice %arg3[%dma_wait3A_166, %dma_wait3A_167, %dma_wait3A_168] : memref<50x1000x1024xf32, #tpu.memory_space<any>> -> memref<1x1000x1024xf32, #tpu.memory_space<any>>
      tpu.wait_dma2 semaphore(%arg5 : memref<!tpu.dma_semaphore, #tpu.memory_space<semaphore_mem>>) src(%arg4 : memref<1x1000x1024xf32, #tpu.memory_space<vmem>>) dst(%dma_wait3A_169 : memref<1x1000x1024xf32, #tpu.memory_space<any>>)
      %dma_wait3A_170 = arith.constant 0 : i32
      %dma_wait3A_171 = arith.constant 0 : i32
      %dma_wait3A_172 = arith.constant 0 : i32
      %dma_wait3A_173 = tpu.memref_slice %arg3[%dma_wait3A_170, %dma_wait3A_171, %dma_wait3A_172] : memref<50x1000x1024xf32, #tpu.memory_space<any>> -> memref<1x1000x1024xf32, #tpu.memory_space<any>>
      tpu.wait_dma2 semaphore(%arg5 : memref<!tpu.dma_semaphore, #tpu.memory_space<semaphore_mem>>) src(%arg4 : memref<1x1000x1024xf32, #tpu.memory_space<vmem>>) dst(%dma_wait3A_173 : memref<1x1000x1024xf32, #tpu.memory_space<any>>)
      %dma_wait3A_174 = arith.constant 0 : i32
      %dma_wait3A_175 = arith.constant 0 : i32
      %dma_wait3A_176 = arith.constant 0 : i32
      %dma_wait3A_177 = tpu.memref_slice %arg3[%dma_wait3A_174, %dma_wait3A_175, %dma_wait3A_176] : memref<50x1000x1024xf32, #tpu.memory_space<any>> -> memref<1x1000x1024xf32, #tpu.memory_space<any>>
      tpu.wait_dma2 semaphore(%arg5 : memref<!tpu.dma_semaphore, #tpu.memory_space<semaphore_mem>>) src(%arg4 : memref<1x1000x1024xf32, #tpu.memory_space<vmem>>) dst(%dma_wait3A_177 : memref<1x1000x1024xf32, #tpu.memory_space<any>>)
      %dma_wait3A_178 = arith.constant 0 : i32
      %dma_wait3A_179 = arith.constant 0 : i32
      %dma_wait3A_180 = arith.constant 0 : i32
      %dma_wait3A_181 = tpu.memref_slice %arg3[%dma_wait3A_178, %dma_wait3A_179, %dma_wait3A_180] : memref<50x1000x1024xf32, #tpu.memory_space<any>> -> memref<1x1000x1024xf32, #tpu.memory_space<any>>
      tpu.wait_dma2 semaphore(%arg5 : memref<!tpu.dma_semaphore, #tpu.memory_space<semaphore_mem>>) src(%arg4 : memref<1x1000x1024xf32, #tpu.memory_space<vmem>>) dst(%dma_wait3A_181 : memref<1x1000x1024xf32, #tpu.memory_space<any>>)
      %dma_wait3A_182 = arith.constant 0 : i32
      %dma_wait3A_183 = arith.constant 0 : i32
      %dma_wait3A_184 = arith.constant 0 : i32
      %dma_wait3A_185 = tpu.memref_slice %arg3[%dma_wait3A_182, %dma_wait3A_183, %dma_wait3A_184] : memref<50x1000x1024xf32, #tpu.memory_space<any>> -> memref<1x1000x1024xf32, #tpu.memory_space<any>>
      tpu.wait_dma2 semaphore(%arg5 : memref<!tpu.dma_semaphore, #tpu.memory_space<semaphore_mem>>) src(%arg4 : memref<1x1000x1024xf32, #tpu.memory_space<vmem>>) dst(%dma_wait3A_185 : memref<1x1000x1024xf32, #tpu.memory_space<any>>)
      %dma_wait3A_186 = arith.constant 0 : i32
      %dma_wait3A_187 = arith.constant 0 : i32
      %dma_wait3A_188 = arith.constant 0 : i32
      %dma_wait3A_189 = tpu.memref_slice %arg3[%dma_wait3A_186, %dma_wait3A_187, %dma_wait3A_188] : memref<50x1000x1024xf32, #tpu.memory_space<any>> -> memref<1x1000x1024xf32, #tpu.memory_space<any>>
      tpu.wait_dma2 semaphore(%arg5 : memref<!tpu.dma_semaphore, #tpu.memory_space<semaphore_mem>>) src(%arg4 : memref<1x1000x1024xf32, #tpu.memory_space<vmem>>) dst(%dma_wait3A_189 : memref<1x1000x1024xf32, #tpu.memory_space<any>>)
      %dma_wait3A_190 = arith.constant 0 : i32
      %dma_wait3A_191 = arith.constant 0 : i32
      %dma_wait3A_192 = arith.constant 0 : i32
      %dma_wait3A_193 = tpu.memref_slice %arg3[%dma_wait3A_190, %dma_wait3A_191, %dma_wait3A_192] : memref<50x1000x1024xf32, #tpu.memory_space<any>> -> memref<1x1000x1024xf32, #tpu.memory_space<any>>
      tpu.wait_dma2 semaphore(%arg5 : memref<!tpu.dma_semaphore, #tpu.memory_space<semaphore_mem>>) src(%arg4 : memref<1x1000x1024xf32, #tpu.memory_space<vmem>>) dst(%dma_wait3A_193 : memref<1x1000x1024xf32, #tpu.memory_space<any>>)
      %dma_wait3A_194 = arith.constant 0 : i32
      %dma_wait3A_195 = arith.constant 0 : i32
      %dma_wait3A_196 = arith.constant 0 : i32
      %dma_wait3A_197 = tpu.memref_slice %arg3[%dma_wait3A_194, %dma_wait3A_195, %dma_wait3A_196] : memref<50x1000x1024xf32, #tpu.memory_space<any>> -> memref<1x1000x1024xf32, #tpu.memory_space<any>>
      tpu.wait_dma2 semaphore(%arg5 : memref<!tpu.dma_semaphore, #tpu.memory_space<semaphore_mem>>) src(%arg4 : memref<1x1000x1024xf32, #tpu.memory_space<vmem>>) dst(%dma_wait3A_197 : memref<1x1000x1024xf32, #tpu.memory_space<any>>)
      %dma_wait3A_198 = arith.constant 0 : i32
      %dma_wait3A_199 = arith.constant 0 : i32
      %dma_wait3A_200 = arith.constant 0 : i32
      %dma_wait3A_201 = tpu.memref_slice %arg3[%dma_wait3A_198, %dma_wait3A_199, %dma_wait3A_200] : memref<50x1000x1024xf32, #tpu.memory_space<any>> -> memref<1x1000x1024xf32, #tpu.memory_space<any>>
      tpu.wait_dma2 semaphore(%arg5 : memref<!tpu.dma_semaphore, #tpu.memory_space<semaphore_mem>>) src(%arg4 : memref<1x1000x1024xf32, #tpu.memory_space<vmem>>) dst(%dma_wait3A_201 : memref<1x1000x1024xf32, #tpu.memory_space<any>>)
      %dma_wait3A_202 = arith.constant 0 : i32
      %dma_wait3A_203 = arith.constant 0 : i32
      %dma_wait3A_204 = arith.constant 0 : i32
      %dma_wait3A_205 = tpu.memref_slice %arg3[%dma_wait3A_202, %dma_wait3A_203, %dma_wait3A_204] : memref<50x1000x1024xf32, #tpu.memory_space<any>> -> memref<1x1000x1024xf32, #tpu.memory_space<any>>
      tpu.wait_dma2 semaphore(%arg5 : memref<!tpu.dma_semaphore, #tpu.memory_space<semaphore_mem>>) src(%arg4 : memref<1x1000x1024xf32, #tpu.memory_space<vmem>>) dst(%dma_wait3A_205 : memref<1x1000x1024xf32, #tpu.memory_space<any>>)
      %dma_wait3A_206 = arith.constant 0 : i32
      %dma_wait3A_207 = arith.constant 0 : i32
      %dma_wait3A_208 = arith.constant 0 : i32
      %dma_wait3A_209 = tpu.memref_slice %arg3[%dma_wait3A_206, %dma_wait3A_207, %dma_wait3A_208] : memref<50x1000x1024xf32, #tpu.memory_space<any>> -> memref<1x1000x1024xf32, #tpu.memory_space<any>>
      tpu.wait_dma2 semaphore(%arg5 : memref<!tpu.dma_semaphore, #tpu.memory_space<semaphore_mem>>) src(%arg4 : memref<1x1000x1024xf32, #tpu.memory_space<vmem>>) dst(%dma_wait3A_209 : memref<1x1000x1024xf32, #tpu.memory_space<any>>)
      %dma_wait3A_210 = arith.constant 0 : i32
      %dma_wait3A_211 = arith.constant 0 : i32
      %dma_wait3A_212 = arith.constant 0 : i32
      %dma_wait3A_213 = tpu.memref_slice %arg3[%dma_wait3A_210, %dma_wait3A_211, %dma_wait3A_212] : memref<50x1000x1024xf32, #tpu.memory_space<any>> -> memref<1x1000x1024xf32, #tpu.memory_space<any>>
      tpu.wait_dma2 semaphore(%arg5 : memref<!tpu.dma_semaphore, #tpu.memory_space<semaphore_mem>>) src(%arg4 : memref<1x1000x1024xf32, #tpu.memory_space<vmem>>) dst(%dma_wait3A_213 : memref<1x1000x1024xf32, #tpu.memory_space<any>>)
      %dma_wait3A_214 = arith.constant 0 : i32
      %dma_wait3A_215 = arith.constant 0 : i32
      %dma_wait3A_216 = arith.constant 0 : i32
      %dma_wait3A_217 = tpu.memref_slice %arg3[%dma_wait3A_214, %dma_wait3A_215, %dma_wait3A_216] : memref<50x1000x1024xf32, #tpu.memory_space<any>> -> memref<1x1000x1024xf32, #tpu.memory_space<any>>
      tpu.wait_dma2 semaphore(%arg5 : memref<!tpu.dma_semaphore, #tpu.memory_space<semaphore_mem>>) src(%arg4 : memref<1x1000x1024xf32, #tpu.memory_space<vmem>>) dst(%dma_wait3A_217 : memref<1x1000x1024xf32, #tpu.memory_space<any>>)
      %dma_wait3A_218 = arith.constant 0 : i32
      %dma_wait3A_219 = arith.constant 0 : i32
      %dma_wait3A_220 = arith.constant 0 : i32
      %dma_wait3A_221 = tpu.memref_slice %arg3[%dma_wait3A_218, %dma_wait3A_219, %dma_wait3A_220] : memref<50x1000x1024xf32, #tpu.memory_space<any>> -> memref<1x1000x1024xf32, #tpu.memory_space<any>>
      tpu.wait_dma2 semaphore(%arg5 : memref<!tpu.dma_semaphore, #tpu.memory_space<semaphore_mem>>) src(%arg4 : memref<1x1000x1024xf32, #tpu.memory_space<vmem>>) dst(%dma_wait3A_221 : memref<1x1000x1024xf32, #tpu.memory_space<any>>)
    } else {
    }
    return
  }
  func.func @transform_0(%arg0: i32) -> (i32, i32, i32) {
    %c0_i32 = arith.constant 0 : i32
    %c0_i32_0 = arith.constant 0 : i32
    %c0_i32_1 = arith.constant 0 : i32
    return %arg0, %c0_i32, %c0_i32_0 : i32, i32, i32
  }
  func.func @transform_1(%arg0: i32) -> (i32, i32, i32) {
    %c0_i32 = arith.constant 0 : i32
    %c0_i32_0 = arith.constant 0 : i32
    %c0_i32_1 = arith.constant 0 : i32
    return %arg0, %c0_i32, %c0_i32_0 : i32, i32, i32
  }
}

</mosaic_0001>

<sc_bundles>
// kernel: kernel.4.cloned.1.call-start
scs
__scs_entry_jumppad:
0x0: {  	(pc) =	sbr.rel $0x88, $3  }
0x1: {  	(tag) =	ssettag $0x0;
	lr =	simm.s32 $0x1  }
0x2: {  	[smem:$0x3F9F] =	sst lr;
	_ =	strace $0xD0000000  }
0x3: {  	_ = 	snop  }
0x4: {  	_ = 	snop  }
0x5: {  	_ = 	snop  }
0x6: {  	_ = 	snop  }
0x7: {  	_ = 	snop  }
__scs_overlays_trampoline_lowered:
0x8: {  	[smem:$0x3FAE] =	sst s0  }
0x9: {  	[smem:$0x3FAF] =	sst s1  }
0xa: {  	[smem:$0x3FB0] =	sst s2  }
0xb: {  	[smem:$0x3FB1] =	sst s3  }
0xc: {  	[smem:$0x3FB2] =	sst s4  }
0xd: {  	[smem:$0x3FB3] =	sst s5  }
0xe: {  	[smem:$0x3FB4] =	sst s6  }
0xf: {  	[smem:$0x3FB5] =	sst s7  }
0x10: {  	[smem:$0x3FB6] =	sst s8  }
0x11: {  	[smem:$0x3FB7] =	sst s9;
	s0 =	simm.s32 @!p0 $0x0  }
0x12: {  	s1 =	sld [smem:$0x3F9D];
	s0 =	simm.s32 @p0 $0x1  }
0x13: {  	[smem:$0x3FB8] =	sst s0;
	s0 =	simm.s32 @!p1 $0x0  }
0x14: {  	s2 =	sld [smem:$0x3F9C];
	s0 =	simm.s32 @p1 $0x1  }
0x15: {  	[smem:$0x3FB9] =	sst s0;
	s0 =	simm.s32 @!p2 $0x0  }
0x16: {  	s3 =	sld [smem:$0x3FDB];
	s0 =	simm.s32 @p2 $0x1  }
0x17: {  	s4 =	simm.s32 $0x1BF5;
	[smem:$0x3FBB] =	sst s0  }
0x18: {  	s0 =	sld [smem:$0x3F9E];
	_ =	swait.ge [sflag:s4], $0x0  }
0x19: {  	s7 =	sld [smem:$0x3F9F]  }
0x1a: {  	s8 =	sadd.s32 $0xFFFFE003, lr  }
0x1b: {  	s9 =	sadd.s32 $0xFFFFFEF7, lr;
	s5 =	simm.s32 $0xFFFFFFFF;
	p2 =	slt.u32 s8, $0xFFFFF086  }
0x1c: {  	p1 =	slt.u32 s9, $0xF7A;
	s5 =	simm.s32 @!p2 $0x0  }
0x1d: {  	s5 =	simm.s32 @p1 $0x1;
	p0 =	seq.s32 s7, s2  }
0x1e: {  	s7 =	smul.u32 @!p0 $0xF7A, s2;
	p2 =	seq.s32 @!p0 s5, $0x0  }
0x1f: {  	s9 =	smul.u32 $0xF7A, s1;
	s8 =	simm.s32 @!p0 $0x1BF5;
	p2 =	por !p2, p0  }
0x20: {  	[sflag:s8] =	ssyncset.s32 @!p0 $0xFFFFF086;
	s6 =	sadd.s32 @!p0 s3, s7;
	s7 =	simm.s32 @!p0 $0x108  }
0x21: {  	s3 =	sadd.s32 s3, s9;
	s6 =	sadd.s32 @!p0 $0x88, s6;
	s7 =	simm.s32 @p2 $0x1082  }
0x22: {  	[simem:s7], [sflag:s8] =	dma.local @!p0 [hbm:s6], $0xF7A  }
0x23: {  	s9 =	sor.u32 $0xD0000000, s2;
	s6 =	simm.s32 $0x108;
	_ =	swait.ge @!p0 [sflag:s8], $0x0  }
0x24: {  	s3 =	sadd.s32 $0x88, s3;
	s6 =	simm.s32 @!p1 $0x1082;
	[sflag:s4] =	ssyncset.s32 $0xFFFFF086  }
0x25: {  	[simem:s6], [sflag:s4] =	dma.local [hbm:s3], $0xF7A  }
0x26: {  	[smem:$0x3F9F] =	sst s1;
	(tag) =	ssettag s2;
	_ =	strace s9  }
0x27: {  	s1 =	sld [smem:$0x3FAF]  }
0x28: {  	s2 =	sld [smem:$0x3FB0]  }
0x29: {  	s4 =	sld [smem:$0x3FB2]  }
0x2a: {  	p0 =	seq.s32 s5, $0x0;
	s5 =	sld [smem:$0x3FB3]  }
0x2b: {  	s6 =	sld [smem:$0x3FB4]  }
0x2c: {  	s7 =	sld [smem:$0x3FB5]  }
0x2d: {  	s3 =	simm.s32 $0x108;
	s8 =	sld [smem:$0x3FB6]  }
0x2e: {  	s3 =	simm.s32 @!p0 $0x1082;
	s9 =	sld [smem:$0x3FB7]  }
0x2f: {  	lr =	sadd.s32 s0, s3;
	s0 =	sld [smem:$0x3FAE]  }
0x30: {  	s3 =	sld [smem:$0x3FB1]  }
0x31: {  	[smem:$0x3FBA] =	sst s10  }
0x32: {  	s10 =	sld [smem:$0x3FB8];
	_ =	sdelay $0x3  }
0x33: {  	p0 =	seq.s32 s10, $0x1;
	s10 =	sld [smem:$0x3FBA];
	_ =	sdelay $0x3  }
0x34: {  	[smem:$0x3FBA] =	sst s10  }
0x35: {  	s10 =	sld [smem:$0x3FB9];
	_ =	sdelay $0x3  }
0x36: {  	p1 =	seq.s32 s10, $0x1;
	s10 =	sld [smem:$0x3FBA];
	_ =	sdelay $0x3  }
0x37: {  	[smem:$0x3FBA] =	sst s10  }
0x38: {  	s10 =	sld [smem:$0x3FBB]  }
0x39: {  	_ = 	snop;
	(pc) =	sbr.ind lr, $3  }
0x3a: {  	_ = 	snop  }
0x3b: {  	_ = 	snop  }
0x3c: {  	p2 =	seq.s32 s10, $0x1;
	s10 =	sld [smem:$0x3FBA]  }
0x3d: {  	_ =	shalt  }
0x3e: {  	_ =	shalt  }
0x3f: {  	_ =	shalt  }
0x40: {  	_ =	shalt  }
0x41: {  	_ =	shalt  }
0x42: {  	_ =	shalt  }
0x43: {  	_ =	shalt  }
0x44: {  	_ =	shalt  }
0x45: {  	_ =	shalt  }
0x46: {  	_ =	shalt  }
0x47: {  	_ =	shalt  }
0x48: {  	_ =	shalt  }
0x49: {  	_ =	shalt  }
0x4a: {  	_ =	shalt  }
0x4b: {  	_ =	shalt  }
0x4c: {  	_ =	shalt  }
0x4d: {  	_ =	shalt  }
0x4e: {  	_ =	shalt  }
0x4f: {  	_ =	shalt  }
0x50: {  	_ =	shalt  }
0x51: {  	_ =	shalt  }
0x52: {  	_ =	shalt  }
0x53: {  	_ =	shalt  }
0x54: {  	_ =	shalt  }
0x55: {  	_ =	shalt  }
0x56: {  	_ =	shalt  }
0x57: {  	_ =	shalt  }
0x58: {  	_ =	shalt  }
0x59: {  	_ =	shalt  }
0x5a: {  	_ =	shalt  }
0x5b: {  	_ =	shalt  }
0x5c: {  	_ =	shalt  }
0x5d: {  	_ =	shalt  }
0x5e: {  	_ =	shalt  }
0x5f: {  	_ =	shalt  }
0x60: {  	_ =	shalt  }
0x61: {  	_ =	shalt  }
0x62: {  	_ =	shalt  }
0x63: {  	_ =	shalt  }
0x64: {  	_ =	shalt  }
0x65: {  	_ =	shalt  }
0x66: {  	_ =	shalt  }
0x67: {  	_ =	shalt  }
0x68: {  	_ =	shalt  }
0x69: {  	_ =	shalt  }
0x6a: {  	_ =	shalt  }
0x6b: {  	_ =	shalt  }
0x6c: {  	_ =	shalt  }
0x6d: {  	_ =	shalt  }
0x6e: {  	_ =	shalt  }
0x6f: {  	_ =	shalt  }
0x70: {  	_ =	shalt  }
0x71: {  	_ =	shalt  }
0x72: {  	_ =	shalt  }
0x73: {  	_ =	shalt  }
0x74: {  	_ =	shalt  }
0x75: {  	_ =	shalt  }
0x76: {  	_ =	shalt  }
0x77: {  	_ =	shalt  }
0x78: {  	_ =	shalt  }
0x79: {  	_ =	shalt  }
0x7a: {  	_ =	shalt  }
0x7b: {  	_ =	shalt  }
0x7c: {  	_ =	shalt  }
0x7d: {  	_ =	shalt  }
0x7e: {  	_ =	shalt  }
0x7f: {  	_ =	shalt  }
0x80: {  	_ =	shalt  }
0x81: {  	_ =	shalt  }
0x82: {  	_ =	shalt  }
0x83: {  	_ =	shalt  }
0x84: {  	_ =	shalt  }
0x85: {  	_ =	shalt  }
0x86: {  	_ =	shalt  }
0x87: {  	_ =	shalt  }
.Lfunc_end0:
.L_simem_size_0:
called_computation_lowered:
.L_overlay_start_0:
0x88: {  	s2 =	sld [smem:$0x3FD9]  }
0x89: {  	s3 =	sld [smem:$0x3FFE];
	_ =	sdelay $0x1  }
0x8a: {  	s1 =	srdreg.scid  }
0x8b: {  	s0 =	sand.u32 $0x1, s1  }
0x8c: {  	s14 =	sshll.u32 s0, $0xA;
	s2 =	sadd.s32 s3, s2  }
0x8d: {  	s2 =	sadd.s32 s2, s14  }
0x8e: {  	[smem:$0x3FC6] =	sst s2  }
0x8f: {  	_ = 	snop  }
0x90: {  	s2 =	sld [smem:$0x3FD0];
	_ =	sdelay $0x2  }
0x91: {  	s15 =	simm.s32 $0xA;
	s4 =	simm.s32 $0x10  }
0x92: {  	[smem:s4], [sflag:s15] =	dma.local [hbm:s2], $0x1  }
0x93: {  	_ =	swait.eq [sflag:s15], $0x1  }
0x94: {  	[sflag:s15] =	ssyncset.done $0x0  }
0x95: {  	s16 =	sld [smem:$0x10];
	[sflag:s15] =	ssyncadd.s32 $0xFFFFFFFF  }
0x96: {  	s17 =	sld [smem:$0x11];
	(tm) =	ssettm $0x1  }
0x97: {  	s18 =	sld [smem:$0x3FFB];
	_ =	sdelay $0x3  }
0x98: {  	_ =	strace s18  }
0x99: {  	s4 =	sld [smem:$0x3FFC];
	_ =	sdelay $0x3  }
0x9a: {  	_ =	strace s4  }
0x9b: {  	s4 =	sld [smem:$0x3FFD];
	_ =	sdelay $0x3  }
0x9c: {  	_ =	strace s4  }
0x9d: {  	_ =	strace $0x8FFFFFFF  }
0x9e: {  	s19 =	sld [smem:$0x3FDB];
	_ =	sdelay $0x1  }
0x9f: {  	s5 =	simm.s32 $_scs_section_size  }
0xa0: {  	s6 =	simm.s32 $_size__tile_overlayer_lowered;
	s7 =	simm.s32 $_tile_overlayer_lowered  }
0xa1: {  	s22 =	simm.s32 $0x1BFF;
	s21 =	sshll.u32 s7, $0x1;
	s4 =	sadd.s32 s5, s19  }
0xa2: {  	s8 =	simm.s32 $0x0;
	s20 =	sshll.u32 s6, $0x1;
	s6 =	sadd.s32 s21, s4  }
0xa3: {  	[timem:s8], [sflag:s22] =	dma.local [hbm:s6], s20  }
0xa4: {  	_ =	swait.ge [sflag:s22], s20  }
0xa5: {  	s5 =	ssub.s32 $0x0, s20;
	[sflag:s22] =	ssyncset.done $0x0  }
0xa6: {  	[sflag:s22] =	ssyncadd.s32 s5;
	_ =	sdelay $0x1  }
0xa7: {  	s23 =	simm.s32 $0x1B8B  }
0xa8: {  	_ =	swait.ge [sflag:s23], $0x1  }
0xa9: {  	[sflag:s23] =	ssyncset.done $0x0  }
0xaa: {  	s25 =	simm.s32 $0x1B8E;
	s24 =	sld [smem:$0x3FFE];
	[sflag:s23] =	ssyncadd.s32 $0xFFFFFFFF  }
0xab: {  	s26 =	simm.s32 $execute0_lowered;
	[smem:$0x3FD2] =	sst s25  }
0xac: {  	s6 =	sshll.u32 s26, $0x1;
	_ =	strace $0x80000046;
	[dreg:$0x1] =	wrdreg $0xFFFFFFFF  }
0xad: {  	s28 =	simm.s32 $_size_execute0_lowered;
	s4 =	sadd.s32 s4, s6;
	[dreg:$0x0] =	wrdreg $0x0  }
0xae: {  	s6 =	sshll.u32 s28, $0x1;
	[dreg:$0x2] =	wrdreg s4  }
0xaf: {  	[dreg:$0x3] =	wrdreg s6  }
0xb0: {  	[dreg:$0x4] =	wrdreg $0xC0  }
0xb1: {  	_ =	task [dreg:s8], $0x5FFFF  }
0xb2: {  	[dreg:$0x1] =	wrdreg $0xFFFFFFFF  }
0xb3: {  	[dreg:$0x0] =	wrdreg $0x60  }
0xb4: {  	[dreg:$0x2] =	wrdreg s24  }
0xb5: {  	[dreg:$0x3] =	wrdreg s17  }
0xb6: {  	[dreg:$0x4] =	wrdreg s16  }
0xb7: {  	[dreg:$0x5] =	wrdreg $0x9  }
0xb8: {  	_ =	task.clear_ibuf [dreg:s8], $0x6FFFF;
	_ =	strace $0x90000046  }
0xb9: {  	s29 =	simm.s32 $0x9;
	_ =	strace $0x80000048  }
0xba: {  	_ =	swait.ge [sflag:s29], $0x1  }
0xbb: {  	[sflag:s29] =	ssyncadd.s32 $0xFFFFFFFF  }
0xbc: {  	_ =	strace $0x90000048  }
0xbd: {  	_ =	sfence  }
0xbe: {  	s30 =	sld [smem:$0x0];
	_ =	sdelay $0x2  }
0xbf: {  	s31 =	sshll.u32 s1, $0xD;
	s1 =	sshrl.u32 s1, $0x2  }
0xc0: {  	s3 =	sand.u32 $0x4000, s31;
	s1 =	sadd.s32 s1, s30  }
0xc1: {  	s0 =	sor.u32 s3, s0;
	s1 =	sshll.u32 s1, $0x11  }
0xc2: {  	s0 =	sor.u32 s1, s0  }
0xc3: {  	s0 =	sadd.s32 $0x8F2B, s0  }
0xc4: {  	[sflag:s0] =	ssyncadd.remote.s32 $0x1  }
0xc5: {  	_ =	sfence.sel $0xFFFF  }
0xc6: {  	[dreg:$0x0] =	wrdreg $0xFFFFFFFF;
	(pc) =	sbr.abs _section_cstart, $3  }
0xc7: {  	[dreg:$0x1] =	wrdreg $0xFFFFFFFF  }
0xc8: {  	_ =	task.clear_ibuf [dreg:s8], $0x2FFFF;
	_ =	strace $0x9FFFFFFF  }
0xc9: {  	(tm) =	ssettm $0x7FFFFFFF  }
tec
execute0_lowered:
.L_overlay_start_1:
0x0: {  	(tag) =	ssettag $0x1  }
0x1: {  	v0 =	vimm.s32 $0x33320100  }
0x2: {  	v1 =	vimm.s32 $0x97966564;
	vm1 =	vcmask $0xF00;
	v2 =	vimm.s32 $0xFBFAC9C8  }
0x3: {  	vm0 =	vcmask $0x1F10;
	v3 =	vimm.s32 $0x35340302;
	vm2 =	vcmask $0x2F20  }
0x4: {  	v4 =	vimm.s32 $0xFDFCCBCA;
	v5 =	vimm.s32 $0x37360504;
	v6 =	vimm.s32 $0x9B9A6968  }
0x5: {  	v9 =	vimm.s32 $0x43421110;
	v10 =	vimm.s32 $0x45441312;
	v11 =	vimm.s32 $0x47461514  }
0x6: {  	v12 =	vimm.s32 $0x49481716;
	v13 =	vimm.s32 $0x4D4C1B1A;
	v14 =	vimm.s32 $0x4F4E1D1C  }
0x7: {  	v16 =	vimm.s32 $0x51501F1E;
	v19 =	vimm.s32 $0x55542322;
	v23 =	vimm.s32 $0x5F5E2D2C  }
0x8: {  	v25 =	vimm.s32 $0x63623130;
	vm13 =	vcmask $0x300;
	v0 =	vunpack.c.0.s8.s32 v0  }
0x9: {  	v1 =	vunpack.c.0.s8.s32 v1;
	v2 =	vunpack.c.0.s8.s32 v2;
	v4 =	vunpack.c.0.s8.s32 v4  }
0xa: {  	v5 =	vunpack.c.0.s8.s32 v5;
	v6 =	vunpack.c.0.s8.s32 v6;
	v9 =	vunpack.c.0.s8.s32 v9  }
0xb: {  	v10 =	vunpack.c.0.s8.s32 v10;
	v11 =	vunpack.c.0.s8.s32 v11;
	v15 =	vunpack.c.0.s8.s32 v13  }
0xc: {  	v14 =	vunpack.c.0.s8.s32 v14;
	v24 =	vunpack.c.0.s8.s32 v23;
	v23 =	vimm.s32 $0x61602F2E  }
0xd: {  	v16 =	vunpack.c.0.s8.s32 v16;
	v25 =	vunpack.c.0.s8.s32 v25;
	v26 =	vunpack.c.0.s8.s32 v23  }
0xe: {  	v0 =	vnsel vm1, $0x15F, v0;
	v1 =	vand.u32 $0xFF, v1;
	v2 =	vand.u32 $0xFF, v2  }
0xf: {  	v4 =	vand.u32 $0xFF, v4;
	v5 =	vnsel vm1, $0x163, v5;
	v6 =	vand.u32 $0xFF, v6  }
0x10: {  	v18 =	vnsel vm1, $0x16F, v9;
	v9 =	vnsel vm1, $0x171, v10;
	v10 =	vnsel vm1, $0x173, v11  }
0x11: {  	v11 =	vunpack.c.0.s8.s32 v12;
	v12 =	vimm.s32 $0x4B4A1918;
	v14 =	vand.u32 $0xFF, v14  }
0x12: {  	v17 =	vand.u32 $0xFF, v16;
	v0 =	vsel vm0, v1, v0;
	v1 =	vunpack.c.0.s8.s32 v3  }
0x13: {  	v3 =	vimm.s32 $0x99986766;
	v12 =	vunpack.c.0.s8.s32 v12;
	v16 =	vnsel vm1, $0x17B, v14  }
0x14: {  	v14 =	vnsel vm1, $0x17D, v17;
	v17 =	vunpack.c.0.s8.s32 v19;
	v19 =	vimm.s32 $0x57562524  }
0x15: {  	v3 =	vunpack.c.0.s8.s32 v3;
	v0 =	vsel vm2, v2, v0;
	v2 =	vsel vm0, v6, v5  }
0x16: {  	v5 =	vimm.s32 $0x3B3A0908;
	v6 =	vimm.s32 $0x3D3C0B0A;
	v21 =	vunpack.c.0.s8.s32 v19  }
0x17: {  	v1 =	vnsel vm1, $0x161, v1;
	v5 =	vunpack.c.0.s8.s32 v5;
	v13 =	vnsel vm1, $0x177, v12  }
0x18: {  	v12 =	vnsel vm1, $0x179, v15;
	v15 =	vimm.s32 $0x53522120;
	v3 =	vand.u32 $0xFF, v3  }
0x19: {  	v15 =	vunpack.c.0.s8.s32 v15;
	v3 =	vsel vm0, v3, v1;
	v1 =	vimm.s32 $0xFFFECDCC  }
0x1a: {  	v17 =	vand.u32 $0xFF, v17;
	v21 =	vand.u32 $0xFF, v21;
	v7 =	vunpack.c.0.s8.s32 v1  }
0x1b: {  	[tilespmem:$0x1F4E0] =	vst v0;
	v0 =	vsel vm2, v4, v3;
	v4 =	vimm.s32 $0x39380706;
	v15 =	vand.u32 $0xFF, v15  }
0x1c: {  	v19 =	vnsel vm1, $0x17F, v15;
	v15 =	vnsel vm1, $0x181, v17;
	v17 =	vimm.s32 $0x5B5A2928  }
0x1d: {  	v22 =	vunpack.c.0.s8.s32 v17;
	v17 =	vnsel vm1, $0x183, v21;
	v21 =	vimm.s32 $0x5D5C2B2A  }
0x1e: {  	v4 =	vunpack.c.0.s8.s32 v4;
	v3 =	vand.u32 $0xFF, v7;
	v21 =	vunpack.c.0.s8.s32 v21  }
0x1f: {  	[tilespmem:$0x1F4F0] =	vst v0;
	v0 =	vsel vm2, v3, v2;
	v3 =	vimm.s32 $0x2EF;
	v22 =	vand.u32 $0xFF, v22  }
0x20: {  	v21 =	vand.u32 $0xFF, v21;
	v61 =	vnsel vm1, $0x187, v22;
	v22 =	vand.u32 $0xFF, v25  }
0x21: {  	v23 =	vnsel vm1, $0x189, v21;
	v21 =	vand.u32 $0xFF, v24;
	v2 =	vnsel vm1, $0x18F, v22  }
0x22: {  	v24 =	vsel vm13, $0x190, v3;
	v3 =	vimm.s32 $0x47F;
	v22 =	vimm.s32 $0x60F  }
0x23: {  	v60 =	vnsel vm1, $0x18B, v21;
	v21 =	vand.u32 $0xFF, v26;
	v26 =	vsel vm13, $0x320, v3  }
0x24: {  	v27 =	vsel vm13, $0x4B0, v22;
	v3 =	vimm.s32 $0x2F1;
	v22 =	vimm.s32 $0x611  }
0x25: {  	v29 =	vsel vm13, $0x192, v3;
	v3 =	vimm.s32 $0x481;
	v33 =	vsel vm13, $0x4B2, v22  }
0x26: {  	v22 =	vimm.s32 $0x2F3;
	v30 =	vsel vm13, $0x322, v3;
	v3 =	vimm.s32 $0x9D9C6B6A  }
0x27: {  	v38 =	vsel vm13, $0x194, v22;
	v22 =	vimm.s32 $0x613;
	v3 =	vunpack.c.0.s8.s32 v3  }
0x28: {  	v6 =	vunpack.c.0.s8.s32 v6;
	v39 =	vsel vm13, $0x4B4, v22;
	v22 =	vimm.s32 $0x2F5  }
0x29: {  	v4 =	vnsel vm1, $0x165, v4;
	v40 =	vsel vm13, $0x196, v22;
	v3 =	vand.u32 $0xFF, v3  }
0x2a: {  	[tilespmem:$0x1F500] =	vst v0;
	v22 =	vimm.s32 $0x485;
	v0 =	vsel vm0, v3, v4;
	v4 =	vimm.s32 $0x9F9E6D6C  }
0x2b: {  	v42 =	vsel vm13, $0x326, v22;
	v22 =	vimm.s32 $0xA1A06F6E;
	v4 =	vunpack.c.0.s8.s32 v4  }
0x2c: {  	v8 =	vimm.s32 $0x41400F0E;
	v5 =	vnsel vm1, $0x167, v5;
	v22 =	vunpack.c.0.s8.s32 v22  }
0x2d: {  	v6 =	vnsel vm1, $0x169, v6;
	v7 =	vimm.s32 $0x3F3E0D0C;
	v4 =	vand.u32 $0xFF, v4  }
0x2e: {  	v7 =	vunpack.c.0.s8.s32 v7;
	[tilespmem:$0x1EC50] =	vst v0;
	v22 =	vand.u32 $0xFF, v22;
	v0 =	vsel vm0, v4, v5  }
0x2f: {  	[tilespmem:$0x1EC60] =	vst v0;
	v0 =	vsel vm0, v22, v6;
	v6 =	vimm.s32 $0xA3A27170;
	v22 =	vimm.s32 $0x2F9  }
0x30: {  	v6 =	vunpack.c.0.s8.s32 v6;
	v47 =	vsel vm13, $0x19A, v22;
	v22 =	vimm.s32 $0x619  }
0x31: {  	v8 =	vunpack.c.0.s8.s32 v8;
	v48 =	vsel vm13, $0x4BA, v22;
	v22 =	vimm.s32 $0x2FB  }
0x32: {  	v7 =	vnsel vm1, $0x16B, v7;
	v6 =	vand.u32 $0xFF, v6;
	v49 =	vsel vm13, $0x19C, v22  }
0x33: {  	[tilespmem:$0x1EC70] =	vst v0;
	v22 =	vimm.s32 $0x48B;
	v0 =	vsel vm0, v6, v7;
	v7 =	vimm.s32 $0xA5A47372  }
0x34: {  	v51 =	vsel vm13, $0x32C, v22;
	v22 =	vimm.s32 $0xA7A67574;
	v7 =	vunpack.c.0.s8.s32 v7  }
0x35: {  	v22 =	vunpack.c.0.s8.s32 v22  }
0x36: {  	v8 =	vnsel vm1, $0x16D, v8;
	v7 =	vand.u32 $0xFF, v7  }
0x37: {  	[tilespmem:$0x1EC80] =	vst v0;
	v22 =	vand.u32 $0xFF, v22;
	v0 =	vsel vm0, v7, v8  }
0x38: {  	[tilespmem:$0x1EC90] =	vst v0;
	v0 =	vsel vm0, v22, v18;
	v18 =	vimm.s32 $0xA9A87776  }
0x39: {  	v18 =	vunpack.c.0.s8.s32 v18  }
0x3a: {  	v22 =	vimm.s32 $0x2FF  }
0x3b: {  	v56 =	vsel vm13, $0x1A0, v22;
	v18 =	vand.u32 $0xFF, v18  }
0x3c: {  	[tilespmem:$0x1ECA0] =	vst v0;
	v22 =	vimm.s32 $0x61F;
	v0 =	vsel vm0, v18, v9;
	v18 =	vimm.s32 $0xABAA7978  }
0x3d: {  	v57 =	vsel vm13, $0x4C0, v22;
	v22 =	vimm.s32 $0x301;
	v18 =	vunpack.c.0.s8.s32 v18  }
0x3e: {  	v58 =	vsel vm13, $0x1A2, v22;
	v22 =	vimm.s32 $0x491  }
0x3f: {  	[tilespmem:$0x1ECB0] =	vst v0;
	v0 =	vsel vm13, $0x332, v22;
	v18 =	vand.u32 $0xFF, v18  }
0x40: {  	v22 =	vimm.s32 $0xADAC7B7A;
	[tilespmem:$0x1E530] =	vst v0;
	v0 =	vsel vm0, v18, v10;
	v18 =	vimm.s32 $0x493  }
0x41: {  	v22 =	vunpack.c.0.s8.s32 v22;
	[tilespmem:$0x1ECC0] =	vst v0;
	v0 =	vsel vm13, $0x334, v18;
	v18 =	vimm.s32 $0x623  }
0x42: {  	[tilespmem:$0x1E540] =	vst v0;
	v0 =	vsel vm13, $0x4C4, v18;
	v18 =	vimm.s32 $0xAFAE7D7C  }
0x43: {  	v11 =	vnsel vm1, $0x175, v11;
	v22 =	vand.u32 $0xFF, v22;
	v18 =	vunpack.c.0.s8.s32 v18  }
0x44: {  	[tilespmem:$0x1E550] =	vst v0;
	v0 =	vsel vm0, v22, v11;
	v22 =	vimm.s32 $0x305  }
0x45: {  	v20 =	vimm.s32 $0x59582726;
	[tilespmem:$0x1ECD0] =	vst v0;
	v0 =	vsel vm13, $0x1A6, v22;
	v18 =	vand.u32 $0xFF, v18  }
0x46: {  	v62 =	vimm.s32 $0xB3B28180;
	v22 =	vimm.s32 $0xB1B07F7E;
	[tilespmem:$0x1E560] =	vst v0;
	v0 =	vsel vm0, v18, v13  }
0x47: {  	v20 =	vunpack.c.0.s8.s32 v20;
	v22 =	vunpack.c.0.s8.s32 v22;
	[tilespmem:$0x1ECE0] =	vst v0;
	v0 =	vimm.s32 $0xB7B68584  }
0x48: {  	v62 =	vunpack.c.0.s8.s32 v62;
	v0 =	vunpack.c.0.s8.s32 v0  }
0x49: {  	v20 =	vand.u32 $0xFF, v20;
	v18 =	vimm.s32 $0xB5B48382;
	v22 =	vand.u32 $0xFF, v22  }
0x4a: {  	v63 =	vunpack.c.0.s8.s32 v18;
	v1 =	vsel vm0, v22, v12;
	v0 =	vand.u32 $0xFF, v0  }
0x4b: {  	v12 =	vand.u32 $0xFF, v62;
	v22 =	vimm.s32 $0xB9B88786;
	[tilespmem:$0x1ECF0] =	vst v1;
	v0 =	vsel vm0, v0, v19  }
0x4c: {  	v1 =	vsel vm0, v12, v16;
	v22 =	vunpack.c.0.s8.s32 v22;
	[tilespmem:$0x1ED20] =	vst v0;
	v0 =	vimm.s32 $0xBBBA8988  }
0x4d: {  	v12 =	vand.u32 $0xFF, v63;
	v19 =	vimm.s32 $0xBDBC8B8A;
	v0 =	vunpack.c.0.s8.s32 v0  }
0x4e: {  	[tilespmem:$0x1ED00] =	vst v1;
	v1 =	vsel vm0, v12, v14;
	v22 =	vand.u32 $0xFF, v22;
	v34 =	vunpack.c.0.s8.s32 v19  }
0x4f: {  	v20 =	vnsel vm1, $0x185, v20;
	[tilespmem:$0x1ED10] =	vst v1;
	v1 =	vsel vm0, v22, v15;
	v0 =	vand.u32 $0xFF, v0  }
0x50: {  	v15 =	vimm.s32 $0xBFBE8D8C;
	[tilespmem:$0x1ED30] =	vst v1;
	v62 =	vand.u32 $0xFF, v34;
	v0 =	vsel vm0, v0, v17  }
0x51: {  	v1 =	vunpack.c.0.s8.s32 v15;
	[tilespmem:$0x1ED40] =	vst v0;
	v0 =	vsel vm0, v62, v20  }
0x52: {  	[tilespmem:$0x1ED50] =	vst v0;
	v0 =	vimm.s32 $0xC1C08F8E  }
0x53: {  	v1 =	vand.u32 $0xFF, v1;
	v0 =	vunpack.c.0.s8.s32 v0  }
0x54: {  	v1 =	vsel vm0, v1, v61;
	v20 =	vimm.s32 $0xC3C29190  }
0x55: {  	[tilespmem:$0x1ED60] =	vst v1;
	v1 =	vunpack.c.0.s8.s32 v20;
	v0 =	vand.u32 $0xFF, v0  }
0x56: {  	v20 =	vimm.s32 $0xC5C49392;
	v0 =	vsel vm0, v0, v23  }
0x57: {  	v34 =	vunpack.c.0.s8.s32 v20;
	[tilespmem:$0x1ED80] =	vst v0;
	v0 =	vand.u32 $0xFF, v1  }
0x58: {  	v0 =	vsel vm0, v0, v60  }
0x59: {  	v21 =	vnsel vm1, $0x18D, v21;
	v1 =	vimm.s32 $0xC7C69594;
	[tilespmem:$0x1EDC0] =	vst v0;
	v0 =	vand.u32 $0xFF, v34  }
0x5a: {  	v1 =	vunpack.c.0.s8.s32 v1;
	v0 =	vsel vm0, v0, v21  }
0x5b: {  	[tilespmem:$0x1EE00] =	vst v0;
	v0 =	vimm.s32 $0x497  }
0x5c: {  	v1 =	vand.u32 $0xFF, v1;
	v0 =	vsel vm13, $0x338, v0  }
0x5d: {  	[tilespmem:$0x1E570] =	vst v0;
	v0 =	vsel vm0, v1, v2;
	v1 =	vimm.s32 $0x627  }
0x5e: {  	[tilespmem:$0x1EE40] =	vst v0;
	v0 =	vsel vm13, $0x4C8, v1  }
0x5f: {  	[tilespmem:$0x1E580] =	vst v0;
	v0 =	vimm.s32 $0x629  }
0x60: {  	v1 =	vimm.s32 $0x30B;
	v0 =	vsel vm13, $0x4CA, v0  }
0x61: {  	v4 =	vimm.s32 $0x49B;
	[tilespmem:$0x1E590] =	vst v0;
	v0 =	vsel vm13, $0x1AC, v1  }
0x62: {  	[tilespmem:$0x1E5A0] =	vst v0;
	v0 =	vsel vm13, $0x33C, v4  }
0x63: {  	[tilespmem:$0x1E5B0] =	vst v0;
	v0 =	vimm.s32 $0x62B  }
0x64: {  	v1 =	vimm.s32 $0x30D;
	v0 =	vsel vm13, $0x4CC, v0  }
0x65: {  	v7 =	vimm.s32 $0x49D;
	[tilespmem:$0x1E5C0] =	vst v0;
	v0 =	vsel vm13, $0x1AE, v1  }
0x66: {  	[tilespmem:$0x1E5D0] =	vst v0;
	v0 =	vsel vm13, $0x33E, v7  }
0x67: {  	[tilespmem:$0x1E5E0] =	vst v0;
	v0 =	vimm.s32 $0x62D  }
0x68: {  	v1 =	vimm.s32 $0x30F;
	v0 =	vsel vm13, $0x4CE, v0  }
0x69: {  	v10 =	vimm.s32 $0x49F;
	[tilespmem:$0x1E5F0] =	vst v0;
	v0 =	vsel vm13, $0x1B0, v1  }
0x6a: {  	[tilespmem:$0x1E600] =	vst v0;
	v0 =	vsel vm13, $0x340, v10  }
0x6b: {  	[tilespmem:$0x1E610] =	vst v0;
	v0 =	vimm.s32 $0x62F  }
0x6c: {  	v1 =	vimm.s32 $0x311;
	v0 =	vsel vm13, $0x4D0, v0  }
0x6d: {  	v13 =	vimm.s32 $0x4A1;
	[tilespmem:$0x1E620] =	vst v0;
	v0 =	vsel vm13, $0x1B2, v1  }
0x6e: {  	[tilespmem:$0x1E630] =	vst v0;
	v0 =	vsel vm13, $0x342, v13  }
0x6f: {  	[tilespmem:$0x1E640] =	vst v0;
	v0 =	vimm.s32 $0x631  }
0x70: {  	v1 =	vimm.s32 $0x313;
	v0 =	vsel vm13, $0x4D2, v0  }
0x71: {  	v16 =	vimm.s32 $0x4A3;
	[tilespmem:$0x1E650] =	vst v0;
	v0 =	vsel vm13, $0x1B4, v1  }
0x72: {  	[tilespmem:$0x1E660] =	vst v0;
	v0 =	vsel vm13, $0x344, v16  }
0x73: {  	[tilespmem:$0x1E670] =	vst v0;
	v0 =	vimm.s32 $0x633  }
0x74: {  	v1 =	vimm.s32 $0x315;
	v0 =	vsel vm13, $0x4D4, v0  }
0x75: {  	v19 =	vimm.s32 $0x4A5;
	[tilespmem:$0x1E680] =	vst v0;
	v0 =	vsel vm13, $0x1B6, v1  }
0x76: {  	[tilespmem:$0x1E690] =	vst v0;
	v0 =	vsel vm13, $0x346, v19  }
0x77: {  	[tilespmem:$0x1E6A0] =	vst v0;
	v0 =	vimm.s32 $0x635  }
0x78: {  	v1 =	vimm.s32 $0x317;
	v0 =	vsel vm13, $0x4D6, v0  }
0x79: {  	v22 =	vimm.s32 $0x4A7;
	[tilespmem:$0x1E6B0] =	vst v0;
	v0 =	vsel vm13, $0x1B8, v1  }
0x7a: {  	[tilespmem:$0x1E6C0] =	vst v0;
	v0 =	vsel vm13, $0x348, v22  }
0x7b: {  	[tilespmem:$0x1E6D0] =	vst v0;
	v0 =	vimm.s32 $0x637  }
0x7c: {  	v1 =	vimm.s32 $0x319;
	v0 =	vsel vm13, $0x4D8, v0  }
0x7d: {  	v25 =	vimm.s32 $0x4A9;
	[tilespmem:$0x1E6E0] =	vst v0;
	v0 =	vsel vm13, $0x1BA, v1  }
0x7e: {  	[tilespmem:$0x1E6F0] =	vst v0;
	v0 =	vsel vm13, $0x34A, v25  }
0x7f: {  	[tilespmem:$0x1E700] =	vst v0;
	v0 =	vimm.s32 $0x639  }
0x80: {  	v1 =	vimm.s32 $0x31B;
	v0 =	vsel vm13, $0x4DA, v0  }
0x81: {  	v28 =	vimm.s32 $0x4AB;
	[tilespmem:$0x1E710] =	vst v0;
	v0 =	vsel vm13, $0x1BC, v1  }
0x82: {  	[tilespmem:$0x1E720] =	vst v0;
	v0 =	vsel vm13, $0x34C, v28  }
0x83: {  	[tilespmem:$0x1E730] =	vst v0;
	v0 =	vimm.s32 $0x63B  }
0x84: {  	v1 =	vimm.s32 $0x31D;
	v0 =	vsel vm13, $0x4DC, v0  }
0x85: {  	v31 =	vimm.s32 $0x4AD;
	[tilespmem:$0x1E740] =	vst v0;
	v0 =	vsel vm13, $0x1BE, v1  }
0x86: {  	[tilespmem:$0x1E750] =	vst v0;
	v0 =	vsel vm13, $0x34E, v31  }
0x87: {  	[tilespmem:$0x1E760] =	vst v0;
	v0 =	vimm.s32 $0x63D  }
0x88: {  	v34 =	vimm.s32 $0x309;
	v1 =	vimm.s32 $0x31F;
	v0 =	vsel vm13, $0x4DE, v0  }
0x89: {  	v62 =	vsel vm13, $0x1AA, v34;
	v34 =	vimm.s32 $0x4AF;
	[tilespmem:$0x1E770] =	vst v0;
	v0 =	vsel vm13, $0x1C0, v1  }
0x8a: {  	vm14 =	vcmask $0x704;
	[tilespmem:$0x1E780] =	vst v0;
	v0 =	vsel vm13, $0x350, v34  }
0x8b: {  	[tilespmem:$0x1E790] =	vst v0;
	v0 =	vsel vm14, $0x191, v24  }
0x8c: {  	[tilespmem:$0x1E7A0] =	vst v0;
	v0 =	vsel vm14, $0x321, v26  }
0x8d: {  	[tilespmem:$0x1E7B0] =	vst v0;
	v0 =	vld [tilespmem:$0x1E530];
	_ =	sdelay $0x4  }
0x8e: {  	v28 =	vsel vm14, $0x333, v0;
	v0 =	vld [tilespmem:$0x1E540];
	_ =	sdelay $0x4  }
0x8f: {  	v31 =	vsel vm14, $0x335, v0;
	v0 =	vld [tilespmem:$0x1E550];
	_ =	sdelay $0x2  }
0x90: {  	v32 =	vimm.s32 $0x483  }
0x91: {  	v32 =	vsel vm13, $0x324, v32  }
0x92: {  	v7 =	vsel vm14, $0x325, v32;
	v32 =	vsel vm14, $0x4C5, v0;
	v0 =	vld [tilespmem:$0x1E560];
	_ =	sdelay $0x2  }
0x93: {  	v5 =	vimm.s32 $0x487  }
0x94: {  	v43 =	vsel vm13, $0x328, v5;
	v5 =	vimm.s32 $0x617  }
0x95: {  	v44 =	vsel vm13, $0x4B8, v5;
	v5 =	vsel vm14, $0x4B3, v33;
	v33 =	vsel vm14, $0x1A7, v0;
	v0 =	vld [tilespmem:$0x1E570];
	_ =	sdelay $0x4  }
0x96: {  	v6 =	vsel vm14, $0x195, v38;
	v38 =	vsel vm14, $0x339, v0;
	v0 =	vld [tilespmem:$0x1E580];
	_ =	sdelay $0x2  }
0x97: {  	v8 =	vimm.s32 $0x48D  }
0x98: {  	v52 =	vsel vm13, $0x32E, v8;
	v8 =	vimm.s32 $0x61D  }
0x99: {  	v53 =	vsel vm13, $0x4BE, v8;
	v8 =	vsel vm14, $0x4B5, v39;
	v39 =	vsel vm14, $0x4C9, v0;
	v0 =	vld [tilespmem:$0x1E590];
	_ =	sdelay $0x4  }
0x9a: {  	v10 =	vsel vm14, $0x327, v42;
	v42 =	vsel vm14, $0x4CB, v0;
	v0 =	vld [tilespmem:$0x1E5A0];
	_ =	sdelay $0x4  }
0x9b: {  	v13 =	vsel vm14, $0x329, v43;
	v43 =	vsel vm14, $0x1AD, v0;
	v0 =	vld [tilespmem:$0x1E5B0];
	_ =	sdelay $0x4  }
0x9c: {  	v14 =	vsel vm14, $0x4B9, v44;
	v44 =	vsel vm14, $0x33D, v0;
	v0 =	vld [tilespmem:$0x1E5C0];
	_ =	sdelay $0x2  }
0x9d: {  	v45 =	vimm.s32 $0x61B  }
0x9e: {  	v45 =	vsel vm13, $0x4BC, v45  }
0x9f: {  	v20 =	vsel vm14, $0x4BD, v45;
	v45 =	vsel vm14, $0x4CD, v0;
	v0 =	vld [tilespmem:$0x1E5D0];
	_ =	sdelay $0x2  }
0xa0: {  	v46 =	vimm.s32 $0x2FD  }
0xa1: {  	v46 =	vsel vm13, $0x19E, v46  }
0xa2: {  	v21 =	vsel vm14, $0x19F, v46;
	v46 =	vsel vm14, $0x1AF, v0;
	v0 =	vld [tilespmem:$0x1E5E0];
	_ =	sdelay $0x4  }
0xa3: {  	v15 =	vsel vm14, $0x19B, v47;
	v47 =	vsel vm14, $0x33F, v0;
	v0 =	vld [tilespmem:$0x1E5F0];
	_ =	sdelay $0x4  }
0xa4: {  	v17 =	vsel vm14, $0x4BB, v48;
	v48 =	vsel vm14, $0x4CF, v0;
	v0 =	vld [tilespmem:$0x1E600];
	_ =	sdelay $0x4  }
0xa5: {  	v18 =	vsel vm14, $0x19D, v49;
	v49 =	vsel vm14, $0x1B1, v0;
	v0 =	vld [tilespmem:$0x1E610];
	_ =	sdelay $0x2  }
0xa6: {  	v50 =	vimm.s32 $0x48F  }
0xa7: {  	v50 =	vsel vm13, $0x330, v50  }
0xa8: {  	v25 =	vsel vm14, $0x331, v50;
	v50 =	vsel vm14, $0x341, v0;
	v0 =	vld [tilespmem:$0x1E620];
	_ =	sdelay $0x4  }
0xa9: {  	v19 =	vsel vm14, $0x32D, v51;
	v51 =	vsel vm14, $0x4D1, v0;
	v0 =	vld [tilespmem:$0x1E630];
	_ =	sdelay $0x4  }
0xaa: {  	v22 =	vsel vm14, $0x32F, v52;
	v52 =	vsel vm14, $0x1B3, v0;
	v0 =	vld [tilespmem:$0x1E640];
	_ =	sdelay $0x4  }
0xab: {  	v23 =	vsel vm14, $0x4BF, v53;
	v53 =	vsel vm14, $0x343, v0;
	v0 =	vld [tilespmem:$0x1E650];
	_ =	sdelay $0x2  }
0xac: {  	v54 =	vimm.s32 $0x621  }
0xad: {  	v54 =	vsel vm13, $0x4C2, v54  }
0xae: {  	v3 =	vsel vm14, $0x193, v29;
	v29 =	vsel vm14, $0x4C3, v54;
	v54 =	vsel vm14, $0x4D3, v0;
	v0 =	vld [tilespmem:$0x1E660];
	_ =	sdelay $0x2  }
0xaf: {  	v55 =	vimm.s32 $0x303  }
0xb0: {  	v55 =	vsel vm13, $0x1A4, v55  }
0xb1: {  	v4 =	vsel vm14, $0x323, v30;
	v30 =	vsel vm14, $0x1A5, v55;
	v55 =	vsel vm14, $0x1B5, v0;
	v0 =	vld [tilespmem:$0x1E670];
	_ =	sdelay $0x4  }
0xb2: {  	v24 =	vsel vm14, $0x1A1, v56;
	v56 =	vsel vm14, $0x345, v0;
	v0 =	vld [tilespmem:$0x1E680];
	_ =	sdelay $0x4  }
0xb3: {  	v26 =	vsel vm14, $0x4C1, v57;
	v57 =	vsel vm14, $0x4D5, v0;
	v0 =	vld [tilespmem:$0x1E690];
	_ =	sdelay $0x4  }
0xb4: {  	v2 =	vsel vm14, $0x4B1, v27;
	v27 =	vsel vm14, $0x1A3, v58;
	v58 =	vsel vm14, $0x1B7, v0;
	v0 =	vld [tilespmem:$0x1E6A0];
	_ =	sdelay $0x2  }
0xb5: {  	v59 =	vimm.s32 $0x495  }
0xb6: {  	v59 =	vsel vm13, $0x336, v59  }
0xb7: {  	v34 =	vsel vm14, $0x337, v59;
	v59 =	vsel vm14, $0x347, v0;
	v0 =	vld [tilespmem:$0x1E6B0];
	_ =	sdelay $0x1  }
0xb8: {  	v35 =	vimm.s32 $0x625  }
0xb9: {  	v37 =	vimm.s32 $0x2F7;
	v61 =	vsel vm13, $0x4C6, v35;
	v35 =	vimm.s32 $0x307  }
0xba: {  	v37 =	vsel vm13, $0x198, v37;
	v60 =	vsel vm13, $0x1A8, v35  }
0xbb: {  	v12 =	vsel vm14, $0x199, v37;
	v37 =	vsel vm14, $0x1A9, v60;
	v60 =	vsel vm14, $0x4D7, v0;
	v0 =	vld [tilespmem:$0x1E6C0];
	_ =	sdelay $0x2  }
0xbc: {  	v36 =	vimm.s32 $0x615  }
0xbd: {  	v36 =	vsel vm13, $0x4B6, v36  }
0xbe: {  	v11 =	vsel vm14, $0x4B7, v36;
	v36 =	vsel vm14, $0x4C7, v61;
	v61 =	vsel vm14, $0x1B9, v0;
	v0 =	vld [tilespmem:$0x1E6D0];
	_ =	sdelay $0x4  }
0xbf: {  	v9 =	vsel vm14, $0x197, v40;
	v40 =	vsel vm14, $0x1AB, v62;
	v62 =	vsel vm14, $0x349, v0;
	v0 =	vld [tilespmem:$0x1E6E0];
	_ =	sdelay $0x2  }
0xc0: {  	v41 =	vimm.s32 $0x489;
	v35 =	vimm.s32 $0x499  }
0xc1: {  	v41 =	vsel vm13, $0x32A, v41;
	v63 =	vsel vm13, $0x33A, v35  }
0xc2: {  	v16 =	vsel vm14, $0x32B, v41;
	v41 =	vsel vm14, $0x33B, v63;
	v63 =	vsel vm14, $0x4D9, v0;
	v0 =	vld [tilespmem:$0x1E6F0];
	_ =	sdelay $0x4  }
0xc3: {  	v0 =	vsel vm14, $0x1BB, v0  }
0xc4: {  	[tilespmem:$0x1E7C0] =	vst v0;
	v0 =	vld [tilespmem:$0x1E700];
	_ =	sdelay $0x4  }
0xc5: {  	v0 =	vsel vm14, $0x34B, v0  }
0xc6: {  	[tilespmem:$0x1E7D0] =	vst v0;
	v0 =	vld [tilespmem:$0x1E710];
	_ =	sdelay $0x4  }
0xc7: {  	v0 =	vsel vm14, $0x4DB, v0  }
0xc8: {  	[tilespmem:$0x1E7E0] =	vst v0;
	v0 =	vld [tilespmem:$0x1E720];
	_ =	sdelay $0x4  }
0xc9: {  	v0 =	vsel vm14, $0x1BD, v0  }
0xca: {  	[tilespmem:$0x1E7F0] =	vst v0;
	v0 =	vld [tilespmem:$0x1E730];
	_ =	sdelay $0x4  }
0xcb: {  	v0 =	vsel vm14, $0x34D, v0  }
0xcc: {  	[tilespmem:$0x1E800] =	vst v0;
	v0 =	vld [tilespmem:$0x1E740];
	_ =	sdelay $0x4  }
0xcd: {  	v0 =	vsel vm14, $0x4DD, v0  }
0xce: {  	[tilespmem:$0x1E810] =	vst v0;
	v0 =	vld [tilespmem:$0x1E750];
	_ =	sdelay $0x4  }
0xcf: {  	v0 =	vsel vm14, $0x1BF, v0  }
0xd0: {  	[tilespmem:$0x1E820] =	vst v0;
	v0 =	vld [tilespmem:$0x1E760];
	_ =	sdelay $0x4  }
0xd1: {  	v1 =	vld [tilespmem:$0x1E7A0];
	v0 =	vsel vm14, $0x34F, v0  }
0xd2: {  	[tilespmem:$0x1E830] =	vst v0;
	v0 =	vld [tilespmem:$0x1E770];
	_ =	sdelay $0x2  }
0xd3: {  	vm15 =	vcmask $0xB08  }
0xd4: {  	v1 =	vsel vm15, $0x1C2, v1  }
0xd5: {  	[tilespmem:$0x1E860] =	vst v1;
	v1 =	vld [tilespmem:$0x1E7B0];
	v0 =	vsel vm14, $0x4DF, v0  }
0xd6: {  	[tilespmem:$0x1E840] =	vst v0;
	v0 =	vld [tilespmem:$0x1E780];
	_ =	sdelay $0x3  }
0xd7: {  	v1 =	vsel vm15, $0x352, v1  }
0xd8: {  	[tilespmem:$0x1E870] =	vst v1;
	v1 =	vld [tilespmem:$0x1E7C0];
	v0 =	vsel vm14, $0x1C1, v0  }
0xd9: {  	[tilespmem:$0x1E850] =	vst v0;
	v0 =	vld [tilespmem:$0x1E790];
	_ =	sdelay $0x4  }
0xda: {  	v1 =	vsel vm15, $0x1EC, v1;
	v0 =	vsel vm14, $0x351, v0  }
0xdb: {  	[tilespmem:$0x1E880] =	vst v1;
	v1 =	vld [tilespmem:$0x1E7D0];
	v0 =	vsel vm15, $0x382, v0  }
0xdc: {  	[tilespmem:$0x1E920] =	vst v0;
	v0 =	vld [tilespmem:$0x1E880];
	_ =	sdelay $0x3  }
0xdd: {  	vm4 =	vcmask $0xF0C;
	v1 =	vsel vm15, $0x37C, v1  }
0xde: {  	[tilespmem:$0x1E890] =	vst v1;
	v1 =	vld [tilespmem:$0x1E7E0];
	v0 =	vsel vm4, $0x1ED, v0  }
0xdf: {  	[tilespmem:$0x1E940] =	vst v0;
	v0 =	vld [tilespmem:$0x1E890];
	_ =	sdelay $0x3  }
0xe0: {  	v1 =	vsel vm15, $0x50C, v1  }
0xe1: {  	[tilespmem:$0x1E8A0] =	vst v1;
	v1 =	vld [tilespmem:$0x1E7F0];
	v0 =	vsel vm4, $0x37D, v0  }
0xe2: {  	[tilespmem:$0x1E950] =	vst v0;
	v0 =	vld [tilespmem:$0x1E8A0];
	_ =	sdelay $0x3  }
0xe3: {  	v1 =	vsel vm15, $0x1EE, v1  }
0xe4: {  	[tilespmem:$0x1E8B0] =	vst v1;
	v1 =	vld [tilespmem:$0x1E800];
	v0 =	vsel vm4, $0x50D, v0  }
0xe5: {  	[tilespmem:$0x1E960] =	vst v0;
	v0 =	vld [tilespmem:$0x1E8B0];
	_ =	sdelay $0x3  }
0xe6: {  	v1 =	vsel vm15, $0x37E, v1  }
0xe7: {  	[tilespmem:$0x1E8C0] =	vst v1;
	v1 =	vld [tilespmem:$0x1E810];
	v0 =	vsel vm4, $0x1EF, v0  }
0xe8: {  	[tilespmem:$0x1E970] =	vst v0;
	v0 =	vld [tilespmem:$0x1E8C0];
	_ =	sdelay $0x3  }
0xe9: {  	v1 =	vsel vm15, $0x50E, v1  }
0xea: {  	[tilespmem:$0x1E8D0] =	vst v1;
	v1 =	vld [tilespmem:$0x1E820];
	v0 =	vsel vm4, $0x37F, v0  }
0xeb: {  	[tilespmem:$0x1E980] =	vst v0;
	v0 =	vld [tilespmem:$0x1E8D0];
	_ =	sdelay $0x3  }
0xec: {  	v1 =	vsel vm15, $0x1F0, v1  }
0xed: {  	[tilespmem:$0x1E8E0] =	vst v1;
	v1 =	vld [tilespmem:$0x1E830];
	v0 =	vsel vm4, $0x50F, v0  }
0xee: {  	[tilespmem:$0x1E990] =	vst v0;
	v0 =	vld [tilespmem:$0x1E8E0];
	_ =	sdelay $0x3  }
0xef: {  	v1 =	vsel vm15, $0x380, v1  }
0xf0: {  	[tilespmem:$0x1E8F0] =	vst v1;
	v1 =	vld [tilespmem:$0x1E840];
	v0 =	vsel vm4, $0x1F1, v0  }
0xf1: {  	[tilespmem:$0x1E9A0] =	vst v0;
	v0 =	vld [tilespmem:$0x1E8F0];
	_ =	sdelay $0x3  }
0xf2: {  	v1 =	vsel vm15, $0x510, v1  }
0xf3: {  	[tilespmem:$0x1E900] =	vst v1;
	v1 =	vld [tilespmem:$0x1E850];
	v0 =	vsel vm4, $0x381, v0  }
0xf4: {  	[tilespmem:$0x1E9B0] =	vst v0;
	v0 =	vld [tilespmem:$0x1E900];
	_ =	sdelay $0x3  }
0xf5: {  	v1 =	vsel vm15, $0x1F2, v1  }
0xf6: {  	[tilespmem:$0x1E910] =	vst v1;
	v0 =	vsel vm4, $0x511, v0  }
0xf7: {  	[tilespmem:$0x1E9C0] =	vst v0;
	v0 =	vld [tilespmem:$0x1E910];
	_ =	sdelay $0x4  }
0xf8: {  	v0 =	vsel vm4, $0x1F3, v0  }
0xf9: {  	[tilespmem:$0x1E9D0] =	vst v0;
	v0 =	vld [tilespmem:$0x1E920]  }
0xfa: {  	v35 =	vimm.s32 $0x63F  }
0xfb: {  	v35 =	vsel vm13, $0x4E0, v35  }
0xfc: {  	v35 =	vsel vm14, $0x4E1, v35  }
0xfd: {  	v35 =	vsel vm15, $0x512, v35  }
0xfe: {  	[tilespmem:$0x1E930] =	vst v35;
	v1 =	vld [tilespmem:$0x1E870];
	v0 =	vsel vm4, $0x383, v0  }
0xff: {  	[tilespmem:$0x1E9E0] =	vst v0;
	v0 =	vld [tilespmem:$0x1E930];
	_ =	sdelay $0x3  }
0x100: {  	vm5 =	vcmask $0x1310  }
0x101: {  	v2 =	vsel vm15, $0x4E2, v2;
	v1 =	vsel vm4, $0x353, v1;
	v0 =	vsel vm4, $0x513, v0  }
0x102: {  	v2 =	vsel vm4, $0x4E3, v2;
	[tilespmem:$0x1E9F0] =	vst v0;
	v0 =	vsel vm5, $0x384, v1  }
0x103: {  	[tilespmem:$0x1EA00] =	vst v0;
	v0 =	vsel vm5, $0x514, v2  }
0x104: {  	[tilespmem:$0x1EA10] =	vst v0;
	v0 =	vld [tilespmem:$0x1E940];
	_ =	sdelay $0x4  }
0x105: {  	v0 =	vsel vm5, $0x21E, v0  }
0x106: {  	[tilespmem:$0x1EA20] =	vst v0;
	v0 =	vld [tilespmem:$0x1E950];
	_ =	sdelay $0x4  }
0x107: {  	v0 =	vsel vm5, $0x3AE, v0  }
0x108: {  	[tilespmem:$0x1EA30] =	vst v0;
	v0 =	vld [tilespmem:$0x1E960];
	_ =	sdelay $0x4  }
0x109: {  	v0 =	vsel vm5, $0x53E, v0  }
0x10a: {  	[tilespmem:$0x1EA40] =	vst v0;
	v0 =	vld [tilespmem:$0x1E970];
	_ =	sdelay $0x4  }
0x10b: {  	v0 =	vsel vm5, $0x220, v0  }
0x10c: {  	[tilespmem:$0x1EA50] =	vst v0;
	v0 =	vld [tilespmem:$0x1E980];
	_ =	sdelay $0x4  }
0x10d: {  	v0 =	vsel vm5, $0x3B0, v0  }
0x10e: {  	[tilespmem:$0x1EA60] =	vst v0;
	v0 =	vld [tilespmem:$0x1E990];
	_ =	sdelay $0x4  }
0x10f: {  	v0 =	vsel vm5, $0x540, v0  }
0x110: {  	[tilespmem:$0x1EA70] =	vst v0;
	v0 =	vld [tilespmem:$0x1E9A0];
	_ =	sdelay $0x4  }
0x111: {  	v0 =	vsel vm5, $0x222, v0  }
0x112: {  	[tilespmem:$0x1EA80] =	vst v0;
	v0 =	vld [tilespmem:$0x1E9B0];
	_ =	sdelay $0x4  }
0x113: {  	v2 =	vld [tilespmem:$0x1EA00];
	v0 =	vsel vm5, $0x3B2, v0  }
0x114: {  	[tilespmem:$0x1EA90] =	vst v0;
	v0 =	vld [tilespmem:$0x1E9C0];
	_ =	sdelay $0x2  }
0x115: {  	vm6 =	vcmask $0x1714  }
0x116: {  	v2 =	vsel vm6, $0x385, v2  }
0x117: {  	[tilespmem:$0x1EAC0] =	vst v2;
	v2 =	vld [tilespmem:$0x1EA10];
	v0 =	vsel vm5, $0x542, v0  }
0x118: {  	[tilespmem:$0x1EAA0] =	vst v0;
	v0 =	vld [tilespmem:$0x1E9D0];
	_ =	sdelay $0x3  }
0x119: {  	v2 =	vsel vm6, $0x515, v2  }
0x11a: {  	[tilespmem:$0x1EAD0] =	vst v2;
	v2 =	vld [tilespmem:$0x1EA20];
	v0 =	vsel vm5, $0x224, v0  }
0x11b: {  	[tilespmem:$0x1EAB0] =	vst v0;
	v0 =	vld [tilespmem:$0x1E9E0];
	_ =	sdelay $0x4  }
0x11c: {  	v2 =	vsel vm6, $0x21F, v2;
	v0 =	vsel vm5, $0x3B4, v0  }
0x11d: {  	[tilespmem:$0x1EAE0] =	vst v2;
	v2 =	vld [tilespmem:$0x1EA30];
	v0 =	vsel vm6, $0x3B5, v0  }
0x11e: {  	[tilespmem:$0x1EB80] =	vst v0;
	v0 =	vld [tilespmem:$0x1EAE0];
	_ =	sdelay $0x3  }
0x11f: {  	vm7 =	vcmask $0x1B18;
	v2 =	vsel vm6, $0x3AF, v2  }
0x120: {  	[tilespmem:$0x1EAF0] =	vst v2;
	v2 =	vld [tilespmem:$0x1EA40];
	v0 =	vsel vm7, $0x250, v0  }
0x121: {  	[tilespmem:$0x1EBA0] =	vst v0;
	v0 =	vld [tilespmem:$0x1EAF0];
	_ =	sdelay $0x3  }
0x122: {  	v2 =	vsel vm6, $0x53F, v2  }
0x123: {  	[tilespmem:$0x1EB00] =	vst v2;
	v2 =	vld [tilespmem:$0x1EA50];
	v0 =	vsel vm7, $0x3E0, v0  }
0x124: {  	[tilespmem:$0x1EBB0] =	vst v0;
	v0 =	vld [tilespmem:$0x1EB00];
	_ =	sdelay $0x3  }
0x125: {  	v2 =	vsel vm6, $0x221, v2  }
0x126: {  	[tilespmem:$0x1EB10] =	vst v2;
	v2 =	vld [tilespmem:$0x1EA60];
	v0 =	vsel vm7, $0x570, v0  }
0x127: {  	[tilespmem:$0x1EBC0] =	vst v0;
	v0 =	vld [tilespmem:$0x1EB10];
	_ =	sdelay $0x3  }
0x128: {  	v2 =	vsel vm6, $0x3B1, v2  }
0x129: {  	[tilespmem:$0x1EB20] =	vst v2;
	v2 =	vld [tilespmem:$0x1EA70];
	v0 =	vsel vm7, $0x252, v0  }
0x12a: {  	[tilespmem:$0x1EBD0] =	vst v0;
	v0 =	vld [tilespmem:$0x1EB20];
	_ =	sdelay $0x3  }
0x12b: {  	v2 =	vsel vm6, $0x541, v2  }
0x12c: {  	[tilespmem:$0x1EB30] =	vst v2;
	v2 =	vld [tilespmem:$0x1EA80];
	v0 =	vsel vm7, $0x3E2, v0  }
0x12d: {  	[tilespmem:$0x1EBE0] =	vst v0;
	v0 =	vld [tilespmem:$0x1EB30];
	_ =	sdelay $0x3  }
0x12e: {  	v2 =	vsel vm6, $0x223, v2  }
0x12f: {  	[tilespmem:$0x1EB40] =	vst v2;
	v2 =	vld [tilespmem:$0x1EA90];
	v0 =	vsel vm7, $0x572, v0  }
0x130: {  	[tilespmem:$0x1EBF0] =	vst v0;
	v0 =	vld [tilespmem:$0x1EB40];
	_ =	sdelay $0x3  }
0x131: {  	v2 =	vsel vm6, $0x3B3, v2  }
0x132: {  	[tilespmem:$0x1EB50] =	vst v2;
	v2 =	vld [tilespmem:$0x1EAA0];
	v0 =	vsel vm7, $0x254, v0  }
0x133: {  	[tilespmem:$0x1EC00] =	vst v0;
	v0 =	vld [tilespmem:$0x1EB50];
	_ =	sdelay $0x3  }
0x134: {  	v2 =	vsel vm6, $0x543, v2  }
0x135: {  	[tilespmem:$0x1EB60] =	vst v2;
	v2 =	vld [tilespmem:$0x1EAB0];
	v0 =	vsel vm7, $0x3E4, v0  }
0x136: {  	[tilespmem:$0x1EC10] =	vst v0;
	v0 =	vld [tilespmem:$0x1EB60];
	_ =	sdelay $0x3  }
0x137: {  	v2 =	vsel vm6, $0x225, v2  }
0x138: {  	[tilespmem:$0x1EB70] =	vst v2;
	v0 =	vsel vm7, $0x574, v0  }
0x139: {  	[tilespmem:$0x1EC20] =	vst v0;
	v0 =	vld [tilespmem:$0x1EB70];
	_ =	sdelay $0x3  }
0x13a: {  	v1 =	vld [tilespmem:$0x1E9F0]  }
0x13b: {  	v0 =	vsel vm7, $0x256, v0  }
0x13c: {  	[tilespmem:$0x1EC30] =	vst v0;
	v0 =	vld [tilespmem:$0x1EB80];
	_ =	sdelay $0x2  }
0x13d: {  	v1 =	vsel vm5, $0x544, v1  }
0x13e: {  	v1 =	vsel vm6, $0x545, v1  }
0x13f: {  	[tilespmem:$0x1EB90] =	vst v1;
	v0 =	vsel vm7, $0x3E6, v0  }
0x140: {  	[tilespmem:$0x1EC40] =	vst v0;
	v0 =	vld [tilespmem:$0x1EB90];
	_ =	sdelay $0x4  }
0x141: {  	vm8 =	vcmask $0x1F1C;
	v0 =	vsel vm7, $0x576, v0  }
0x142: {  	v0 =	vsel vm8, $0x577, v0  }
0x143: {  	[tilespmem:$0x1EE70] =	vst v0;
	v0 =	vld [tilespmem:$0x1EC50];
	_ =	sdelay $0x3  }
0x144: {  	vm9 =	vcmask $0x2320  }
0x145: {  	v0 =	vsel vm9, $0xCE, v0  }
0x146: {  	[tilespmem:$0x1EE80] =	vst v0;
	v0 =	vld [tilespmem:$0x1EC60];
	_ =	sdelay $0x4  }
0x147: {  	v0 =	vsel vm9, $0xD0, v0  }
0x148: {  	[tilespmem:$0x1EE90] =	vst v0;
	v0 =	vld [tilespmem:$0x1EC70];
	_ =	sdelay $0x4  }
0x149: {  	v0 =	vsel vm9, $0xD2, v0  }
0x14a: {  	[tilespmem:$0x1EEA0] =	vst v0;
	v0 =	vld [tilespmem:$0x1EC80];
	_ =	sdelay $0x4  }
0x14b: {  	v0 =	vsel vm9, $0xD4, v0  }
0x14c: {  	[tilespmem:$0x1EEB0] =	vst v0;
	v0 =	vld [tilespmem:$0x1EC90];
	_ =	sdelay $0x4  }
0x14d: {  	v0 =	vsel vm9, $0xD6, v0  }
0x14e: {  	[tilespmem:$0x1EEC0] =	vst v0;
	v0 =	vld [tilespmem:$0x1ECA0];
	_ =	sdelay $0x4  }
0x14f: {  	v0 =	vsel vm9, $0xD8, v0  }
0x150: {  	[tilespmem:$0x1EED0] =	vst v0;
	v0 =	vld [tilespmem:$0x1ECB0]  }
0x151: {  	v1 =	vld [tilespmem:$0x1EAC0];
	_ =	sdelay $0x3  }
0x152: {  	v61 =	vsel vm15, $0x1EA, v61;
	v0 =	vsel vm9, $0xDA, v0  }
0x153: {  	v61 =	vsel vm4, $0x1EB, v61;
	v1 =	vsel vm7, $0x3B6, v1;
	[tilespmem:$0x1EEE0] =	vst v0;
	v0 =	vld [tilespmem:$0x1ECC0]  }
0x154: {  	v61 =	vsel vm5, $0x21C, v61;
	v1 =	vsel vm8, $0x3B7, v1  }
0x155: {  	vm10 =	vcmask $0x2724;
	v61 =	vsel vm6, $0x21D, v61;
	v1 =	vsel vm9, $0x3E8, v1  }
0x156: {  	v61 =	vsel vm7, $0x24E, v61;
	v1 =	vsel vm10, $0x3E9, v1  }
0x157: {  	v61 =	vsel vm8, $0x24F, v61;
	[tilespmem:$0x1F090] =	vst v1;
	v1 =	vld [tilespmem:$0x1EE80]  }
0x158: {  	[tilespmem:$0x1ED70] =	vst v61;
	v61 =	vld [tilespmem:$0x1EBA0];
	v0 =	vsel vm9, $0xDC, v0  }
0x159: {  	[tilespmem:$0x1EEF0] =	vst v0;
	v0 =	vld [tilespmem:$0x1ECD0];
	_ =	sdelay $0x2  }
0x15a: {  	v1 =	vsel vm10, $0xCF, v1  }
0x15b: {  	v61 =	vsel vm8, $0x251, v61;
	[tilespmem:$0x1F0A0] =	vst v1;
	v1 =	vld [tilespmem:$0x1EE90]  }
0x15c: {  	[tilespmem:$0x1ED90] =	vst v61;
	v61 =	vld [tilespmem:$0x1EBB0];
	v0 =	vsel vm9, $0xDE, v0  }
0x15d: {  	[tilespmem:$0x1EF00] =	vst v0;
	v0 =	vld [tilespmem:$0x1ECE0];
	_ =	sdelay $0x2  }
0x15e: {  	v1 =	vsel vm10, $0xD1, v1  }
0x15f: {  	v61 =	vsel vm8, $0x3E1, v61;
	[tilespmem:$0x1F0B0] =	vst v1;
	v1 =	vld [tilespmem:$0x1EEA0]  }
0x160: {  	[tilespmem:$0x1EDA0] =	vst v61;
	v61 =	vld [tilespmem:$0x1EBC0];
	v0 =	vsel vm9, $0xE0, v0  }
0x161: {  	[tilespmem:$0x1EF10] =	vst v0;
	v0 =	vld [tilespmem:$0x1ECF0];
	_ =	sdelay $0x2  }
0x162: {  	v1 =	vsel vm10, $0xD3, v1  }
0x163: {  	v61 =	vsel vm8, $0x571, v61;
	[tilespmem:$0x1F0C0] =	vst v1;
	v1 =	vld [tilespmem:$0x1EEB0]  }
0x164: {  	[tilespmem:$0x1EDB0] =	vst v61;
	v61 =	vld [tilespmem:$0x1EBD0];
	v0 =	vsel vm9, $0xE2, v0  }
0x165: {  	[tilespmem:$0x1EF20] =	vst v0;
	v0 =	vld [tilespmem:$0x1ED00];
	_ =	sdelay $0x2  }
0x166: {  	v1 =	vsel vm10, $0xD5, v1  }
0x167: {  	v61 =	vsel vm8, $0x253, v61;
	[tilespmem:$0x1F0D0] =	vst v1;
	v1 =	vld [tilespmem:$0x1EEC0]  }
0x168: {  	[tilespmem:$0x1EDD0] =	vst v61;
	v61 =	vld [tilespmem:$0x1EBE0];
	v0 =	vsel vm9, $0xE4, v0  }
0x169: {  	[tilespmem:$0x1EF30] =	vst v0;
	v0 =	vld [tilespmem:$0x1ED10];
	_ =	sdelay $0x2  }
0x16a: {  	v1 =	vsel vm10, $0xD7, v1  }
0x16b: {  	v61 =	vsel vm8, $0x3E3, v61;
	[tilespmem:$0x1F0E0] =	vst v1;
	v1 =	vld [tilespmem:$0x1EED0]  }
0x16c: {  	[tilespmem:$0x1EDE0] =	vst v61;
	v61 =	vld [tilespmem:$0x1EBF0];
	v0 =	vsel vm9, $0xE6, v0  }
0x16d: {  	[tilespmem:$0x1EF40] =	vst v0;
	v0 =	vld [tilespmem:$0x1ED20];
	_ =	sdelay $0x2  }
0x16e: {  	v1 =	vsel vm10, $0xD9, v1  }
0x16f: {  	v61 =	vsel vm8, $0x573, v61;
	[tilespmem:$0x1F0F0] =	vst v1;
	v1 =	vld [tilespmem:$0x1EEE0]  }
0x170: {  	[tilespmem:$0x1EDF0] =	vst v61;
	v61 =	vld [tilespmem:$0x1EC00];
	v0 =	vsel vm9, $0xE8, v0  }
0x171: {  	[tilespmem:$0x1EF50] =	vst v0;
	v0 =	vld [tilespmem:$0x1ED30];
	_ =	sdelay $0x2  }
0x172: {  	v1 =	vsel vm10, $0xDB, v1  }
0x173: {  	v61 =	vsel vm8, $0x255, v61;
	[tilespmem:$0x1F100] =	vst v1;
	v1 =	vld [tilespmem:$0x1EEF0]  }
0x174: {  	[tilespmem:$0x1EE10] =	vst v61;
	v61 =	vld [tilespmem:$0x1EC10];
	v0 =	vsel vm9, $0xEA, v0  }
0x175: {  	[tilespmem:$0x1EF60] =	vst v0;
	v0 =	vld [tilespmem:$0x1ED40];
	_ =	sdelay $0x2  }
0x176: {  	v1 =	vsel vm10, $0xDD, v1  }
0x177: {  	v61 =	vsel vm8, $0x3E5, v61;
	[tilespmem:$0x1F110] =	vst v1;
	v1 =	vld [tilespmem:$0x1EF00]  }
0x178: {  	[tilespmem:$0x1EE20] =	vst v61;
	v61 =	vld [tilespmem:$0x1EC20];
	v0 =	vsel vm9, $0xEC, v0  }
0x179: {  	[tilespmem:$0x1EF70] =	vst v0;
	v0 =	vld [tilespmem:$0x1ED50];
	_ =	sdelay $0x2  }
0x17a: {  	v1 =	vsel vm10, $0xDF, v1  }
0x17b: {  	v61 =	vsel vm8, $0x575, v61;
	[tilespmem:$0x1F120] =	vst v1;
	v1 =	vld [tilespmem:$0x1EF10]  }
0x17c: {  	[tilespmem:$0x1EE30] =	vst v61;
	v61 =	vld [tilespmem:$0x1EC30];
	v0 =	vsel vm9, $0xEE, v0  }
0x17d: {  	[tilespmem:$0x1EF80] =	vst v0;
	v0 =	vld [tilespmem:$0x1ED60];
	_ =	sdelay $0x2  }
0x17e: {  	v1 =	vsel vm10, $0xE1, v1  }
0x17f: {  	v61 =	vsel vm8, $0x257, v61;
	[tilespmem:$0x1F130] =	vst v1;
	v1 =	vld [tilespmem:$0x1EF20]  }
0x180: {  	[tilespmem:$0x1EE50] =	vst v61;
	v61 =	vld [tilespmem:$0x1EC40];
	v0 =	vsel vm9, $0xF0, v0  }
0x181: {  	[tilespmem:$0x1EF90] =	vst v0;
	v0 =	vld [tilespmem:$0x1ED70];
	_ =	sdelay $0x2  }
0x182: {  	v1 =	vsel vm10, $0xE3, v1  }
0x183: {  	v61 =	vsel vm8, $0x3E7, v61;
	[tilespmem:$0x1F140] =	vst v1;
	v1 =	vld [tilespmem:$0x1EF30]  }
0x184: {  	[tilespmem:$0x1EE60] =	vst v61;
	v61 =	vsel vm9, $0x280, v0;
	v0 =	vld [tilespmem:$0x1ED80];
	_ =	sdelay $0x3  }
0x185: {  	v1 =	vsel vm10, $0xE5, v1  }
0x186: {  	[tilespmem:$0x1F150] =	vst v1;
	v1 =	vld [tilespmem:$0x1EF40];
	v0 =	vsel vm9, $0xF2, v0  }
0x187: {  	[tilespmem:$0x1EFA0] =	vst v0;
	v0 =	vld [tilespmem:$0x1ED90];
	_ =	sdelay $0x3  }
0x188: {  	v1 =	vsel vm10, $0xE7, v1  }
0x189: {  	[tilespmem:$0x1F160] =	vst v1;
	v1 =	vld [tilespmem:$0x1EF50];
	v0 =	vsel vm9, $0x282, v0  }
0x18a: {  	[tilespmem:$0x1EFB0] =	vst v0;
	v0 =	vld [tilespmem:$0x1EDA0];
	_ =	sdelay $0x3  }
0x18b: {  	v1 =	vsel vm10, $0xE9, v1  }
0x18c: {  	[tilespmem:$0x1F170] =	vst v1;
	v1 =	vld [tilespmem:$0x1EF60];
	v0 =	vsel vm9, $0x412, v0  }
0x18d: {  	[tilespmem:$0x1EFC0] =	vst v0;
	v0 =	vld [tilespmem:$0x1EDB0];
	_ =	sdelay $0x3  }
0x18e: {  	v1 =	vsel vm10, $0xEB, v1  }
0x18f: {  	[tilespmem:$0x1F180] =	vst v1;
	v1 =	vld [tilespmem:$0x1EF70];
	v0 =	vsel vm9, $0x5A2, v0  }
0x190: {  	[tilespmem:$0x1EFD0] =	vst v0;
	v0 =	vld [tilespmem:$0x1EDC0];
	_ =	sdelay $0x3  }
0x191: {  	v1 =	vsel vm10, $0xED, v1  }
0x192: {  	[tilespmem:$0x1F190] =	vst v1;
	v1 =	vld [tilespmem:$0x1EF80];
	v0 =	vsel vm9, $0xF4, v0  }
0x193: {  	[tilespmem:$0x1EFE0] =	vst v0;
	v0 =	vld [tilespmem:$0x1EDD0];
	_ =	sdelay $0x3  }
0x194: {  	v1 =	vsel vm10, $0xEF, v1  }
0x195: {  	[tilespmem:$0x1F1A0] =	vst v1;
	v1 =	vld [tilespmem:$0x1EF90];
	v0 =	vsel vm9, $0x284, v0  }
0x196: {  	[tilespmem:$0x1EFF0] =	vst v0;
	v0 =	vld [tilespmem:$0x1EDE0];
	_ =	sdelay $0x3  }
0x197: {  	v1 =	vsel vm10, $0xF1, v1  }
0x198: {  	[tilespmem:$0x1F1B0] =	vst v1;
	v1 =	vld [tilespmem:$0x1EFA0];
	v0 =	vsel vm9, $0x414, v0  }
0x199: {  	[tilespmem:$0x1F000] =	vst v0;
	v0 =	vld [tilespmem:$0x1EDF0];
	_ =	sdelay $0x3  }
0x19a: {  	v1 =	vsel vm10, $0xF3, v1  }
0x19b: {  	[tilespmem:$0x1F1C0] =	vst v1;
	v1 =	vld [tilespmem:$0x1EFB0];
	v0 =	vsel vm9, $0x5A4, v0  }
0x19c: {  	[tilespmem:$0x1F010] =	vst v0;
	v0 =	vld [tilespmem:$0x1EE00];
	_ =	sdelay $0x3  }
0x19d: {  	v1 =	vsel vm10, $0x283, v1  }
0x19e: {  	[tilespmem:$0x1F1D0] =	vst v1;
	v1 =	vld [tilespmem:$0x1EFC0];
	v0 =	vsel vm9, $0xF6, v0  }
0x19f: {  	[tilespmem:$0x1F020] =	vst v0;
	v0 =	vld [tilespmem:$0x1EE10];
	_ =	sdelay $0x3  }
0x1a0: {  	v1 =	vsel vm10, $0x413, v1  }
0x1a1: {  	[tilespmem:$0x1F1E0] =	vst v1;
	v1 =	vld [tilespmem:$0x1EFD0];
	v0 =	vsel vm9, $0x286, v0  }
0x1a2: {  	[tilespmem:$0x1F030] =	vst v0;
	v0 =	vld [tilespmem:$0x1EE20];
	_ =	sdelay $0x3  }
0x1a3: {  	v1 =	vsel vm10, $0x5A3, v1  }
0x1a4: {  	[tilespmem:$0x1F1F0] =	vst v1;
	v1 =	vld [tilespmem:$0x1EFE0];
	v0 =	vsel vm9, $0x416, v0  }
0x1a5: {  	[tilespmem:$0x1F040] =	vst v0;
	v0 =	vld [tilespmem:$0x1EE30];
	_ =	sdelay $0x3  }
0x1a6: {  	v1 =	vsel vm10, $0xF5, v1  }
0x1a7: {  	[tilespmem:$0x1F200] =	vst v1;
	v1 =	vld [tilespmem:$0x1EFF0];
	v0 =	vsel vm9, $0x5A6, v0  }
0x1a8: {  	[tilespmem:$0x1F050] =	vst v0;
	v0 =	vld [tilespmem:$0x1EE40];
	_ =	sdelay $0x3  }
0x1a9: {  	v1 =	vsel vm10, $0x285, v1  }
0x1aa: {  	[tilespmem:$0x1F210] =	vst v1;
	v1 =	vld [tilespmem:$0x1F000];
	v0 =	vsel vm9, $0xF8, v0  }
0x1ab: {  	[tilespmem:$0x1F060] =	vst v0;
	v0 =	vld [tilespmem:$0x1EE50];
	_ =	sdelay $0x3  }
0x1ac: {  	v1 =	vsel vm10, $0x415, v1  }
0x1ad: {  	[tilespmem:$0x1F220] =	vst v1;
	v1 =	vld [tilespmem:$0x1F010];
	v0 =	vsel vm9, $0x288, v0  }
0x1ae: {  	[tilespmem:$0x1F070] =	vst v0;
	v0 =	vld [tilespmem:$0x1EE60];
	_ =	sdelay $0x3  }
0x1af: {  	v1 =	vsel vm10, $0x5A5, v1  }
0x1b0: {  	[tilespmem:$0x1F230] =	vst v1;
	v1 =	vld [tilespmem:$0x1F020];
	v0 =	vsel vm9, $0x418, v0  }
0x1b1: {  	[tilespmem:$0x1F080] =	vst v0;
	v0 =	vld [tilespmem:$0x1EE70];
	_ =	sdelay $0x4  }
0x1b2: {  	v35 =	vld [tilespmem:$0x1E860];
	v1 =	vsel vm10, $0xF7, v1;
	v0 =	vsel vm9, $0x5A8, v0  }
0x1b3: {  	v2 =	vld [tilespmem:$0x1EAD0];
	[tilespmem:$0x1F240] =	vst v1;
	v0 =	vsel vm10, $0x5A9, v0  }
0x1b4: {  	[tilespmem:$0x1F2B0] =	vst v0;
	v0 =	vld [tilespmem:$0x1F090];
	_ =	sdelay $0x3  }
0x1b5: {  	vm11 =	vcmask $0x2B28  }
0x1b6: {  	v0 =	vsel vm11, $0x41A, v0  }
0x1b7: {  	[tilespmem:$0x1F2C0] =	vst v0;
	v0 =	vld [tilespmem:$0x1F0A0]  }
0x1b8: {  	v6 =	vsel vm15, $0x1C6, v6  }
0x1b9: {  	v6 =	vsel vm4, $0x1C7, v6  }
0x1ba: {  	v6 =	vsel vm5, $0x1F8, v6  }
0x1bb: {  	v6 =	vsel vm6, $0x1F9, v6  }
0x1bc: {  	v6 =	vsel vm7, $0x22A, v6;
	v0 =	vsel vm11, $0x100, v0  }
0x1bd: {  	v6 =	vsel vm8, $0x22B, v6;
	[tilespmem:$0x1F2D0] =	vst v0;
	v0 =	vld [tilespmem:$0x1F0B0]  }
0x1be: {  	v6 =	vsel vm9, $0x25C, v6  }
0x1bf: {  	v6 =	vsel vm10, $0x25D, v6  }
0x1c0: {  	vm12 =	vcmask $0x2F2C;
	v6 =	vsel vm11, $0x28E, v6  }
0x1c1: {  	v6 =	vsel vm12, $0x28F, v6  }
0x1c2: {  	[tilespmem:$0x1F510] =	vst v6;
	v6 =	vld [tilespmem:$0x1F2D0];
	v0 =	vsel vm11, $0x102, v0  }
0x1c3: {  	[tilespmem:$0x1F2E0] =	vst v0;
	v0 =	vld [tilespmem:$0x1F0C0];
	_ =	sdelay $0x3  }
0x1c4: {  	v6 =	vsel vm12, $0x101, v6  }
0x1c5: {  	[tilespmem:$0x1F520] =	vst v6;
	v6 =	vld [tilespmem:$0x1F2E0];
	v0 =	vsel vm11, $0x104, v0  }
0x1c6: {  	[tilespmem:$0x1F2F0] =	vst v0;
	v0 =	vld [tilespmem:$0x1F0D0];
	_ =	sdelay $0x3  }
0x1c7: {  	v6 =	vsel vm12, $0x103, v6  }
0x1c8: {  	[tilespmem:$0x1F530] =	vst v6;
	v6 =	vld [tilespmem:$0x1F2F0];
	v0 =	vsel vm11, $0x106, v0  }
0x1c9: {  	[tilespmem:$0x1F300] =	vst v0;
	v0 =	vld [tilespmem:$0x1F0E0];
	_ =	sdelay $0x3  }
0x1ca: {  	v6 =	vsel vm12, $0x105, v6  }
0x1cb: {  	[tilespmem:$0x1F540] =	vst v6;
	v6 =	vld [tilespmem:$0x1F300];
	v0 =	vsel vm11, $0x108, v0  }
0x1cc: {  	[tilespmem:$0x1F310] =	vst v0;
	v0 =	vld [tilespmem:$0x1F0F0];
	_ =	sdelay $0x3  }
0x1cd: {  	v6 =	vsel vm12, $0x107, v6  }
0x1ce: {  	[tilespmem:$0x1F550] =	vst v6;
	v6 =	vld [tilespmem:$0x1F310];
	v0 =	vsel vm11, $0x10A, v0  }
0x1cf: {  	[tilespmem:$0x1F320] =	vst v0;
	v0 =	vld [tilespmem:$0x1F100];
	_ =	sdelay $0x3  }
0x1d0: {  	v6 =	vsel vm12, $0x109, v6  }
0x1d1: {  	[tilespmem:$0x1F560] =	vst v6;
	v6 =	vld [tilespmem:$0x1F320];
	v0 =	vsel vm11, $0x10C, v0  }
0x1d2: {  	[tilespmem:$0x1F330] =	vst v0;
	v0 =	vld [tilespmem:$0x1F110];
	_ =	sdelay $0x3  }
0x1d3: {  	v6 =	vsel vm12, $0x10B, v6  }
0x1d4: {  	[tilespmem:$0x1F570] =	vst v6;
	v6 =	vld [tilespmem:$0x1F330];
	v0 =	vsel vm11, $0x10E, v0  }
0x1d5: {  	[tilespmem:$0x1F340] =	vst v0;
	v0 =	vld [tilespmem:$0x1F120];
	_ =	sdelay $0x3  }
0x1d6: {  	v6 =	vsel vm12, $0x10D, v6  }
0x1d7: {  	[tilespmem:$0x1F580] =	vst v6;
	v6 =	vld [tilespmem:$0x1F340];
	v0 =	vsel vm11, $0x110, v0  }
0x1d8: {  	[tilespmem:$0x1F350] =	vst v0;
	v0 =	vld [tilespmem:$0x1F130];
	_ =	sdelay $0x3  }
0x1d9: {  	v6 =	vsel vm12, $0x10F, v6  }
0x1da: {  	[tilespmem:$0x1F590] =	vst v6;
	v6 =	vld [tilespmem:$0x1F350];
	v0 =	vsel vm11, $0x112, v0  }
0x1db: {  	[tilespmem:$0x1F360] =	vst v0;
	v0 =	vld [tilespmem:$0x1F140];
	_ =	sdelay $0x3  }
0x1dc: {  	v6 =	vsel vm12, $0x111, v6  }
0x1dd: {  	[tilespmem:$0x1F5A0] =	vst v6;
	v6 =	vld [tilespmem:$0x1F360];
	v0 =	vsel vm11, $0x114, v0  }
0x1de: {  	[tilespmem:$0x1F370] =	vst v0;
	v0 =	vld [tilespmem:$0x1F150];
	_ =	sdelay $0x3  }
0x1df: {  	v6 =	vsel vm12, $0x113, v6  }
0x1e0: {  	[tilespmem:$0x1F5B0] =	vst v6;
	v6 =	vld [tilespmem:$0x1F370];
	v0 =	vsel vm11, $0x116, v0  }
0x1e1: {  	[tilespmem:$0x1F380] =	vst v0;
	v0 =	vld [tilespmem:$0x1F160];
	_ =	sdelay $0x3  }
0x1e2: {  	v6 =	vsel vm12, $0x115, v6  }
0x1e3: {  	[tilespmem:$0x1F5C0] =	vst v6;
	v6 =	vld [tilespmem:$0x1F380];
	v0 =	vsel vm11, $0x118, v0  }
0x1e4: {  	[tilespmem:$0x1F390] =	vst v0;
	v0 =	vld [tilespmem:$0x1F170];
	_ =	sdelay $0x3  }
0x1e5: {  	v6 =	vsel vm12, $0x117, v6  }
0x1e6: {  	[tilespmem:$0x1F5D0] =	vst v6;
	v6 =	vld [tilespmem:$0x1F390];
	v0 =	vsel vm11, $0x11A, v0  }
0x1e7: {  	[tilespmem:$0x1F3A0] =	vst v0;
	v0 =	vld [tilespmem:$0x1F180];
	_ =	sdelay $0x3  }
0x1e8: {  	v6 =	vsel vm12, $0x119, v6  }
0x1e9: {  	[tilespmem:$0x1F5E0] =	vst v6;
	v6 =	vld [tilespmem:$0x1F3A0];
	v0 =	vsel vm11, $0x11C, v0  }
0x1ea: {  	[tilespmem:$0x1F3B0] =	vst v0;
	v0 =	vld [tilespmem:$0x1F190];
	_ =	sdelay $0x3  }
0x1eb: {  	v6 =	vsel vm12, $0x11B, v6  }
0x1ec: {  	[tilespmem:$0x1F5F0] =	vst v6;
	v6 =	vld [tilespmem:$0x1F3B0];
	v0 =	vsel vm11, $0x11E, v0  }
0x1ed: {  	[tilespmem:$0x1F3C0] =	vst v0;
	v0 =	vld [tilespmem:$0x1F1A0];
	_ =	sdelay $0x3  }
0x1ee: {  	v6 =	vsel vm12, $0x11D, v6  }
0x1ef: {  	[tilespmem:$0x1F600] =	vst v6;
	v6 =	vld [tilespmem:$0x1F3C0];
	v0 =	vsel vm11, $0x120, v0  }
0x1f0: {  	[tilespmem:$0x1F3D0] =	vst v0;
	v0 =	vld [tilespmem:$0x1F1B0]  }
0x1f1: {  	v56 =	vsel vm15, $0x376, v56  }
0x1f2: {  	v56 =	vsel vm4, $0x377, v56  }
0x1f3: {  	v56 =	vsel vm5, $0x3A8, v56  }
0x1f4: {  	v56 =	vsel vm6, $0x3A9, v56;
	v6 =	vsel vm12, $0x11F, v6  }
0x1f5: {  	v56 =	vsel vm7, $0x3DA, v56;
	[tilespmem:$0x1F610] =	vst v6;
	v6 =	vld [tilespmem:$0x1F3D0];
	v0 =	vsel vm11, $0x122, v0  }
0x1f6: {  	v56 =	vsel vm8, $0x3DB, v56;
	[tilespmem:$0x1F3E0] =	vst v0;
	v0 =	vld [tilespmem:$0x1F1C0]  }
0x1f7: {  	v56 =	vsel vm9, $0x40C, v56;
	v58 =	vsel vm15, $0x1E8, v58  }
0x1f8: {  	v56 =	vsel vm10, $0x40D, v56;
	v58 =	vsel vm4, $0x1E9, v58  }
0x1f9: {  	v56 =	vsel vm11, $0x43E, v56;
	v58 =	vsel vm5, $0x21A, v58  }
0x1fa: {  	v56 =	vsel vm12, $0x43F, v56;
	v58 =	vsel vm6, $0x21B, v58  }
0x1fb: {  	v58 =	vsel vm7, $0x24C, v58;
	[tilespmem:$0x1F620] =	vst v56;
	v56 =	vsel vm12, $0x121, v6;
	v6 =	vld [tilespmem:$0x1F3E0];
	v0 =	vsel vm11, $0x124, v0  }
0x1fc: {  	v58 =	vsel vm8, $0x24D, v58;
	[tilespmem:$0x1F3F0] =	vst v0;
	v0 =	vld [tilespmem:$0x1F1D0]  }
0x1fd: {  	v58 =	vsel vm9, $0x27E, v58  }
0x1fe: {  	v58 =	vsel vm10, $0x27F, v58  }
0x1ff: {  	v58 =	vsel vm11, $0x2B0, v58  }
0x200: {  	v58 =	vsel vm12, $0x2B1, v58  }
0x201: {  	[tilespmem:$0x1F640] =	vst v58;
	v58 =	vsel vm12, $0x123, v6;
	v6 =	vld [tilespmem:$0x1F3F0];
	v0 =	vsel vm11, $0x2B4, v0  }
0x202: {  	[tilespmem:$0x1F400] =	vst v0;
	v0 =	vld [tilespmem:$0x1F1E0];
	_ =	sdelay $0x4  }
0x203: {  	[tilespmem:$0x1F650] =	vst v58;
	v58 =	vsel vm12, $0x125, v6;
	v6 =	vld [tilespmem:$0x1F400];
	v0 =	vsel vm11, $0x444, v0  }
0x204: {  	[tilespmem:$0x1F410] =	vst v0;
	v0 =	vld [tilespmem:$0x1F1F0];
	_ =	sdelay $0x4  }
0x205: {  	[tilespmem:$0x1F630] =	vst v56;
	v56 =	vsel vm12, $0x2B5, v6;
	v6 =	vld [tilespmem:$0x1F410];
	v0 =	vsel vm11, $0x5D4, v0  }
0x206: {  	[tilespmem:$0x1F420] =	vst v0;
	v0 =	vld [tilespmem:$0x1F200];
	_ =	sdelay $0x4  }
0x207: {  	[tilespmem:$0x1F670] =	vst v58;
	v58 =	vsel vm12, $0x445, v6;
	v6 =	vld [tilespmem:$0x1F420];
	v0 =	vsel vm11, $0x126, v0  }
0x208: {  	[tilespmem:$0x1F430] =	vst v0;
	v0 =	vld [tilespmem:$0x1F210];
	_ =	sdelay $0x4  }
0x209: {  	[tilespmem:$0x1F680] =	vst v56;
	v56 =	vsel vm12, $0x5D5, v6;
	v6 =	vld [tilespmem:$0x1F430];
	v0 =	vsel vm11, $0x2B6, v0  }
0x20a: {  	[tilespmem:$0x1F440] =	vst v0;
	v0 =	vld [tilespmem:$0x1F220];
	_ =	sdelay $0x4  }
0x20b: {  	[tilespmem:$0x1F690] =	vst v58;
	v58 =	vsel vm12, $0x127, v6;
	v6 =	vld [tilespmem:$0x1F440];
	v0 =	vsel vm11, $0x446, v0  }
0x20c: {  	[tilespmem:$0x1F450] =	vst v0;
	v0 =	vld [tilespmem:$0x1F230];
	_ =	sdelay $0x3  }
0x20d: {  	v1 =	vld [tilespmem:$0x1F030]  }
0x20e: {  	[tilespmem:$0x1F6A0] =	vst v56;
	v56 =	vsel vm12, $0x2B7, v6;
	v6 =	vld [tilespmem:$0x1F450];
	v0 =	vsel vm11, $0x5D6, v0  }
0x20f: {  	[tilespmem:$0x1F460] =	vst v0;
	v0 =	vld [tilespmem:$0x1F240];
	_ =	sdelay $0x2  }
0x210: {  	v1 =	vsel vm10, $0x287, v1  }
0x211: {  	[tilespmem:$0x1F250] =	vst v1;
	v1 =	vld [tilespmem:$0x1F040]  }
0x212: {  	[tilespmem:$0x1F6B0] =	vst v58;
	v58 =	vsel vm12, $0x447, v6;
	v6 =	vld [tilespmem:$0x1F460];
	v0 =	vsel vm11, $0x128, v0  }
0x213: {  	[tilespmem:$0x1F470] =	vst v0;
	v0 =	vld [tilespmem:$0x1F250];
	_ =	sdelay $0x2  }
0x214: {  	v1 =	vsel vm10, $0x417, v1  }
0x215: {  	[tilespmem:$0x1F260] =	vst v1;
	v1 =	vld [tilespmem:$0x1F050]  }
0x216: {  	[tilespmem:$0x1F6C0] =	vst v56;
	v56 =	vsel vm12, $0x5D7, v6;
	v6 =	vld [tilespmem:$0x1F470];
	v0 =	vsel vm11, $0x2B8, v0  }
0x217: {  	[tilespmem:$0x1F480] =	vst v0;
	v0 =	vld [tilespmem:$0x1F260];
	_ =	sdelay $0x2  }
0x218: {  	v1 =	vsel vm10, $0x5A7, v1  }
0x219: {  	[tilespmem:$0x1F270] =	vst v1;
	v1 =	vld [tilespmem:$0x1F060]  }
0x21a: {  	[tilespmem:$0x1F6D0] =	vst v58;
	v58 =	vsel vm12, $0x129, v6;
	v6 =	vld [tilespmem:$0x1F480];
	v0 =	vsel vm11, $0x448, v0  }
0x21b: {  	[tilespmem:$0x1F490] =	vst v0;
	v0 =	vld [tilespmem:$0x1F270];
	_ =	sdelay $0x2  }
0x21c: {  	v1 =	vsel vm10, $0xF9, v1  }
0x21d: {  	[tilespmem:$0x1F280] =	vst v1;
	v1 =	vld [tilespmem:$0x1F070]  }
0x21e: {  	[tilespmem:$0x1F6E0] =	vst v56;
	v56 =	vsel vm12, $0x2B9, v6;
	v6 =	vld [tilespmem:$0x1F490];
	v0 =	vsel vm11, $0x5D8, v0  }
0x21f: {  	[tilespmem:$0x1F4A0] =	vst v0;
	v0 =	vld [tilespmem:$0x1F280];
	_ =	sdelay $0x2  }
0x220: {  	v1 =	vsel vm10, $0x289, v1  }
0x221: {  	[tilespmem:$0x1F290] =	vst v1;
	v1 =	vld [tilespmem:$0x1F080]  }
0x222: {  	[tilespmem:$0x1F6F0] =	vst v58;
	v58 =	vsel vm12, $0x449, v6;
	v6 =	vld [tilespmem:$0x1F4A0];
	v0 =	vsel vm11, $0x12A, v0  }
0x223: {  	[tilespmem:$0x1F4B0] =	vst v0;
	v0 =	vld [tilespmem:$0x1F290];
	_ =	sdelay $0x2  }
0x224: {  	v1 =	vsel vm10, $0x419, v1  }
0x225: {  	[tilespmem:$0x1F2A0] =	vst v1;
	v1 =	vld [tilespmem:$0x1F2B0]  }
0x226: {  	[tilespmem:$0x1F700] =	vst v56;
	v56 =	vsel vm12, $0x5D9, v6;
	v6 =	vld [tilespmem:$0x1F4B0];
	v0 =	vsel vm11, $0x2BA, v0  }
0x227: {  	[tilespmem:$0x1F4C0] =	vst v0;
	v0 =	vld [tilespmem:$0x1F2A0];
	_ =	sdelay $0x2  }
0x228: {  	v1 =	vsel vm11, $0x5DA, v1  }
0x229: {  	[tilespmem:$0x1F4D0] =	vst v1  }
0x22a: {  	[tilespmem:$0x1F710] =	vst v58;
	v58 =	vsel vm12, $0x12B, v6;
	v0 =	vsel vm11, $0x44A, v0  }
0x22b: {  	[tilespmem:$0x1F730] =	vst v58;
	v58 =	vsel vm12, $0x44B, v0;
	v0 =	vld [tilespmem:$0x1F4D0];
	_ =	sdelay $0x4  }
0x22c: {  	v0 =	vsel vm12, $0x5DB, v0  }
0x22d: {  	v2 =	vsel vm7, $0x546, v2;
	[tilespmem:$0x1F750] =	vst v0;
	v0 =	vld [tilespmem:$0x1F4E0]  }
0x22e: {  	v2 =	vsel vm8, $0x547, v2  }
0x22f: {  	v2 =	vsel vm9, $0x578, v2  }
0x230: {  	v2 =	vsel vm10, $0x579, v2  }
0x231: {  	vm13 =	vcmask $0x3330;
	v2 =	vsel vm11, $0x5AA, v2  }
0x232: {  	v2 =	vsel vm12, $0x5AB, v2;
	v0 =	vsel vm13, $0x12C, v0  }
0x233: {  	[tilespmem:$0x1F760] =	vst v0;
	v0 =	vsel vm13, $0x5DC, v2;
	v2 =	vld [tilespmem:$0x1F4F0];
	_ =	sdelay $0x4  }
0x234: {  	[tilespmem:$0x1F770] =	vst v0;
	v0 =	vsel vm13, $0x12E, v2  }
0x235: {  	[tilespmem:$0x1F780] =	vst v0;
	v0 =	vld [tilespmem:$0x1F500]  }
0x236: {  	v11 =	vsel vm15, $0x4E8, v11  }
0x237: {  	v11 =	vsel vm4, $0x4E9, v11  }
0x238: {  	v11 =	vsel vm5, $0x51A, v11  }
0x239: {  	v11 =	vsel vm6, $0x51B, v11  }
0x23a: {  	v11 =	vsel vm7, $0x54C, v11;
	v6 =	vld [tilespmem:$0x1F4C0];
	v0 =	vsel vm13, $0x130, v0  }
0x23b: {  	v11 =	vsel vm8, $0x54D, v11;
	v12 =	vsel vm15, $0x1CA, v12;
	[tilespmem:$0x1F790] =	vst v0;
	v0 =	vld [tilespmem:$0x1F510]  }
0x23c: {  	v11 =	vsel vm9, $0x57E, v11;
	v14 =	vsel vm15, $0x4EA, v14;
	v12 =	vsel vm4, $0x1CB, v12  }
0x23d: {  	v11 =	vsel vm10, $0x57F, v11;
	v14 =	vsel vm4, $0x4EB, v14;
	v12 =	vsel vm5, $0x1FC, v12  }
0x23e: {  	v11 =	vsel vm11, $0x5B0, v11;
	v14 =	vsel vm5, $0x51C, v14;
	v12 =	vsel vm6, $0x1FD, v12  }
0x23f: {  	v11 =	vsel vm12, $0x5B1, v11;
	v14 =	vsel vm6, $0x51D, v14;
	v12 =	vsel vm7, $0x22E, v12  }
0x240: {  	v14 =	vsel vm7, $0x54E, v14;
	[tilespmem:$0x1F720] =	vst v56;
	v56 =	vsel vm12, $0x2BB, v6;
	v6 =	vsel vm13, $0x2C0, v0;
	v0 =	vld [tilespmem:$0x1F520]  }
0x241: {  	v12 =	vsel vm8, $0x22F, v12;
	v14 =	vsel vm8, $0x54F, v14;
	v17 =	vsel vm15, $0x4EC, v17  }
0x242: {  	v12 =	vsel vm9, $0x260, v12;
	v14 =	vsel vm9, $0x580, v14;
	v36 =	vsel vm15, $0x4F8, v36  }
0x243: {  	v17 =	vsel vm4, $0x4ED, v17;
	v12 =	vsel vm10, $0x261, v12;
	v14 =	vsel vm10, $0x581, v14  }
0x244: {  	v36 =	vsel vm4, $0x4F9, v36;
	v17 =	vsel vm5, $0x51E, v17;
	v12 =	vsel vm11, $0x292, v12  }
0x245: {  	v14 =	vsel vm11, $0x5B2, v14;
	v36 =	vsel vm5, $0x52A, v36;
	v0 =	vsel vm13, $0x132, v0  }
0x246: {  	v17 =	vsel vm6, $0x51F, v17;
	v13 =	vsel vm15, $0x35A, v13;
	v16 =	vsel vm15, $0x35C, v16;
	[tilespmem:$0x1F7A0] =	vst v0;
	v0 =	vld [tilespmem:$0x1F530]  }
0x247: {  	v12 =	vsel vm12, $0x293, v12;
	v13 =	vsel vm4, $0x35B, v13;
	v16 =	vsel vm4, $0x35D, v16  }
0x248: {  	v14 =	vsel vm12, $0x5B3, v14;
	v13 =	vsel vm5, $0x38C, v13;
	v16 =	vsel vm5, $0x38E, v16  }
0x249: {  	v36 =	vsel vm6, $0x52B, v36;
	v13 =	vsel vm6, $0x38D, v13;
	v16 =	vsel vm6, $0x38F, v16  }
0x24a: {  	v17 =	vsel vm7, $0x550, v17;
	v13 =	vsel vm7, $0x3BE, v13;
	v16 =	vsel vm7, $0x3C0, v16  }
0x24b: {  	v13 =	vsel vm8, $0x3BF, v13;
	v16 =	vsel vm8, $0x3C1, v16;
	v0 =	vsel vm13, $0x134, v0  }
0x24c: {  	v17 =	vsel vm8, $0x551, v17;
	v13 =	vsel vm9, $0x3F0, v13;
	v16 =	vsel vm9, $0x3F2, v16;
	[tilespmem:$0x1F7B0] =	vst v0;
	v0 =	vld [tilespmem:$0x1F540]  }
0x24d: {  	v17 =	vsel vm9, $0x582, v17;
	v13 =	vsel vm10, $0x3F1, v13;
	v16 =	vsel vm10, $0x3F3, v16  }
0x24e: {  	v27 =	vsel vm15, $0x1D4, v27;
	v13 =	vsel vm11, $0x422, v13;
	v16 =	vsel vm11, $0x424, v16  }
0x24f: {  	v27 =	vsel vm4, $0x1D5, v27;
	v13 =	vsel vm12, $0x423, v13;
	v16 =	vsel vm12, $0x425, v16  }
0x250: {  	v2 =	vsel vm13, $0x5E2, v11;
	v11 =	vsel vm13, $0x2C4, v12;
	v12 =	vsel vm13, $0x454, v13  }
0x251: {  	v13 =	vsel vm13, $0x5E4, v14;
	v14 =	vsel vm13, $0x136, v0;
	v0 =	vsel vm13, $0x456, v16  }
0x252: {  	v36 =	vsel vm7, $0x55C, v36;
	v17 =	vsel vm10, $0x583, v17;
	v27 =	vsel vm5, $0x206, v27;
	[tilespmem:$0x1F7C0] =	vst v0;
	v0 =	vld [tilespmem:$0x1F550]  }
0x253: {  	v17 =	vsel vm11, $0x5B4, v17;
	v27 =	vsel vm6, $0x207, v27;
	v22 =	vsel vm15, $0x360, v22  }
0x254: {  	v17 =	vsel vm12, $0x5B5, v17;
	v27 =	vsel vm7, $0x238, v27;
	v22 =	vsel vm4, $0x361, v22  }
0x255: {  	v30 =	vsel vm15, $0x1D6, v30;
	v27 =	vsel vm8, $0x239, v27;
	v22 =	vsel vm5, $0x392, v22  }
0x256: {  	v30 =	vsel vm4, $0x1D7, v30;
	v27 =	vsel vm9, $0x26A, v27;
	v22 =	vsel vm6, $0x393, v22  }
0x257: {  	v22 =	vsel vm7, $0x3C4, v22;
	v16 =	vsel vm13, $0x5E6, v17;
	v17 =	vsel vm13, $0x138, v0;
	v0 =	vld [tilespmem:$0x1F560]  }
0x258: {  	v30 =	vsel vm5, $0x208, v30;
	v27 =	vsel vm10, $0x26B, v27;
	v22 =	vsel vm8, $0x3C5, v22  }
0x259: {  	v30 =	vsel vm6, $0x209, v30;
	v25 =	vsel vm15, $0x362, v25;
	v22 =	vsel vm9, $0x3F6, v22  }
0x25a: {  	v27 =	vsel vm11, $0x29C, v27;
	v25 =	vsel vm4, $0x363, v25;
	v22 =	vsel vm10, $0x3F7, v22  }
0x25b: {  	v30 =	vsel vm7, $0x23A, v30;
	v25 =	vsel vm5, $0x394, v25;
	v22 =	vsel vm11, $0x428, v22  }
0x25c: {  	v25 =	vsel vm6, $0x395, v25;
	v22 =	vsel vm12, $0x429, v22;
	v0 =	vsel vm13, $0x13A, v0  }
0x25d: {  	v30 =	vsel vm8, $0x23B, v30;
	v25 =	vsel vm7, $0x3C6, v25;
	[tilespmem:$0x1F7D0] =	vst v0;
	v0 =	vsel vm13, $0x45A, v22  }
0x25e: {  	v27 =	vsel vm12, $0x29D, v27;
	v30 =	vsel vm9, $0x26C, v30;
	v25 =	vsel vm8, $0x3C7, v25;
	[tilespmem:$0x1F7E0] =	vst v0;
	v0 =	vld [tilespmem:$0x1F570]  }
0x25f: {  	v30 =	vsel vm10, $0x26D, v30;
	v25 =	vsel vm9, $0x3F8, v25;
	v26 =	vsel vm15, $0x4F2, v26  }
0x260: {  	v30 =	vsel vm11, $0x29E, v30;
	v25 =	vsel vm10, $0x3F9, v25;
	v26 =	vsel vm4, $0x4F3, v26  }
0x261: {  	v25 =	vsel vm11, $0x42A, v25;
	v34 =	vsel vm15, $0x368, v34;
	v26 =	vsel vm5, $0x524, v26  }
0x262: {  	v25 =	vsel vm12, $0x42B, v25;
	v34 =	vsel vm4, $0x369, v34;
	v26 =	vsel vm6, $0x525, v26  }
0x263: {  	v26 =	vsel vm7, $0x556, v26;
	v22 =	vsel vm13, $0x13C, v0;
	v0 =	vsel vm13, $0x45C, v25  }
0x264: {  	v30 =	vsel vm12, $0x29F, v30;
	v34 =	vsel vm5, $0x39A, v34;
	v26 =	vsel vm8, $0x557, v26;
	[tilespmem:$0x1F7F0] =	vst v0;
	v0 =	vld [tilespmem:$0x1F580]  }
0x265: {  	v34 =	vsel vm6, $0x39B, v34;
	v28 =	vsel vm15, $0x364, v28;
	v26 =	vsel vm9, $0x588, v26  }
0x266: {  	v34 =	vsel vm7, $0x3CC, v34;
	v28 =	vsel vm4, $0x365, v28;
	v26 =	vsel vm10, $0x589, v26  }
0x267: {  	v34 =	vsel vm8, $0x3CD, v34;
	v28 =	vsel vm5, $0x396, v28;
	v26 =	vsel vm11, $0x5BA, v26  }
0x268: {  	v28 =	vsel vm6, $0x397, v28;
	v26 =	vsel vm12, $0x5BB, v26;
	v31 =	vsel vm15, $0x366, v31  }
0x269: {  	v28 =	vsel vm7, $0x3C8, v28;
	v31 =	vsel vm4, $0x367, v31;
	v0 =	vsel vm13, $0x13E, v0  }
0x26a: {  	v28 =	vsel vm8, $0x3C9, v28;
	v31 =	vsel vm5, $0x398, v31;
	v33 =	vsel vm15, $0x1D8, v33;
	[tilespmem:$0x1F800] =	vst v0;
	v0 =	vld [tilespmem:$0x1F590]  }
0x26b: {  	v28 =	vsel vm9, $0x3FA, v28;
	v31 =	vsel vm6, $0x399, v31;
	v33 =	vsel vm4, $0x1D9, v33  }
0x26c: {  	v28 =	vsel vm10, $0x3FB, v28;
	v31 =	vsel vm7, $0x3CA, v31;
	v33 =	vsel vm5, $0x20A, v33  }
0x26d: {  	v28 =	vsel vm11, $0x42C, v28;
	v31 =	vsel vm8, $0x3CB, v31;
	v33 =	vsel vm6, $0x20B, v33  }
0x26e: {  	v28 =	vsel vm12, $0x42D, v28;
	v31 =	vsel vm9, $0x3FC, v31;
	v33 =	vsel vm7, $0x23C, v33  }
0x26f: {  	v33 =	vsel vm8, $0x23D, v33;
	v39 =	vsel vm15, $0x4FA, v39;
	v0 =	vsel vm13, $0x140, v0  }
0x270: {  	v31 =	vsel vm10, $0x3FD, v31;
	v33 =	vsel vm9, $0x26E, v33;
	v39 =	vsel vm4, $0x4FB, v39;
	[tilespmem:$0x1F810] =	vst v0;
	v0 =	vld [tilespmem:$0x1F5A0]  }
0x271: {  	v31 =	vsel vm11, $0x42E, v31;
	v33 =	vsel vm10, $0x26F, v33;
	v39 =	vsel vm5, $0x52C, v39  }
0x272: {  	v31 =	vsel vm12, $0x42F, v31;
	v33 =	vsel vm11, $0x2A0, v33;
	v39 =	vsel vm6, $0x52D, v39  }
0x273: {  	v33 =	vsel vm12, $0x2A1, v33;
	v39 =	vsel vm7, $0x55E, v39;
	v25 =	vsel vm13, $0x5EC, v26  }
0x274: {  	v26 =	vsel vm13, $0x2CE, v27;
	v27 =	vsel vm13, $0x45E, v28;
	v28 =	vsel vm13, $0x2D0, v30  }
0x275: {  	v30 =	vsel vm13, $0x460, v31;
	v31 =	vsel vm13, $0x142, v0;
	v0 =	vsel vm13, $0x2D2, v33  }
0x276: {  	v36 =	vsel vm8, $0x55D, v36;
	v34 =	vsel vm9, $0x3FE, v34;
	v39 =	vsel vm8, $0x55F, v39;
	[tilespmem:$0x1F820] =	vst v0;
	v0 =	vld [tilespmem:$0x1F5B0]  }
0x277: {  	v36 =	vsel vm9, $0x58E, v36;
	v34 =	vsel vm10, $0x3FF, v34;
	v39 =	vsel vm9, $0x590, v39  }
0x278: {  	v36 =	vsel vm10, $0x58F, v36;
	v34 =	vsel vm11, $0x430, v34;
	v39 =	vsel vm10, $0x591, v39  }
0x279: {  	v36 =	vsel vm11, $0x5C0, v36;
	v34 =	vsel vm12, $0x431, v34;
	v39 =	vsel vm11, $0x5C2, v39  }
0x27a: {  	v36 =	vsel vm12, $0x5C1, v36;
	v39 =	vsel vm12, $0x5C3, v39;
	v33 =	vsel vm13, $0x462, v34  }
0x27b: {  	v34 =	vsel vm13, $0x5F2, v36;
	v36 =	vsel vm13, $0x144, v0;
	v0 =	vsel vm13, $0x5F4, v39  }
0x27c: {  	v43 =	vsel vm15, $0x1DE, v43;
	[tilespmem:$0x1F830] =	vst v0;
	v0 =	vld [tilespmem:$0x1F5C0]  }
0x27d: {  	v43 =	vsel vm4, $0x1DF, v43  }
0x27e: {  	v43 =	vsel vm5, $0x210, v43  }
0x27f: {  	v43 =	vsel vm6, $0x211, v43  }
0x280: {  	v43 =	vsel vm7, $0x242, v43  }
0x281: {  	v43 =	vsel vm8, $0x243, v43;
	v39 =	vsel vm13, $0x146, v0;
	v0 =	vld [tilespmem:$0x1F5D0]  }
0x282: {  	v43 =	vsel vm9, $0x274, v43  }
0x283: {  	v43 =	vsel vm10, $0x275, v43;
	v48 =	vsel vm15, $0x500, v48  }
0x284: {  	v43 =	vsel vm11, $0x2A6, v43;
	v48 =	vsel vm4, $0x501, v48  }
0x285: {  	v43 =	vsel vm12, $0x2A7, v43;
	v48 =	vsel vm5, $0x532, v48  }
0x286: {  	v48 =	vsel vm6, $0x533, v48;
	v50 =	vsel vm15, $0x372, v50;
	v0 =	vsel vm13, $0x148, v0  }
0x287: {  	v48 =	vsel vm7, $0x564, v48;
	v50 =	vsel vm4, $0x373, v50;
	[tilespmem:$0x1F840] =	vst v0;
	v0 =	vsel vm13, $0x2D8, v43  }
0x288: {  	v48 =	vsel vm8, $0x565, v48;
	v50 =	vsel vm5, $0x3A4, v50;
	[tilespmem:$0x1F850] =	vst v0;
	v0 =	vld [tilespmem:$0x1F5E0]  }
0x289: {  	v48 =	vsel vm9, $0x596, v48;
	v50 =	vsel vm6, $0x3A5, v50  }
0x28a: {  	v48 =	vsel vm10, $0x597, v48;
	v50 =	vsel vm7, $0x3D6, v50;
	v51 =	vsel vm15, $0x502, v51  }
0x28b: {  	v48 =	vsel vm11, $0x5C8, v48;
	v50 =	vsel vm8, $0x3D7, v50;
	v51 =	vsel vm4, $0x503, v51  }
0x28c: {  	v48 =	vsel vm12, $0x5C9, v48;
	v50 =	vsel vm9, $0x408, v50;
	v51 =	vsel vm5, $0x534, v51  }
0x28d: {  	v50 =	vsel vm10, $0x409, v50;
	v51 =	vsel vm6, $0x535, v51;
	v0 =	vsel vm13, $0x14A, v0  }
0x28e: {  	v50 =	vsel vm11, $0x43A, v50;
	v51 =	vsel vm7, $0x566, v51;
	[tilespmem:$0x1F860] =	vst v0;
	v0 =	vsel vm13, $0x5FA, v48  }
0x28f: {  	v50 =	vsel vm12, $0x43B, v50;
	v52 =	vsel vm15, $0x1E4, v52;
	v51 =	vsel vm8, $0x567, v51;
	[tilespmem:$0x1F870] =	vst v0;
	v0 =	vld [tilespmem:$0x1F5F0]  }
0x290: {  	v52 =	vsel vm4, $0x1E5, v52;
	v51 =	vsel vm9, $0x598, v51;
	v53 =	vsel vm15, $0x374, v53  }
0x291: {  	v52 =	vsel vm5, $0x216, v52;
	v51 =	vsel vm10, $0x599, v51;
	v53 =	vsel vm4, $0x375, v53  }
0x292: {  	v52 =	vsel vm6, $0x217, v52;
	v51 =	vsel vm11, $0x5CA, v51;
	v53 =	vsel vm5, $0x3A6, v53  }
0x293: {  	v52 =	vsel vm7, $0x248, v52;
	v51 =	vsel vm12, $0x5CB, v51;
	v53 =	vsel vm6, $0x3A7, v53  }
0x294: {  	v54 =	vsel vm15, $0x504, v54;
	v48 =	vsel vm13, $0x14C, v0;
	v0 =	vsel vm13, $0x46C, v50  }
0x295: {  	v53 =	vsel vm7, $0x3D8, v53;
	v54 =	vsel vm4, $0x505, v54;
	[tilespmem:$0x1F880] =	vst v0;
	v0 =	vsel vm13, $0x5FC, v51  }
0x296: {  	v52 =	vsel vm8, $0x249, v52;
	v53 =	vsel vm8, $0x3D9, v53;
	v54 =	vsel vm5, $0x536, v54;
	[tilespmem:$0x1F890] =	vst v0;
	v0 =	vld [tilespmem:$0x1F600]  }
0x297: {  	v52 =	vsel vm9, $0x27A, v52;
	v53 =	vsel vm9, $0x40A, v53;
	v54 =	vsel vm6, $0x537, v54  }
0x298: {  	v52 =	vsel vm10, $0x27B, v52;
	v53 =	vsel vm10, $0x40B, v53;
	v54 =	vsel vm7, $0x568, v54  }
0x299: {  	v52 =	vsel vm11, $0x2AC, v52;
	v53 =	vsel vm11, $0x43C, v53;
	v54 =	vsel vm8, $0x569, v54  }
0x29a: {  	v52 =	vsel vm12, $0x2AD, v52;
	v53 =	vsel vm12, $0x43D, v53;
	v54 =	vsel vm9, $0x59A, v54  }
0x29b: {  	v55 =	vsel vm15, $0x1E6, v55;
	v54 =	vsel vm10, $0x59B, v54;
	v0 =	vsel vm13, $0x14E, v0  }
0x29c: {  	v55 =	vsel vm4, $0x1E7, v55;
	v54 =	vsel vm11, $0x5CC, v54;
	[tilespmem:$0x1F8A0] =	vst v0;
	v0 =	vsel vm13, $0x2DE, v52  }
0x29d: {  	v55 =	vsel vm5, $0x218, v55;
	v54 =	vsel vm12, $0x5CD, v54;
	[tilespmem:$0x1F8B0] =	vst v0;
	v0 =	vsel vm13, $0x46E, v53  }
0x29e: {  	v55 =	vsel vm6, $0x219, v55;
	[tilespmem:$0x1F8C0] =	vst v0;
	v0 =	vsel vm13, $0x5FE, v54  }
0x29f: {  	v55 =	vsel vm7, $0x24A, v55;
	[tilespmem:$0x1F8D0] =	vst v0;
	v0 =	vld [tilespmem:$0x1F610]  }
0x2a0: {  	v55 =	vsel vm8, $0x24B, v55  }
0x2a1: {  	v55 =	vsel vm9, $0x27C, v55  }
0x2a2: {  	v55 =	vsel vm10, $0x27D, v55;
	v57 =	vsel vm15, $0x506, v57  }
0x2a3: {  	v55 =	vsel vm11, $0x2AE, v55;
	v57 =	vsel vm4, $0x507, v57  }
0x2a4: {  	v55 =	vsel vm12, $0x2AF, v55;
	v57 =	vsel vm5, $0x538, v57;
	v0 =	vsel vm13, $0x150, v0  }
0x2a5: {  	v57 =	vsel vm6, $0x539, v57;
	[tilespmem:$0x1F8E0] =	vst v0;
	v0 =	vsel vm13, $0x2E0, v55  }
0x2a6: {  	v57 =	vsel vm7, $0x56A, v57;
	[tilespmem:$0x1F8F0] =	vst v0;
	v0 =	vld [tilespmem:$0x1F620]  }
0x2a7: {  	v57 =	vsel vm8, $0x56B, v57  }
0x2a8: {  	v57 =	vsel vm9, $0x59C, v57  }
0x2a9: {  	v57 =	vsel vm10, $0x59D, v57  }
0x2aa: {  	v57 =	vsel vm11, $0x5CE, v57  }
0x2ab: {  	v57 =	vsel vm12, $0x5CF, v57;
	v0 =	vsel vm13, $0x470, v0  }
0x2ac: {  	[tilespmem:$0x1F900] =	vst v0;
	v0 =	vsel vm13, $0x600, v57  }
0x2ad: {  	[tilespmem:$0x1F910] =	vst v0;
	v0 =	vld [tilespmem:$0x1F630]  }
0x2ae: {  	v59 =	vsel vm15, $0x378, v59;
	v60 =	vsel vm15, $0x508, v60  }
0x2af: {  	v59 =	vsel vm4, $0x379, v59;
	v60 =	vsel vm4, $0x509, v60  }
0x2b0: {  	v59 =	vsel vm5, $0x3AA, v59;
	v60 =	vsel vm5, $0x53A, v60  }
0x2b1: {  	v59 =	vsel vm6, $0x3AB, v59;
	v60 =	vsel vm6, $0x53B, v60  }
0x2b2: {  	v59 =	vsel vm7, $0x3DC, v59;
	v60 =	vsel vm7, $0x56C, v60;
	v0 =	vsel vm13, $0x152, v0  }
0x2b3: {  	v59 =	vsel vm8, $0x3DD, v59;
	v60 =	vsel vm8, $0x56D, v60;
	[tilespmem:$0x1F920] =	vst v0;
	v0 =	vld [tilespmem:$0x1F640]  }
0x2b4: {  	v59 =	vsel vm9, $0x40E, v59;
	v60 =	vsel vm9, $0x59E, v60  }
0x2b5: {  	v59 =	vsel vm10, $0x40F, v59;
	v60 =	vsel vm10, $0x59F, v60  }
0x2b6: {  	v59 =	vsel vm11, $0x440, v59;
	v60 =	vsel vm11, $0x5D0, v60;
	v63 =	vsel vm15, $0x50A, v63  }
0x2b7: {  	v59 =	vsel vm12, $0x441, v59;
	v60 =	vsel vm12, $0x5D1, v60;
	v63 =	vsel vm4, $0x50B, v63  }
0x2b8: {  	v62 =	vsel vm15, $0x37A, v62;
	v63 =	vsel vm5, $0x53C, v63;
	v0 =	vsel vm13, $0x2E2, v0  }
0x2b9: {  	v62 =	vsel vm4, $0x37B, v62;
	v63 =	vsel vm6, $0x53D, v63;
	[tilespmem:$0x1F930] =	vst v0;
	v0 =	vsel vm13, $0x472, v59  }
0x2ba: {  	v62 =	vsel vm5, $0x3AC, v62;
	v63 =	vsel vm7, $0x56E, v63;
	[tilespmem:$0x1F940] =	vst v0;
	v0 =	vsel vm13, $0x602, v60  }
0x2bb: {  	v62 =	vsel vm6, $0x3AD, v62;
	v63 =	vsel vm8, $0x56F, v63;
	[tilespmem:$0x1F950] =	vst v0;
	v0 =	vld [tilespmem:$0x1F650]  }
0x2bc: {  	v62 =	vsel vm7, $0x3DE, v62;
	v63 =	vsel vm9, $0x5A0, v63  }
0x2bd: {  	v62 =	vsel vm8, $0x3DF, v62;
	v63 =	vsel vm10, $0x5A1, v63  }
0x2be: {  	v62 =	vsel vm9, $0x410, v62;
	v63 =	vsel vm11, $0x5D2, v63;
	v61 =	vsel vm10, $0x281, v61  }
0x2bf: {  	v62 =	vsel vm10, $0x411, v62;
	v63 =	vsel vm12, $0x5D3, v63;
	v61 =	vsel vm11, $0x2B2, v61  }
0x2c0: {  	v62 =	vsel vm11, $0x442, v62;
	v61 =	vsel vm12, $0x2B3, v61;
	[tilespmem:$0x1F660] =	vst v63;
	v0 =	vsel vm13, $0x154, v0  }
0x2c1: {  	v62 =	vsel vm12, $0x443, v62;
	[tilespmem:$0x1F960] =	vst v0;
	v0 =	vsel vm13, $0x2E4, v61  }
0x2c2: {  	[tilespmem:$0x1F970] =	vst v0;
	v0 =	vsel vm13, $0x474, v62  }
0x2c3: {  	[tilespmem:$0x1F980] =	vst v0;
	v0 =	vld [tilespmem:$0x1F660];
	_ =	sdelay $0x4  }
0x2c4: {  	v0 =	vsel vm13, $0x604, v0  }
0x2c5: {  	[tilespmem:$0x1F990] =	vst v0;
	v0 =	vld [tilespmem:$0x1F670];
	_ =	sdelay $0x4  }
0x2c6: {  	v0 =	vsel vm13, $0x156, v0  }
0x2c7: {  	[tilespmem:$0x1F9A0] =	vst v0;
	v0 =	vld [tilespmem:$0x1F680];
	_ =	sdelay $0x4  }
0x2c8: {  	v0 =	vsel vm13, $0x2E6, v0  }
0x2c9: {  	[tilespmem:$0x1F9B0] =	vst v0;
	v0 =	vld [tilespmem:$0x1F690];
	_ =	sdelay $0x4  }
0x2ca: {  	v0 =	vsel vm13, $0x476, v0  }
0x2cb: {  	[tilespmem:$0x1F9C0] =	vst v0;
	v0 =	vld [tilespmem:$0x1F6A0];
	_ =	sdelay $0x4  }
0x2cc: {  	v0 =	vsel vm13, $0x606, v0  }
0x2cd: {  	[tilespmem:$0x1F9D0] =	vst v0;
	v0 =	vld [tilespmem:$0x1F6B0];
	_ =	sdelay $0x4  }
0x2ce: {  	v0 =	vsel vm13, $0x158, v0  }
0x2cf: {  	[tilespmem:$0x1F9E0] =	vst v0;
	v0 =	vld [tilespmem:$0x1F6C0];
	_ =	sdelay $0x4  }
0x2d0: {  	v0 =	vsel vm13, $0x2E8, v0  }
0x2d1: {  	[tilespmem:$0x1F9F0] =	vst v0;
	v0 =	vld [tilespmem:$0x1F6D0];
	_ =	sdelay $0x4  }
0x2d2: {  	v0 =	vsel vm13, $0x478, v0  }
0x2d3: {  	[tilespmem:$0x1FA00] =	vst v0;
	v0 =	vld [tilespmem:$0x1F6E0]  }
0x2d4: {  	s1 =	srdreg.scid;
	s0 =	stileid.u32  }
0x2d5: {  	s2 =	sand.u32 $0x1, s1;
	s3 =	sshll.u32 s0, $0x1  }
0x2d6: {  	s5 =	sor.u32 s2, s3;
	s3 =	simm.s32 $0x0  }
0x2d7: {  	[smem:$0x7FF] =	sst s3  }
0x2d8: {  	s4 =	rddreg [dreg:$0x0];
	[tilespmem:$0x1F740] =	vst v56;
	v0 =	vsel vm13, $0x608, v0  }
0x2d9: {  	s1 =	rddreg [dreg:$0x1];
	[tilespmem:$0x1FA10] =	vst v0  }
0x2da: {  	s6 =	rddreg [dreg:$0x2];
	v1 =	vld [tilespmem:$0x1F2C0];
	_ =	strace $0x80000047  }
0x2db: {  	v0 =	vld [tilespmem:$0x1F6F0];
	_ =	sdelay $0x4  }
0x2dc: {  	v0 =	vsel vm13, $0x15A, v0  }
0x2dd: {  	[tilespmem:$0x1FA20] =	vst v0;
	v0 =	vld [tilespmem:$0x1F700];
	_ =	sdelay $0x4  }
0x2de: {  	v0 =	vsel vm13, $0x2EA, v0  }
0x2df: {  	[tilespmem:$0x1FA30] =	vst v0;
	v0 =	vld [tilespmem:$0x1F710];
	_ =	sdelay $0x4  }
0x2e0: {  	v0 =	vsel vm13, $0x47A, v0  }
0x2e1: {  	[tilespmem:$0x1FA40] =	vst v0;
	v0 =	vld [tilespmem:$0x1F720];
	_ =	sdelay $0x4  }
0x2e2: {  	v0 =	vsel vm13, $0x60A, v0  }
0x2e3: {  	[tilespmem:$0x1FA50] =	vst v0;
	v0 =	vld [tilespmem:$0x1F730];
	_ =	sdelay $0x4  }
0x2e4: {  	v0 =	vsel vm13, $0x15C, v0  }
0x2e5: {  	[tilespmem:$0x1FA60] =	vst v0;
	v0 =	vld [tilespmem:$0x1F740];
	_ =	sdelay $0x4  }
0x2e6: {  	v0 =	vsel vm13, $0x2EC, v0  }
0x2e7: {  	[tilespmem:$0x1FA70] =	vst v0;
	v0 =	vsel vm13, $0x47C, v58  }
0x2e8: {  	[tilespmem:$0x1FA80] =	vst v0;
	v0 =	vld [tilespmem:$0x1F750]  }
0x2e9: {  	v35 =	vsel vm4, $0x1C3, v35  }
0x2ea: {  	v35 =	vsel vm5, $0x1F4, v35  }
0x2eb: {  	v35 =	vsel vm6, $0x1F5, v35  }
0x2ec: {  	v35 =	vsel vm7, $0x226, v35  }
0x2ed: {  	v35 =	vsel vm8, $0x227, v35;
	v0 =	vsel vm13, $0x60C, v0  }
0x2ee: {  	v35 =	vsel vm9, $0x258, v35;
	[tilespmem:$0x1FA90] =	vst v0;
	v0 =	vld [tilespmem:$0x1F760]  }
0x2ef: {  	v3 =	vsel vm15, $0x1C4, v3;
	v35 =	vsel vm10, $0x259, v35  }
0x2f0: {  	v3 =	vsel vm4, $0x1C5, v3;
	v35 =	vsel vm11, $0x28A, v35  }
0x2f1: {  	v3 =	vsel vm5, $0x1F6, v3;
	v5 =	vsel vm15, $0x4E4, v5;
	v35 =	vsel vm12, $0x28B, v35  }
0x2f2: {  	v35 =	vsel vm13, $0x2BC, v35;
	vm14 =	vcmask $0x3734;
	v1 =	vsel vm12, $0x41B, v1  }
0x2f3: {  	v1 =	vsel vm13, $0x44C, v1;
	v55 =	vsel vm14, $0x12D, v0;
	v0 =	vsel vm14, $0x2BD, v35  }
0x2f4: {  	v3 =	vsel vm6, $0x1F7, v3;
	v5 =	vsel vm4, $0x4E5, v5;
	[tilespmem:$0x1FAB0] =	vst v0;
	v0 =	vsel vm14, $0x44D, v1  }
0x2f5: {  	v3 =	vsel vm7, $0x228, v3;
	v5 =	vsel vm5, $0x516, v5;
	[tilespmem:$0x1FAD0] =	vst v0;
	v0 =	vld [tilespmem:$0x1F770]  }
0x2f6: {  	v3 =	vsel vm8, $0x229, v3;
	v5 =	vsel vm6, $0x517, v5  }
0x2f7: {  	v3 =	vsel vm9, $0x25A, v3;
	v5 =	vsel vm7, $0x548, v5  }
0x2f8: {  	v3 =	vsel vm10, $0x25B, v3;
	v5 =	vsel vm8, $0x549, v5  }
0x2f9: {  	v3 =	vsel vm11, $0x28C, v3;
	v5 =	vsel vm9, $0x57A, v5  }
0x2fa: {  	v5 =	vsel vm10, $0x57B, v5;
	v8 =	vsel vm15, $0x4E6, v8;
	v52 =	vsel vm14, $0x5DD, v0;
	v0 =	vld [tilespmem:$0x1F780]  }
0x2fb: {  	v3 =	vsel vm12, $0x28D, v3;
	v5 =	vsel vm11, $0x5AC, v5;
	v8 =	vsel vm4, $0x4E7, v8  }
0x2fc: {  	v5 =	vsel vm12, $0x5AD, v5;
	v8 =	vsel vm5, $0x518, v8;
	v23 =	vsel vm15, $0x4F0, v23  }
0x2fd: {  	v8 =	vsel vm6, $0x519, v8;
	v23 =	vsel vm4, $0x4F1, v23;
	v7 =	vsel vm15, $0x356, v7  }
0x2fe: {  	v8 =	vsel vm7, $0x54A, v8;
	v23 =	vsel vm5, $0x522, v23;
	v7 =	vsel vm4, $0x357, v7  }
0x2ff: {  	v7 =	vsel vm5, $0x388, v7;
	v3 =	vsel vm13, $0x2BE, v3;
	v0 =	vsel vm14, $0x12F, v0  }
0x300: {  	v7 =	vsel vm6, $0x389, v7;
	v5 =	vsel vm13, $0x5DE, v5;
	[tilespmem:$0x1FB00] =	vst v0;
	v0 =	vsel vm14, $0x2BF, v3  }
0x301: {  	v23 =	vsel vm6, $0x523, v23;
	v7 =	vsel vm7, $0x3BA, v7;
	[tilespmem:$0x1FB20] =	vst v0;
	v0 =	vsel vm14, $0x5DF, v5  }
0x302: {  	v8 =	vsel vm8, $0x54B, v8;
	v23 =	vsel vm7, $0x554, v23;
	v7 =	vsel vm8, $0x3BB, v7;
	[tilespmem:$0x1FB50] =	vst v0;
	v0 =	vld [tilespmem:$0x1F790]  }
0x303: {  	v8 =	vsel vm9, $0x57C, v8;
	v23 =	vsel vm8, $0x555, v23;
	v7 =	vsel vm9, $0x3EC, v7  }
0x304: {  	v8 =	vsel vm10, $0x57D, v8;
	v23 =	vsel vm9, $0x586, v23;
	v7 =	vsel vm10, $0x3ED, v7  }
0x305: {  	v8 =	vsel vm11, $0x5AE, v8;
	v23 =	vsel vm10, $0x587, v23;
	v7 =	vsel vm11, $0x41E, v7  }
0x306: {  	v8 =	vsel vm12, $0x5AF, v8;
	v23 =	vsel vm11, $0x5B8, v23;
	v7 =	vsel vm12, $0x41F, v7  }
0x307: {  	v23 =	vsel vm12, $0x5B9, v23;
	v7 =	vsel vm13, $0x450, v7;
	v0 =	vsel vm14, $0x131, v0  }
0x308: {  	v8 =	vsel vm13, $0x5E0, v8;
	v23 =	vsel vm13, $0x5EA, v23;
	[tilespmem:$0x1FB70] =	vst v0;
	v0 =	vsel vm14, $0x451, v7  }
0x309: {  	[tilespmem:$0x1FBA0] =	vst v0;
	v0 =	vsel vm14, $0x5E1, v8;
	v8 =	vsel vm14, $0x5EB, v23;
	v23 =	vld [tilespmem:$0x1F8C0];
	_ =	sdelay $0x4  }
0x30a: {  	v23 =	vsel vm14, $0x46F, v23  }
0x30b: {  	[tilespmem:$0x1FED0] =	vst v23;
	v23 =	vld [tilespmem:$0x1F8D0];
	_ =	sdelay $0x4  }
0x30c: {  	v23 =	vsel vm14, $0x5FF, v23  }
0x30d: {  	[tilespmem:$0x1FEE0] =	vst v23;
	v23 =	vld [tilespmem:$0x1F8E0];
	_ =	sdelay $0x4  }
0x30e: {  	v23 =	vsel vm14, $0x151, v23  }
0x30f: {  	[tilespmem:$0x1FEF0] =	vst v23;
	v23 =	vld [tilespmem:$0x1F8F0];
	_ =	sdelay $0x4  }
0x310: {  	v23 =	vsel vm14, $0x2E1, v23  }
0x311: {  	[tilespmem:$0x1FF00] =	vst v23;
	v23 =	vld [tilespmem:$0x1F900];
	_ =	sdelay $0x4  }
0x312: {  	v23 =	vsel vm14, $0x471, v23  }
0x313: {  	[tilespmem:$0x1FF10] =	vst v23;
	v23 =	vld [tilespmem:$0x1F910];
	_ =	sdelay $0x4  }
0x314: {  	v23 =	vsel vm14, $0x601, v23  }
0x315: {  	[tilespmem:$0x1FF20] =	vst v23;
	v23 =	vld [tilespmem:$0x1F920];
	_ =	sdelay $0x4  }
0x316: {  	v23 =	vsel vm14, $0x153, v23  }
0x317: {  	[tilespmem:$0x1FF30] =	vst v23;
	v23 =	vld [tilespmem:$0x1F930];
	_ =	sdelay $0x4  }
0x318: {  	v23 =	vsel vm14, $0x2E3, v23  }
0x319: {  	[tilespmem:$0x1FF40] =	vst v23;
	v23 =	vld [tilespmem:$0x1F940];
	_ =	sdelay $0x4  }
0x31a: {  	v23 =	vsel vm14, $0x473, v23  }
0x31b: {  	[tilespmem:$0x1FF50] =	vst v23;
	v23 =	vld [tilespmem:$0x1F950];
	_ =	sdelay $0x4  }
0x31c: {  	v23 =	vsel vm14, $0x603, v23  }
0x31d: {  	[tilespmem:$0x1FF60] =	vst v23;
	v23 =	vld [tilespmem:$0x1F960];
	_ =	sdelay $0x4  }
0x31e: {  	v23 =	vsel vm14, $0x155, v23  }
0x31f: {  	[tilespmem:$0x1FF70] =	vst v23;
	v23 =	vld [tilespmem:$0x1F970];
	_ =	sdelay $0x4  }
0x320: {  	v23 =	vsel vm14, $0x2E5, v23  }
0x321: {  	[tilespmem:$0x1FF80] =	vst v23;
	v23 =	vld [tilespmem:$0x1F980];
	_ =	sdelay $0x2  }
0x322: {  	v29 =	vsel vm15, $0x4F4, v29  }
0x323: {  	v29 =	vsel vm4, $0x4F5, v29  }
0x324: {  	v29 =	vsel vm5, $0x526, v29;
	v23 =	vsel vm14, $0x475, v23  }
0x325: {  	v29 =	vsel vm6, $0x527, v29;
	[tilespmem:$0x1FF90] =	vst v23;
	v23 =	vld [tilespmem:$0x1F990]  }
0x326: {  	v29 =	vsel vm7, $0x558, v29;
	v9 =	vsel vm15, $0x1C8, v9  }
0x327: {  	v29 =	vsel vm8, $0x559, v29;
	v9 =	vsel vm4, $0x1C9, v9  }
0x328: {  	v29 =	vsel vm9, $0x58A, v29;
	v9 =	vsel vm5, $0x1FA, v9  }
0x329: {  	v29 =	vsel vm10, $0x58B, v29;
	v9 =	vsel vm6, $0x1FB, v9  }
0x32a: {  	v9 =	vsel vm7, $0x22C, v9;
	v18 =	vsel vm15, $0x1CE, v18;
	v23 =	vsel vm14, $0x605, v23  }
0x32b: {  	v29 =	vsel vm11, $0x5BC, v29;
	v9 =	vsel vm8, $0x22D, v9;
	v18 =	vsel vm4, $0x1CF, v18;
	[tilespmem:$0x1FFA0] =	vst v23;
	v23 =	vld [tilespmem:$0x1F9A0]  }
0x32c: {  	v29 =	vsel vm12, $0x5BD, v29;
	v9 =	vsel vm9, $0x25E, v9;
	v18 =	vsel vm5, $0x200, v18  }
0x32d: {  	v9 =	vsel vm10, $0x25F, v9;
	v18 =	vsel vm6, $0x201, v18;
	v15 =	vsel vm15, $0x1CC, v15  }
0x32e: {  	v9 =	vsel vm11, $0x290, v9;
	v18 =	vsel vm7, $0x232, v18;
	v15 =	vsel vm4, $0x1CD, v15  }
0x32f: {  	v9 =	vsel vm12, $0x291, v9;
	v18 =	vsel vm8, $0x233, v18;
	v15 =	vsel vm5, $0x1FE, v15  }
0x330: {  	v15 =	vsel vm6, $0x1FF, v15;
	v20 =	vsel vm15, $0x4EE, v20;
	v23 =	vsel vm14, $0x157, v23  }
0x331: {  	v18 =	vsel vm9, $0x264, v18;
	v15 =	vsel vm7, $0x230, v15;
	v20 =	vsel vm4, $0x4EF, v20;
	[tilespmem:$0x1FFB0] =	vst v23;
	v23 =	vld [tilespmem:$0x1F9B0]  }
0x332: {  	v18 =	vsel vm10, $0x265, v18;
	v15 =	vsel vm8, $0x231, v15;
	v20 =	vsel vm5, $0x520, v20  }
0x333: {  	v18 =	vsel vm11, $0x296, v18;
	v15 =	vsel vm9, $0x262, v15;
	v20 =	vsel vm6, $0x521, v20  }
0x334: {  	v18 =	vsel vm12, $0x297, v18;
	v15 =	vsel vm10, $0x263, v15;
	v20 =	vsel vm7, $0x552, v20  }
0x335: {  	v15 =	vsel vm11, $0x294, v15;
	v20 =	vsel vm8, $0x553, v20;
	v29 =	vsel vm13, $0x5EE, v29  }
0x336: {  	v54 =	vsel vm14, $0x5E5, v13;
	v13 =	vsel vm14, $0x5EF, v29;
	v29 =	vsel vm14, $0x2E7, v23;
	v23 =	vld [tilespmem:$0x1F9C0]  }
0x337: {  	v15 =	vsel vm12, $0x295, v15;
	v37 =	vsel vm15, $0x1DA, v37;
	v20 =	vsel vm9, $0x584, v20  }
0x338: {  	v21 =	vsel vm15, $0x1D0, v21;
	v37 =	vsel vm4, $0x1DB, v37;
	v20 =	vsel vm10, $0x585, v20  }
0x339: {  	v40 =	vsel vm15, $0x1DC, v40;
	v21 =	vsel vm4, $0x1D1, v21;
	v37 =	vsel vm5, $0x20C, v37  }
0x33a: {  	v20 =	vsel vm11, $0x5B6, v20;
	v40 =	vsel vm4, $0x1DD, v40;
	v21 =	vsel vm5, $0x202, v21  }
0x33b: {  	v37 =	vsel vm6, $0x20D, v37;
	v20 =	vsel vm12, $0x5B7, v20;
	v23 =	vsel vm14, $0x477, v23  }
0x33c: {  	v40 =	vsel vm5, $0x20E, v40;
	v21 =	vsel vm6, $0x203, v21;
	v37 =	vsel vm7, $0x23E, v37;
	[tilespmem:$0x1FFC0] =	vst v23;
	v23 =	vld [tilespmem:$0x1F9D0]  }
0x33d: {  	v40 =	vsel vm6, $0x20F, v40;
	v21 =	vsel vm7, $0x234, v21;
	v37 =	vsel vm8, $0x23F, v37  }
0x33e: {  	v40 =	vsel vm7, $0x240, v40;
	v21 =	vsel vm8, $0x235, v21;
	v37 =	vsel vm9, $0x270, v37  }
0x33f: {  	v40 =	vsel vm8, $0x241, v40;
	v21 =	vsel vm9, $0x266, v21;
	v4 =	vsel vm15, $0x354, v4  }
0x340: {  	v4 =	vsel vm4, $0x355, v4;
	v10 =	vsel vm15, $0x358, v10;
	[tilespmem:$0x1FD30] =	vst v8;
	v8 =	vsel vm14, $0x13D, v22  }
0x341: {  	v4 =	vsel vm5, $0x386, v4;
	v10 =	vsel vm4, $0x359, v10;
	[tilespmem:$0x1FD50] =	vst v8;
	v8 =	vld [tilespmem:$0x1F7F0];
	v23 =	vsel vm14, $0x607, v23  }
0x342: {  	v37 =	vsel vm10, $0x271, v37;
	v4 =	vsel vm6, $0x387, v4;
	v10 =	vsel vm5, $0x38A, v10;
	[tilespmem:$0x1FFD0] =	vst v23;
	v23 =	vld [tilespmem:$0x1F9E0]  }
0x343: {  	v21 =	vsel vm10, $0x267, v21;
	v4 =	vsel vm7, $0x3B8, v4;
	v10 =	vsel vm6, $0x38B, v10  }
0x344: {  	v21 =	vsel vm11, $0x298, v21;
	v4 =	vsel vm8, $0x3B9, v4;
	v10 =	vsel vm7, $0x3BC, v10  }
0x345: {  	v21 =	vsel vm12, $0x299, v21;
	v4 =	vsel vm9, $0x3EA, v4;
	v10 =	vsel vm8, $0x3BD, v10  }
0x346: {  	v4 =	vsel vm10, $0x3EB, v4;
	v10 =	vsel vm9, $0x3EE, v10;
	v8 =	vsel vm14, $0x45D, v8  }
0x347: {  	v19 =	vsel vm15, $0x35E, v19;
	[tilespmem:$0x1FD80] =	vst v8;
	v8 =	vsel vm14, $0x5ED, v25;
	v25 =	vsel vm14, $0x159, v23;
	v23 =	vld [tilespmem:$0x1F9F0]  }
0x348: {  	v4 =	vsel vm11, $0x41C, v4;
	v10 =	vsel vm10, $0x3EF, v10;
	v19 =	vsel vm4, $0x35F, v19  }
0x349: {  	v4 =	vsel vm12, $0x41D, v4;
	v10 =	vsel vm11, $0x420, v10;
	v19 =	vsel vm5, $0x390, v19  }
0x34a: {  	v41 =	vsel vm15, $0x36C, v41;
	v10 =	vsel vm12, $0x421, v10;
	v19 =	vsel vm6, $0x391, v19  }
0x34b: {  	v4 =	vsel vm13, $0x44E, v4;
	v9 =	vsel vm13, $0x2C2, v9;
	v21 =	vsel vm13, $0x2CA, v21  }
0x34c: {  	v61 =	vsel vm14, $0x2CB, v21;
	v21 =	vsel vm14, $0x2CF, v26;
	v26 =	vsel vm14, $0x2E9, v23;
	v23 =	vld [tilespmem:$0x1FA00]  }
0x34d: {  	v10 =	vsel vm13, $0x452, v10;
	v24 =	vsel vm15, $0x1D2, v24;
	v44 =	vsel vm15, $0x36E, v44  }
0x34e: {  	v32 =	vsel vm15, $0x4F6, v32;
	v44 =	vsel vm4, $0x36F, v44;
	v1 =	vsel vm14, $0x2C3, v9  }
0x34f: {  	v32 =	vsel vm4, $0x4F7, v32;
	v44 =	vsel vm5, $0x3A0, v44;
	[tilespmem:$0x1FBF0] =	vst v1;
	v1 =	vsel vm14, $0x453, v10  }
0x350: {  	v44 =	vsel vm6, $0x3A1, v44;
	v45 =	vsel vm15, $0x4FE, v45;
	[tilespmem:$0x1FC10] =	vst v1;
	v1 =	vsel vm14, $0x5E3, v2;
	v2 =	vld [tilespmem:$0x1F7B0]  }
0x351: {  	v44 =	vsel vm7, $0x3D2, v44;
	v45 =	vsel vm4, $0x4FF, v45;
	[tilespmem:$0x1FDA0] =	vst v8;
	v8 =	vld [tilespmem:$0x1F800];
	v23 =	vsel vm14, $0x479, v23  }
0x352: {  	v32 =	vsel vm5, $0x528, v32;
	v44 =	vsel vm8, $0x3D3, v44;
	v45 =	vsel vm5, $0x530, v45;
	[tilespmem:$0x1FFE0] =	vst v23;
	v23 =	vld [tilespmem:$0x1FA10]  }
0x353: {  	v38 =	vsel vm15, $0x36A, v38;
	v44 =	vsel vm9, $0x404, v44;
	v45 =	vsel vm6, $0x531, v45  }
0x354: {  	v42 =	vsel vm15, $0x4FC, v42;
	v44 =	vsel vm10, $0x405, v44;
	v45 =	vsel vm7, $0x562, v45  }
0x355: {  	v44 =	vsel vm11, $0x436, v44;
	v46 =	vsel vm15, $0x1E0, v46;
	v45 =	vsel vm8, $0x563, v45  }
0x356: {  	v46 =	vsel vm4, $0x1E1, v46;
	v7 =	vsel vm14, $0x135, v2;
	v2 =	vsel vm14, $0x455, v12  }
0x357: {  	v12 =	vsel vm14, $0x13F, v8;
	v8 =	vsel vm14, $0x45F, v27;
	v27 =	vsel vm14, $0x609, v23;
	v23 =	vld [tilespmem:$0x1FA20]  }
0x358: {  	v44 =	vsel vm12, $0x437, v44;
	v45 =	vsel vm9, $0x594, v45;
	v46 =	vsel vm5, $0x212, v46  }
0x359: {  	v45 =	vsel vm10, $0x595, v45;
	v46 =	vsel vm6, $0x213, v46;
	v47 =	vsel vm15, $0x370, v47  }
0x35a: {  	v45 =	vsel vm11, $0x5C6, v45;
	v46 =	vsel vm7, $0x244, v46;
	v47 =	vsel vm4, $0x371, v47  }
0x35b: {  	v45 =	vsel vm12, $0x5C7, v45;
	v47 =	vsel vm5, $0x3A2, v47;
	v49 =	vsel vm15, $0x1E2, v49  }
0x35c: {  	v49 =	vsel vm4, $0x1E3, v49;
	v10 =	vsel vm14, $0x2D1, v28;
	v28 =	vsel vm14, $0x15B, v23;
	v23 =	vld [tilespmem:$0x1FA30]  }
0x35d: {  	v46 =	vsel vm8, $0x245, v46;
	v47 =	vsel vm6, $0x3A3, v47;
	v49 =	vsel vm5, $0x214, v49  }
0x35e: {  	v46 =	vsel vm9, $0x276, v46;
	v47 =	vsel vm7, $0x3D4, v47;
	v49 =	vsel vm6, $0x215, v49;
	[tilespmem:$0x1FBC0] =	vst v0;
	v0 =	vld [tilespmem:$0x1F7A0]  }
0x35f: {  	v46 =	vsel vm10, $0x277, v46;
	v47 =	vsel vm8, $0x3D5, v47;
	v49 =	vsel vm7, $0x246, v49  }
0x360: {  	v46 =	vsel vm11, $0x2A8, v46;
	v47 =	vsel vm9, $0x406, v47;
	v49 =	vsel vm8, $0x247, v49  }
0x361: {  	v47 =	vsel vm10, $0x407, v47;
	v49 =	vsel vm9, $0x278, v49;
	v23 =	vsel vm14, $0x2EB, v23  }
0x362: {  	v46 =	vsel vm12, $0x2A9, v46;
	v47 =	vsel vm11, $0x438, v47;
	v49 =	vsel vm10, $0x279, v49;
	[tilespmem:$0x1FFF0] =	vst v23;
	v23 =	vld [tilespmem:$0x1FA40]  }
0x363: {  	v49 =	vsel vm11, $0x2AA, v49;
	vm15 =	vcmask $0x3B38;
	v0 =	vsel vm14, $0x133, v0  }
0x364: {  	v47 =	vsel vm12, $0x439, v47;
	v49 =	vsel vm12, $0x2AB, v49;
	v0 =	vsel vm15, $0x164, v0  }
0x365: {  	v43 =	vsel vm13, $0x468, v44;
	v44 =	vsel vm13, $0x5F8, v45;
	v45 =	vsel vm13, $0x2DA, v46;
	[tilespmem:$0x1FBE0] =	vst v0;
	v0 =	vld [tilespmem:$0x1FBF0]  }
0x366: {  	v46 =	vsel vm13, $0x46A, v47;
	v47 =	vsel vm13, $0x2DC, v49;
	v49 =	vsel vm14, $0x44F, v4;
	v4 =	vld [tilespmem:$0x1F7C0]  }
0x367: {  	v62 =	vsel vm14, $0x137, v14;
	v14 =	vsel vm14, $0x461, v30;
	v30 =	vsel vm14, $0x47B, v23;
	v23 =	vld [tilespmem:$0x1FA50]  }
0x368: {  	v40 =	vsel vm9, $0x272, v40;
	v19 =	vsel vm7, $0x3C2, v19;
	v32 =	vsel vm6, $0x529, v32  }
0x369: {  	v37 =	vsel vm11, $0x2A2, v37;
	v19 =	vsel vm8, $0x3C3, v19;
	v32 =	vsel vm7, $0x55A, v32  }
0x36a: {  	v19 =	vsel vm9, $0x3F4, v19;
	v32 =	vsel vm8, $0x55B, v32;
	v0 =	vsel vm15, $0x2F4, v0  }
0x36b: {  	v19 =	vsel vm10, $0x3F5, v19;
	v32 =	vsel vm9, $0x58C, v32;
	v53 =	vsel vm14, $0x457, v4;
	[tilespmem:$0x1FC00] =	vst v0;
	v0 =	vld [tilespmem:$0x1FC10]  }
0x36c: {  	v4 =	vsel vm14, $0x139, v17;
	v17 =	vsel vm14, $0x143, v31;
	v31 =	vsel vm14, $0x60B, v23;
	v23 =	vld [tilespmem:$0x1FA60]  }
0x36d: {  	v40 =	vsel vm10, $0x273, v40;
	v19 =	vsel vm11, $0x426, v19;
	v32 =	vsel vm10, $0x58D, v32  }
0x36e: {  	v37 =	vsel vm12, $0x2A3, v37;
	v19 =	vsel vm12, $0x427, v19;
	v32 =	vsel vm11, $0x5BE, v32  }
0x36f: {  	v20 =	vsel vm13, $0x5E8, v20;
	v37 =	vsel vm13, $0x2D4, v37;
	v32 =	vsel vm12, $0x5BF, v32  }
0x370: {  	v32 =	vsel vm13, $0x5F0, v32;
	v5 =	vsel vm14, $0x5E9, v20;
	v20 =	vsel vm14, $0x2D5, v37  }
0x371: {  	v35 =	vsel vm14, $0x5F1, v32;
	[tilespmem:$0x1FDD0] =	vst v20;
	v0 =	vsel vm15, $0x484, v0;
	v32 =	vsel vm14, $0x15D, v23;
	v23 =	vld [tilespmem:$0x1FA70]  }
0x372: {  	v15 =	vsel vm13, $0x2C6, v15;
	v18 =	vsel vm13, $0x2C8, v18;
	[tilespmem:$0x1FC20] =	vst v0;
	v0 =	vsel vm15, $0x614, v1  }
0x373: {  	v19 =	vsel vm13, $0x458, v19;
	v51 =	vsel vm14, $0x2C5, v11;
	[tilespmem:$0x1FC30] =	vst v0;
	v0 =	vsel vm15, $0x166, v7  }
0x374: {  	v24 =	vsel vm4, $0x1D3, v24;
	v38 =	vsel vm4, $0x36B, v38;
	[tilespmem:$0x1FC40] =	vst v0;
	v0 =	vsel vm15, $0x2F6, v51  }
0x375: {  	v38 =	vsel vm5, $0x39C, v38;
	v58 =	vsel vm14, $0x2C9, v18;
	[tilespmem:$0x1FC50] =	vst v0;
	v0 =	vsel vm15, $0x486, v2  }
0x376: {  	v18 =	vsel vm14, $0x463, v33;
	[tilespmem:$0x1FC60] =	vst v0;
	v0 =	vsel vm15, $0x616, v54;
	v33 =	vsel vm14, $0x2ED, v23;
	v23 =	vld [tilespmem:$0x1FA80]  }
0x377: {  	v50 =	vsel vm14, $0x2C1, v6;
	v6 =	vld [tilespmem:$0x1F7D0];
	v3 =	vsel vm14, $0x2C7, v15;
	[tilespmem:$0x1FC70] =	vst v0;
	v0 =	vsel vm15, $0x168, v62  }
0x378: {  	v24 =	vsel vm5, $0x204, v24;
	v38 =	vsel vm6, $0x39D, v38;
	[tilespmem:$0x1FC80] =	vst v0;
	v0 =	vsel vm15, $0x2F8, v3  }
0x379: {  	v38 =	vsel vm7, $0x3CE, v38;
	v56 =	vsel vm14, $0x5E7, v16;
	[tilespmem:$0x1FC90] =	vst v0;
	v0 =	vsel vm15, $0x488, v53  }
0x37a: {  	v38 =	vsel vm8, $0x3CF, v38;
	v59 =	vsel vm14, $0x459, v19;
	[tilespmem:$0x1FCA0] =	vst v0;
	v0 =	vsel vm15, $0x618, v56  }
0x37b: {  	v19 =	vsel vm14, $0x5F3, v34;
	[tilespmem:$0x1FCB0] =	vst v0;
	v0 =	vsel vm15, $0x16A, v4;
	v34 =	vsel vm14, $0x47D, v23;
	v23 =	vld [tilespmem:$0x1FA90]  }
0x37c: {  	v38 =	vsel vm9, $0x400, v38;
	v60 =	vsel vm14, $0x13B, v6;
	v6 =	vld [tilespmem:$0x1F7E0];
	[tilespmem:$0x1FCC0] =	vst v0;
	v0 =	vsel vm15, $0x2FA, v58  }
0x37d: {  	v24 =	vsel vm6, $0x205, v24;
	v38 =	vsel vm10, $0x401, v38;
	[tilespmem:$0x1FCD0] =	vst v0;
	v0 =	vsel vm15, $0x48A, v59  }
0x37e: {  	v24 =	vsel vm7, $0x236, v24;
	v38 =	vsel vm11, $0x432, v38;
	[tilespmem:$0x1FCE0] =	vst v0;
	v0 =	vsel vm15, $0x61A, v5  }
0x37f: {  	v38 =	vsel vm12, $0x433, v38;
	v42 =	vsel vm4, $0x4FD, v42;
	[tilespmem:$0x1FCF0] =	vst v0;
	v0 =	vsel vm15, $0x16C, v60  }
0x380: {  	v16 =	vsel vm14, $0x145, v36;
	[tilespmem:$0x1FD00] =	vst v0;
	v36 =	vsel vm14, $0x60D, v23;
	v23 =	vsel vm15, $0x15E, v55  }
0x381: {  	v42 =	vsel vm5, $0x52E, v42;
	v6 =	vsel vm14, $0x45B, v6;
	v0 =	vsel vm15, $0x2FC, v61;
	[tilespmem:$0x1FAA0] =	vst v23;
	v23 =	vld [tilespmem:$0x1FAB0]  }
0x382: {  	v38 =	vsel vm13, $0x464, v38;
	v42 =	vsel vm6, $0x52F, v42;
	[tilespmem:$0x1FD10] =	vst v0;
	v0 =	vsel vm15, $0x48C, v6  }
0x383: {  	v24 =	vsel vm8, $0x237, v24;
	v42 =	vsel vm7, $0x560, v42;
	v20 =	vsel vm14, $0x465, v38;
	[tilespmem:$0x1FD20] =	vst v0;
	v0 =	vld [tilespmem:$0x1FD30]  }
0x384: {  	v40 =	vsel vm11, $0x2A4, v40;
	v24 =	vsel vm9, $0x268, v24;
	v42 =	vsel vm8, $0x561, v42;
	[tilespmem:$0x1FDE0] =	vst v20;
	v20 =	vld [tilespmem:$0x1F830]  }
0x385: {  	v40 =	vsel vm12, $0x2A5, v40;
	v24 =	vsel vm10, $0x269, v24;
	v42 =	vsel vm9, $0x592, v42  }
0x386: {  	v24 =	vsel vm11, $0x29A, v24;
	v42 =	vsel vm10, $0x593, v42;
	v23 =	vsel vm15, $0x2EE, v23  }
0x387: {  	v40 =	vsel vm13, $0x2D6, v40;
	v24 =	vsel vm12, $0x29B, v24;
	v42 =	vsel vm11, $0x5C4, v42;
	[tilespmem:$0x1FAC0] =	vst v23;
	v23 =	vld [tilespmem:$0x1FAD0]  }
0x388: {  	v24 =	vsel vm13, $0x2CC, v24;
	v42 =	vsel vm12, $0x5C5, v42;
	v0 =	vsel vm15, $0x61C, v0  }
0x389: {  	v11 =	vsel vm14, $0x2CD, v24;
	v24 =	vsel vm14, $0x5F5, v20;
	v20 =	vsel vm14, $0x147, v39;
	[tilespmem:$0x1FD40] =	vst v0;
	v0 =	vld [tilespmem:$0x1FD50]  }
0x38a: {  	v42 =	vsel vm13, $0x5F6, v42;
	[tilespmem:$0x1FDF0] =	vst v20;
	v20 =	vsel vm14, $0x2D7, v40  }
0x38b: {  	[tilespmem:$0x1FE00] =	vst v20;
	v20 =	vsel vm14, $0x5F7, v42  }
0x38c: {  	[tilespmem:$0x1FE10] =	vst v20;
	v20 =	vld [tilespmem:$0x1F840];
	v23 =	vsel vm15, $0x47E, v23  }
0x38d: {  	[tilespmem:$0x1FAE0] =	vst v23;
	v23 =	vsel vm15, $0x60E, v52  }
0x38e: {  	v0 =	vsel vm15, $0x16E, v0;
	[tilespmem:$0x1FAF0] =	vst v23;
	v23 =	vld [tilespmem:$0x1FB00]  }
0x38f: {  	[tilespmem:$0x1FD60] =	vst v0;
	v0 =	vsel vm15, $0x2FE, v11  }
0x390: {  	[tilespmem:$0x1FD70] =	vst v0;
	v0 =	vld [tilespmem:$0x1FD80]  }
0x391: {  	v20 =	vsel vm14, $0x149, v20  }
0x392: {  	[tilespmem:$0x1FE20] =	vst v20;
	v20 =	vld [tilespmem:$0x1F850]  }
0x393: {  	s7 =	smul.u32 $0xC8, s5;
	v23 =	vsel vm15, $0x160, v23  }
0x394: {  	[tilespmem:$0x1FB10] =	vst v23;
	v23 =	vld [tilespmem:$0x1FB20]  }
0x395: {  	s5 =	sshll.u32 s5, $0x9;
	s4 =	sadd.s32 s7, s4;
	v0 =	vsel vm15, $0x48E, v0  }
0x396: {  	s7 =	sadd.s32 $0x800, s4;
	s4 =	sadd.s32 s6, s5;
	[tilespmem:$0x1FD90] =	vst v0;
	v0 =	vld [tilespmem:$0x1FDA0]  }
0x397: {  	s5 =	sadd.s32 $0x4000, s4;
	[dreg:$0x4] =	wrdreg s7;
	v57 =	vsel vm14, $0x2D9, v20;
	v20 =	vsel vm14, $0x469, v43  }
0x398: {  	s9 =	sadd.s32 $0x8000, s4;
	[dreg:$0x5] =	wrdreg s5;
	[tilespmem:$0x1FE30] =	vst v20;
	v20 =	vsel vm14, $0x5F9, v44  }
0x399: {  	s10 =	sadd.s32 $0xC000, s4;
	[dreg:$0x6] =	wrdreg s9;
	[tilespmem:$0x1FE40] =	vst v20;
	v23 =	vsel vm15, $0x2F0, v23  }
0x39a: {  	s11 =	sadd.s32 $0x10000, s4;
	[dreg:$0x7] =	wrdreg s10;
	[tilespmem:$0x1FB30] =	vst v23;
	v23 =	vsel vm15, $0x480, v49  }
0x39b: {  	s12 =	sadd.s32 $0x14000, s4;
	[dreg:$0x8] =	wrdreg s11;
	v0 =	vsel vm15, $0x61E, v0;
	[tilespmem:$0x1FB40] =	vst v23;
	v23 =	vld [tilespmem:$0x1FB50]  }
0x39c: {  	s13 =	sadd.s32 $0x18000, s4;
	[dreg:$0x9] =	wrdreg s12;
	v20 =	vld [tilespmem:$0x1F860];
	[tilespmem:$0x1FDB0] =	vst v0;
	v0 =	vsel vm15, $0x170, v12  }
0x39d: {  	s14 =	sadd.s32 $0x1C000, s4;
	[dreg:$0xa] =	wrdreg s13;
	[tilespmem:$0x1FDC0] =	vst v0;
	v0 =	vld [tilespmem:$0x1FDD0]  }
0x39e: {  	s15 =	sadd.s32 $0x20000, s4;
	[dreg:$0xb] =	wrdreg s14  }
0x39f: {  	s16 =	sadd.s32 $0x24000, s4;
	[dreg:$0xc] =	wrdreg s15  }
0x3a0: {  	s17 =	sadd.s32 $0x28000, s4;
	[dreg:$0xd] =	wrdreg s16;
	v23 =	vsel vm15, $0x610, v23  }
0x3a1: {  	s18 =	sadd.s32 $0x2C000, s4;
	[dreg:$0xe] =	wrdreg s17;
	v20 =	vsel vm14, $0x14B, v20;
	[tilespmem:$0x1FB60] =	vst v23;
	v23 =	vld [tilespmem:$0x1FB70]  }
0x3a2: {  	s19 =	sadd.s32 $0x30000, s4;
	[dreg:$0xf] =	wrdreg s18;
	[tilespmem:$0x1FE50] =	vst v20;
	v20 =	vsel vm14, $0x2DB, v45;
	v49 =	vsel vm15, $0x306, v0;
	v0 =	vld [tilespmem:$0x1FDE0]  }
0x3a3: {  	s20 =	sadd.s32 $0x34000, s4;
	[dreg:$0x10] =	wrdreg s19;
	[tilespmem:$0x1FE60] =	vst v20;
	v20 =	vsel vm14, $0x46B, v46  }
0x3a4: {  	s21 =	sadd.s32 $0x38000, s4;
	[dreg:$0x11] =	wrdreg s20;
	[tilespmem:$0x1FE70] =	vst v20;
	v20 =	vld [tilespmem:$0x1F870]  }
0x3a5: {  	s22 =	sadd.s32 $0x3C000, s4;
	[dreg:$0x12] =	wrdreg s21  }
0x3a6: {  	s23 =	sadd.s32 $0x40000, s4;
	[dreg:$0x13] =	wrdreg s22;
	v23 =	vsel vm15, $0x162, v23  }
0x3a7: {  	s24 =	sadd.s32 $0x44000, s4;
	[dreg:$0x14] =	wrdreg s23;
	[tilespmem:$0x1FB80] =	vst v23;
	v23 =	vsel vm15, $0x2F2, v50;
	v50 =	vsel vm15, $0x496, v0;
	v0 =	vld [tilespmem:$0x1FDF0]  }
0x3a8: {  	s25 =	sadd.s32 $0x48000, s4;
	[dreg:$0x15] =	wrdreg s24  }
0x3a9: {  	s26 =	sadd.s32 $0x4C000, s4;
	[dreg:$0x16] =	wrdreg s25;
	v63 =	vsel vm14, $0x5FB, v20;
	v20 =	vsel vm14, $0x14D, v48  }
0x3aa: {  	s0 =	sadd.s32 $0x50000, s4;
	[dreg:$0x17] =	wrdreg s26;
	[tilespmem:$0x1FE80] =	vst v20;
	v20 =	vsel vm14, $0x2DD, v47  }
0x3ab: {  	s6 =	sadd.s32 $0x54000, s4;
	[dreg:$0x18] =	wrdreg s0;
	[tilespmem:$0x1FE90] =	vst v20;
	v20 =	vld [tilespmem:$0x1F880]  }
0x3ac: {  	s8 =	sadd.s32 $0x5C000, s4;
	[dreg:$0x19] =	wrdreg s6;
	v52 =	vsel vm15, $0x178, v0;
	v0 =	vld [tilespmem:$0x1FE00]  }
0x3ad: {  	s7 =	sadd.s32 $0x58000, s4;
	[dreg:$0x1b] =	wrdreg s8  }
0x3ae: {  	s9 =	sadd.s32 $0x60000, s4;
	[dreg:$0x1a] =	wrdreg s7  }
0x3af: {  	v41 =	vsel vm4, $0x36D, v41;
	s10 =	simm.s32 $0x640;
	[dreg:$0x1c] =	wrdreg s9;
	v9 =	vld [tilespmem:$0x1F810]  }
0x3b0: {  	v41 =	vsel vm5, $0x39E, v41;
	s11 =	simm.s32 $0x690;
	[dreg:$0x1d] =	wrdreg s10;
	v15 =	vld [tilespmem:$0x1F820]  }
0x3b1: {  	v41 =	vsel vm6, $0x39F, v41;
	s12 =	simm.s32 $0x2080;
	[dreg:$0x1e] =	wrdreg s11;
	v20 =	vsel vm14, $0x46D, v20;
	v53 =	vsel vm15, $0x308, v0;
	v0 =	vld [tilespmem:$0x1FE10]  }
0x3b2: {  	v41 =	vsel vm7, $0x3D0, v41;
	s13 =	simm.s32 $0x6E0;
	[dreg:$0x1f] =	wrdreg s12;
	[tilespmem:$0x1FEA0] =	vst v20;
	v20 =	vld [tilespmem:$0x1F890]  }
0x3b3: {  	v41 =	vsel vm8, $0x3D1, v41;
	s14 =	simm.s32 $0x3480;
	[smem:$0x7DB] =	sst s13;
	v38 =	vsel vm15, $0x490, v8;
	v8 =	vld [tilespmem:$0x1FEF0]  }
0x3b4: {  	v41 =	vsel vm9, $0x402, v41;
	s15 =	simm.s32 $0x730;
	[smem:$0x7DC] =	sst s14;
	v9 =	vsel vm14, $0x141, v9;
	v7 =	vld [tilespmem:$0x1FEE0]  }
0x3b5: {  	v41 =	vsel vm10, $0x403, v41;
	s16 =	simm.s32 $0x4880;
	[smem:$0x7DD] =	sst s15;
	v40 =	vsel vm15, $0x172, v9;
	v9 =	vld [tilespmem:$0x1FF00]  }
0x3b6: {  	v41 =	vsel vm11, $0x434, v41;
	s17 =	simm.s32 $0x780;
	[smem:$0x7DE] =	sst s16;
	v55 =	vsel vm15, $0x628, v0;
	v0 =	vld [tilespmem:$0x1FE20]  }
0x3b7: {  	v41 =	vsel vm12, $0x435, v41;
	s18 =	simm.s32 $0x7D0;
	[smem:$0x7DF] =	sst s17;
	v1 =	vld [tilespmem:$0x1FE90];
	v20 =	vsel vm14, $0x5FD, v20  }
0x3b8: {  	v41 =	vsel vm13, $0x466, v41;
	s19 =	simm.s32 $0x7080;
	[smem:$0x7E0] =	sst s18;
	[tilespmem:$0x1FEB0] =	vst v20;
	v20 =	vld [tilespmem:$0x1F8A0]  }
0x3b9: {  	s20 =	simm.s32 $0x820;
	[smem:$0x7E1] =	sst s19;
	v22 =	vsel vm14, $0x467, v41;
	v41 =	vsel vm15, $0x302, v10;
	v10 =	vld [tilespmem:$0x1FF10]  }
0x3ba: {  	s21 =	simm.s32 $0x8480;
	[smem:$0x7E2] =	sst s20;
	v6 =	vld [tilespmem:$0x1FED0]  }
0x3bb: {  	s22 =	simm.s32 $0x870;
	[smem:$0x7E3] =	sst s21;
	v56 =	vsel vm15, $0x17A, v0;
	v0 =	vld [tilespmem:$0x1FE30]  }
0x3bc: {  	s23 =	simm.s32 $0x9880;
	[smem:$0x7E4] =	sst s22;
	v2 =	vld [tilespmem:$0x1FEA0]  }
0x3bd: {  	s24 =	simm.s32 $0x8C0;
	[smem:$0x7E5] =	sst s23;
	v3 =	vld [tilespmem:$0x1FEB0];
	v20 =	vsel vm14, $0x14F, v20  }
0x3be: {  	s28 =	simm.s32 $0x15C80;
	s25 =	simm.s32 $0x910;
	[smem:$0x7E6] =	sst s24;
	[tilespmem:$0x1FEC0] =	vst v20;
	v20 =	vld [tilespmem:$0x1F8B0]  }
0x3bf: {  	s29 =	simm.s32 $0x16C80;
	s26 =	simm.s32 $0xC080;
	[smem:$0x7E7] =	sst s25;
	v11 =	vld [tilespmem:$0x1FF20]  }
0x3c0: {  	s30 =	simm.s32 $0x17C80;
	s0 =	simm.s32 $0x960;
	[smem:$0x7E8] =	sst s26;
	v58 =	vsel vm15, $0x49A, v0;
	v0 =	vld [tilespmem:$0x1FE40]  }
0x3c1: {  	s31 =	simm.s32 $0x18C80;
	s6 =	simm.s32 $0xD480;
	[smem:$0x7E9] =	sst s0;
	v4 =	vld [tilespmem:$0x1FEC0]  }
0x3c2: {  	s8 =	simm.s32 $0xE880;
	[smem:$0x7EA] =	sst s6;
	s7 =	simm.s32 $0x9B0;
	v39 =	vsel vm15, $0x620, v13;
	v13 =	vld [tilespmem:$0x1FF40]  }
0x3c3: {  	[smem:$0x7EC] =	sst s8;
	s9 =	simm.s32 $0xA00;
	s10 =	simm.s32 $0xA50;
	v42 =	vsel vm15, $0x492, v14;
	v14 =	vld [tilespmem:$0x1FF50]  }
0x3c4: {  	s11 =	simm.s32 $0x11080;
	s12 =	simm.s32 $0xAA0;
	[smem:$0x7EB] =	sst s7;
	v12 =	vld [tilespmem:$0x1FF30]  }
0x3c5: {  	s13 =	simm.s32 $0x12480;
	s14 =	simm.s32 $0xAF0;
	[smem:$0x7ED] =	sst s9;
	v15 =	vsel vm14, $0x2D3, v15;
	v59 =	vsel vm15, $0x62A, v0;
	v0 =	vld [tilespmem:$0x1FE50]  }
0x3c6: {  	s15 =	simm.s32 $0x13880;
	s16 =	simm.s32 $0xB40;
	[smem:$0x7EE] =	sst s10;
	v45 =	vsel vm15, $0x304, v15;
	v15 =	vld [tilespmem:$0x1FF60]  }
0x3c7: {  	s18 =	simm.s32 $0xB90;
	s19 =	simm.s32 $0x16080;
	[smem:$0x7EF] =	sst s11;
	[tilespmem:$0x1FB90] =	vst v23;
	v23 =	vld [tilespmem:$0x1FBA0]  }
0x3c8: {  	s20 =	simm.s32 $0xBE0;
	s21 =	simm.s32 $0x17480;
	[smem:$0x7F0] =	sst s12;
	v48 =	vsel vm15, $0x176, v16;
	v16 =	vld [tilespmem:$0x1FF70]  }
0x3c9: {  	s22 =	simm.s32 $0xC30;
	[smem:$0x7F1] =	sst s13;
	v37 =	vsel vm15, $0x300, v21;
	v43 =	vsel vm15, $0x622, v35;
	v44 =	vsel vm15, $0x174, v17;
	v17 =	vld [tilespmem:$0x1FF80]  }
0x3ca: {  	s8 =	simm.s32 $0xC80;
	[smem:$0x7F2] =	sst s14;
	v57 =	vsel vm15, $0x30A, v57;
	v46 =	vsel vm15, $0x494, v18;
	v60 =	vsel vm15, $0x17C, v0;
	v0 =	vld [tilespmem:$0x1FE60]  }
0x3cb: {  	s23 =	simm.s32 $0x18880;
	[smem:$0x7F3] =	sst s15;
	v51 =	vsel vm15, $0x626, v24;
	v54 =	vsel vm15, $0x498, v22;
	v8 =	vsel vm15, $0x182, v8;
	v18 =	vld [tilespmem:$0x1FF90]  }
0x3cc: {  	s24 =	simm.s32 $0x1C80;
	[smem:$0x7F4] =	sst s16;
	v7 =	vsel vm15, $0x630, v7;
	v47 =	vsel vm15, $0x624, v19;
	v19 =	vld [tilespmem:$0x1FFA0];
	v23 =	vsel vm15, $0x482, v23  }
0x3cd: {  	[smem:$0x7F5] =	sst s18;
	v63 =	vsel vm15, $0x62C, v63;
	v9 =	vsel vm15, $0x312, v9;
	v20 =	vsel vm14, $0x2DF, v20;
	[tilespmem:$0x1FBB0] =	vst v23;
	v23 =	vld [tilespmem:$0x1FBC0]  }
0x3ce: {  	s25 =	simm.s32 $0x2C80;
	[smem:$0x7F6] =	sst s19;
	v1 =	vsel vm15, $0x30E, v1;
	v10 =	vsel vm15, $0x4A2, v10;
	v5 =	vsel vm15, $0x310, v20;
	v20 =	vld [tilespmem:$0x1FFB0]  }
0x3cf: {  	s26 =	simm.s32 $0x3C80;
	[smem:$0x7F7] =	sst s20;
	v6 =	vsel vm15, $0x4A0, v6;
	v2 =	vsel vm15, $0x49E, v2;
	v61 =	vsel vm15, $0x30C, v0;
	v0 =	vld [tilespmem:$0x1FE70]  }
0x3d0: {  	s7 =	simm.s32 $0x50;
	[smem:$0x7F8] =	sst s21;
	v3 =	vsel vm15, $0x62E, v3;
	v11 =	vsel vm15, $0x632, v11;
	v4 =	vsel vm15, $0x180, v4;
	v22 =	vld [tilespmem:$0x1FFC0]  }
0x3d1: {  	[smem:$0x7F9] =	sst s22;
	s9 =	simm.s32 $0x5C80;
	v13 =	vsel vm15, $0x314, v13;
	v24 =	vsel vm15, $0x18A, v25;
	v25 =	vsel vm15, $0x31A, v26;
	v26 =	vld [tilespmem:$0x1FFE0]  }
0x3d2: {  	s2 =	ssub.s32 $0x2, s2;
	[smem:$0x7FA] =	sst s23;
	s10 =	simm.s32 $0xAC80;
	v14 =	vsel vm15, $0x4A4, v14;
	v21 =	vsel vm15, $0x318, v29;
	v29 =	vld [tilespmem:$0x1FFF0];
	v23 =	vsel vm15, $0x612, v23  }
0x3d3: {  	s17 =	sshrl.u32 s2, $0x1;
	s6 =	simm.s32 $0x3;
	[smem:$0x7FB] =	sst s24;
	v12 =	vsel vm15, $0x184, v12;
	v15 =	vsel vm15, $0x634, v15;
	v16 =	vsel vm15, $0x186, v16;
	[tilespmem:$0x1FBD0] =	vst v23;
	v23 =	vld [tilespmem:$0x1FFD0]  }
0x3d4: {  	s2 =	ssub.s32 s2, s17;
	s11 =	simm.s32 $0xFC80;
	[smem:$0x7FC] =	sst s25;
	v17 =	vsel vm15, $0x316, v17;
	v18 =	vsel vm15, $0x4A6, v18;
	v62 =	vsel vm15, $0x49C, v0;
	v0 =	vld [tilespmem:$0x1FE80]  }
0x3d5: {  	s12 =	simm.s32 $0x14C80;
	s13 =	simm.s32 $0x1;
	[smem:$0x7FD] =	sst s26;
	v19 =	vsel vm15, $0x636, v19;
	v20 =	vsel vm15, $0x188, v20;
	v22 =	vsel vm15, $0x4A8, v22  }
0x3d6: {  	s17 =	simm.s32 $0x8C80;
	s18 =	simm.s32 $0x9C80;
	s19 =	simm.s32 $0xBC80;
	v26 =	vsel vm15, $0x4AA, v26;
	v27 =	vsel vm15, $0x63A, v27;
	v28 =	vsel vm15, $0x18C, v28  }
0x3d7: {  	s20 =	simm.s32 $0xCC80;
	s21 =	simm.s32 $0xDC80;
	s22 =	simm.s32 $0xEC80;
	v29 =	vsel vm15, $0x31C, v29;
	v30 =	vsel vm15, $0x4AC, v30;
	v31 =	vsel vm15, $0x63C, v31  }
0x3d8: {  	s23 =	simm.s32 $0x10C80;
	s24 =	simm.s32 $0x11C80;
	s25 =	simm.s32 $0x12C80;
	v32 =	vsel vm15, $0x18E, v32;
	v33 =	vsel vm15, $0x31E, v33;
	v34 =	vsel vm15, $0x4AE, v34  }
0x3d9: {  	s26 =	simm.s32 $0x13C80;
	s5 =	smax.u32 s2, $0x1;
	s2 =	simm.s32 $0x2;
	v35 =	vsel vm15, $0x63E, v36;
	v23 =	vsel vm15, $0x638, v23;
	v0 =	vsel vm15, $0x17E, v0  }
.LBB2_1:
0x3da: {  	s0 =	rddreg [dreg:$0x4]  }
0x3db: {  	[tilespmem:s3], [sflag:$0x3] =	stream.linear.gather [hbm4b:s0+s3], $0x640, $0x38;
	[tilespmem:$0x19C80] =	vst v63  }
0x3dc: {  	_ =	swait.ge [sflag:s6], $0x640  }
0x3dd: {  	v36 =	vld [tilespmem:$0x1FAA0];
	_ =	sdelay $0x5  }
0x3de: {  	[sflag:s6] =	ssyncset.done $0x0  }
0x3df: {  	[sflag:s6] =	ssyncadd.s32 $0xFFFFF9C0  }
0x3e0: {  	v36 =	vld.idx.msk [tilespmem:v36+s3+$0x0], $0xffff;
	_ =	sdelay $0x4  }
0x3e1: {  	[tilespmem:$0x640] =	vst v36;
	v36 =	vld [tilespmem:$0x1FAC0];
	_ =	sdelay $0x7  }
0x3e2: {  	v36 =	vld.idx.msk [tilespmem:v36+s3+$0x0], $0xffff;
	_ =	sdelay $0x4  }
0x3e3: {  	[tilespmem:$0x650] =	vst v36;
	v36 =	vld [tilespmem:$0x1FAE0];
	_ =	sdelay $0x7  }
0x3e4: {  	v36 =	vld.idx.msk [tilespmem:v36+s3+$0x0], $0xffff;
	_ =	sdelay $0x4  }
0x3e5: {  	[tilespmem:$0x660] =	vst v36;
	v36 =	vld [tilespmem:$0x1FAF0];
	_ =	sdelay $0x7  }
0x3e6: {  	v36 =	vld.idx.msk [tilespmem:v36+s3+$0x0], $0xffff;
	_ =	sdelay $0x4  }
0x3e7: {  	[tilespmem:$0x670] =	vst v36;
	v36 =	vld [tilespmem:$0x1FB10];
	_ =	sdelay $0x7  }
0x3e8: {  	v36 =	vld.idx.msk [tilespmem:v36+s3+$0x0], $0xffff;
	_ =	sdelay $0x4  }
0x3e9: {  	[tilespmem:$0x680] =	vst v36;
	v36 =	vld [tilespmem:$0x1FB30];
	_ =	sdelay $0x5  }
0x3ea: {  	s15 =	rddreg [dreg:$0x1d]  }
0x3eb: {  	[tilespmem:s8], [sflag:$0x1] =	stream.indirect.gather [hbm4b:s1+s7], $0x40, s15, s7, $0xb8;
	[tilespmem:$0x19C80] =	vst v63  }
0x3ec: {  	v36 =	vld.idx.msk [tilespmem:v36+s3+$0x0], $0xffff;
	_ =	sdelay $0x4  }
0x3ed: {  	[tilespmem:$0x690] =	vst v36;
	v36 =	vld [tilespmem:$0x1FB40];
	_ =	sdelay $0x7  }
0x3ee: {  	v36 =	vld.idx.msk [tilespmem:v36+s3+$0x0], $0xffff;
	_ =	sdelay $0x4  }
0x3ef: {  	[tilespmem:$0x6A0] =	vst v36;
	v36 =	vld [tilespmem:$0x1FB60];
	_ =	sdelay $0x7  }
0x3f0: {  	v36 =	vld.idx.msk [tilespmem:v36+s3+$0x0], $0xffff;
	_ =	sdelay $0x4  }
0x3f1: {  	[tilespmem:$0x6B0] =	vst v36;
	v36 =	vld [tilespmem:$0x1FB80];
	_ =	sdelay $0x7  }
0x3f2: {  	v36 =	vld.idx.msk [tilespmem:v36+s3+$0x0], $0xffff;
	_ =	sdelay $0x4  }
0x3f3: {  	[tilespmem:$0x6C0] =	vst v36;
	v36 =	vld [tilespmem:$0x1FB90];
	_ =	sdelay $0x7  }
0x3f4: {  	v36 =	vld.idx.msk [tilespmem:v36+s3+$0x0], $0xffff;
	_ =	sdelay $0x4  }
0x3f5: {  	[tilespmem:$0x6D0] =	vst v36;
	v36 =	vld [tilespmem:$0x1FBB0];
	_ =	sdelay $0x4  }
0x3f6: {  	s16 =	rddreg [dreg:$0x1e]  }
0x3f7: {  	s14 =	rddreg [dreg:$0x1f]  }
0x3f8: {  	[tilespmem:s14], [sflag:$0x1] =	stream.indirect.gather [hbm4b:s1+s7], $0x40, s16, s7, $0xb8;
	[tilespmem:$0x19C80] =	vst v63  }
0x3f9: {  	v36 =	vld.idx.msk [tilespmem:v36+s3+$0x0], $0xffff;
	_ =	sdelay $0x4  }
0x3fa: {  	[tilespmem:$0x6E0] =	vst v36;
	v36 =	vld [tilespmem:$0x1FBD0];
	_ =	sdelay $0x7  }
0x3fb: {  	v36 =	vld.idx.msk [tilespmem:v36+s3+$0x0], $0xffff;
	_ =	sdelay $0x4  }
0x3fc: {  	[tilespmem:$0x6F0] =	vst v36;
	v36 =	vld [tilespmem:$0x1FBE0];
	_ =	sdelay $0x7  }
0x3fd: {  	v36 =	vld.idx.msk [tilespmem:v36+s3+$0x0], $0xffff;
	_ =	sdelay $0x4  }
0x3fe: {  	[tilespmem:$0x700] =	vst v36;
	v36 =	vld [tilespmem:$0x1FC00];
	_ =	sdelay $0x7  }
0x3ff: {  	v36 =	vld.idx.msk [tilespmem:v36+s3+$0x0], $0xffff;
	_ =	sdelay $0x4  }
0x400: {  	[tilespmem:$0x710] =	vst v36;
	v36 =	vld [tilespmem:$0x1FC20];
	_ =	sdelay $0x7  }
0x401: {  	v36 =	vld.idx.msk [tilespmem:v36+s3+$0x0], $0xffff;
	_ =	sdelay $0x4  }
0x402: {  	[tilespmem:$0x720] =	vst v36;
	v36 =	vld [tilespmem:$0x1FC30];
	_ =	sdelay $0x2  }
0x403: {  	s15 =	sld [smem:$0x7DB]  }
0x404: {  	s16 =	sld [smem:$0x7DC];
	_ =	sdelay $0x2  }
0x405: {  	[tilespmem:s16], [sflag:$0x1] =	stream.indirect.gather [hbm4b:s1+s7], $0x40, s15, s7, $0xb8;
	[tilespmem:$0x19C80] =	vst v63  }
0x406: {  	v36 =	vld.idx.msk [tilespmem:v36+s3+$0x0], $0xffff;
	_ =	sdelay $0x4  }
0x407: {  	[tilespmem:$0x730] =	vst v36;
	v36 =	vld [tilespmem:$0x1FC40];
	_ =	sdelay $0x7  }
0x408: {  	v36 =	vld.idx.msk [tilespmem:v36+s3+$0x0], $0xffff;
	_ =	sdelay $0x4  }
0x409: {  	[tilespmem:$0x740] =	vst v36;
	v36 =	vld [tilespmem:$0x1FC50];
	_ =	sdelay $0x7  }
0x40a: {  	v36 =	vld.idx.msk [tilespmem:v36+s3+$0x0], $0xffff;
	_ =	sdelay $0x4  }
0x40b: {  	[tilespmem:$0x750] =	vst v36;
	v36 =	vld [tilespmem:$0x1FC60];
	_ =	sdelay $0x7  }
0x40c: {  	v36 =	vld.idx.msk [tilespmem:v36+s3+$0x0], $0xffff;
	_ =	sdelay $0x4  }
0x40d: {  	[tilespmem:$0x760] =	vst v36;
	v36 =	vld [tilespmem:$0x1FC70];
	_ =	sdelay $0x7  }
0x40e: {  	v36 =	vld.idx.msk [tilespmem:v36+s3+$0x0], $0xffff;
	_ =	sdelay $0x4  }
0x40f: {  	[tilespmem:$0x770] =	vst v36;
	v36 =	vld [tilespmem:$0x1FC80];
	_ =	sdelay $0x2  }
0x410: {  	s15 =	sld [smem:$0x7DD]  }
0x411: {  	s16 =	sld [smem:$0x7DE];
	_ =	sdelay $0x2  }
0x412: {  	[tilespmem:s16], [sflag:$0x1] =	stream.indirect.gather [hbm4b:s1+s7], $0x40, s15, s7, $0xb8;
	[tilespmem:$0x19C80] =	vst v63  }
0x413: {  	v36 =	vld.idx.msk [tilespmem:v36+s3+$0x0], $0xffff;
	_ =	sdelay $0x4  }
0x414: {  	[tilespmem:$0x780] =	vst v36;
	v36 =	vld [tilespmem:$0x1FC90];
	_ =	sdelay $0x7  }
0x415: {  	v36 =	vld.idx.msk [tilespmem:v36+s3+$0x0], $0xffff;
	_ =	sdelay $0x4  }
0x416: {  	[tilespmem:$0x790] =	vst v36;
	v36 =	vld [tilespmem:$0x1FCA0];
	_ =	sdelay $0x7  }
0x417: {  	v36 =	vld.idx.msk [tilespmem:v36+s3+$0x0], $0xffff;
	_ =	sdelay $0x4  }
0x418: {  	[tilespmem:$0x7A0] =	vst v36;
	v36 =	vld [tilespmem:$0x1FCB0];
	_ =	sdelay $0x7  }
0x419: {  	v36 =	vld.idx.msk [tilespmem:v36+s3+$0x0], $0xffff;
	_ =	sdelay $0x4  }
0x41a: {  	[tilespmem:$0x7B0] =	vst v36;
	v36 =	vld [tilespmem:$0x1FCC0];
	_ =	sdelay $0x7  }
0x41b: {  	v36 =	vld.idx.msk [tilespmem:v36+s3+$0x0], $0xffff;
	_ =	sdelay $0x4  }
0x41c: {  	[tilespmem:$0x7C0] =	vst v36;
	v36 =	vld [tilespmem:$0x1FCD0];
	_ =	sdelay $0x3  }
0x41d: {  	s14 =	sld [smem:$0x7DF];
	_ =	sdelay $0x2  }
0x41e: {  	[tilespmem:s9], [sflag:$0x1] =	stream.indirect.gather [hbm4b:s1+s7], $0x40, s14, s7, $0xb8;
	[tilespmem:$0x19C80] =	vst v63  }
0x41f: {  	v36 =	vld.idx.msk [tilespmem:v36+s3+$0x0], $0xffff;
	_ =	sdelay $0x4  }
0x420: {  	[tilespmem:$0x7D0] =	vst v36;
	v36 =	vld [tilespmem:$0x1FCE0];
	_ =	sdelay $0x7  }
0x421: {  	v36 =	vld.idx.msk [tilespmem:v36+s3+$0x0], $0xffff;
	_ =	sdelay $0x4  }
0x422: {  	[tilespmem:$0x7E0] =	vst v36;
	v36 =	vld [tilespmem:$0x1FCF0];
	_ =	sdelay $0x7  }
0x423: {  	v36 =	vld.idx.msk [tilespmem:v36+s3+$0x0], $0xffff;
	_ =	sdelay $0x4  }
0x424: {  	[tilespmem:$0x7F0] =	vst v36;
	v36 =	vld [tilespmem:$0x1FD00];
	_ =	sdelay $0x7  }
0x425: {  	v36 =	vld.idx.msk [tilespmem:v36+s3+$0x0], $0xffff;
	_ =	sdelay $0x4  }
0x426: {  	[tilespmem:$0x800] =	vst v36;
	v36 =	vld [tilespmem:$0x1FD10];
	_ =	sdelay $0x7  }
0x427: {  	v36 =	vld.idx.msk [tilespmem:v36+s3+$0x0], $0xffff;
	_ =	sdelay $0x4  }
0x428: {  	[tilespmem:$0x810] =	vst v36;
	v36 =	vld [tilespmem:$0x1FD20];
	_ =	sdelay $0x2  }
0x429: {  	s15 =	sld [smem:$0x7E0]  }
0x42a: {  	s16 =	sld [smem:$0x7E1];
	_ =	sdelay $0x2  }
0x42b: {  	[tilespmem:s16], [sflag:$0x1] =	stream.indirect.gather [hbm4b:s1+s7], $0x40, s15, s7, $0xb8;
	[tilespmem:$0x19C80] =	vst v63  }
0x42c: {  	v36 =	vld.idx.msk [tilespmem:v36+s3+$0x0], $0xffff;
	_ =	sdelay $0x4  }
0x42d: {  	[tilespmem:$0x820] =	vst v36;
	v36 =	vld [tilespmem:$0x1FD40];
	_ =	sdelay $0x7  }
0x42e: {  	v36 =	vld.idx.msk [tilespmem:v36+s3+$0x0], $0xffff;
	_ =	sdelay $0x4  }
0x42f: {  	[tilespmem:$0x830] =	vst v36;
	v36 =	vld [tilespmem:$0x1FD60];
	_ =	sdelay $0x7  }
0x430: {  	v36 =	vld.idx.msk [tilespmem:v36+s3+$0x0], $0xffff;
	_ =	sdelay $0x4  }
0x431: {  	[tilespmem:$0x840] =	vst v36;
	v36 =	vld [tilespmem:$0x1FD70];
	_ =	sdelay $0x7  }
0x432: {  	v36 =	vld.idx.msk [tilespmem:v36+s3+$0x0], $0xffff;
	_ =	sdelay $0x4  }
0x433: {  	[tilespmem:$0x850] =	vst v36;
	v36 =	vld [tilespmem:$0x1FD90];
	_ =	sdelay $0x7  }
0x434: {  	v36 =	vld.idx.msk [tilespmem:v36+s3+$0x0], $0xffff;
	_ =	sdelay $0x4  }
0x435: {  	[tilespmem:$0x860] =	vst v36;
	v36 =	vld [tilespmem:$0x1FDB0];
	_ =	sdelay $0x2  }
0x436: {  	s15 =	sld [smem:$0x7E2]  }
0x437: {  	s16 =	sld [smem:$0x7E3];
	_ =	sdelay $0x2  }
0x438: {  	[tilespmem:s16], [sflag:$0x1] =	stream.indirect.gather [hbm4b:s1+s7], $0x40, s15, s7, $0xb8;
	[tilespmem:$0x19C80] =	vst v63  }
0x439: {  	v36 =	vld.idx.msk [tilespmem:v36+s3+$0x0], $0xffff;
	_ =	sdelay $0x4  }
0x43a: {  	[tilespmem:$0x870] =	vst v36;
	v36 =	vld [tilespmem:$0x1FDC0];
	_ =	sdelay $0x7  }
0x43b: {  	v36 =	vld.idx.msk [tilespmem:v36+s3+$0x0], $0xffff;
	_ =	sdelay $0x4  }
0x43c: {  	[tilespmem:$0x880] =	vst v36  }
0x43d: {  	v36 =	vld.idx.msk [tilespmem:v37+s3+$0x0], $0xffff;
	_ =	sdelay $0x4  }
0x43e: {  	[tilespmem:$0x890] =	vst v36  }
0x43f: {  	v36 =	vld.idx.msk [tilespmem:v38+s3+$0x0], $0xffff;
	_ =	sdelay $0x4  }
0x440: {  	[tilespmem:$0x8A0] =	vst v36  }
0x441: {  	v36 =	vld.idx.msk [tilespmem:v39+s3+$0x0], $0xffff;
	_ =	sdelay $0x1  }
0x442: {  	s15 =	sld [smem:$0x7E4]  }
0x443: {  	s16 =	sld [smem:$0x7E5];
	_ =	sdelay $0x1  }
0x444: {  	[tilespmem:$0x8B0] =	vst v36  }
0x445: {  	[tilespmem:s16], [sflag:$0x1] =	stream.indirect.gather [hbm4b:s1+s7], $0x40, s15, s7, $0xb8;
	[tilespmem:$0x19C80] =	vst v63  }
0x446: {  	v36 =	vld.idx.msk [tilespmem:v40+s3+$0x0], $0xffff;
	_ =	sdelay $0x4  }
0x447: {  	[tilespmem:$0x8C0] =	vst v36  }
0x448: {  	v36 =	vld.idx.msk [tilespmem:v41+s3+$0x0], $0xffff;
	_ =	sdelay $0x4  }
0x449: {  	[tilespmem:$0x8D0] =	vst v36  }
0x44a: {  	v36 =	vld.idx.msk [tilespmem:v42+s3+$0x0], $0xffff;
	_ =	sdelay $0x4  }
0x44b: {  	[tilespmem:$0x8E0] =	vst v36  }
0x44c: {  	v36 =	vld.idx.msk [tilespmem:v43+s3+$0x0], $0xffff;
	_ =	sdelay $0x4  }
0x44d: {  	[tilespmem:$0x8F0] =	vst v36  }
0x44e: {  	v36 =	vld.idx.msk [tilespmem:v44+s3+$0x0], $0xffff;
	_ =	sdelay $0x2  }
0x44f: {  	s14 =	sld [smem:$0x7E6];
	_ =	sdelay $0x1  }
0x450: {  	[tilespmem:$0x900] =	vst v36  }
0x451: {  	[tilespmem:s10], [sflag:$0x1] =	stream.indirect.gather [hbm4b:s1+s7], $0x40, s14, s7, $0xb8;
	[tilespmem:$0x19C80] =	vst v63  }
0x452: {  	v36 =	vld.idx.msk [tilespmem:v45+s3+$0x0], $0xffff;
	_ =	sdelay $0x4  }
0x453: {  	[tilespmem:$0x910] =	vst v36  }
0x454: {  	v36 =	vld.idx.msk [tilespmem:v46+s3+$0x0], $0xffff;
	_ =	sdelay $0x4  }
0x455: {  	[tilespmem:$0x920] =	vst v36  }
0x456: {  	v36 =	vld.idx.msk [tilespmem:v47+s3+$0x0], $0xffff;
	_ =	sdelay $0x4  }
0x457: {  	[tilespmem:$0x930] =	vst v36  }
0x458: {  	v36 =	vld.idx.msk [tilespmem:v48+s3+$0x0], $0xffff;
	_ =	sdelay $0x4  }
0x459: {  	[tilespmem:$0x940] =	vst v36  }
0x45a: {  	v36 =	vld.idx.msk [tilespmem:v49+s3+$0x0], $0xffff;
	_ =	sdelay $0x1  }
0x45b: {  	s15 =	sld [smem:$0x7E7]  }
0x45c: {  	s16 =	sld [smem:$0x7E8];
	_ =	sdelay $0x1  }
0x45d: {  	[tilespmem:$0x950] =	vst v36  }
0x45e: {  	[tilespmem:s16], [sflag:$0x1] =	stream.indirect.gather [hbm4b:s1+s7], $0x40, s15, s7, $0xb8;
	[tilespmem:$0x19C80] =	vst v63  }
0x45f: {  	v36 =	vld.idx.msk [tilespmem:v50+s3+$0x0], $0xffff;
	_ =	sdelay $0x4  }
0x460: {  	[tilespmem:$0x960] =	vst v36  }
0x461: {  	v36 =	vld.idx.msk [tilespmem:v51+s3+$0x0], $0xffff;
	_ =	sdelay $0x4  }
0x462: {  	[tilespmem:$0x970] =	vst v36  }
0x463: {  	v36 =	vld.idx.msk [tilespmem:v52+s3+$0x0], $0xffff;
	_ =	sdelay $0x4  }
0x464: {  	[tilespmem:$0x980] =	vst v36  }
0x465: {  	v36 =	vld.idx.msk [tilespmem:v53+s3+$0x0], $0xffff;
	_ =	sdelay $0x4  }
0x466: {  	[tilespmem:$0x990] =	vst v36  }
0x467: {  	v36 =	vld.idx.msk [tilespmem:v54+s3+$0x0], $0xffff;
	_ =	sdelay $0x1  }
0x468: {  	s15 =	sld [smem:$0x7E9]  }
0x469: {  	s16 =	sld [smem:$0x7EA];
	_ =	sdelay $0x1  }
0x46a: {  	[tilespmem:$0x9A0] =	vst v36  }
0x46b: {  	[tilespmem:s16], [sflag:$0x1] =	stream.indirect.gather [hbm4b:s1+s7], $0x40, s15, s7, $0xb8;
	[tilespmem:$0x19C80] =	vst v63  }
0x46c: {  	v36 =	vld.idx.msk [tilespmem:v55+s3+$0x0], $0xffff;
	_ =	sdelay $0x4  }
0x46d: {  	[tilespmem:$0x9B0] =	vst v36  }
0x46e: {  	v36 =	vld.idx.msk [tilespmem:v56+s3+$0x0], $0xffff;
	_ =	sdelay $0x4  }
0x46f: {  	[tilespmem:$0x9C0] =	vst v36  }
0x470: {  	v36 =	vld.idx.msk [tilespmem:v57+s3+$0x0], $0xffff;
	_ =	sdelay $0x4  }
0x471: {  	[tilespmem:$0x9D0] =	vst v36  }
0x472: {  	v36 =	vld.idx.msk [tilespmem:v58+s3+$0x0], $0xffff;
	_ =	sdelay $0x4  }
0x473: {  	[tilespmem:$0x9E0] =	vst v36  }
0x474: {  	v36 =	vld.idx.msk [tilespmem:v59+s3+$0x0], $0xffff;
	_ =	sdelay $0x1  }
0x475: {  	s15 =	sld [smem:$0x7EB]  }
0x476: {  	s16 =	sld [smem:$0x7EC];
	_ =	sdelay $0x1  }
0x477: {  	[tilespmem:$0x9F0] =	vst v36  }
0x478: {  	[tilespmem:s16], [sflag:$0x1] =	stream.indirect.gather [hbm4b:s1+s7], $0x40, s15, s7, $0xb8;
	[tilespmem:$0x19C80] =	vst v63  }
0x479: {  	v36 =	vld.idx.msk [tilespmem:v60+s3+$0x0], $0xffff;
	_ =	sdelay $0x4  }
0x47a: {  	[tilespmem:$0xA00] =	vst v36  }
0x47b: {  	v36 =	vld.idx.msk [tilespmem:v61+s3+$0x0], $0xffff;
	_ =	sdelay $0x4  }
0x47c: {  	[tilespmem:$0xA10] =	vst v36  }
0x47d: {  	v36 =	vld.idx.msk [tilespmem:v62+s3+$0x0], $0xffff;
	_ =	sdelay $0x4  }
0x47e: {  	[tilespmem:$0xA20] =	vst v36  }
0x47f: {  	v36 =	vld.idx.msk [tilespmem:v63+s3+$0x0], $0xffff;
	_ =	sdelay $0x4  }
0x480: {  	[tilespmem:$0xA30] =	vst v36  }
0x481: {  	v36 =	vld.idx.msk [tilespmem:v0+s3+$0x0], $0xffff;
	_ =	sdelay $0x2  }
0x482: {  	s14 =	sld [smem:$0x7ED];
	_ =	sdelay $0x1  }
0x483: {  	[tilespmem:$0xA40] =	vst v36  }
0x484: {  	[tilespmem:s11], [sflag:$0x1] =	stream.indirect.gather [hbm4b:s1+s7], $0x40, s14, s7, $0xb8;
	[tilespmem:$0x19C80] =	vst v63  }
0x485: {  	v36 =	vld.idx.msk [tilespmem:v1+s3+$0x0], $0xffff;
	_ =	sdelay $0x4  }
0x486: {  	[tilespmem:$0xA50] =	vst v36  }
0x487: {  	v36 =	vld.idx.msk [tilespmem:v2+s3+$0x0], $0xffff;
	_ =	sdelay $0x4  }
0x488: {  	[tilespmem:$0xA60] =	vst v36  }
0x489: {  	v36 =	vld.idx.msk [tilespmem:v3+s3+$0x0], $0xffff;
	_ =	sdelay $0x4  }
0x48a: {  	[tilespmem:$0xA70] =	vst v36  }
0x48b: {  	v36 =	vld.idx.msk [tilespmem:v4+s3+$0x0], $0xffff;
	_ =	sdelay $0x4  }
0x48c: {  	[tilespmem:$0xA80] =	vst v36  }
0x48d: {  	v36 =	vld.idx.msk [tilespmem:v5+s3+$0x0], $0xffff;
	_ =	sdelay $0x1  }
0x48e: {  	s15 =	sld [smem:$0x7EE]  }
0x48f: {  	s16 =	sld [smem:$0x7EF];
	_ =	sdelay $0x1  }
0x490: {  	[tilespmem:$0xA90] =	vst v36  }
0x491: {  	[tilespmem:s16], [sflag:$0x1] =	stream.indirect.gather [hbm4b:s1+s7], $0x40, s15, s7, $0xb8;
	[tilespmem:$0x19C80] =	vst v63  }
0x492: {  	v36 =	vld.idx.msk [tilespmem:v6+s3+$0x0], $0xffff;
	_ =	sdelay $0x4  }
0x493: {  	[tilespmem:$0xAA0] =	vst v36  }
0x494: {  	v36 =	vld.idx.msk [tilespmem:v7+s3+$0x0], $0xffff;
	_ =	sdelay $0x4  }
0x495: {  	[tilespmem:$0xAB0] =	vst v36  }
0x496: {  	v36 =	vld.idx.msk [tilespmem:v8+s3+$0x0], $0xffff;
	_ =	sdelay $0x4  }
0x497: {  	[tilespmem:$0xAC0] =	vst v36  }
0x498: {  	v36 =	vld.idx.msk [tilespmem:v9+s3+$0x0], $0xffff;
	_ =	sdelay $0x4  }
0x499: {  	[tilespmem:$0xAD0] =	vst v36  }
0x49a: {  	v36 =	vld.idx.msk [tilespmem:v10+s3+$0x0], $0xffff;
	_ =	sdelay $0x1  }
0x49b: {  	s15 =	sld [smem:$0x7F0]  }
0x49c: {  	s16 =	sld [smem:$0x7F1];
	_ =	sdelay $0x1  }
0x49d: {  	[tilespmem:$0xAE0] =	vst v36  }
0x49e: {  	[tilespmem:s16], [sflag:$0x1] =	stream.indirect.gather [hbm4b:s1+s7], $0x40, s15, s7, $0xb8;
	[tilespmem:$0x19C80] =	vst v63  }
0x49f: {  	v36 =	vld.idx.msk [tilespmem:v11+s3+$0x0], $0xffff;
	_ =	sdelay $0x4  }
0x4a0: {  	[tilespmem:$0xAF0] =	vst v36  }
0x4a1: {  	v36 =	vld.idx.msk [tilespmem:v12+s3+$0x0], $0xffff;
	_ =	sdelay $0x4  }
0x4a2: {  	[tilespmem:$0xB00] =	vst v36  }
0x4a3: {  	v36 =	vld.idx.msk [tilespmem:v13+s3+$0x0], $0xffff;
	_ =	sdelay $0x4  }
0x4a4: {  	[tilespmem:$0xB10] =	vst v36  }
0x4a5: {  	v36 =	vld.idx.msk [tilespmem:v14+s3+$0x0], $0xffff;
	_ =	sdelay $0x4  }
0x4a6: {  	[tilespmem:$0xB20] =	vst v36  }
0x4a7: {  	v36 =	vld.idx.msk [tilespmem:v15+s3+$0x0], $0xffff;
	_ =	sdelay $0x1  }
0x4a8: {  	s15 =	sld [smem:$0x7F2]  }
0x4a9: {  	s16 =	sld [smem:$0x7F3];
	_ =	sdelay $0x1  }
0x4aa: {  	[tilespmem:$0xB30] =	vst v36  }
0x4ab: {  	[tilespmem:s16], [sflag:$0x1] =	stream.indirect.gather [hbm4b:s1+s7], $0x40, s15, s7, $0xb8;
	[tilespmem:$0x19C80] =	vst v63  }
0x4ac: {  	v36 =	vld.idx.msk [tilespmem:v16+s3+$0x0], $0xffff;
	_ =	sdelay $0x4  }
0x4ad: {  	[tilespmem:$0xB40] =	vst v36  }
0x4ae: {  	v36 =	vld.idx.msk [tilespmem:v17+s3+$0x0], $0xffff;
	_ =	sdelay $0x4  }
0x4af: {  	[tilespmem:$0xB50] =	vst v36  }
0x4b0: {  	v36 =	vld.idx.msk [tilespmem:v18+s3+$0x0], $0xffff;
	_ =	sdelay $0x4  }
0x4b1: {  	[tilespmem:$0xB60] =	vst v36  }
0x4b2: {  	v36 =	vld.idx.msk [tilespmem:v19+s3+$0x0], $0xffff;
	_ =	sdelay $0x4  }
0x4b3: {  	[tilespmem:$0xB70] =	vst v36  }
0x4b4: {  	v36 =	vld.idx.msk [tilespmem:v20+s3+$0x0], $0xffff;
	_ =	sdelay $0x2  }
0x4b5: {  	s14 =	sld [smem:$0x7F4];
	_ =	sdelay $0x1  }
0x4b6: {  	[tilespmem:$0xB80] =	vst v36  }
0x4b7: {  	[tilespmem:s12], [sflag:$0x1] =	stream.indirect.gather [hbm4b:s1+s7], $0x40, s14, s7, $0xb8;
	[tilespmem:$0x19C80] =	vst v63  }
0x4b8: {  	v36 =	vld.idx.msk [tilespmem:v21+s3+$0x0], $0xffff;
	_ =	sdelay $0x4  }
0x4b9: {  	[tilespmem:$0xB90] =	vst v36  }
0x4ba: {  	v36 =	vld.idx.msk [tilespmem:v22+s3+$0x0], $0xffff;
	_ =	sdelay $0x4  }
0x4bb: {  	[tilespmem:$0xBA0] =	vst v36  }
0x4bc: {  	v36 =	vld.idx.msk [tilespmem:v23+s3+$0x0], $0xffff;
	_ =	sdelay $0x4  }
0x4bd: {  	[tilespmem:$0xBB0] =	vst v36  }
0x4be: {  	v36 =	vld.idx.msk [tilespmem:v24+s3+$0x0], $0xffff;
	_ =	sdelay $0x4  }
0x4bf: {  	[tilespmem:$0xBC0] =	vst v36  }
0x4c0: {  	v36 =	vld.idx.msk [tilespmem:v25+s3+$0x0], $0xffff;
	_ =	sdelay $0x1  }
0x4c1: {  	s15 =	sld [smem:$0x7F5]  }
0x4c2: {  	s16 =	sld [smem:$0x7F6];
	_ =	sdelay $0x1  }
0x4c3: {  	[tilespmem:$0xBD0] =	vst v36  }
0x4c4: {  	[tilespmem:s16], [sflag:$0x1] =	stream.indirect.gather [hbm4b:s1+s7], $0x40, s15, s7, $0xb8;
	[tilespmem:$0x19C80] =	vst v63  }
0x4c5: {  	v36 =	vld.idx.msk [tilespmem:v26+s3+$0x0], $0xffff;
	_ =	sdelay $0x4  }
0x4c6: {  	[tilespmem:$0xBE0] =	vst v36  }
0x4c7: {  	v36 =	vld.idx.msk [tilespmem:v27+s3+$0x0], $0xffff;
	_ =	sdelay $0x4  }
0x4c8: {  	[tilespmem:$0xBF0] =	vst v36  }
0x4c9: {  	v36 =	vld.idx.msk [tilespmem:v28+s3+$0x0], $0xffff;
	_ =	sdelay $0x4  }
0x4ca: {  	[tilespmem:$0xC00] =	vst v36  }
0x4cb: {  	v36 =	vld.idx.msk [tilespmem:v29+s3+$0x0], $0xffff;
	_ =	sdelay $0x4  }
0x4cc: {  	[tilespmem:$0xC10] =	vst v36  }
0x4cd: {  	v36 =	vld.idx.msk [tilespmem:v30+s3+$0x0], $0xffff;
	_ =	sdelay $0x1  }
0x4ce: {  	s15 =	sld [smem:$0x7F7]  }
0x4cf: {  	s16 =	sld [smem:$0x7F8];
	_ =	sdelay $0x1  }
0x4d0: {  	[tilespmem:$0xC20] =	vst v36  }
0x4d1: {  	[tilespmem:s16], [sflag:$0x1] =	stream.indirect.gather [hbm4b:s1+s7], $0x40, s15, s7, $0xb8;
	[tilespmem:$0x19C80] =	vst v63  }
0x4d2: {  	v36 =	vld.idx.msk [tilespmem:v31+s3+$0x0], $0xffff;
	_ =	sdelay $0x4  }
0x4d3: {  	[tilespmem:$0xC30] =	vst v36  }
0x4d4: {  	v36 =	vld.idx.msk [tilespmem:v32+s3+$0x0], $0xffff;
	_ =	sdelay $0x4  }
0x4d5: {  	[tilespmem:$0xC40] =	vst v36  }
0x4d6: {  	v36 =	vld.idx.msk [tilespmem:v33+s3+$0x0], $0xffff;
	_ =	sdelay $0x4  }
0x4d7: {  	[tilespmem:$0xC50] =	vst v36  }
0x4d8: {  	v36 =	vld.idx.msk [tilespmem:v34+s3+$0x0], $0xffff;
	_ =	sdelay $0x4  }
0x4d9: {  	[tilespmem:$0xC60] =	vst v36  }
0x4da: {  	v36 =	vld.idx.msk [tilespmem:v35+s3+$0x0], $0xffff;
	_ =	sdelay $0x1  }
0x4db: {  	s15 =	sld [smem:$0x7F9]  }
0x4dc: {  	s16 =	sld [smem:$0x7FA];
	_ =	sdelay $0x1  }
0x4dd: {  	[tilespmem:$0xC70] =	vst v36  }
0x4de: {  	[tilespmem:s16], [sflag:$0x1] =	stream.indirect.gather [hbm4b:s1+s7], $0x40, s15, s7, $0xb8;
	[tilespmem:$0x19C80] =	vst v63  }
0x4df: {  	_ =	swait.ge [sflag:s13], $0x1400  }
0x4e0: {  	[sflag:s13] =	ssyncset.done $0x0  }
0x4e1: {  	[sflag:s13] =	ssyncadd.s32 $0xFFFFEC00  }
0x4e2: {  	_ =	swait.ge [sflag:s13], $0x1400  }
0x4e3: {  	[sflag:s13] =	ssyncset.done $0x0  }
0x4e4: {  	[sflag:s13] =	ssyncadd.s32 $0xFFFFEC00  }
0x4e5: {  	_ =	swait.ge [sflag:s13], $0x1400  }
0x4e6: {  	[sflag:s13] =	ssyncset.done $0x0  }
0x4e7: {  	[sflag:s13] =	ssyncadd.s32 $0xFFFFEC00  }
0x4e8: {  	_ =	swait.ge [sflag:s13], $0x1400  }
0x4e9: {  	[sflag:s13] =	ssyncset.done $0x0  }
0x4ea: {  	[sflag:s13] =	ssyncadd.s32 $0xFFFFEC00  }
0x4eb: {  	_ =	swait.ge [sflag:s13], $0x1400  }
0x4ec: {  	[sflag:s13] =	ssyncset.done $0x0  }
0x4ed: {  	[sflag:s13] =	ssyncadd.s32 $0xFFFFEC00  }
0x4ee: {  	_ =	swait.ge [sflag:s13], $0x1400  }
0x4ef: {  	[sflag:s13] =	ssyncset.done $0x0  }
0x4f0: {  	[sflag:s13] =	ssyncadd.s32 $0xFFFFEC00  }
0x4f1: {  	_ =	swait.ge [sflag:s13], $0x1400  }
0x4f2: {  	[sflag:s13] =	ssyncset.done $0x0  }
0x4f3: {  	[sflag:s13] =	ssyncadd.s32 $0xFFFFEC00  }
0x4f4: {  	_ =	swait.ge [sflag:s13], $0x1400  }
0x4f5: {  	[sflag:s13] =	ssyncset.done $0x0  }
0x4f6: {  	[sflag:s13] =	ssyncadd.s32 $0xFFFFEC00  }
0x4f7: {  	_ =	swait.ge [sflag:s13], $0x1400  }
0x4f8: {  	[sflag:s13] =	ssyncset.done $0x0  }
0x4f9: {  	[sflag:s13] =	ssyncadd.s32 $0xFFFFEC00  }
0x4fa: {  	_ =	swait.ge [sflag:s13], $0x1400  }
0x4fb: {  	[sflag:s13] =	ssyncset.done $0x0  }
0x4fc: {  	[sflag:s13] =	ssyncadd.s32 $0xFFFFEC00  }
0x4fd: {  	_ =	swait.ge [sflag:s13], $0x1400  }
0x4fe: {  	[sflag:s13] =	ssyncset.done $0x0  }
0x4ff: {  	[sflag:s13] =	ssyncadd.s32 $0xFFFFEC00  }
0x500: {  	_ =	swait.ge [sflag:s13], $0x1400  }
0x501: {  	[sflag:s13] =	ssyncset.done $0x0  }
0x502: {  	[sflag:s13] =	ssyncadd.s32 $0xFFFFEC00  }
0x503: {  	_ =	swait.ge [sflag:s13], $0x1400  }
0x504: {  	[sflag:s13] =	ssyncset.done $0x0  }
0x505: {  	[sflag:s13] =	ssyncadd.s32 $0xFFFFEC00  }
0x506: {  	_ =	swait.ge [sflag:s13], $0x1400  }
0x507: {  	[sflag:s13] =	ssyncset.done $0x0  }
0x508: {  	[sflag:s13] =	ssyncadd.s32 $0xFFFFEC00  }
0x509: {  	_ =	swait.ge [sflag:s13], $0x1400  }
0x50a: {  	[sflag:s13] =	ssyncset.done $0x0  }
0x50b: {  	[sflag:s13] =	ssyncadd.s32 $0xFFFFEC00  }
0x50c: {  	_ =	swait.ge [sflag:s13], $0x1400  }
0x50d: {  	[sflag:s13] =	ssyncset.done $0x0  }
0x50e: {  	[sflag:s13] =	ssyncadd.s32 $0xFFFFEC00  }
0x50f: {  	_ =	swait.ge [sflag:s13], $0x1400  }
0x510: {  	[sflag:s13] =	ssyncset.done $0x0  }
0x511: {  	[sflag:s13] =	ssyncadd.s32 $0xFFFFEC00  }
0x512: {  	_ =	swait.ge [sflag:s13], $0x1400  }
0x513: {  	[sflag:s13] =	ssyncset.done $0x0  }
0x514: {  	[sflag:s13] =	ssyncadd.s32 $0xFFFFEC00  }
0x515: {  	_ =	swait.ge [sflag:s13], $0x1400  }
0x516: {  	[sflag:s13] =	ssyncset.done $0x0  }
0x517: {  	[sflag:s13] =	ssyncadd.s32 $0xFFFFEC00  }
0x518: {  	_ =	swait.ge [sflag:s13], $0x1400  }
0x519: {  	[sflag:s13] =	ssyncset.done $0x0  }
0x51a: {  	s15 =	sld [smem:$0x7FB];
	[sflag:s13] =	ssyncadd.s32 $0xFFFFEC00  }
0x51b: {  	[hbm4b:s4+s3] =	stream.linear.scatter [tilespmem:s8], [sflag:$0x2], $0x1000, $0x38;
	[tilespmem:$0x19C80] =	vst v63  }
0x51c: {  	s14 =	rddreg [dreg:$0x5]  }
0x51d: {  	[hbm4b:s14+s3] =	stream.linear.scatter [tilespmem:s15], [sflag:$0x2], $0x1000, $0x38;
	[tilespmem:$0x19C80] =	vst v63  }
0x51e: {  	s14 =	sld [smem:$0x7FC]  }
0x51f: {  	s0 =	rddreg [dreg:$0x6]  }
0x520: {  	s16 =	sld [smem:$0x7FD]  }
0x521: {  	[hbm4b:s0+s3] =	stream.linear.scatter [tilespmem:s14], [sflag:$0x2], $0x1000, $0x38;
	[tilespmem:$0x19C80] =	vst v63  }
0x522: {  	s15 =	rddreg [dreg:$0x7]  }
0x523: {  	[hbm4b:s15+s3] =	stream.linear.scatter [tilespmem:s16], [sflag:$0x2], $0x1000, $0x38;
	[tilespmem:$0x19C80] =	vst v63  }
0x524: {  	s0 =	rddreg [dreg:$0x8];
	s16 =	simm.s32 $0x4C80  }
0x525: {  	[hbm4b:s0+s3] =	stream.linear.scatter [tilespmem:s16], [sflag:$0x2], $0x1000, $0x38;
	[tilespmem:$0x19C80] =	vst v63  }
0x526: {  	s14 =	rddreg [dreg:$0x9]  }
0x527: {  	[hbm4b:s14+s3] =	stream.linear.scatter [tilespmem:s9], [sflag:$0x2], $0x1000, $0x38;
	[tilespmem:$0x19C80] =	vst v63  }
0x528: {  	s15 =	rddreg [dreg:$0xa];
	s16 =	simm.s32 $0x6C80  }
0x529: {  	[hbm4b:s15+s3] =	stream.linear.scatter [tilespmem:s16], [sflag:$0x2], $0x1000, $0x38;
	[tilespmem:$0x19C80] =	vst v63  }
0x52a: {  	s14 =	rddreg [dreg:$0xb];
	s16 =	simm.s32 $0x7C80  }
0x52b: {  	[hbm4b:s14+s3] =	stream.linear.scatter [tilespmem:s16], [sflag:$0x2], $0x1000, $0x38;
	[tilespmem:$0x19C80] =	vst v63  }
0x52c: {  	s0 =	rddreg [dreg:$0xc]  }
0x52d: {  	[hbm4b:s0+s3] =	stream.linear.scatter [tilespmem:s17], [sflag:$0x2], $0x1000, $0x38;
	[tilespmem:$0x19C80] =	vst v63  }
0x52e: {  	s15 =	rddreg [dreg:$0xd]  }
0x52f: {  	[hbm4b:s15+s3] =	stream.linear.scatter [tilespmem:s18], [sflag:$0x2], $0x1000, $0x38;
	[tilespmem:$0x19C80] =	vst v63  }
0x530: {  	s16 =	rddreg [dreg:$0xe]  }
0x531: {  	[hbm4b:s16+s3] =	stream.linear.scatter [tilespmem:s10], [sflag:$0x2], $0x1000, $0x38;
	[tilespmem:$0x19C80] =	vst v63  }
0x532: {  	s15 =	rddreg [dreg:$0xf]  }
0x533: {  	[hbm4b:s15+s3] =	stream.linear.scatter [tilespmem:s19], [sflag:$0x2], $0x1000, $0x38;
	[tilespmem:$0x19C80] =	vst v63  }
0x534: {  	s16 =	rddreg [dreg:$0x10]  }
0x535: {  	[hbm4b:s16+s3] =	stream.linear.scatter [tilespmem:s20], [sflag:$0x2], $0x1000, $0x38;
	[tilespmem:$0x19C80] =	vst v63  }
0x536: {  	s15 =	rddreg [dreg:$0x11]  }
0x537: {  	[hbm4b:s15+s3] =	stream.linear.scatter [tilespmem:s21], [sflag:$0x2], $0x1000, $0x38;
	[tilespmem:$0x19C80] =	vst v63  }
0x538: {  	s16 =	rddreg [dreg:$0x12]  }
0x539: {  	[hbm4b:s16+s3] =	stream.linear.scatter [tilespmem:s22], [sflag:$0x2], $0x1000, $0x38;
	[tilespmem:$0x19C80] =	vst v63  }
0x53a: {  	s15 =	rddreg [dreg:$0x13]  }
0x53b: {  	[hbm4b:s15+s3] =	stream.linear.scatter [tilespmem:s11], [sflag:$0x2], $0x1000, $0x38;
	[tilespmem:$0x19C80] =	vst v63  }
0x53c: {  	s16 =	rddreg [dreg:$0x14]  }
0x53d: {  	[hbm4b:s16+s3] =	stream.linear.scatter [tilespmem:s23], [sflag:$0x2], $0x1000, $0x38;
	[tilespmem:$0x19C80] =	vst v63  }
0x53e: {  	s15 =	rddreg [dreg:$0x15]  }
0x53f: {  	[hbm4b:s15+s3] =	stream.linear.scatter [tilespmem:s24], [sflag:$0x2], $0x1000, $0x38;
	[tilespmem:$0x19C80] =	vst v63  }
0x540: {  	s16 =	rddreg [dreg:$0x16]  }
0x541: {  	[hbm4b:s16+s3] =	stream.linear.scatter [tilespmem:s25], [sflag:$0x2], $0x1000, $0x38;
	[tilespmem:$0x19C80] =	vst v63  }
0x542: {  	s15 =	rddreg [dreg:$0x17]  }
0x543: {  	[hbm4b:s15+s3] =	stream.linear.scatter [tilespmem:s26], [sflag:$0x2], $0x1000, $0x38;
	[tilespmem:$0x19C80] =	vst v63  }
0x544: {  	s16 =	rddreg [dreg:$0x18]  }
0x545: {  	[hbm4b:s16+s3] =	stream.linear.scatter [tilespmem:s12], [sflag:$0x2], $0x1000, $0x38;
	[tilespmem:$0x19C80] =	vst v63  }
0x546: {  	s15 =	rddreg [dreg:$0x19]  }
0x547: {  	[hbm4b:s15+s3] =	stream.linear.scatter [tilespmem:s28], [sflag:$0x2], $0x1000, $0x38;
	[tilespmem:$0x19C80] =	vst v63  }
0x548: {  	s16 =	rddreg [dreg:$0x1a]  }
0x549: {  	[hbm4b:s16+s3] =	stream.linear.scatter [tilespmem:s29], [sflag:$0x2], $0x1000, $0x38;
	[tilespmem:$0x19C80] =	vst v63  }
0x54a: {  	s15 =	rddreg [dreg:$0x1b]  }
0x54b: {  	[hbm4b:s15+s3] =	stream.linear.scatter [tilespmem:s30], [sflag:$0x2], $0x1000, $0x38;
	[tilespmem:$0x19C80] =	vst v63  }
0x54c: {  	s16 =	rddreg [dreg:$0x1c]  }
0x54d: {  	[hbm4b:s16+s3] =	stream.linear.scatter [tilespmem:s31], [sflag:$0x2], $0x1000, $0x38;
	[tilespmem:$0x19C80] =	vst v63  }
0x54e: {  	_ =	swait.ge [sflag:s2], $0x1000  }
0x54f: {  	[sflag:s2] =	ssyncset.done $0x0  }
0x550: {  	[sflag:s2] =	ssyncadd.s32 $0xFFFFF000  }
0x551: {  	_ =	swait.ge [sflag:s2], $0x1000  }
0x552: {  	[sflag:s2] =	ssyncset.done $0x0  }
0x553: {  	[sflag:s2] =	ssyncadd.s32 $0xFFFFF000  }
0x554: {  	_ =	swait.ge [sflag:s2], $0x1000  }
0x555: {  	[sflag:s2] =	ssyncset.done $0x0  }
0x556: {  	[sflag:s2] =	ssyncadd.s32 $0xFFFFF000  }
0x557: {  	_ =	swait.ge [sflag:s2], $0x1000  }
0x558: {  	[sflag:s2] =	ssyncset.done $0x0  }
0x559: {  	[sflag:s2] =	ssyncadd.s32 $0xFFFFF000  }
0x55a: {  	_ =	swait.ge [sflag:s2], $0x1000  }
0x55b: {  	[sflag:s2] =	ssyncset.done $0x0  }
0x55c: {  	[sflag:s2] =	ssyncadd.s32 $0xFFFFF000  }
0x55d: {  	_ =	swait.ge [sflag:s2], $0x1000  }
0x55e: {  	[sflag:s2] =	ssyncset.done $0x0  }
0x55f: {  	[sflag:s2] =	ssyncadd.s32 $0xFFFFF000  }
0x560: {  	_ =	swait.ge [sflag:s2], $0x1000  }
0x561: {  	[sflag:s2] =	ssyncset.done $0x0  }
0x562: {  	[sflag:s2] =	ssyncadd.s32 $0xFFFFF000  }
0x563: {  	_ =	swait.ge [sflag:s2], $0x1000  }
0x564: {  	[sflag:s2] =	ssyncset.done $0x0  }
0x565: {  	[sflag:s2] =	ssyncadd.s32 $0xFFFFF000  }
0x566: {  	_ =	swait.ge [sflag:s2], $0x1000  }
0x567: {  	[sflag:s2] =	ssyncset.done $0x0  }
0x568: {  	[sflag:s2] =	ssyncadd.s32 $0xFFFFF000  }
0x569: {  	_ =	swait.ge [sflag:s2], $0x1000  }
0x56a: {  	[sflag:s2] =	ssyncset.done $0x0  }
0x56b: {  	[sflag:s2] =	ssyncadd.s32 $0xFFFFF000  }
0x56c: {  	_ =	swait.ge [sflag:s2], $0x1000  }
0x56d: {  	[sflag:s2] =	ssyncset.done $0x0  }
0x56e: {  	[sflag:s2] =	ssyncadd.s32 $0xFFFFF000  }
0x56f: {  	_ =	swait.ge [sflag:s2], $0x1000  }
0x570: {  	[sflag:s2] =	ssyncset.done $0x0  }
0x571: {  	[sflag:s2] =	ssyncadd.s32 $0xFFFFF000  }
0x572: {  	_ =	swait.ge [sflag:s2], $0x1000  }
0x573: {  	[sflag:s2] =	ssyncset.done $0x0  }
0x574: {  	[sflag:s2] =	ssyncadd.s32 $0xFFFFF000  }
0x575: {  	_ =	swait.ge [sflag:s2], $0x1000  }
0x576: {  	[sflag:s2] =	ssyncset.done $0x0  }
0x577: {  	[sflag:s2] =	ssyncadd.s32 $0xFFFFF000  }
0x578: {  	_ =	swait.ge [sflag:s2], $0x1000  }
0x579: {  	[sflag:s2] =	ssyncset.done $0x0  }
0x57a: {  	[sflag:s2] =	ssyncadd.s32 $0xFFFFF000  }
0x57b: {  	_ =	swait.ge [sflag:s2], $0x1000  }
0x57c: {  	[sflag:s2] =	ssyncset.done $0x0  }
0x57d: {  	[sflag:s2] =	ssyncadd.s32 $0xFFFFF000  }
0x57e: {  	_ =	swait.ge [sflag:s2], $0x1000  }
0x57f: {  	[sflag:s2] =	ssyncset.done $0x0  }
0x580: {  	[sflag:s2] =	ssyncadd.s32 $0xFFFFF000  }
0x581: {  	_ =	swait.ge [sflag:s2], $0x1000  }
0x582: {  	[sflag:s2] =	ssyncset.done $0x0  }
0x583: {  	[sflag:s2] =	ssyncadd.s32 $0xFFFFF000  }
0x584: {  	_ =	swait.ge [sflag:s2], $0x1000  }
0x585: {  	[sflag:s2] =	ssyncset.done $0x0  }
0x586: {  	[sflag:s2] =	ssyncadd.s32 $0xFFFFF000  }
0x587: {  	_ =	swait.ge [sflag:s2], $0x1000  }
0x588: {  	[sflag:s2] =	ssyncset.done $0x0  }
0x589: {  	[sflag:s2] =	ssyncadd.s32 $0xFFFFF000  }
0x58a: {  	_ =	swait.ge [sflag:s2], $0x1000  }
0x58b: {  	[sflag:s2] =	ssyncset.done $0x0  }
0x58c: {  	[sflag:s2] =	ssyncadd.s32 $0xFFFFF000  }
0x58d: {  	_ =	swait.ge [sflag:s2], $0x1000  }
0x58e: {  	[sflag:s2] =	ssyncset.done $0x0  }
0x58f: {  	[sflag:s2] =	ssyncadd.s32 $0xFFFFF000  }
0x590: {  	_ =	swait.ge [sflag:s2], $0x1000  }
0x591: {  	[sflag:s2] =	ssyncset.done $0x0  }
0x592: {  	[sflag:s2] =	ssyncadd.s32 $0xFFFFF000  }
0x593: {  	p0 =	sne.s32 s5, $0x1;
	_ =	swait.ge [sflag:s2], $0x1000  }
.Ltmp0:
0x594: {  	[sflag:s2] =	ssyncset.done $0x0;
	(pc) =	sbr.rel @p0 .LBB2_1-.Ltmp0, $4  }
0x595: {  	[sflag:s2] =	ssyncadd.s32 $0xFFFFF000  }
0x596: {  	_ =	swait.ge [sflag:s2], $0x1000  }
0x597: {  	[sflag:s2] =	ssyncset.done $0x0  }
0x598: {  	s5 =	sadd.s32 $0xFFFFFFFF, s5;
	[sflag:s2] =	ssyncadd.s32 $0xFFFFF000  }
0x599: {  	_ =	sfence.sel $0x180000  }
0x59a: {  	[bflag:$0x0] =	sbarrier.arrive $0xFFFF  }
0x59b: {  	_ =	strace $0x90000047  }
0x59c: {  	s0 =	stileid.u32;
	[bflag:$0x2] =	sbarrier.arrive $0xFFFF  }
0x59d: {  	p0 =	sne.s32 s0, $0x0;
	s0 =	rddreg [dreg:$0x3]  }
0x59e: {  	s0 =	sadd.s32 @!p0 $0x100000, s0  }
0x59f: {  	[sflag:s0] =	ssyncadd.tile.s32 @!p0 $0x1;
	_ =	shalt  }
.Lfunc_end2:
_tile_overlayer_lowered:
.L_overlay_start_2:
0x5a0: {  	(tag) =	ssettag $0x2  }
0x5a1: {  	s0 =	rddreg [dreg:$0x0];
	s2 =	stileid.u32  }
0x5a2: {  	s1 =	rddreg [dreg:$0x1];
	p0 =	sne.s32 s2, $0x0  }
0x5a3: {  	s3 =	rddreg [dreg:$0x2];
	[bflag:$0x3] =	sbarrier.arrive $0xFFFF;
	s2 =	simm.s32 @!p0 $0x1C03  }
0x5a4: {  	[timem:s3], [sflag:s2] =	dma.local @!p0 [hbm:s0], s1  }
0x5a5: {  	s0 =	simm.s32 @!p0 $0x3  }
0x5a6: {  	_ =	swait.ge @!p0 [sflag:s0], s1  }
0x5a7: {  	s1 =	ssub.s32 @!p0 $0x0, s1;
	[sflag:s0] =	ssyncset.done @!p0 $0x0  }
0x5a8: {  	[sflag:s0] =	ssyncadd.s32 @!p0 s1  }
0x5a9: {  	[bflag:$0x3] =	sbarrier.arrive $0xFFFF  }
0x5aa: {  	_ =	shalt  }

</sc_bundles>
